<compile_context>
chip_gen: v7x
topology: tpu7x:2x2x1
jax: 0.10.2.dev20260603
libtpu: 0.0.44.dev20260713+nightly
codegen_flags: <defaults>
</compile_context>

<pallas_src>
import jax
import jax.numpy as jnp
from jax import lax
from jax.experimental import pallas as pl
from jax.experimental.pallas import tpu as pltpu
from jax.experimental.pallas import tpu_sc as plsc

H = 64
W = 64
N = 4096
NEAR = 0.4
FAR = 1000.0
BT = 48.0
C = 128
TILE_W = 16
TILE_H = 8
TX = W // TILE_W
TY = H // TILE_H
NT = TX * TY
TPIX = TILE_W * TILE_H
SEG = 1024


def _prep_body(pts_ref, feats_ref, maskf_ref, cam_ref, attrs_ref):
    fx = cam_ref[0, 0]
    fy = cam_ref[0, 1]
    cx = cam_ref[0, 2]
    cy = cam_ref[0, 3]
    qw = cam_ref[0, 4]
    qx = cam_ref[0, 5]
    qy = cam_ref[0, 6]
    qz = cam_ref[0, 7]
    tx = cam_ref[0, 8]
    ty = cam_ref[0, 9]
    tz = cam_ref[0, 10]
    qn = lax.rsqrt(qw * qw + qx * qx + qy * qy + qz * qz)
    w = qw * qn
    x = qx * qn
    y = qy * qn
    z_ = qz * qn
    r00 = 1 - 2 * (y * y + z_ * z_)
    r01 = 2 * (x * y - w * z_)
    r02 = 2 * (x * z_ + w * y)
    r10 = 2 * (x * y + w * z_)
    r11 = 1 - 2 * (x * x + z_ * z_)
    r12 = 2 * (y * z_ - w * x)
    r20 = 2 * (x * z_ - w * y)
    r21 = 2 * (y * z_ + w * x)
    r22 = 1 - 2 * (x * x + y * y)
    R = ((r00, r01, r02), (r10, r11, r12), (r20, r21, r22))

    px = pts_ref[0]
    py = pts_ref[1]
    pz = pts_ref[2]
    xc = r00 * px + r01 * py + r02 * pz + tx
    yc = r10 * px + r11 * py + r12 * pz + ty
    zc = r20 * px + r21 * py + r22 * pz + tz
    zcl = jnp.where(jnp.abs(zc) < 1e-6, 1e-6, zc)
    u = fx * xc / zcl + cx
    v = fy * yc / zcl + cy

    f0 = feats_ref[0]
    f1 = feats_ref[1]
    f2 = feats_ref[2]
    f3 = feats_ref[3]
    gqn = lax.rsqrt(f0 * f0 + f1 * f1 + f2 * f2 + f3 * f3)
    gw = f0 * gqn
    gx = f1 * gqn
    gy = f2 * gqn
    gz = f3 * gqn
    g00 = 1 - 2 * (gy * gy + gz * gz)
    g01 = 2 * (gx * gy - gw * gz)
    g02 = 2 * (gx * gz + gw * gy)
    g10 = 2 * (gx * gy + gw * gz)
    g11 = 1 - 2 * (gx * gx + gz * gz)
    g12 = 2 * (gy * gz - gw * gx)
    g20 = 2 * (gx * gz - gw * gy)
    g21 = 2 * (gy * gz + gw * gx)
    g22 = 1 - 2 * (gx * gx + gy * gy)
    G = ((g00, g01, g02), (g10, g11, g12), (g20, g21, g22))

    s0 = jnp.exp(feats_ref[4])
    s1 = jnp.exp(feats_ref[5])
    s2 = jnp.exp(feats_ref[6])
    sq = (s0 * s0, s1 * s1, s2 * s2)
    alpha = jax.nn.sigmoid(feats_ref[7])
    col_r = jnp.clip(0.5 + 0.28209479177 * feats_ref[8], 0.0, 1.0)
    col_g = jnp.clip(0.5 + 0.28209479177 * feats_ref[9], 0.0, 1.0)
    col_b = jnp.clip(0.5 + 0.28209479177 * feats_ref[10], 0.0, 1.0)

    M = [[R[a][0] * G[0][b] + R[a][1] * G[1][b] + R[a][2] * G[2][b]
          for b in range(3)] for a in range(3)]
    j00 = fx / zcl
    j02 = -fx * xc / (zcl * zcl)
    j11 = fy / zcl
    j12 = -fy * yc / (zcl * zcl)
    k0 = [j00 * M[0][b] + j02 * M[2][b] for b in range(3)]
    k1 = [j11 * M[1][b] + j12 * M[2][b] for b in range(3)]
    a = sq[0] * k0[0] * k0[0] + sq[1] * k0[1] * k0[1] + sq[2] * k0[2] * k0[2] + 0.3
    d = sq[0] * k1[0] * k1[0] + sq[1] * k1[1] * k1[1] + sq[2] * k1[2] * k1[2] + 0.3
    bb = sq[0] * k0[0] * k1[0] + sq[1] * k0[1] * k1[1] + sq[2] * k0[2] * k1[2]
    det = jnp.maximum(a * d - bb * bb, 1e-9)
    inv_a = d / det
    inv_b = -bb / det
    inv_d = a / det

    valid = ((zc > NEAR) & (zc < FAR)
             & (u >= -BT) & (u < W + BT) & (v >= -BT) & (v < H + BT)
             & (maskf_ref[0] < 0.5))
    alpha = jnp.where(valid, alpha, 0.0)

    lr = jnp.log(255.0 * jnp.maximum(alpha, 1e-12))
    lrc = jnp.maximum(lr, 0.0)
    duh = jnp.sqrt(2.0 * lrc * a) + 0.1
    dvh = jnp.sqrt(2.0 * lrc * d) + 0.1
    big = (a > 1e6) | (d > 1e6)
    duh = jnp.where(big, 1e4, duh)
    dvh = jnp.where(big, 1e4, dvh)
    txmin = jnp.clip(jnp.ceil((u - duh - (TILE_W - 0.5)) / TILE_W),
                     0.0, TX - 1.0)
    txmax_r = jnp.floor((u + duh - 0.5) / TILE_W)
    tymin = jnp.clip(jnp.ceil((v - dvh - (TILE_H - 0.5)) / TILE_H),
                     0.0, TY - 1.0)
    tymax_r = jnp.floor((v + dvh - 0.5) / TILE_H)
    hit = (valid & (lr > 0.0)
           & (u + duh >= 0.5) & (u - duh <= W - 0.5)
           & (v + dvh >= 0.5) & (v - dvh <= H - 0.5)
           & (txmax_r >= 0.0) & (tymax_r >= 0.0))
    txmax = jnp.clip(txmax_r, 0.0, TX - 1.0)
    tymax = jnp.clip(tymax_r, 0.0, TY - 1.0)
    code = jnp.where(hit,
                     txmin + 4.0 * txmax + 16.0 * tymin + 128.0 * tymax
                     + 1024.0,
                     0.0)

    zero = jnp.zeros_like(u)
    attrs_ref[0] = jnp.where(valid, u, 0.0)
    attrs_ref[1] = jnp.where(valid, v, 0.0)
    attrs_ref[2] = jnp.where(valid, inv_a, 0.0)
    attrs_ref[3] = jnp.where(valid, inv_b, 0.0)
    attrs_ref[4] = jnp.where(valid, inv_d, 0.0)
    attrs_ref[5] = alpha
    attrs_ref[6] = zero
    attrs_ref[7] = zero
    attrs_ref[8] = col_r
    attrs_ref[9] = col_g
    attrs_ref[10] = col_b
    attrs_ref[11] = zc
    attrs_ref[12] = zero + 1.0
    attrs_ref[13] = zero
    attrs_ref[14] = zero
    attrs_ref[15] = code


def _bin_body(attrs_hbm, binned_hbm, counts_hbm,
              attrs_v, codes_v, zf_v, list_v, zl_v, slist_v, rowst_v, cnt_v,
              sem):
    wid = lax.axis_index("s") * 2 + lax.axis_index("c")
    tx = lax.rem(wid, TX)
    ty = wid // TX

    pltpu.sync_copy(attrs_hbm.at[pl.ds(11 * N, N)], zf_v)
    pltpu.sync_copy(attrs_hbm.at[pl.ds(15 * N, N)], codes_v)
    full_cp = pltpu.async_copy(attrs_hbm, attrs_v, sem)

    iota16 = lax.iota(jnp.int32, 16)

    def zbody(i, carry):
        list_v[pl.ds(i * 16, 16)] = jnp.zeros((16,), jnp.int32)
        return carry

    lax.fori_loop(0, N // 16, zbody, 0)

    def body(i, ptr):
        ci = codes_v[pl.ds(i * 16, 16)].astype(jnp.int32)
        txmin = ci & 3
        txmax = (ci >> 2) & 3
        tymin = (ci >> 4) & 7
        tymax = (ci >> 7) & 7
        val = ci >> 10
        m = ((txmin <= tx) & (tx <= txmax) & (tymin <= ty) & (ty <= tymax)
             & (val > 0))
        plsc.store_compressed(list_v.at[pl.ds(ptr, 16)], iota16 + i * 16,
                              mask=m)
        return ptr + jnp.sum(m.astype(jnp.int32))

    cnt = lax.fori_loop(0, N // 16, body, 0)
    nchunk = (cnt + 15) // 16

    def zfetch(j, carry):
        idxv = list_v[pl.ds(j * 16, 16)]
        zv = plsc.load_gather(zf_v, [idxv])
        ok = (iota16 + j * 16) < cnt
        zl_v[pl.ds(j * 16, 16)] = jnp.where(ok, zv, jnp.float32(jnp.inf))
        return carry

    lax.fori_loop(0, nchunk, zfetch, 0)

    def abody(ai, carry):
        za = zl_v[pl.ds(ai * 16, 16)]

        def bbody(bi, cnta):
            base = bi * 16

            def off_le(c):
                for k in range(16):
                    zb = plsc.load_gather(zl_v, [base + ((iota16 + k) & 15)])
                    c = c + jnp.where(zb <= za, 1, 0)
                return c

            def off_lt(c):
                for k in range(16):
                    zb = plsc.load_gather(zl_v, [base + ((iota16 + k) & 15)])
                    c = c + jnp.where(zb < za, 1, 0)
                return c

            def diag(c):
                for k in range(16):
                    rot = (iota16 + k) & 15
                    zb = plsc.load_gather(zl_v, [base + rot])
                    m = (zb < za) | ((zb == za) & (rot < iota16))
                    c = c + jnp.where(m, 1, 0)
                return c

            return lax.cond(bi < ai, off_le,
                            lambda c: lax.cond(bi == ai, diag, off_lt, c),
                            cnta)

        cnta = lax.fori_loop(0, nchunk, bbody, jnp.zeros((16,), jnp.int32))
        plsc.store_scatter(slist_v, [cnta], list_v[pl.ds(ai * 16, 16)])
        return carry

    lax.fori_loop(0, nchunk, abody, 0)

    full_cp.wait()
    nseg = (cnt + SEG - 1) // SEG

    def sbody(s, carry):
        first = s * (SEG // 16)
        ntail = jnp.minimum(nchunk - first, SEG // 16)

        def gbody(j, carry2):
            base = j * 16
            idxv = slist_v[pl.ds(first * 16 + base, 16)]
            for k in range(16):
                rowst_v[k, pl.ds(base, 16)] = plsc.load_gather(
                    attrs_v, [idxv + k * N])
            return carry2

        lax.fori_loop(0, ntail, gbody, 0)
        pltpu.sync_copy(rowst_v, binned_hbm.at[wid, :, pl.ds(s * SEG, SEG)])
        return carry

    lax.fori_loop(0, nseg, sbody, 0)

    cnt_v[...] = jnp.zeros((16,), jnp.int32) + cnt
    pltpu.sync_copy(cnt_v, counts_hbm.at[wid])


def _render_body(counts_ref, binned_ref, accum_ref, dep_ref):
    s = pl.program_id(0)

    jj = jax.lax.broadcasted_iota(jnp.int32, (C, C), 0)
    kk = jax.lax.broadcasted_iota(jnp.int32, (C, C), 1)
    sut = jnp.where(jj < kk, 1.0, 0.0)
    pix = jax.lax.broadcasted_iota(jnp.int32, (TPIX, 1), 0)

    for sub in range(2):
        t = s * 2 + sub
        txi = lax.rem(t, TX)
        tyi = t // TX
        pxc = (lax.rem(pix, TILE_W) + txi * TILE_W).astype(jnp.float32) + 0.5
        pyc = (pix // TILE_W + tyi * TILE_H).astype(jnp.float32) + 0.5

        count = counts_ref[t, 0]
        trip = (count + C - 1) // C

        def chunk(ci, st):
            accum, carry = st
            A = binned_ref[sub, :, pl.ds(ci * C, C)]
            lmask = (jax.lax.broadcasted_iota(jnp.int32, (1, C), 1)
                     < (count - ci * C))
            A = jnp.where(lmask, A, 0.0)
            u = A[0:1, :]
            v = A[1:2, :]
            ia = A[2:3, :]
            ib = A[3:4, :]
            idd = A[4:5, :]
            al = A[5:6, :]
            du = pxc - u
            dv = pyc - v
            power = -0.5 * (ia * du * du + idd * dv * dv) - ib * du * dv
            g = jnp.exp(jnp.minimum(power, 0.0))
            ai = jnp.minimum(al * g, 0.99)
            ai = jnp.where(ai > jnp.float32(1.0 / 255.0), ai, 0.0)
            logt = jnp.log(1.0 - ai)
            ecs = jnp.dot(logt, sut, preferred_element_type=jnp.float32)
            tprev = jnp.exp(carry + ecs)
            wgt = ai * tprev
            accum = accum + lax.dot_general(
                wgt, A[8:16, :], (((1,), (1,)), ((), ())),
                preferred_element_type=jnp.float32)
            carry = carry + jnp.sum(logt, axis=1, keepdims=True)
            return accum, carry

        state = (jnp.zeros((TPIX, 8), jnp.float32),
                 jnp.zeros((TPIX, 1), jnp.float32))
        accum, _ = lax.fori_loop(0, trip, chunk, state)
        accum_ref[sub] = accum
        wsum = accum[:, 4:5]
        dep_ref[sub] = accum[:, 3:4] / jnp.maximum(wsum, 1e-6)


@jax.jit
def _pipeline(pts3, feats11, maskf, cam):
    attrs = pl.pallas_call(
        _prep_body,
        out_shape=jax.ShapeDtypeStruct((16, 32, 128), jnp.float32),
    )(pts3, feats11, maskf, cam)
    attrs_flat = attrs.reshape(16 * N)

    mesh = plsc.VectorSubcoreMesh(core_axis_name="c", subcore_axis_name="s",
                                  num_cores=2, num_subcores=16)
    binned, counts = pl.kernel(
        _bin_body,
        out_type=[
            jax.ShapeDtypeStruct((NT, 16, N), jnp.float32),
            jax.ShapeDtypeStruct((NT, 16), jnp.int32),
        ],
        mesh=mesh,
        scratch_types=[
            pltpu.VMEM((N * 16,), jnp.float32),
            pltpu.VMEM((N,), jnp.float32),
            pltpu.VMEM((N,), jnp.float32),
            pltpu.VMEM((N,), jnp.int32),
            pltpu.VMEM((N,), jnp.float32),
            pltpu.VMEM((N,), jnp.int32),
            pltpu.VMEM((16, SEG), jnp.float32),
            pltpu.VMEM((16,), jnp.int32),
            pltpu.SemaphoreType.DMA,
        ],
        compiler_params=pltpu.CompilerParams(needs_layout_passes=False),
    )(attrs_flat)

    accum, dep = pl.pallas_call(
        _render_body,
        grid=(NT // 2,),
        in_specs=[
            pl.BlockSpec(memory_space=pltpu.SMEM),
            pl.BlockSpec((2, 16, N), lambda t: (t, 0, 0)),
        ],
        out_specs=[
            pl.BlockSpec((2, TPIX, 8), lambda t: (t, 0, 0)),
            pl.BlockSpec((2, TPIX, 1), lambda t: (t, 0, 0)),
        ],
        out_shape=[
            jax.ShapeDtypeStruct((NT, TPIX, 8), jnp.float32),
            jax.ShapeDtypeStruct((NT, TPIX, 1), jnp.float32),
        ],
    )(counts[:, 0:1], binned)

    def detile(x):
        k = x.shape[2]
        x = x.reshape(TY, TX, TILE_H, TILE_W, k)
        x = x.transpose(0, 2, 1, 3, 4)
        return x.reshape(H, W, k)

    rgbz = detile(accum)
    img = rgbz[:, :, 0:3]
    acc = rgbz[:, :, 4]
    depth = detile(dep)[:, :, 0]
    return (img, depth, acc)


def kernel(pointcloud, pointcloud_features, point_invalid_mask,
           point_object_id, camera_intrinsics, q_camera_pointcloud,
           t_camera_pointcloud):
    del point_object_id
    pts3 = pointcloud.T.reshape(3, 32, 128)
    feats_t = pointcloud_features.T
    feat_cols = jnp.concatenate(
        [feats_t[0:9], feats_t[24:25], feats_t[40:41]],
        axis=0).reshape(11, 32, 128)
    maskf = point_invalid_mask.astype(jnp.float32).reshape(1, 32, 128)
    cam = jnp.concatenate([
        jnp.stack([camera_intrinsics[0, 0], camera_intrinsics[1, 1],
                   camera_intrinsics[0, 2], camera_intrinsics[1, 2]]),
        q_camera_pointcloud[0],
        t_camera_pointcloud[0],
        jnp.zeros((5,), jnp.float32),
    ]).reshape(1, 16)
    return _pipeline(pts3, feat_cols, maskf, cam)

# --- scband reference (transcript-rebuilt; emitter-appended) ---
"""Pipeline reference for scband-gaussian-point-cloud-rasterisation-71897752535540 (READ-ONLY COPY).

The authoritative reference and input builder live on the scoring server;
editing this copy changes nothing except your own understanding.
"""

import jax, jax.numpy as jnp
import numpy as np

H = 64
W = 64
N = 4096
NEAR = 0.4
FAR = 1000.0


def quat_to_rot(q):
    q = q / jnp.linalg.norm(q, axis=-1, keepdims=True)
    w, x, y, z = q[..., 0], q[..., 1], q[..., 2], q[..., 3]
    r00 = 1 - 2 * (y * y + z * z); r01 = 2 * (x * y - w * z); r02 = 2 * (x * z + w * y)
    r10 = 2 * (x * y + w * z); r11 = 1 - 2 * (x * x + z * z); r12 = 2 * (y * z - w * x)
    r20 = 2 * (x * z - w * y); r21 = 2 * (y * z + w * x); r22 = 1 - 2 * (x * x + y * y)
    return jnp.stack([jnp.stack([r00, r01, r02], -1),
                      jnp.stack([r10, r11, r12], -1),
                      jnp.stack([r20, r21, r22], -1)], -2)


def setup_inputs(seed: int = 0):
    key = jax.random.key(seed)
    k1, k2 = jax.random.split(key, 2)
    pointcloud = jax.random.normal(k1, (N, 3), dtype=jnp.float32) * 1.5
    feats = jax.random.normal(k2, (N, 56), dtype=jnp.float32) * 0.5
    feats = feats.at[:, 4:7].add(-2.5)
    point_invalid_mask = jnp.zeros((N,), dtype=bool)
    point_object_id = jnp.zeros((N,), dtype=jnp.int32)
    camera_intrinsics = jnp.array([[120.0, 0.0, 32.0], [0.0, 120.0, 32.0], [0.0, 0.0, 1.0]], dtype=jnp.float32)
    q_camera_pointcloud = jnp.array([[1.0, 0.0, 0.0, 0.0]], dtype=jnp.float32)
    t_camera_pointcloud = jnp.array([[0.0, 0.0, 5.0]], dtype=jnp.float32)
    return {'pointcloud': pointcloud, 'pointcloud_features': feats,
            'point_invalid_mask': point_invalid_mask, 'point_object_id': point_object_id,
            'camera_intrinsics': camera_intrinsics, 'q_camera_pointcloud': q_camera_pointcloud,
            't_camera_pointcloud': t_camera_pointcloud}


def _forward(pointcloud, pointcloud_features, camera_intrinsics, q_camera_pointcloud, t_camera_pointcloud, point_invalid_mask, point_object_id):
    q_cam = q_camera_pointcloud[point_object_id]
    t_cam = t_camera_pointcloud[point_object_id]
    R_cam = quat_to_rot(q_cam)
    p_cam = jnp.einsum('nij,nj->ni', R_cam, pointcloud) + t_cam
    fx = camera_intrinsics[0, 0]; fy = camera_intrinsics[1, 1]
    cx = camera_intrinsics[0, 2]; cy = camera_intrinsics[1, 2]
    z = p_cam[:, 2]
    zc = jnp.where(jnp.abs(z) < 1e-6, 1e-6, z)
    u = fx * p_cam[:, 0] / zc + cx
    v = fy * p_cam[:, 1] / zc + cy
    gq = pointcloud_features[:, 0:4]
    gs = jnp.exp(pointcloud_features[:, 4:7])
    alpha = jax.nn.sigmoid(pointcloud_features[:, 7])
    sh_dc = jnp.stack([pointcloud_features[:, 8], pointcloud_features[:, 24], pointcloud_features[:, 40]], -1)
    color = jnp.clip(0.5 + 0.28209479177 * sh_dc, 0.0, 1.0)
    Rg = quat_to_rot(gq)
    cov3 = jnp.einsum('nij,nj,nkj->nik', Rg, gs * gs, Rg)
    cov_cam = jnp.einsum('nij,njk,nlk->nil', R_cam, cov3, R_cam)
    zero = jnp.zeros_like(z)
    J = jnp.stack([jnp.stack([fx / zc, zero, -fx * p_cam[:, 0] / (zc * zc)], -1),
                   jnp.stack([zero, fy / zc, -fy * p_cam[:, 1] / (zc * zc)], -1)], -2)
    cov2 = jnp.einsum('nij,njk,nlk->nil', J, cov_cam, J) + 0.3 * jnp.eye(2, dtype=jnp.float32)
    bt = 16 * 3
    valid = ((z > NEAR) & (z < FAR) & (u >= -bt) & (u < W + bt) & (v >= -bt) & (v < H + bt) & (~point_invalid_mask))
    alpha = jnp.where(valid, alpha, 0.0)
    order = jnp.argsort(z)
    u = u[order]; v = v[order]; z_s = z[order]
    alpha = alpha[order]; color = color[order]; cov2 = cov2[order]
    a = cov2[:, 0, 0]; b = cov2[:, 0, 1]; c = cov2[:, 1, 0]; d = cov2[:, 1, 1]
    det = jnp.maximum(a * d - b * c, 1e-9)
    inv_a = d / det; inv_b = -b / det; inv_d = a / det
    px = jnp.arange(W, dtype=jnp.float32) + 0.5
    py = jnp.arange(H, dtype=jnp.float32) + 0.5

    def render_row(py_s):
        du = px[:, None] - u[None, :]
        dv = py_s - v[None, :]
        power = -0.5 * (inv_a[None, :] * du * du + inv_d[None, :] * dv * dv) - inv_b[None, :] * du * dv
        g = jnp.exp(jnp.minimum(power, 0.0))
        ai = jnp.minimum(alpha[None, :] * g, 0.99)
        ai = jnp.where(ai > 1.0 / 255.0, ai, 0.0)
        t_prev = jnp.concatenate([jnp.ones((W, 1), dtype=jnp.float32), jnp.cumprod(1.0 - ai, axis=1)[:, :-1]], axis=1)
        wgt = ai * t_prev
        col = wgt @ color
        wsum = jnp.sum(wgt, axis=1)
        dep = (wgt @ z_s) / jnp.maximum(wsum, 1e-6)
        return col, dep, wsum

    image, depth, acc_alpha = jax.lax.map(render_row, py)
    return image, depth, acc_alpha


def reference(pointcloud, pointcloud_features, point_invalid_mask, point_object_id, camera_intrinsics, q_camera_pointcloud, t_camera_pointcloud):
    return _forward(pointcloud, pointcloud_features, camera_intrinsics, q_camera_pointcloud, t_camera_pointcloud, point_invalid_mask, point_object_id)

if __name__ == "__main__":
    import jax
    _d = setup_inputs()
    print(jax.jit(kernel)(*tuple(_d.values())))

</pallas_src>

<mosaic_0001>
#map = affine_map<(d0, d1) -> (0)>
#map1 = affine_map<(d0, d1) -> (0, 0, 0)>
#map2 = affine_map<(d0, d1) -> (0, 0)>
module attributes {stable_mosaic.version = 14 : i64} {
  func.func @_bin_body(%arg0: i32, %arg1: i32, %arg2: memref<65536xf32, #tpu.memory_space<hbm>>, %arg3: memref<32x16x4096xf32, #tpu.memory_space<hbm>>, %arg4: memref<32x16xi32, #tpu.memory_space<hbm>>, %arg5: memref<65536xf32, #tpu.memory_space<vmem>>, %arg6: memref<4096xf32, #tpu.memory_space<vmem>>, %arg7: memref<4096xf32, #tpu.memory_space<vmem>>, %arg8: memref<4096xi32, #tpu.memory_space<vmem>>, %arg9: memref<4096xf32, #tpu.memory_space<vmem>>, %arg10: memref<4096xi32, #tpu.memory_space<vmem>>, %arg11: memref<16x1024xf32, #tpu.memory_space<vmem>>, %arg12: memref<16xi32, #tpu.memory_space<vmem>>, %arg13: memref<!tpu.dma_semaphore, #tpu.memory_space<semaphore_mem>>) attributes {dimension_semantics = [#tpu.dimension_semantics<core_parallel>, #tpu.dimension_semantics<subcore_parallel>], iteration_bounds = array<i64: 2, 16>, scalar_prefetch = 0 : i64, scratch_operands = 9 : i64, tpu.core_type = #tpu.core_type<sc_vector_subcore>, window_params = [{transform_indices = #map}, {transform_indices = #map1}, {transform_indices = #map2}]} {
    %mul3A = arith.constant 2 : i32
    %mul3A_0 = arith.muli %arg1, %mul3A : i32
    %add3A = arith.addi %mul3A_0, %arg0 : i32
    %rem3A = arith.constant 4 : i32
    %rem3A_1 = arith.remsi %add3A, %rem3A : i32
    %jit3A = arith.constant 4 : i32
    %div3A = arith.divsi %add3A, %jit3A : i32
    %sign3A = arith.constant 0 : i32
    %sign3A_2 = arith.cmpi sgt, %add3A, %sign3A : i32
    %sign3A_3 = arith.extui %sign3A_2 : i1 to i32
    %sign3A_4 = arith.constant 0 : i32
    %sign3A_5 = arith.cmpi slt, %add3A, %sign3A_4 : i32
    %sign3A_6 = arith.extui %sign3A_5 : i1 to i32
    %sign3A_7 = arith.subi %sign3A_3, %sign3A_6 : i32
    %sign3A_8 = arith.constant 0 : i32
    %sign3A_9 = arith.cmpi sgt, %jit3A, %sign3A_8 : i32
    %sign3A_10 = arith.extui %sign3A_9 : i1 to i32
    %sign3A_11 = arith.constant 0 : i32
    %sign3A_12 = arith.cmpi slt, %jit3A, %sign3A_11 : i32
    %sign3A_13 = arith.extui %sign3A_12 : i1 to i32
    %sign3A_14 = arith.subi %sign3A_10, %sign3A_13 : i32
    %ne3A = arith.cmpi ne, %sign3A_7, %sign3A_14 : i32
    %rem3A_15 = arith.remsi %add3A, %jit3A : i32
    %ne3A_16 = arith.constant 0 : i32
    %ne3A_17 = arith.cmpi ne, %rem3A_15, %ne3A_16 : i32
    %and3A = arith.andi %ne3A, %ne3A_17 : i1
    %sub3A = arith.constant 1 : i32
    %sub3A_18 = arith.subi %div3A, %sub3A : i32
    %select_n3A = arith.select %and3A, %sub3A_18, %div3A : i32
    "tpu.region"() ({
      %run_scoped3A = tpu.sem_alloc : memref<!tpu.dma_semaphore, #tpu.memory_space<semaphore_mem>>
      %dma_start3A = arith.constant 45056 : i32
      %dma_start3A_118 = tpu.memref_slice %arg2[%dma_start3A] : memref<65536xf32, #tpu.memory_space<hbm>> -> memref<4096xf32, #tpu.memory_space<hbm>>
      %dma_start3A_119 = arith.constant 45056 : i32
      %dma_start3A_120 = tpu.memref_slice %arg2[%dma_start3A_119] : memref<65536xf32, #tpu.memory_space<hbm>> -> memref<4096xf32, #tpu.memory_space<hbm>>
      tpu.enqueue_dma source(%dma_start3A_120 : memref<4096xf32, #tpu.memory_space<hbm>>) target(%arg7 : memref<4096xf32, #tpu.memory_space<vmem>>) target_semaphore(%run_scoped3A : memref<!tpu.dma_semaphore, #tpu.memory_space<semaphore_mem>>)
      %dma_wait3A = arith.constant 45056 : i32
      %dma_wait3A_121 = tpu.memref_slice %arg2[%dma_wait3A] : memref<65536xf32, #tpu.memory_space<hbm>> -> memref<4096xf32, #tpu.memory_space<hbm>>
      %dma_wait3A_122 = arith.constant 45056 : i32
      %dma_wait3A_123 = tpu.memref_slice %arg2[%dma_wait3A_122] : memref<65536xf32, #tpu.memory_space<hbm>> -> memref<4096xf32, #tpu.memory_space<hbm>>
      tpu.wait_dma2 semaphore(%run_scoped3A : memref<!tpu.dma_semaphore, #tpu.memory_space<semaphore_mem>>) src(%dma_wait3A_123 : memref<4096xf32, #tpu.memory_space<hbm>>) dst(%arg7 : memref<4096xf32, #tpu.memory_space<vmem>>)
      tpu.yield
    }) : () -> ()
    "tpu.region"() ({
      %run_scoped3A = tpu.sem_alloc : memref<!tpu.dma_semaphore, #tpu.memory_space<semaphore_mem>>
      %dma_start3A = arith.constant 61440 : i32
      %dma_start3A_118 = tpu.memref_slice %arg2[%dma_start3A] : memref<65536xf32, #tpu.memory_space<hbm>> -> memref<4096xf32, #tpu.memory_space<hbm>>
      %dma_start3A_119 = arith.constant 61440 : i32
      %dma_start3A_120 = tpu.memref_slice %arg2[%dma_start3A_119] : memref<65536xf32, #tpu.memory_space<hbm>> -> memref<4096xf32, #tpu.memory_space<hbm>>
      tpu.enqueue_dma source(%dma_start3A_120 : memref<4096xf32, #tpu.memory_space<hbm>>) target(%arg6 : memref<4096xf32, #tpu.memory_space<vmem>>) target_semaphore(%run_scoped3A : memref<!tpu.dma_semaphore, #tpu.memory_space<semaphore_mem>>)
      %dma_wait3A = arith.constant 61440 : i32
      %dma_wait3A_121 = tpu.memref_slice %arg2[%dma_wait3A] : memref<65536xf32, #tpu.memory_space<hbm>> -> memref<4096xf32, #tpu.memory_space<hbm>>
      %dma_wait3A_122 = arith.constant 61440 : i32
      %dma_wait3A_123 = tpu.memref_slice %arg2[%dma_wait3A_122] : memref<65536xf32, #tpu.memory_space<hbm>> -> memref<4096xf32, #tpu.memory_space<hbm>>
      tpu.wait_dma2 semaphore(%run_scoped3A : memref<!tpu.dma_semaphore, #tpu.memory_space<semaphore_mem>>) src(%dma_wait3A_123 : memref<4096xf32, #tpu.memory_space<hbm>>) dst(%arg6 : memref<4096xf32, #tpu.memory_space<vmem>>)
      tpu.yield
    }) : () -> ()
    tpu.enqueue_dma source(%arg2 : memref<65536xf32, #tpu.memory_space<hbm>>) target(%arg5 : memref<65536xf32, #tpu.memory_space<vmem>>) target_semaphore(%arg13 : memref<!tpu.dma_semaphore, #tpu.memory_space<semaphore_mem>>)
    %iota3A = tpu.iota {dimensions = array<i32: 0>} : vector<16xi32>
    %scan3A = arith.constant 0 : i32
    %scan3A_19 = arith.constant 0 : i32
    %scan3A_20 = arith.constant 256 : i32
    %scan3A_21 = arith.addi %scan3A_19, %scan3A_20 : i32
    %scan3A_22 = arith.constant 1 : i32
    scf.for %scan3A_118 = %scan3A_19 to %scan3A_21 step %scan3A_22  : i32 {
      %broadcast_in_dim3A_119 = arith.constant 0 : i32
      %broadcast_in_dim3A_120 = vector.broadcast %broadcast_in_dim3A_119 : i32 to vector<16xi32>
      %mul3A_121 = arith.constant 16 : i32
      %mul3A_122 = arith.muli %scan3A_118, %mul3A_121 : i32
      %swap3A_123 = arith.index_cast %mul3A_122 : i32 to index
      %swap3A_124 = tpu.vector_load %arg8[%swap3A_123] {strides = array<i32>} : memref<4096xi32, #tpu.memory_space<vmem>>, vector<16xi32>,
      tpu.vector_store %arg8[%swap3A_123], %broadcast_in_dim3A_120 {strides = array<i32>} : memref<4096xi32, #tpu.memory_space<vmem>>, vector<16xi32>,
    }
    %scan3A_23 = arith.constant 256 : i32
    %scan3A_24 = arith.constant 0 : i32
    %scan3A_25 = arith.constant 0 : i32
    %scan3A_26 = arith.constant 256 : i32
    %scan3A_27 = arith.addi %scan3A_25, %scan3A_26 : i32
    %scan3A_28 = arith.constant 1 : i32
    %scan3A_29 = scf.for %scan3A_118 = %scan3A_25 to %scan3A_27 step %scan3A_28 iter_args(%scan3A_119 = %scan3A_24) -> (i32)  : i32 {
      %mul3A_120 = arith.constant 16 : i32
      %mul3A_121 = arith.muli %scan3A_118, %mul3A_120 : i32
      %get3A = arith.index_cast %mul3A_121 : i32 to index
      %get3A_122 = tpu.vector_load %arg6[%get3A] {strides = array<i32>} : memref<4096xf32, #tpu.memory_space<vmem>>, vector<16xf32>,
      %convert_element_type3A = arith.fptosi %get3A_122 : vector<16xf32> to vector<16xi32>
      %and3A_123 = arith.constant 3 : i32
      %and3A_124 = vector.broadcast %and3A_123 : i32 to vector<16xi32>
      %and3A_125 = arith.andi %convert_element_type3A, %and3A_124 : vector<16xi32>
      %shift_right_arithmetic3A = arith.constant 2 : i32
      %shift_right_arithmetic3A_126 = vector.broadcast %shift_right_arithmetic3A : i32 to vector<16xi32>
      %shift_right_arithmetic3A_127 = arith.shrsi %convert_element_type3A, %shift_right_arithmetic3A_126 : vector<16xi32>
      %and3A_128 = arith.constant 3 : i32
      %and3A_129 = vector.broadcast %and3A_128 : i32 to vector<16xi32>
      %and3A_130 = arith.andi %shift_right_arithmetic3A_127, %and3A_129 : vector<16xi32>
      %shift_right_arithmetic3A_131 = arith.constant 4 : i32
      %shift_right_arithmetic3A_132 = vector.broadcast %shift_right_arithmetic3A_131 : i32 to vector<16xi32>
      %shift_right_arithmetic3A_133 = arith.shrsi %convert_element_type3A, %shift_right_arithmetic3A_132 : vector<16xi32>
      %and3A_134 = arith.constant 7 : i32
      %and3A_135 = vector.broadcast %and3A_134 : i32 to vector<16xi32>
      %and3A_136 = arith.andi %shift_right_arithmetic3A_133, %and3A_135 : vector<16xi32>
      %shift_right_arithmetic3A_137 = arith.constant 7 : i32
      %shift_right_arithmetic3A_138 = vector.broadcast %shift_right_arithmetic3A_137 : i32 to vector<16xi32>
      %shift_right_arithmetic3A_139 = arith.shrsi %convert_element_type3A, %shift_right_arithmetic3A_138 : vector<16xi32>
      %and3A_140 = arith.constant 7 : i32
      %and3A_141 = vector.broadcast %and3A_140 : i32 to vector<16xi32>
      %and3A_142 = arith.andi %shift_right_arithmetic3A_139, %and3A_141 : vector<16xi32>
      %shift_right_arithmetic3A_143 = arith.constant 10 : i32
      %shift_right_arithmetic3A_144 = vector.broadcast %shift_right_arithmetic3A_143 : i32 to vector<16xi32>
      %shift_right_arithmetic3A_145 = arith.shrsi %convert_element_type3A, %shift_right_arithmetic3A_144 : vector<16xi32>
      %le3A = vector.broadcast %rem3A_1 : i32 to vector<16xi32>
      %le3A_146 = arith.cmpi sle, %and3A_125, %le3A : vector<16xi32>
      %le3A_147 = vector.broadcast %rem3A_1 : i32 to vector<16xi32>
      %le3A_148 = arith.cmpi sle, %le3A_147, %and3A_130 : vector<16xi32>
      %and3A_149 = arith.andi %le3A_146, %le3A_148 : vector<16xi1>
      %le3A_150 = vector.broadcast %select_n3A : i32 to vector<16xi32>
      %le3A_151 = arith.cmpi sle, %and3A_136, %le3A_150 : vector<16xi32>
      %and3A_152 = arith.andi %and3A_149, %le3A_151 : vector<16xi1>
      %le3A_153 = vector.broadcast %select_n3A : i32 to vector<16xi32>
      %le3A_154 = arith.cmpi sle, %le3A_153, %and3A_142 : vector<16xi32>
      %and3A_155 = arith.andi %and3A_152, %le3A_154 : vector<16xi1>
      %gt3A = arith.constant 0 : i32
      %gt3A_156 = vector.broadcast %gt3A : i32 to vector<16xi32>
      %gt3A_157 = arith.cmpi sgt, %shift_right_arithmetic3A_145, %gt3A_156 : vector<16xi32>
      %and3A_158 = arith.andi %and3A_155, %gt3A_157 : vector<16xi1>
      %mul3A_159 = arith.constant 16 : i32
      %mul3A_160 = arith.muli %scan3A_118, %mul3A_159 : i32
      %add3A_161 = vector.broadcast %mul3A_160 : i32 to vector<16xi32>
      %add3A_162 = arith.addi %iota3A, %add3A_161 : vector<16xi32>
      %swap3A_163 = arith.index_cast %scan3A_119 : i32 to index
      %swap3A_164 = tpu.vector_load %arg8[%swap3A_163] masked %and3A_158 {strides = array<i32>} : memref<4096xi32, #tpu.memory_space<vmem>>, vector<16xi32>, vector<16xi1>
      tpu.vector_store %arg8[%swap3A_163], %add3A_162 masked %and3A_158 {strides = array<i32>} : memref<4096xi32, #tpu.memory_space<vmem>>, vector<16xi32>, vector<16xi1>
      %convert_element_type3A_165 = arith.extui %and3A_158 : vector<16xi1> to vector<16xi32>
      %reduce_sum3A = arith.constant true
      %reduce_sum3A_166 = vector.broadcast %reduce_sum3A : i1 to vector<16xi1>
      %reduce_sum3A_167 = tpu.scan <sum>, %convert_element_type3A_165 masked %reduce_sum3A_166 : vector<16xi32>, vector<16xi1> -> vector<16xi32>
      %reduce_sum3A_168 = vector.extract %reduce_sum3A_167[15] : i32 from vector<16xi32>
      %add3A_169 = arith.addi %scan3A_119, %reduce_sum3A_168 : i32
      scf.yield %add3A_169 : i32
    }
    %scan3A_30 = arith.constant 256 : i32
    %add3A_31 = arith.constant 15 : i32
    %add3A_32 = arith.addi %scan3A_29, %add3A_31 : i32
    %jit3A_33 = arith.constant 16 : i32
    %div3A_34 = arith.divsi %add3A_32, %jit3A_33 : i32
    %sign3A_35 = arith.constant 0 : i32
    %sign3A_36 = arith.cmpi sgt, %add3A_32, %sign3A_35 : i32
    %sign3A_37 = arith.extui %sign3A_36 : i1 to i32
    %sign3A_38 = arith.constant 0 : i32
    %sign3A_39 = arith.cmpi slt, %add3A_32, %sign3A_38 : i32
    %sign3A_40 = arith.extui %sign3A_39 : i1 to i32
    %sign3A_41 = arith.subi %sign3A_37, %sign3A_40 : i32
    %sign3A_42 = arith.constant 0 : i32
    %sign3A_43 = arith.cmpi sgt, %jit3A_33, %sign3A_42 : i32
    %sign3A_44 = arith.extui %sign3A_43 : i1 to i32
    %sign3A_45 = arith.constant 0 : i32
    %sign3A_46 = arith.cmpi slt, %jit3A_33, %sign3A_45 : i32
    %sign3A_47 = arith.extui %sign3A_46 : i1 to i32
    %sign3A_48 = arith.subi %sign3A_44, %sign3A_47 : i32
    %ne3A_49 = arith.cmpi ne, %sign3A_41, %sign3A_48 : i32
    %rem3A_50 = arith.remsi %add3A_32, %jit3A_33 : i32
    %ne3A_51 = arith.constant 0 : i32
    %ne3A_52 = arith.cmpi ne, %rem3A_50, %ne3A_51 : i32
    %and3A_53 = arith.andi %ne3A_49, %ne3A_52 : i1
    %sub3A_54 = arith.constant 1 : i32
    %sub3A_55 = arith.subi %div3A_34, %sub3A_54 : i32
    %select_n3A_56 = arith.select %and3A_53, %sub3A_55, %div3A_34 : i32
    %while3A = arith.constant 0 : i32
    %while3A_57 = arith.constant 0 : i32
    %while3A_58 = arith.subi %select_n3A_56, %while3A_57 : i32
    %while3A_59 = arith.addi %while3A_57, %while3A_58 : i32
    %while3A_60 = arith.constant 1 : i32
    %while3A_61 = arith.divsi %while3A_58, %while3A_60 : i32
    %while3A_62 = arith.muli %while3A_61, %while3A_60 : i32
    %while3A_63 = arith.addi %while3A_57, %while3A_62 : i32
    %while3A_64 = arith.constant 1 : i32
    scf.for %while3A_118 = %while3A_57 to %while3A_63 step %while3A_64  : i32 {
      %mul3A_119 = arith.constant 16 : i32
      %mul3A_120 = arith.muli %while3A_118, %mul3A_119 : i32
      %get3A = arith.index_cast %mul3A_120 : i32 to index
      %get3A_121 = tpu.vector_load %arg8[%get3A] {strides = array<i32>} : memref<4096xi32, #tpu.memory_space<vmem>>, vector<16xi32>,
      %gather3A = tpu.vector_load_idx %arg7[%get3A_121] : memref<4096xf32, #tpu.memory_space<vmem>>[vector<16xi32>], vector<16xf32>,
      %mul3A_122 = arith.constant 16 : i32
      %mul3A_123 = arith.muli %while3A_118, %mul3A_122 : i32
      %add3A_124 = vector.broadcast %mul3A_123 : i32 to vector<16xi32>
      %add3A_125 = arith.addi %iota3A, %add3A_124 : vector<16xi32>
      %lt3A = vector.broadcast %scan3A_29 : i32 to vector<16xi32>
      %lt3A_126 = arith.cmpi slt, %add3A_125, %lt3A : vector<16xi32>
      %jit3A_127 = arith.constant 0x7F800000 : f32
      %broadcast_in_dim3A_128 = vector.broadcast %jit3A_127 : f32 to vector<16xf32>
      %select_n3A_129 = arith.select %lt3A_126, %gather3A, %broadcast_in_dim3A_128 : vector<16xi1>, vector<16xf32>
      %mul3A_130 = arith.constant 16 : i32
      %mul3A_131 = arith.muli %while3A_118, %mul3A_130 : i32
      %swap3A_132 = arith.index_cast %mul3A_131 : i32 to index
      %swap3A_133 = tpu.vector_load %arg9[%swap3A_132] {strides = array<i32>} : memref<4096xf32, #tpu.memory_space<vmem>>, vector<16xf32>,
      tpu.vector_store %arg9[%swap3A_132], %select_n3A_129 {strides = array<i32>} : memref<4096xf32, #tpu.memory_space<vmem>>, vector<16xf32>,
    }
    %while3A_65 = arith.constant 1 : i32
    scf.for %while3A_118 = %while3A_63 to %while3A_59 step %while3A_65  : i32 {
      %mul3A_119 = arith.constant 16 : i32
      %mul3A_120 = arith.muli %while3A_118, %mul3A_119 : i32
      %get3A = arith.index_cast %mul3A_120 : i32 to index
      %get3A_121 = tpu.vector_load %arg8[%get3A] {strides = array<i32>} : memref<4096xi32, #tpu.memory_space<vmem>>, vector<16xi32>,
      %gather3A = tpu.vector_load_idx %arg7[%get3A_121] : memref<4096xf32, #tpu.memory_space<vmem>>[vector<16xi32>], vector<16xf32>,
      %mul3A_122 = arith.constant 16 : i32
      %mul3A_123 = arith.muli %while3A_118, %mul3A_122 : i32
      %add3A_124 = vector.broadcast %mul3A_123 : i32 to vector<16xi32>
      %add3A_125 = arith.addi %iota3A, %add3A_124 : vector<16xi32>
      %lt3A = vector.broadcast %scan3A_29 : i32 to vector<16xi32>
      %lt3A_126 = arith.cmpi slt, %add3A_125, %lt3A : vector<16xi32>
      %jit3A_127 = arith.constant 0x7F800000 : f32
      %broadcast_in_dim3A_128 = vector.broadcast %jit3A_127 : f32 to vector<16xf32>
      %select_n3A_129 = arith.select %lt3A_126, %gather3A, %broadcast_in_dim3A_128 : vector<16xi1>, vector<16xf32>
      %mul3A_130 = arith.constant 16 : i32
      %mul3A_131 = arith.muli %while3A_118, %mul3A_130 : i32
      %swap3A_132 = arith.index_cast %mul3A_131 : i32 to index
      %swap3A_133 = tpu.vector_load %arg9[%swap3A_132] {strides = array<i32>} : memref<4096xf32, #tpu.memory_space<vmem>>, vector<16xf32>,
      tpu.vector_store %arg9[%swap3A_132], %select_n3A_129 {strides = array<i32>} : memref<4096xf32, #tpu.memory_space<vmem>>, vector<16xf32>,
    }
    %while3A_66 = arith.constant 0 : i32
    %while3A_67 = arith.constant 0 : i32
    %while3A_68 = arith.subi %select_n3A_56, %while3A_67 : i32
    %while3A_69 = arith.addi %while3A_67, %while3A_68 : i32
    %while3A_70 = arith.constant 1 : i32
    %while3A_71 = arith.divsi %while3A_68, %while3A_70 : i32
    %while3A_72 = arith.muli %while3A_71, %while3A_70 : i32
    %while3A_73 = arith.addi %while3A_67, %while3A_72 : i32
    %while3A_74 = arith.constant 1 : i32
    scf.for %while3A_118 = %while3A_67 to %while3A_73 step %while3A_74  : i32 {
      %mul3A_119 = arith.constant 16 : i32
      %mul3A_120 = arith.muli %while3A_118, %mul3A_119 : i32
      %get3A = arith.index_cast %mul3A_120 : i32 to index
      %get3A_121 = tpu.vector_load %arg9[%get3A] {strides = array<i32>} : memref<4096xf32, #tpu.memory_space<vmem>>, vector<16xf32>,
      %broadcast_in_dim3A_122 = arith.constant 0 : i32
      %broadcast_in_dim3A_123 = vector.broadcast %broadcast_in_dim3A_122 : i32 to vector<16xi32>
      %while3A_124 = arith.constant 0 : i32
      %while3A_125 = arith.subi %select_n3A_56, %while3A_124 : i32
      %while3A_126 = arith.addi %while3A_124, %while3A_125 : i32
      %while3A_127 = arith.constant 1 : i32
      %while3A_128 = arith.divsi %while3A_125, %while3A_127 : i32
      %while3A_129 = arith.muli %while3A_128, %while3A_127 : i32
      %while3A_130 = arith.addi %while3A_124, %while3A_129 : i32
      %while3A_131 = arith.constant 1 : i32
      %while3A_132 = scf.for %while3A_139 = %while3A_124 to %while3A_130 step %while3A_131 iter_args(%while3A_140 = %broadcast_in_dim3A_123) -> (vector<16xi32>)  : i32 {
        %mul3A_141 = arith.constant 16 : i32
        %mul3A_142 = arith.muli %while3A_139, %mul3A_141 : i32
        %lt3A = arith.cmpi slt, %while3A_139, %while3A_118 : i32
        %convert_element_type3A = arith.extui %lt3A : i1 to i32
        %cond3A = arith.constant 0 : i32
        %cond3A_143 = arith.cmpi ne, %convert_element_type3A, %cond3A : i32
        %cond3A_144 = scf.if %cond3A_143 -> (vector<16xi32>) {
          %add3A_145 = arith.constant 0 : i32
          %add3A_146 = vector.broadcast %add3A_145 : i32 to vector<16xi32>
          %add3A_147 = arith.addi %iota3A, %add3A_146 : vector<16xi32>
          %and3A_148 = arith.constant 15 : i32
          %and3A_149 = vector.broadcast %and3A_148 : i32 to vector<16xi32>
          %and3A_150 = arith.andi %add3A_147, %and3A_149 : vector<16xi32>
          %add3A_151 = vector.broadcast %mul3A_142 : i32 to vector<16xi32>
          %add3A_152 = arith.addi %add3A_151, %and3A_150 : vector<16xi32>
          %gather3A = tpu.vector_load_idx %arg9[%add3A_152] : memref<4096xf32, #tpu.memory_space<vmem>>[vector<16xi32>], vector<16xf32>,
          %le3A = arith.cmpf ole, %gather3A, %get3A_121 : vector<16xf32>
          %jit3A_153 = arith.constant 1 : i32
          %jit3A_154 = arith.constant 0 : i32
          %broadcast_in_dim3A_155 = vector.broadcast %jit3A_153 : i32 to vector<16xi32>
          %broadcast_in_dim3A_156 = vector.broadcast %jit3A_154 : i32 to vector<16xi32>
          %select_n3A_157 = arith.select %le3A, %broadcast_in_dim3A_155, %broadcast_in_dim3A_156 : vector<16xi1>, vector<16xi32>
          %add3A_158 = arith.addi %while3A_140, %select_n3A_157 : vector<16xi32>
          %add3A_159 = arith.constant 1 : i32
          %add3A_160 = vector.broadcast %add3A_159 : i32 to vector<16xi32>
          %add3A_161 = arith.addi %iota3A, %add3A_160 : vector<16xi32>
          %and3A_162 = arith.constant 15 : i32
          %and3A_163 = vector.broadcast %and3A_162 : i32 to vector<16xi32>
          %and3A_164 = arith.andi %add3A_161, %and3A_163 : vector<16xi32>
          %add3A_165 = vector.broadcast %mul3A_142 : i32 to vector<16xi32>
          %add3A_166 = arith.addi %add3A_165, %and3A_164 : vector<16xi32>
          %gather3A_167 = tpu.vector_load_idx %arg9[%add3A_166] : memref<4096xf32, #tpu.memory_space<vmem>>[vector<16xi32>], vector<16xf32>,
          %le3A_168 = arith.cmpf ole, %gather3A_167, %get3A_121 : vector<16xf32>
          %jit3A_169 = arith.constant 1 : i32
          %jit3A_170 = arith.constant 0 : i32
          %broadcast_in_dim3A_171 = vector.broadcast %jit3A_169 : i32 to vector<16xi32>
          %broadcast_in_dim3A_172 = vector.broadcast %jit3A_170 : i32 to vector<16xi32>
          %select_n3A_173 = arith.select %le3A_168, %broadcast_in_dim3A_171, %broadcast_in_dim3A_172 : vector<16xi1>, vector<16xi32>
          %add3A_174 = arith.addi %add3A_158, %select_n3A_173 : vector<16xi32>
          %add3A_175 = arith.constant 2 : i32
          %add3A_176 = vector.broadcast %add3A_175 : i32 to vector<16xi32>
          %add3A_177 = arith.addi %iota3A, %add3A_176 : vector<16xi32>
          %and3A_178 = arith.constant 15 : i32
          %and3A_179 = vector.broadcast %and3A_178 : i32 to vector<16xi32>
          %and3A_180 = arith.andi %add3A_177, %and3A_179 : vector<16xi32>
          %add3A_181 = vector.broadcast %mul3A_142 : i32 to vector<16xi32>
          %add3A_182 = arith.addi %add3A_181, %and3A_180 : vector<16xi32>
          %gather3A_183 = tpu.vector_load_idx %arg9[%add3A_182] : memref<4096xf32, #tpu.memory_space<vmem>>[vector<16xi32>], vector<16xf32>,
          %le3A_184 = arith.cmpf ole, %gather3A_183, %get3A_121 : vector<16xf32>
          %jit3A_185 = arith.constant 1 : i32
          %jit3A_186 = arith.constant 0 : i32
          %broadcast_in_dim3A_187 = vector.broadcast %jit3A_185 : i32 to vector<16xi32>
          %broadcast_in_dim3A_188 = vector.broadcast %jit3A_186 : i32 to vector<16xi32>
          %select_n3A_189 = arith.select %le3A_184, %broadcast_in_dim3A_187, %broadcast_in_dim3A_188 : vector<16xi1>, vector<16xi32>
          %add3A_190 = arith.addi %add3A_174, %select_n3A_189 : vector<16xi32>
          %add3A_191 = arith.constant 3 : i32
          %add3A_192 = vector.broadcast %add3A_191 : i32 to vector<16xi32>
          %add3A_193 = arith.addi %iota3A, %add3A_192 : vector<16xi32>
          %and3A_194 = arith.constant 15 : i32
          %and3A_195 = vector.broadcast %and3A_194 : i32 to vector<16xi32>
          %and3A_196 = arith.andi %add3A_193, %and3A_195 : vector<16xi32>
          %add3A_197 = vector.broadcast %mul3A_142 : i32 to vector<16xi32>
          %add3A_198 = arith.addi %add3A_197, %and3A_196 : vector<16xi32>
          %gather3A_199 = tpu.vector_load_idx %arg9[%add3A_198] : memref<4096xf32, #tpu.memory_space<vmem>>[vector<16xi32>], vector<16xf32>,
          %le3A_200 = arith.cmpf ole, %gather3A_199, %get3A_121 : vector<16xf32>
          %jit3A_201 = arith.constant 1 : i32
          %jit3A_202 = arith.constant 0 : i32
          %broadcast_in_dim3A_203 = vector.broadcast %jit3A_201 : i32 to vector<16xi32>
          %broadcast_in_dim3A_204 = vector.broadcast %jit3A_202 : i32 to vector<16xi32>
          %select_n3A_205 = arith.select %le3A_200, %broadcast_in_dim3A_203, %broadcast_in_dim3A_204 : vector<16xi1>, vector<16xi32>
          %add3A_206 = arith.addi %add3A_190, %select_n3A_205 : vector<16xi32>
          %add3A_207 = arith.constant 4 : i32
          %add3A_208 = vector.broadcast %add3A_207 : i32 to vector<16xi32>
          %add3A_209 = arith.addi %iota3A, %add3A_208 : vector<16xi32>
          %and3A_210 = arith.constant 15 : i32
          %and3A_211 = vector.broadcast %and3A_210 : i32 to vector<16xi32>
          %and3A_212 = arith.andi %add3A_209, %and3A_211 : vector<16xi32>
          %add3A_213 = vector.broadcast %mul3A_142 : i32 to vector<16xi32>
          %add3A_214 = arith.addi %add3A_213, %and3A_212 : vector<16xi32>
          %gather3A_215 = tpu.vector_load_idx %arg9[%add3A_214] : memref<4096xf32, #tpu.memory_space<vmem>>[vector<16xi32>], vector<16xf32>,
          %le3A_216 = arith.cmpf ole, %gather3A_215, %get3A_121 : vector<16xf32>
          %jit3A_217 = arith.constant 1 : i32
          %jit3A_218 = arith.constant 0 : i32
          %broadcast_in_dim3A_219 = vector.broadcast %jit3A_217 : i32 to vector<16xi32>
          %broadcast_in_dim3A_220 = vector.broadcast %jit3A_218 : i32 to vector<16xi32>
          %select_n3A_221 = arith.select %le3A_216, %broadcast_in_dim3A_219, %broadcast_in_dim3A_220 : vector<16xi1>, vector<16xi32>
          %add3A_222 = arith.addi %add3A_206, %select_n3A_221 : vector<16xi32>
          %add3A_223 = arith.constant 5 : i32
          %add3A_224 = vector.broadcast %add3A_223 : i32 to vector<16xi32>
          %add3A_225 = arith.addi %iota3A, %add3A_224 : vector<16xi32>
          %and3A_226 = arith.constant 15 : i32
          %and3A_227 = vector.broadcast %and3A_226 : i32 to vector<16xi32>
          %and3A_228 = arith.andi %add3A_225, %and3A_227 : vector<16xi32>
          %add3A_229 = vector.broadcast %mul3A_142 : i32 to vector<16xi32>
          %add3A_230 = arith.addi %add3A_229, %and3A_228 : vector<16xi32>
          %gather3A_231 = tpu.vector_load_idx %arg9[%add3A_230] : memref<4096xf32, #tpu.memory_space<vmem>>[vector<16xi32>], vector<16xf32>,
          %le3A_232 = arith.cmpf ole, %gather3A_231, %get3A_121 : vector<16xf32>
          %jit3A_233 = arith.constant 1 : i32
          %jit3A_234 = arith.constant 0 : i32
          %broadcast_in_dim3A_235 = vector.broadcast %jit3A_233 : i32 to vector<16xi32>
          %broadcast_in_dim3A_236 = vector.broadcast %jit3A_234 : i32 to vector<16xi32>
          %select_n3A_237 = arith.select %le3A_232, %broadcast_in_dim3A_235, %broadcast_in_dim3A_236 : vector<16xi1>, vector<16xi32>
          %add3A_238 = arith.addi %add3A_222, %select_n3A_237 : vector<16xi32>
          %add3A_239 = arith.constant 6 : i32
          %add3A_240 = vector.broadcast %add3A_239 : i32 to vector<16xi32>
          %add3A_241 = arith.addi %iota3A, %add3A_240 : vector<16xi32>
          %and3A_242 = arith.constant 15 : i32
          %and3A_243 = vector.broadcast %and3A_242 : i32 to vector<16xi32>
          %and3A_244 = arith.andi %add3A_241, %and3A_243 : vector<16xi32>
          %add3A_245 = vector.broadcast %mul3A_142 : i32 to vector<16xi32>
          %add3A_246 = arith.addi %add3A_245, %and3A_244 : vector<16xi32>
          %gather3A_247 = tpu.vector_load_idx %arg9[%add3A_246] : memref<4096xf32, #tpu.memory_space<vmem>>[vector<16xi32>], vector<16xf32>,
          %le3A_248 = arith.cmpf ole, %gather3A_247, %get3A_121 : vector<16xf32>
          %jit3A_249 = arith.constant 1 : i32
          %jit3A_250 = arith.constant 0 : i32
          %broadcast_in_dim3A_251 = vector.broadcast %jit3A_249 : i32 to vector<16xi32>
          %broadcast_in_dim3A_252 = vector.broadcast %jit3A_250 : i32 to vector<16xi32>
          %select_n3A_253 = arith.select %le3A_248, %broadcast_in_dim3A_251, %broadcast_in_dim3A_252 : vector<16xi1>, vector<16xi32>
          %add3A_254 = arith.addi %add3A_238, %select_n3A_253 : vector<16xi32>
          %add3A_255 = arith.constant 7 : i32
          %add3A_256 = vector.broadcast %add3A_255 : i32 to vector<16xi32>
          %add3A_257 = arith.addi %iota3A, %add3A_256 : vector<16xi32>
          %and3A_258 = arith.constant 15 : i32
          %and3A_259 = vector.broadcast %and3A_258 : i32 to vector<16xi32>
          %and3A_260 = arith.andi %add3A_257, %and3A_259 : vector<16xi32>
          %add3A_261 = vector.broadcast %mul3A_142 : i32 to vector<16xi32>
          %add3A_262 = arith.addi %add3A_261, %and3A_260 : vector<16xi32>
          %gather3A_263 = tpu.vector_load_idx %arg9[%add3A_262] : memref<4096xf32, #tpu.memory_space<vmem>>[vector<16xi32>], vector<16xf32>,
          %le3A_264 = arith.cmpf ole, %gather3A_263, %get3A_121 : vector<16xf32>
          %jit3A_265 = arith.constant 1 : i32
          %jit3A_266 = arith.constant 0 : i32
          %broadcast_in_dim3A_267 = vector.broadcast %jit3A_265 : i32 to vector<16xi32>
          %broadcast_in_dim3A_268 = vector.broadcast %jit3A_266 : i32 to vector<16xi32>
          %select_n3A_269 = arith.select %le3A_264, %broadcast_in_dim3A_267, %broadcast_in_dim3A_268 : vector<16xi1>, vector<16xi32>
          %add3A_270 = arith.addi %add3A_254, %select_n3A_269 : vector<16xi32>
          %add3A_271 = arith.constant 8 : i32
          %add3A_272 = vector.broadcast %add3A_271 : i32 to vector<16xi32>
          %add3A_273 = arith.addi %iota3A, %add3A_272 : vector<16xi32>
          %and3A_274 = arith.constant 15 : i32
          %and3A_275 = vector.broadcast %and3A_274 : i32 to vector<16xi32>
          %and3A_276 = arith.andi %add3A_273, %and3A_275 : vector<16xi32>
          %add3A_277 = vector.broadcast %mul3A_142 : i32 to vector<16xi32>
          %add3A_278 = arith.addi %add3A_277, %and3A_276 : vector<16xi32>
          %gather3A_279 = tpu.vector_load_idx %arg9[%add3A_278] : memref<4096xf32, #tpu.memory_space<vmem>>[vector<16xi32>], vector<16xf32>,
          %le3A_280 = arith.cmpf ole, %gather3A_279, %get3A_121 : vector<16xf32>
          %jit3A_281 = arith.constant 1 : i32
          %jit3A_282 = arith.constant 0 : i32
          %broadcast_in_dim3A_283 = vector.broadcast %jit3A_281 : i32 to vector<16xi32>
          %broadcast_in_dim3A_284 = vector.broadcast %jit3A_282 : i32 to vector<16xi32>
          %select_n3A_285 = arith.select %le3A_280, %broadcast_in_dim3A_283, %broadcast_in_dim3A_284 : vector<16xi1>, vector<16xi32>
          %add3A_286 = arith.addi %add3A_270, %select_n3A_285 : vector<16xi32>
          %add3A_287 = arith.constant 9 : i32
          %add3A_288 = vector.broadcast %add3A_287 : i32 to vector<16xi32>
          %add3A_289 = arith.addi %iota3A, %add3A_288 : vector<16xi32>
          %and3A_290 = arith.constant 15 : i32
          %and3A_291 = vector.broadcast %and3A_290 : i32 to vector<16xi32>
          %and3A_292 = arith.andi %add3A_289, %and3A_291 : vector<16xi32>
          %add3A_293 = vector.broadcast %mul3A_142 : i32 to vector<16xi32>
          %add3A_294 = arith.addi %add3A_293, %and3A_292 : vector<16xi32>
          %gather3A_295 = tpu.vector_load_idx %arg9[%add3A_294] : memref<4096xf32, #tpu.memory_space<vmem>>[vector<16xi32>], vector<16xf32>,
          %le3A_296 = arith.cmpf ole, %gather3A_295, %get3A_121 : vector<16xf32>
          %jit3A_297 = arith.constant 1 : i32
          %jit3A_298 = arith.constant 0 : i32
          %broadcast_in_dim3A_299 = vector.broadcast %jit3A_297 : i32 to vector<16xi32>
          %broadcast_in_dim3A_300 = vector.broadcast %jit3A_298 : i32 to vector<16xi32>
          %select_n3A_301 = arith.select %le3A_296, %broadcast_in_dim3A_299, %broadcast_in_dim3A_300 : vector<16xi1>, vector<16xi32>
          %add3A_302 = arith.addi %add3A_286, %select_n3A_301 : vector<16xi32>
          %add3A_303 = arith.constant 10 : i32
          %add3A_304 = vector.broadcast %add3A_303 : i32 to vector<16xi32>
          %add3A_305 = arith.addi %iota3A, %add3A_304 : vector<16xi32>
          %and3A_306 = arith.constant 15 : i32
          %and3A_307 = vector.broadcast %and3A_306 : i32 to vector<16xi32>
          %and3A_308 = arith.andi %add3A_305, %and3A_307 : vector<16xi32>
          %add3A_309 = vector.broadcast %mul3A_142 : i32 to vector<16xi32>
          %add3A_310 = arith.addi %add3A_309, %and3A_308 : vector<16xi32>
          %gather3A_311 = tpu.vector_load_idx %arg9[%add3A_310] : memref<4096xf32, #tpu.memory_space<vmem>>[vector<16xi32>], vector<16xf32>,
          %le3A_312 = arith.cmpf ole, %gather3A_311, %get3A_121 : vector<16xf32>
          %jit3A_313 = arith.constant 1 : i32
          %jit3A_314 = arith.constant 0 : i32
          %broadcast_in_dim3A_315 = vector.broadcast %jit3A_313 : i32 to vector<16xi32>
          %broadcast_in_dim3A_316 = vector.broadcast %jit3A_314 : i32 to vector<16xi32>
          %select_n3A_317 = arith.select %le3A_312, %broadcast_in_dim3A_315, %broadcast_in_dim3A_316 : vector<16xi1>, vector<16xi32>
          %add3A_318 = arith.addi %add3A_302, %select_n3A_317 : vector<16xi32>
          %add3A_319 = arith.constant 11 : i32
          %add3A_320 = vector.broadcast %add3A_319 : i32 to vector<16xi32>
          %add3A_321 = arith.addi %iota3A, %add3A_320 : vector<16xi32>
          %and3A_322 = arith.constant 15 : i32
          %and3A_323 = vector.broadcast %and3A_322 : i32 to vector<16xi32>
          %and3A_324 = arith.andi %add3A_321, %and3A_323 : vector<16xi32>
          %add3A_325 = vector.broadcast %mul3A_142 : i32 to vector<16xi32>
          %add3A_326 = arith.addi %add3A_325, %and3A_324 : vector<16xi32>
          %gather3A_327 = tpu.vector_load_idx %arg9[%add3A_326] : memref<4096xf32, #tpu.memory_space<vmem>>[vector<16xi32>], vector<16xf32>,
          %le3A_328 = arith.cmpf ole, %gather3A_327, %get3A_121 : vector<16xf32>
          %jit3A_329 = arith.constant 1 : i32
          %jit3A_330 = arith.constant 0 : i32
          %broadcast_in_dim3A_331 = vector.broadcast %jit3A_329 : i32 to vector<16xi32>
          %broadcast_in_dim3A_332 = vector.broadcast %jit3A_330 : i32 to vector<16xi32>
          %select_n3A_333 = arith.select %le3A_328, %broadcast_in_dim3A_331, %broadcast_in_dim3A_332 : vector<16xi1>, vector<16xi32>
          %add3A_334 = arith.addi %add3A_318, %select_n3A_333 : vector<16xi32>
          %add3A_335 = arith.constant 12 : i32
          %add3A_336 = vector.broadcast %add3A_335 : i32 to vector<16xi32>
          %add3A_337 = arith.addi %iota3A, %add3A_336 : vector<16xi32>
          %and3A_338 = arith.constant 15 : i32
          %and3A_339 = vector.broadcast %and3A_338 : i32 to vector<16xi32>
          %and3A_340 = arith.andi %add3A_337, %and3A_339 : vector<16xi32>
          %add3A_341 = vector.broadcast %mul3A_142 : i32 to vector<16xi32>
          %add3A_342 = arith.addi %add3A_341, %and3A_340 : vector<16xi32>
          %gather3A_343 = tpu.vector_load_idx %arg9[%add3A_342] : memref<4096xf32, #tpu.memory_space<vmem>>[vector<16xi32>], vector<16xf32>,
          %le3A_344 = arith.cmpf ole, %gather3A_343, %get3A_121 : vector<16xf32>
          %jit3A_345 = arith.constant 1 : i32
          %jit3A_346 = arith.constant 0 : i32
          %broadcast_in_dim3A_347 = vector.broadcast %jit3A_345 : i32 to vector<16xi32>
          %broadcast_in_dim3A_348 = vector.broadcast %jit3A_346 : i32 to vector<16xi32>
          %select_n3A_349 = arith.select %le3A_344, %broadcast_in_dim3A_347, %broadcast_in_dim3A_348 : vector<16xi1>, vector<16xi32>
          %add3A_350 = arith.addi %add3A_334, %select_n3A_349 : vector<16xi32>
          %add3A_351 = arith.constant 13 : i32
          %add3A_352 = vector.broadcast %add3A_351 : i32 to vector<16xi32>
          %add3A_353 = arith.addi %iota3A, %add3A_352 : vector<16xi32>
          %and3A_354 = arith.constant 15 : i32
          %and3A_355 = vector.broadcast %and3A_354 : i32 to vector<16xi32>
          %and3A_356 = arith.andi %add3A_353, %and3A_355 : vector<16xi32>
          %add3A_357 = vector.broadcast %mul3A_142 : i32 to vector<16xi32>
          %add3A_358 = arith.addi %add3A_357, %and3A_356 : vector<16xi32>
          %gather3A_359 = tpu.vector_load_idx %arg9[%add3A_358] : memref<4096xf32, #tpu.memory_space<vmem>>[vector<16xi32>], vector<16xf32>,
          %le3A_360 = arith.cmpf ole, %gather3A_359, %get3A_121 : vector<16xf32>
          %jit3A_361 = arith.constant 1 : i32
          %jit3A_362 = arith.constant 0 : i32
          %broadcast_in_dim3A_363 = vector.broadcast %jit3A_361 : i32 to vector<16xi32>
          %broadcast_in_dim3A_364 = vector.broadcast %jit3A_362 : i32 to vector<16xi32>
          %select_n3A_365 = arith.select %le3A_360, %broadcast_in_dim3A_363, %broadcast_in_dim3A_364 : vector<16xi1>, vector<16xi32>
          %add3A_366 = arith.addi %add3A_350, %select_n3A_365 : vector<16xi32>
          %add3A_367 = arith.constant 14 : i32
          %add3A_368 = vector.broadcast %add3A_367 : i32 to vector<16xi32>
          %add3A_369 = arith.addi %iota3A, %add3A_368 : vector<16xi32>
          %and3A_370 = arith.constant 15 : i32
          %and3A_371 = vector.broadcast %and3A_370 : i32 to vector<16xi32>
          %and3A_372 = arith.andi %add3A_369, %and3A_371 : vector<16xi32>
          %add3A_373 = vector.broadcast %mul3A_142 : i32 to vector<16xi32>
          %add3A_374 = arith.addi %add3A_373, %and3A_372 : vector<16xi32>
          %gather3A_375 = tpu.vector_load_idx %arg9[%add3A_374] : memref<4096xf32, #tpu.memory_space<vmem>>[vector<16xi32>], vector<16xf32>,
          %le3A_376 = arith.cmpf ole, %gather3A_375, %get3A_121 : vector<16xf32>
          %jit3A_377 = arith.constant 1 : i32
          %jit3A_378 = arith.constant 0 : i32
          %broadcast_in_dim3A_379 = vector.broadcast %jit3A_377 : i32 to vector<16xi32>
          %broadcast_in_dim3A_380 = vector.broadcast %jit3A_378 : i32 to vector<16xi32>
          %select_n3A_381 = arith.select %le3A_376, %broadcast_in_dim3A_379, %broadcast_in_dim3A_380 : vector<16xi1>, vector<16xi32>
          %add3A_382 = arith.addi %add3A_366, %select_n3A_381 : vector<16xi32>
          %add3A_383 = arith.constant 15 : i32
          %add3A_384 = vector.broadcast %add3A_383 : i32 to vector<16xi32>
          %add3A_385 = arith.addi %iota3A, %add3A_384 : vector<16xi32>
          %and3A_386 = arith.constant 15 : i32
          %and3A_387 = vector.broadcast %and3A_386 : i32 to vector<16xi32>
          %and3A_388 = arith.andi %add3A_385, %and3A_387 : vector<16xi32>
          %add3A_389 = vector.broadcast %mul3A_142 : i32 to vector<16xi32>
          %add3A_390 = arith.addi %add3A_389, %and3A_388 : vector<16xi32>
          %gather3A_391 = tpu.vector_load_idx %arg9[%add3A_390] : memref<4096xf32, #tpu.memory_space<vmem>>[vector<16xi32>], vector<16xf32>,
          %le3A_392 = arith.cmpf ole, %gather3A_391, %get3A_121 : vector<16xf32>
          %jit3A_393 = arith.constant 1 : i32
          %jit3A_394 = arith.constant 0 : i32
          %broadcast_in_dim3A_395 = vector.broadcast %jit3A_393 : i32 to vector<16xi32>
          %broadcast_in_dim3A_396 = vector.broadcast %jit3A_394 : i32 to vector<16xi32>
          %select_n3A_397 = arith.select %le3A_392, %broadcast_in_dim3A_395, %broadcast_in_dim3A_396 : vector<16xi1>, vector<16xi32>
          %add3A_398 = arith.addi %add3A_382, %select_n3A_397 : vector<16xi32>
          scf.yield %add3A_398 : vector<16xi32>
        } else {
          %eq3A = arith.cmpi eq, %while3A_139, %while3A_118 : i32
          %convert_element_type3A_145 = arith.extui %eq3A : i1 to i32
          %cond3A_146 = arith.constant 0 : i32
          %cond3A_147 = arith.cmpi ne, %convert_element_type3A_145, %cond3A_146 : i32
          %cond3A_148 = scf.if %cond3A_147 -> (vector<16xi32>) {
            %add3A_149 = arith.constant 0 : i32
            %add3A_150 = vector.broadcast %add3A_149 : i32 to vector<16xi32>
            %add3A_151 = arith.addi %iota3A, %add3A_150 : vector<16xi32>
            %and3A_152 = arith.constant 15 : i32
            %and3A_153 = vector.broadcast %and3A_152 : i32 to vector<16xi32>
            %and3A_154 = arith.andi %add3A_151, %and3A_153 : vector<16xi32>
            %add3A_155 = vector.broadcast %mul3A_142 : i32 to vector<16xi32>
            %add3A_156 = arith.addi %add3A_155, %and3A_154 : vector<16xi32>
            %gather3A = tpu.vector_load_idx %arg9[%add3A_156] : memref<4096xf32, #tpu.memory_space<vmem>>[vector<16xi32>], vector<16xf32>,
            %lt3A_157 = arith.cmpf olt, %gather3A, %get3A_121 : vector<16xf32>
            %eq3A_158 = arith.cmpf oeq, %gather3A, %get3A_121 : vector<16xf32>
            %lt3A_159 = arith.cmpi slt, %and3A_154, %iota3A : vector<16xi32>
            %and3A_160 = arith.andi %eq3A_158, %lt3A_159 : vector<16xi1>
            %or3A = arith.ori %lt3A_157, %and3A_160 : vector<16xi1>
            %jit3A_161 = arith.constant 1 : i32
            %jit3A_162 = arith.constant 0 : i32
            %broadcast_in_dim3A_163 = vector.broadcast %jit3A_161 : i32 to vector<16xi32>
            %broadcast_in_dim3A_164 = vector.broadcast %jit3A_162 : i32 to vector<16xi32>
            %select_n3A_165 = arith.select %or3A, %broadcast_in_dim3A_163, %broadcast_in_dim3A_164 : vector<16xi1>, vector<16xi32>
            %add3A_166 = arith.addi %while3A_140, %select_n3A_165 : vector<16xi32>
            %add3A_167 = arith.constant 1 : i32
            %add3A_168 = vector.broadcast %add3A_167 : i32 to vector<16xi32>
            %add3A_169 = arith.addi %iota3A, %add3A_168 : vector<16xi32>
            %and3A_170 = arith.constant 15 : i32
            %and3A_171 = vector.broadcast %and3A_170 : i32 to vector<16xi32>
            %and3A_172 = arith.andi %add3A_169, %and3A_171 : vector<16xi32>
            %add3A_173 = vector.broadcast %mul3A_142 : i32 to vector<16xi32>
            %add3A_174 = arith.addi %add3A_173, %and3A_172 : vector<16xi32>
            %gather3A_175 = tpu.vector_load_idx %arg9[%add3A_174] : memref<4096xf32, #tpu.memory_space<vmem>>[vector<16xi32>], vector<16xf32>,
            %lt3A_176 = arith.cmpf olt, %gather3A_175, %get3A_121 : vector<16xf32>
            %eq3A_177 = arith.cmpf oeq, %gather3A_175, %get3A_121 : vector<16xf32>
            %lt3A_178 = arith.cmpi slt, %and3A_172, %iota3A : vector<16xi32>
            %and3A_179 = arith.andi %eq3A_177, %lt3A_178 : vector<16xi1>
            %or3A_180 = arith.ori %lt3A_176, %and3A_179 : vector<16xi1>
            %jit3A_181 = arith.constant 1 : i32
            %jit3A_182 = arith.constant 0 : i32
            %broadcast_in_dim3A_183 = vector.broadcast %jit3A_181 : i32 to vector<16xi32>
            %broadcast_in_dim3A_184 = vector.broadcast %jit3A_182 : i32 to vector<16xi32>
            %select_n3A_185 = arith.select %or3A_180, %broadcast_in_dim3A_183, %broadcast_in_dim3A_184 : vector<16xi1>, vector<16xi32>
            %add3A_186 = arith.addi %add3A_166, %select_n3A_185 : vector<16xi32>
            %add3A_187 = arith.constant 2 : i32
            %add3A_188 = vector.broadcast %add3A_187 : i32 to vector<16xi32>
            %add3A_189 = arith.addi %iota3A, %add3A_188 : vector<16xi32>
            %and3A_190 = arith.constant 15 : i32
            %and3A_191 = vector.broadcast %and3A_190 : i32 to vector<16xi32>
            %and3A_192 = arith.andi %add3A_189, %and3A_191 : vector<16xi32>
            %add3A_193 = vector.broadcast %mul3A_142 : i32 to vector<16xi32>
            %add3A_194 = arith.addi %add3A_193, %and3A_192 : vector<16xi32>
            %gather3A_195 = tpu.vector_load_idx %arg9[%add3A_194] : memref<4096xf32, #tpu.memory_space<vmem>>[vector<16xi32>], vector<16xf32>,
            %lt3A_196 = arith.cmpf olt, %gather3A_195, %get3A_121 : vector<16xf32>
            %eq3A_197 = arith.cmpf oeq, %gather3A_195, %get3A_121 : vector<16xf32>
            %lt3A_198 = arith.cmpi slt, %and3A_192, %iota3A : vector<16xi32>
            %and3A_199 = arith.andi %eq3A_197, %lt3A_198 : vector<16xi1>
            %or3A_200 = arith.ori %lt3A_196, %and3A_199 : vector<16xi1>
            %jit3A_201 = arith.constant 1 : i32
            %jit3A_202 = arith.constant 0 : i32
            %broadcast_in_dim3A_203 = vector.broadcast %jit3A_201 : i32 to vector<16xi32>
            %broadcast_in_dim3A_204 = vector.broadcast %jit3A_202 : i32 to vector<16xi32>
            %select_n3A_205 = arith.select %or3A_200, %broadcast_in_dim3A_203, %broadcast_in_dim3A_204 : vector<16xi1>, vector<16xi32>
            %add3A_206 = arith.addi %add3A_186, %select_n3A_205 : vector<16xi32>
            %add3A_207 = arith.constant 3 : i32
            %add3A_208 = vector.broadcast %add3A_207 : i32 to vector<16xi32>
            %add3A_209 = arith.addi %iota3A, %add3A_208 : vector<16xi32>
            %and3A_210 = arith.constant 15 : i32
            %and3A_211 = vector.broadcast %and3A_210 : i32 to vector<16xi32>
            %and3A_212 = arith.andi %add3A_209, %and3A_211 : vector<16xi32>
            %add3A_213 = vector.broadcast %mul3A_142 : i32 to vector<16xi32>
            %add3A_214 = arith.addi %add3A_213, %and3A_212 : vector<16xi32>
            %gather3A_215 = tpu.vector_load_idx %arg9[%add3A_214] : memref<4096xf32, #tpu.memory_space<vmem>>[vector<16xi32>], vector<16xf32>,
            %lt3A_216 = arith.cmpf olt, %gather3A_215, %get3A_121 : vector<16xf32>
            %eq3A_217 = arith.cmpf oeq, %gather3A_215, %get3A_121 : vector<16xf32>
            %lt3A_218 = arith.cmpi slt, %and3A_212, %iota3A : vector<16xi32>
            %and3A_219 = arith.andi %eq3A_217, %lt3A_218 : vector<16xi1>
            %or3A_220 = arith.ori %lt3A_216, %and3A_219 : vector<16xi1>
            %jit3A_221 = arith.constant 1 : i32
            %jit3A_222 = arith.constant 0 : i32
            %broadcast_in_dim3A_223 = vector.broadcast %jit3A_221 : i32 to vector<16xi32>
            %broadcast_in_dim3A_224 = vector.broadcast %jit3A_222 : i32 to vector<16xi32>
            %select_n3A_225 = arith.select %or3A_220, %broadcast_in_dim3A_223, %broadcast_in_dim3A_224 : vector<16xi1>, vector<16xi32>
            %add3A_226 = arith.addi %add3A_206, %select_n3A_225 : vector<16xi32>
            %add3A_227 = arith.constant 4 : i32
            %add3A_228 = vector.broadcast %add3A_227 : i32 to vector<16xi32>
            %add3A_229 = arith.addi %iota3A, %add3A_228 : vector<16xi32>
            %and3A_230 = arith.constant 15 : i32
            %and3A_231 = vector.broadcast %and3A_230 : i32 to vector<16xi32>
            %and3A_232 = arith.andi %add3A_229, %and3A_231 : vector<16xi32>
            %add3A_233 = vector.broadcast %mul3A_142 : i32 to vector<16xi32>
            %add3A_234 = arith.addi %add3A_233, %and3A_232 : vector<16xi32>
            %gather3A_235 = tpu.vector_load_idx %arg9[%add3A_234] : memref<4096xf32, #tpu.memory_space<vmem>>[vector<16xi32>], vector<16xf32>,
            %lt3A_236 = arith.cmpf olt, %gather3A_235, %get3A_121 : vector<16xf32>
            %eq3A_237 = arith.cmpf oeq, %gather3A_235, %get3A_121 : vector<16xf32>
            %lt3A_238 = arith.cmpi slt, %and3A_232, %iota3A : vector<16xi32>
            %and3A_239 = arith.andi %eq3A_237, %lt3A_238 : vector<16xi1>
            %or3A_240 = arith.ori %lt3A_236, %and3A_239 : vector<16xi1>
            %jit3A_241 = arith.constant 1 : i32
            %jit3A_242 = arith.constant 0 : i32
            %broadcast_in_dim3A_243 = vector.broadcast %jit3A_241 : i32 to vector<16xi32>
            %broadcast_in_dim3A_244 = vector.broadcast %jit3A_242 : i32 to vector<16xi32>
            %select_n3A_245 = arith.select %or3A_240, %broadcast_in_dim3A_243, %broadcast_in_dim3A_244 : vector<16xi1>, vector<16xi32>
            %add3A_246 = arith.addi %add3A_226, %select_n3A_245 : vector<16xi32>
            %add3A_247 = arith.constant 5 : i32
            %add3A_248 = vector.broadcast %add3A_247 : i32 to vector<16xi32>
            %add3A_249 = arith.addi %iota3A, %add3A_248 : vector<16xi32>
            %and3A_250 = arith.constant 15 : i32
            %and3A_251 = vector.broadcast %and3A_250 : i32 to vector<16xi32>
            %and3A_252 = arith.andi %add3A_249, %and3A_251 : vector<16xi32>
            %add3A_253 = vector.broadcast %mul3A_142 : i32 to vector<16xi32>
            %add3A_254 = arith.addi %add3A_253, %and3A_252 : vector<16xi32>
            %gather3A_255 = tpu.vector_load_idx %arg9[%add3A_254] : memref<4096xf32, #tpu.memory_space<vmem>>[vector<16xi32>], vector<16xf32>,
            %lt3A_256 = arith.cmpf olt, %gather3A_255, %get3A_121 : vector<16xf32>
            %eq3A_257 = arith.cmpf oeq, %gather3A_255, %get3A_121 : vector<16xf32>
            %lt3A_258 = arith.cmpi slt, %and3A_252, %iota3A : vector<16xi32>
            %and3A_259 = arith.andi %eq3A_257, %lt3A_258 : vector<16xi1>
            %or3A_260 = arith.ori %lt3A_256, %and3A_259 : vector<16xi1>
            %jit3A_261 = arith.constant 1 : i32
            %jit3A_262 = arith.constant 0 : i32
            %broadcast_in_dim3A_263 = vector.broadcast %jit3A_261 : i32 to vector<16xi32>
            %broadcast_in_dim3A_264 = vector.broadcast %jit3A_262 : i32 to vector<16xi32>
            %select_n3A_265 = arith.select %or3A_260, %broadcast_in_dim3A_263, %broadcast_in_dim3A_264 : vector<16xi1>, vector<16xi32>
            %add3A_266 = arith.addi %add3A_246, %select_n3A_265 : vector<16xi32>
            %add3A_267 = arith.constant 6 : i32
            %add3A_268 = vector.broadcast %add3A_267 : i32 to vector<16xi32>
            %add3A_269 = arith.addi %iota3A, %add3A_268 : vector<16xi32>
            %and3A_270 = arith.constant 15 : i32
            %and3A_271 = vector.broadcast %and3A_270 : i32 to vector<16xi32>
            %and3A_272 = arith.andi %add3A_269, %and3A_271 : vector<16xi32>
            %add3A_273 = vector.broadcast %mul3A_142 : i32 to vector<16xi32>
            %add3A_274 = arith.addi %add3A_273, %and3A_272 : vector<16xi32>
            %gather3A_275 = tpu.vector_load_idx %arg9[%add3A_274] : memref<4096xf32, #tpu.memory_space<vmem>>[vector<16xi32>], vector<16xf32>,
            %lt3A_276 = arith.cmpf olt, %gather3A_275, %get3A_121 : vector<16xf32>
            %eq3A_277 = arith.cmpf oeq, %gather3A_275, %get3A_121 : vector<16xf32>
            %lt3A_278 = arith.cmpi slt, %and3A_272, %iota3A : vector<16xi32>
            %and3A_279 = arith.andi %eq3A_277, %lt3A_278 : vector<16xi1>
            %or3A_280 = arith.ori %lt3A_276, %and3A_279 : vector<16xi1>
            %jit3A_281 = arith.constant 1 : i32
            %jit3A_282 = arith.constant 0 : i32
            %broadcast_in_dim3A_283 = vector.broadcast %jit3A_281 : i32 to vector<16xi32>
            %broadcast_in_dim3A_284 = vector.broadcast %jit3A_282 : i32 to vector<16xi32>
            %select_n3A_285 = arith.select %or3A_280, %broadcast_in_dim3A_283, %broadcast_in_dim3A_284 : vector<16xi1>, vector<16xi32>
            %add3A_286 = arith.addi %add3A_266, %select_n3A_285 : vector<16xi32>
            %add3A_287 = arith.constant 7 : i32
            %add3A_288 = vector.broadcast %add3A_287 : i32 to vector<16xi32>
            %add3A_289 = arith.addi %iota3A, %add3A_288 : vector<16xi32>
            %and3A_290 = arith.constant 15 : i32
            %and3A_291 = vector.broadcast %and3A_290 : i32 to vector<16xi32>
            %and3A_292 = arith.andi %add3A_289, %and3A_291 : vector<16xi32>
            %add3A_293 = vector.broadcast %mul3A_142 : i32 to vector<16xi32>
            %add3A_294 = arith.addi %add3A_293, %and3A_292 : vector<16xi32>
            %gather3A_295 = tpu.vector_load_idx %arg9[%add3A_294] : memref<4096xf32, #tpu.memory_space<vmem>>[vector<16xi32>], vector<16xf32>,
            %lt3A_296 = arith.cmpf olt, %gather3A_295, %get3A_121 : vector<16xf32>
            %eq3A_297 = arith.cmpf oeq, %gather3A_295, %get3A_121 : vector<16xf32>
            %lt3A_298 = arith.cmpi slt, %and3A_292, %iota3A : vector<16xi32>
            %and3A_299 = arith.andi %eq3A_297, %lt3A_298 : vector<16xi1>
            %or3A_300 = arith.ori %lt3A_296, %and3A_299 : vector<16xi1>
            %jit3A_301 = arith.constant 1 : i32
            %jit3A_302 = arith.constant 0 : i32
            %broadcast_in_dim3A_303 = vector.broadcast %jit3A_301 : i32 to vector<16xi32>
            %broadcast_in_dim3A_304 = vector.broadcast %jit3A_302 : i32 to vector<16xi32>
            %select_n3A_305 = arith.select %or3A_300, %broadcast_in_dim3A_303, %broadcast_in_dim3A_304 : vector<16xi1>, vector<16xi32>
            %add3A_306 = arith.addi %add3A_286, %select_n3A_305 : vector<16xi32>
            %add3A_307 = arith.constant 8 : i32
            %add3A_308 = vector.broadcast %add3A_307 : i32 to vector<16xi32>
            %add3A_309 = arith.addi %iota3A, %add3A_308 : vector<16xi32>
            %and3A_310 = arith.constant 15 : i32
            %and3A_311 = vector.broadcast %and3A_310 : i32 to vector<16xi32>
            %and3A_312 = arith.andi %add3A_309, %and3A_311 : vector<16xi32>
            %add3A_313 = vector.broadcast %mul3A_142 : i32 to vector<16xi32>
            %add3A_314 = arith.addi %add3A_313, %and3A_312 : vector<16xi32>
            %gather3A_315 = tpu.vector_load_idx %arg9[%add3A_314] : memref<4096xf32, #tpu.memory_space<vmem>>[vector<16xi32>], vector<16xf32>,
            %lt3A_316 = arith.cmpf olt, %gather3A_315, %get3A_121 : vector<16xf32>
            %eq3A_317 = arith.cmpf oeq, %gather3A_315, %get3A_121 : vector<16xf32>
            %lt3A_318 = arith.cmpi slt, %and3A_312, %iota3A : vector<16xi32>
            %and3A_319 = arith.andi %eq3A_317, %lt3A_318 : vector<16xi1>
            %or3A_320 = arith.ori %lt3A_316, %and3A_319 : vector<16xi1>
            %jit3A_321 = arith.constant 1 : i32
            %jit3A_322 = arith.constant 0 : i32
            %broadcast_in_dim3A_323 = vector.broadcast %jit3A_321 : i32 to vector<16xi32>
            %broadcast_in_dim3A_324 = vector.broadcast %jit3A_322 : i32 to vector<16xi32>
            %select_n3A_325 = arith.select %or3A_320, %broadcast_in_dim3A_323, %broadcast_in_dim3A_324 : vector<16xi1>, vector<16xi32>
            %add3A_326 = arith.addi %add3A_306, %select_n3A_325 : vector<16xi32>
            %add3A_327 = arith.constant 9 : i32
            %add3A_328 = vector.broadcast %add3A_327 : i32 to vector<16xi32>
            %add3A_329 = arith.addi %iota3A, %add3A_328 : vector<16xi32>
            %and3A_330 = arith.constant 15 : i32
            %and3A_331 = vector.broadcast %and3A_330 : i32 to vector<16xi32>
            %and3A_332 = arith.andi %add3A_329, %and3A_331 : vector<16xi32>
            %add3A_333 = vector.broadcast %mul3A_142 : i32 to vector<16xi32>
            %add3A_334 = arith.addi %add3A_333, %and3A_332 : vector<16xi32>
            %gather3A_335 = tpu.vector_load_idx %arg9[%add3A_334] : memref<4096xf32, #tpu.memory_space<vmem>>[vector<16xi32>], vector<16xf32>,
            %lt3A_336 = arith.cmpf olt, %gather3A_335, %get3A_121 : vector<16xf32>
            %eq3A_337 = arith.cmpf oeq, %gather3A_335, %get3A_121 : vector<16xf32>
            %lt3A_338 = arith.cmpi slt, %and3A_332, %iota3A : vector<16xi32>
            %and3A_339 = arith.andi %eq3A_337, %lt3A_338 : vector<16xi1>
            %or3A_340 = arith.ori %lt3A_336, %and3A_339 : vector<16xi1>
            %jit3A_341 = arith.constant 1 : i32
            %jit3A_342 = arith.constant 0 : i32
            %broadcast_in_dim3A_343 = vector.broadcast %jit3A_341 : i32 to vector<16xi32>
            %broadcast_in_dim3A_344 = vector.broadcast %jit3A_342 : i32 to vector<16xi32>
            %select_n3A_345 = arith.select %or3A_340, %broadcast_in_dim3A_343, %broadcast_in_dim3A_344 : vector<16xi1>, vector<16xi32>
            %add3A_346 = arith.addi %add3A_326, %select_n3A_345 : vector<16xi32>
            %add3A_347 = arith.constant 10 : i32
            %add3A_348 = vector.broadcast %add3A_347 : i32 to vector<16xi32>
            %add3A_349 = arith.addi %iota3A, %add3A_348 : vector<16xi32>
            %and3A_350 = arith.constant 15 : i32
            %and3A_351 = vector.broadcast %and3A_350 : i32 to vector<16xi32>
            %and3A_352 = arith.andi %add3A_349, %and3A_351 : vector<16xi32>
            %add3A_353 = vector.broadcast %mul3A_142 : i32 to vector<16xi32>
            %add3A_354 = arith.addi %add3A_353, %and3A_352 : vector<16xi32>
            %gather3A_355 = tpu.vector_load_idx %arg9[%add3A_354] : memref<4096xf32, #tpu.memory_space<vmem>>[vector<16xi32>], vector<16xf32>,
            %lt3A_356 = arith.cmpf olt, %gather3A_355, %get3A_121 : vector<16xf32>
            %eq3A_357 = arith.cmpf oeq, %gather3A_355, %get3A_121 : vector<16xf32>
            %lt3A_358 = arith.cmpi slt, %and3A_352, %iota3A : vector<16xi32>
            %and3A_359 = arith.andi %eq3A_357, %lt3A_358 : vector<16xi1>
            %or3A_360 = arith.ori %lt3A_356, %and3A_359 : vector<16xi1>
            %jit3A_361 = arith.constant 1 : i32
            %jit3A_362 = arith.constant 0 : i32
            %broadcast_in_dim3A_363 = vector.broadcast %jit3A_361 : i32 to vector<16xi32>
            %broadcast_in_dim3A_364 = vector.broadcast %jit3A_362 : i32 to vector<16xi32>
            %select_n3A_365 = arith.select %or3A_360, %broadcast_in_dim3A_363, %broadcast_in_dim3A_364 : vector<16xi1>, vector<16xi32>
            %add3A_366 = arith.addi %add3A_346, %select_n3A_365 : vector<16xi32>
            %add3A_367 = arith.constant 11 : i32
            %add3A_368 = vector.broadcast %add3A_367 : i32 to vector<16xi32>
            %add3A_369 = arith.addi %iota3A, %add3A_368 : vector<16xi32>
            %and3A_370 = arith.constant 15 : i32
            %and3A_371 = vector.broadcast %and3A_370 : i32 to vector<16xi32>
            %and3A_372 = arith.andi %add3A_369, %and3A_371 : vector<16xi32>
            %add3A_373 = vector.broadcast %mul3A_142 : i32 to vector<16xi32>
            %add3A_374 = arith.addi %add3A_373, %and3A_372 : vector<16xi32>
            %gather3A_375 = tpu.vector_load_idx %arg9[%add3A_374] : memref<4096xf32, #tpu.memory_space<vmem>>[vector<16xi32>], vector<16xf32>,
            %lt3A_376 = arith.cmpf olt, %gather3A_375, %get3A_121 : vector<16xf32>
            %eq3A_377 = arith.cmpf oeq, %gather3A_375, %get3A_121 : vector<16xf32>
            %lt3A_378 = arith.cmpi slt, %and3A_372, %iota3A : vector<16xi32>
            %and3A_379 = arith.andi %eq3A_377, %lt3A_378 : vector<16xi1>
            %or3A_380 = arith.ori %lt3A_376, %and3A_379 : vector<16xi1>
            %jit3A_381 = arith.constant 1 : i32
            %jit3A_382 = arith.constant 0 : i32
            %broadcast_in_dim3A_383 = vector.broadcast %jit3A_381 : i32 to vector<16xi32>
            %broadcast_in_dim3A_384 = vector.broadcast %jit3A_382 : i32 to vector<16xi32>
            %select_n3A_385 = arith.select %or3A_380, %broadcast_in_dim3A_383, %broadcast_in_dim3A_384 : vector<16xi1>, vector<16xi32>
            %add3A_386 = arith.addi %add3A_366, %select_n3A_385 : vector<16xi32>
            %add3A_387 = arith.constant 12 : i32
            %add3A_388 = vector.broadcast %add3A_387 : i32 to vector<16xi32>
            %add3A_389 = arith.addi %iota3A, %add3A_388 : vector<16xi32>
            %and3A_390 = arith.constant 15 : i32
            %and3A_391 = vector.broadcast %and3A_390 : i32 to vector<16xi32>
            %and3A_392 = arith.andi %add3A_389, %and3A_391 : vector<16xi32>
            %add3A_393 = vector.broadcast %mul3A_142 : i32 to vector<16xi32>
            %add3A_394 = arith.addi %add3A_393, %and3A_392 : vector<16xi32>
            %gather3A_395 = tpu.vector_load_idx %arg9[%add3A_394] : memref<4096xf32, #tpu.memory_space<vmem>>[vector<16xi32>], vector<16xf32>,
            %lt3A_396 = arith.cmpf olt, %gather3A_395, %get3A_121 : vector<16xf32>
            %eq3A_397 = arith.cmpf oeq, %gather3A_395, %get3A_121 : vector<16xf32>
            %lt3A_398 = arith.cmpi slt, %and3A_392, %iota3A : vector<16xi32>
            %and3A_399 = arith.andi %eq3A_397, %lt3A_398 : vector<16xi1>
            %or3A_400 = arith.ori %lt3A_396, %and3A_399 : vector<16xi1>
            %jit3A_401 = arith.constant 1 : i32
            %jit3A_402 = arith.constant 0 : i32
            %broadcast_in_dim3A_403 = vector.broadcast %jit3A_401 : i32 to vector<16xi32>
            %broadcast_in_dim3A_404 = vector.broadcast %jit3A_402 : i32 to vector<16xi32>
            %select_n3A_405 = arith.select %or3A_400, %broadcast_in_dim3A_403, %broadcast_in_dim3A_404 : vector<16xi1>, vector<16xi32>
            %add3A_406 = arith.addi %add3A_386, %select_n3A_405 : vector<16xi32>
            %add3A_407 = arith.constant 13 : i32
            %add3A_408 = vector.broadcast %add3A_407 : i32 to vector<16xi32>
            %add3A_409 = arith.addi %iota3A, %add3A_408 : vector<16xi32>
            %and3A_410 = arith.constant 15 : i32
            %and3A_411 = vector.broadcast %and3A_410 : i32 to vector<16xi32>
            %and3A_412 = arith.andi %add3A_409, %and3A_411 : vector<16xi32>
            %add3A_413 = vector.broadcast %mul3A_142 : i32 to vector<16xi32>
            %add3A_414 = arith.addi %add3A_413, %and3A_412 : vector<16xi32>
            %gather3A_415 = tpu.vector_load_idx %arg9[%add3A_414] : memref<4096xf32, #tpu.memory_space<vmem>>[vector<16xi32>], vector<16xf32>,
            %lt3A_416 = arith.cmpf olt, %gather3A_415, %get3A_121 : vector<16xf32>
            %eq3A_417 = arith.cmpf oeq, %gather3A_415, %get3A_121 : vector<16xf32>
            %lt3A_418 = arith.cmpi slt, %and3A_412, %iota3A : vector<16xi32>
            %and3A_419 = arith.andi %eq3A_417, %lt3A_418 : vector<16xi1>
            %or3A_420 = arith.ori %lt3A_416, %and3A_419 : vector<16xi1>
            %jit3A_421 = arith.constant 1 : i32
            %jit3A_422 = arith.constant 0 : i32
            %broadcast_in_dim3A_423 = vector.broadcast %jit3A_421 : i32 to vector<16xi32>
            %broadcast_in_dim3A_424 = vector.broadcast %jit3A_422 : i32 to vector<16xi32>
            %select_n3A_425 = arith.select %or3A_420, %broadcast_in_dim3A_423, %broadcast_in_dim3A_424 : vector<16xi1>, vector<16xi32>
            %add3A_426 = arith.addi %add3A_406, %select_n3A_425 : vector<16xi32>
            %add3A_427 = arith.constant 14 : i32
            %add3A_428 = vector.broadcast %add3A_427 : i32 to vector<16xi32>
            %add3A_429 = arith.addi %iota3A, %add3A_428 : vector<16xi32>
            %and3A_430 = arith.constant 15 : i32
            %and3A_431 = vector.broadcast %and3A_430 : i32 to vector<16xi32>
            %and3A_432 = arith.andi %add3A_429, %and3A_431 : vector<16xi32>
            %add3A_433 = vector.broadcast %mul3A_142 : i32 to vector<16xi32>
            %add3A_434 = arith.addi %add3A_433, %and3A_432 : vector<16xi32>
            %gather3A_435 = tpu.vector_load_idx %arg9[%add3A_434] : memref<4096xf32, #tpu.memory_space<vmem>>[vector<16xi32>], vector<16xf32>,
            %lt3A_436 = arith.cmpf olt, %gather3A_435, %get3A_121 : vector<16xf32>
            %eq3A_437 = arith.cmpf oeq, %gather3A_435, %get3A_121 : vector<16xf32>
            %lt3A_438 = arith.cmpi slt, %and3A_432, %iota3A : vector<16xi32>
            %and3A_439 = arith.andi %eq3A_437, %lt3A_438 : vector<16xi1>
            %or3A_440 = arith.ori %lt3A_436, %and3A_439 : vector<16xi1>
            %jit3A_441 = arith.constant 1 : i32
            %jit3A_442 = arith.constant 0 : i32
            %broadcast_in_dim3A_443 = vector.broadcast %jit3A_441 : i32 to vector<16xi32>
            %broadcast_in_dim3A_444 = vector.broadcast %jit3A_442 : i32 to vector<16xi32>
            %select_n3A_445 = arith.select %or3A_440, %broadcast_in_dim3A_443, %broadcast_in_dim3A_444 : vector<16xi1>, vector<16xi32>
            %add3A_446 = arith.addi %add3A_426, %select_n3A_445 : vector<16xi32>
            %add3A_447 = arith.constant 15 : i32
            %add3A_448 = vector.broadcast %add3A_447 : i32 to vector<16xi32>
            %add3A_449 = arith.addi %iota3A, %add3A_448 : vector<16xi32>
            %and3A_450 = arith.constant 15 : i32
            %and3A_451 = vector.broadcast %and3A_450 : i32 to vector<16xi32>
            %and3A_452 = arith.andi %add3A_449, %and3A_451 : vector<16xi32>
            %add3A_453 = vector.broadcast %mul3A_142 : i32 to vector<16xi32>
            %add3A_454 = arith.addi %add3A_453, %and3A_452 : vector<16xi32>
            %gather3A_455 = tpu.vector_load_idx %arg9[%add3A_454] : memref<4096xf32, #tpu.memory_space<vmem>>[vector<16xi32>], vector<16xf32>,
            %lt3A_456 = arith.cmpf olt, %gather3A_455, %get3A_121 : vector<16xf32>
            %eq3A_457 = arith.cmpf oeq, %gather3A_455, %get3A_121 : vector<16xf32>
            %lt3A_458 = arith.cmpi slt, %and3A_452, %iota3A : vector<16xi32>
            %and3A_459 = arith.andi %eq3A_457, %lt3A_458 : vector<16xi1>
            %or3A_460 = arith.ori %lt3A_456, %and3A_459 : vector<16xi1>
            %jit3A_461 = arith.constant 1 : i32
            %jit3A_462 = arith.constant 0 : i32
            %broadcast_in_dim3A_463 = vector.broadcast %jit3A_461 : i32 to vector<16xi32>
            %broadcast_in_dim3A_464 = vector.broadcast %jit3A_462 : i32 to vector<16xi32>
            %select_n3A_465 = arith.select %or3A_460, %broadcast_in_dim3A_463, %broadcast_in_dim3A_464 : vector<16xi1>, vector<16xi32>
            %add3A_466 = arith.addi %add3A_446, %select_n3A_465 : vector<16xi32>
            scf.yield %add3A_466 : vector<16xi32>
          } else {
            %add3A_149 = arith.constant 0 : i32
            %add3A_150 = vector.broadcast %add3A_149 : i32 to vector<16xi32>
            %add3A_151 = arith.addi %iota3A, %add3A_150 : vector<16xi32>
            %and3A_152 = arith.constant 15 : i32
            %and3A_153 = vector.broadcast %and3A_152 : i32 to vector<16xi32>
            %and3A_154 = arith.andi %add3A_151, %and3A_153 : vector<16xi32>
            %add3A_155 = vector.broadcast %mul3A_142 : i32 to vector<16xi32>
            %add3A_156 = arith.addi %add3A_155, %and3A_154 : vector<16xi32>
            %gather3A = tpu.vector_load_idx %arg9[%add3A_156] : memref<4096xf32, #tpu.memory_space<vmem>>[vector<16xi32>], vector<16xf32>,
            %lt3A_157 = arith.cmpf olt, %gather3A, %get3A_121 : vector<16xf32>
            %jit3A_158 = arith.constant 1 : i32
            %jit3A_159 = arith.constant 0 : i32
            %broadcast_in_dim3A_160 = vector.broadcast %jit3A_158 : i32 to vector<16xi32>
            %broadcast_in_dim3A_161 = vector.broadcast %jit3A_159 : i32 to vector<16xi32>
            %select_n3A_162 = arith.select %lt3A_157, %broadcast_in_dim3A_160, %broadcast_in_dim3A_161 : vector<16xi1>, vector<16xi32>
            %add3A_163 = arith.addi %while3A_140, %select_n3A_162 : vector<16xi32>
            %add3A_164 = arith.constant 1 : i32
            %add3A_165 = vector.broadcast %add3A_164 : i32 to vector<16xi32>
            %add3A_166 = arith.addi %iota3A, %add3A_165 : vector<16xi32>
            %and3A_167 = arith.constant 15 : i32
            %and3A_168 = vector.broadcast %and3A_167 : i32 to vector<16xi32>
            %and3A_169 = arith.andi %add3A_166, %and3A_168 : vector<16xi32>
            %add3A_170 = vector.broadcast %mul3A_142 : i32 to vector<16xi32>
            %add3A_171 = arith.addi %add3A_170, %and3A_169 : vector<16xi32>
            %gather3A_172 = tpu.vector_load_idx %arg9[%add3A_171] : memref<4096xf32, #tpu.memory_space<vmem>>[vector<16xi32>], vector<16xf32>,
            %lt3A_173 = arith.cmpf olt, %gather3A_172, %get3A_121 : vector<16xf32>
            %jit3A_174 = arith.constant 1 : i32
            %jit3A_175 = arith.constant 0 : i32
            %broadcast_in_dim3A_176 = vector.broadcast %jit3A_174 : i32 to vector<16xi32>
            %broadcast_in_dim3A_177 = vector.broadcast %jit3A_175 : i32 to vector<16xi32>
            %select_n3A_178 = arith.select %lt3A_173, %broadcast_in_dim3A_176, %broadcast_in_dim3A_177 : vector<16xi1>, vector<16xi32>
            %add3A_179 = arith.addi %add3A_163, %select_n3A_178 : vector<16xi32>
            %add3A_180 = arith.constant 2 : i32
            %add3A_181 = vector.broadcast %add3A_180 : i32 to vector<16xi32>
            %add3A_182 = arith.addi %iota3A, %add3A_181 : vector<16xi32>
            %and3A_183 = arith.constant 15 : i32
            %and3A_184 = vector.broadcast %and3A_183 : i32 to vector<16xi32>
            %and3A_185 = arith.andi %add3A_182, %and3A_184 : vector<16xi32>
            %add3A_186 = vector.broadcast %mul3A_142 : i32 to vector<16xi32>
            %add3A_187 = arith.addi %add3A_186, %and3A_185 : vector<16xi32>
            %gather3A_188 = tpu.vector_load_idx %arg9[%add3A_187] : memref<4096xf32, #tpu.memory_space<vmem>>[vector<16xi32>], vector<16xf32>,
            %lt3A_189 = arith.cmpf olt, %gather3A_188, %get3A_121 : vector<16xf32>
            %jit3A_190 = arith.constant 1 : i32
            %jit3A_191 = arith.constant 0 : i32
            %broadcast_in_dim3A_192 = vector.broadcast %jit3A_190 : i32 to vector<16xi32>
            %broadcast_in_dim3A_193 = vector.broadcast %jit3A_191 : i32 to vector<16xi32>
            %select_n3A_194 = arith.select %lt3A_189, %broadcast_in_dim3A_192, %broadcast_in_dim3A_193 : vector<16xi1>, vector<16xi32>
            %add3A_195 = arith.addi %add3A_179, %select_n3A_194 : vector<16xi32>
            %add3A_196 = arith.constant 3 : i32
            %add3A_197 = vector.broadcast %add3A_196 : i32 to vector<16xi32>
            %add3A_198 = arith.addi %iota3A, %add3A_197 : vector<16xi32>
            %and3A_199 = arith.constant 15 : i32
            %and3A_200 = vector.broadcast %and3A_199 : i32 to vector<16xi32>
            %and3A_201 = arith.andi %add3A_198, %and3A_200 : vector<16xi32>
            %add3A_202 = vector.broadcast %mul3A_142 : i32 to vector<16xi32>
            %add3A_203 = arith.addi %add3A_202, %and3A_201 : vector<16xi32>
            %gather3A_204 = tpu.vector_load_idx %arg9[%add3A_203] : memref<4096xf32, #tpu.memory_space<vmem>>[vector<16xi32>], vector<16xf32>,
            %lt3A_205 = arith.cmpf olt, %gather3A_204, %get3A_121 : vector<16xf32>
            %jit3A_206 = arith.constant 1 : i32
            %jit3A_207 = arith.constant 0 : i32
            %broadcast_in_dim3A_208 = vector.broadcast %jit3A_206 : i32 to vector<16xi32>
            %broadcast_in_dim3A_209 = vector.broadcast %jit3A_207 : i32 to vector<16xi32>
            %select_n3A_210 = arith.select %lt3A_205, %broadcast_in_dim3A_208, %broadcast_in_dim3A_209 : vector<16xi1>, vector<16xi32>
            %add3A_211 = arith.addi %add3A_195, %select_n3A_210 : vector<16xi32>
            %add3A_212 = arith.constant 4 : i32
            %add3A_213 = vector.broadcast %add3A_212 : i32 to vector<16xi32>
            %add3A_214 = arith.addi %iota3A, %add3A_213 : vector<16xi32>
            %and3A_215 = arith.constant 15 : i32
            %and3A_216 = vector.broadcast %and3A_215 : i32 to vector<16xi32>
            %and3A_217 = arith.andi %add3A_214, %and3A_216 : vector<16xi32>
            %add3A_218 = vector.broadcast %mul3A_142 : i32 to vector<16xi32>
            %add3A_219 = arith.addi %add3A_218, %and3A_217 : vector<16xi32>
            %gather3A_220 = tpu.vector_load_idx %arg9[%add3A_219] : memref<4096xf32, #tpu.memory_space<vmem>>[vector<16xi32>], vector<16xf32>,
            %lt3A_221 = arith.cmpf olt, %gather3A_220, %get3A_121 : vector<16xf32>
            %jit3A_222 = arith.constant 1 : i32
            %jit3A_223 = arith.constant 0 : i32
            %broadcast_in_dim3A_224 = vector.broadcast %jit3A_222 : i32 to vector<16xi32>
            %broadcast_in_dim3A_225 = vector.broadcast %jit3A_223 : i32 to vector<16xi32>
            %select_n3A_226 = arith.select %lt3A_221, %broadcast_in_dim3A_224, %broadcast_in_dim3A_225 : vector<16xi1>, vector<16xi32>
            %add3A_227 = arith.addi %add3A_211, %select_n3A_226 : vector<16xi32>
            %add3A_228 = arith.constant 5 : i32
            %add3A_229 = vector.broadcast %add3A_228 : i32 to vector<16xi32>
            %add3A_230 = arith.addi %iota3A, %add3A_229 : vector<16xi32>
            %and3A_231 = arith.constant 15 : i32
            %and3A_232 = vector.broadcast %and3A_231 : i32 to vector<16xi32>
            %and3A_233 = arith.andi %add3A_230, %and3A_232 : vector<16xi32>
            %add3A_234 = vector.broadcast %mul3A_142 : i32 to vector<16xi32>
            %add3A_235 = arith.addi %add3A_234, %and3A_233 : vector<16xi32>
            %gather3A_236 = tpu.vector_load_idx %arg9[%add3A_235] : memref<4096xf32, #tpu.memory_space<vmem>>[vector<16xi32>], vector<16xf32>,
            %lt3A_237 = arith.cmpf olt, %gather3A_236, %get3A_121 : vector<16xf32>
            %jit3A_238 = arith.constant 1 : i32
            %jit3A_239 = arith.constant 0 : i32
            %broadcast_in_dim3A_240 = vector.broadcast %jit3A_238 : i32 to vector<16xi32>
            %broadcast_in_dim3A_241 = vector.broadcast %jit3A_239 : i32 to vector<16xi32>
            %select_n3A_242 = arith.select %lt3A_237, %broadcast_in_dim3A_240, %broadcast_in_dim3A_241 : vector<16xi1>, vector<16xi32>
            %add3A_243 = arith.addi %add3A_227, %select_n3A_242 : vector<16xi32>
            %add3A_244 = arith.constant 6 : i32
            %add3A_245 = vector.broadcast %add3A_244 : i32 to vector<16xi32>
            %add3A_246 = arith.addi %iota3A, %add3A_245 : vector<16xi32>
            %and3A_247 = arith.constant 15 : i32
            %and3A_248 = vector.broadcast %and3A_247 : i32 to vector<16xi32>
            %and3A_249 = arith.andi %add3A_246, %and3A_248 : vector<16xi32>
            %add3A_250 = vector.broadcast %mul3A_142 : i32 to vector<16xi32>
            %add3A_251 = arith.addi %add3A_250, %and3A_249 : vector<16xi32>
            %gather3A_252 = tpu.vector_load_idx %arg9[%add3A_251] : memref<4096xf32, #tpu.memory_space<vmem>>[vector<16xi32>], vector<16xf32>,
            %lt3A_253 = arith.cmpf olt, %gather3A_252, %get3A_121 : vector<16xf32>
            %jit3A_254 = arith.constant 1 : i32
            %jit3A_255 = arith.constant 0 : i32
            %broadcast_in_dim3A_256 = vector.broadcast %jit3A_254 : i32 to vector<16xi32>
            %broadcast_in_dim3A_257 = vector.broadcast %jit3A_255 : i32 to vector<16xi32>
            %select_n3A_258 = arith.select %lt3A_253, %broadcast_in_dim3A_256, %broadcast_in_dim3A_257 : vector<16xi1>, vector<16xi32>
            %add3A_259 = arith.addi %add3A_243, %select_n3A_258 : vector<16xi32>
            %add3A_260 = arith.constant 7 : i32
            %add3A_261 = vector.broadcast %add3A_260 : i32 to vector<16xi32>
            %add3A_262 = arith.addi %iota3A, %add3A_261 : vector<16xi32>
            %and3A_263 = arith.constant 15 : i32
            %and3A_264 = vector.broadcast %and3A_263 : i32 to vector<16xi32>
            %and3A_265 = arith.andi %add3A_262, %and3A_264 : vector<16xi32>
            %add3A_266 = vector.broadcast %mul3A_142 : i32 to vector<16xi32>
            %add3A_267 = arith.addi %add3A_266, %and3A_265 : vector<16xi32>
            %gather3A_268 = tpu.vector_load_idx %arg9[%add3A_267] : memref<4096xf32, #tpu.memory_space<vmem>>[vector<16xi32>], vector<16xf32>,
            %lt3A_269 = arith.cmpf olt, %gather3A_268, %get3A_121 : vector<16xf32>
            %jit3A_270 = arith.constant 1 : i32
            %jit3A_271 = arith.constant 0 : i32
            %broadcast_in_dim3A_272 = vector.broadcast %jit3A_270 : i32 to vector<16xi32>
            %broadcast_in_dim3A_273 = vector.broadcast %jit3A_271 : i32 to vector<16xi32>
            %select_n3A_274 = arith.select %lt3A_269, %broadcast_in_dim3A_272, %broadcast_in_dim3A_273 : vector<16xi1>, vector<16xi32>
            %add3A_275 = arith.addi %add3A_259, %select_n3A_274 : vector<16xi32>
            %add3A_276 = arith.constant 8 : i32
            %add3A_277 = vector.broadcast %add3A_276 : i32 to vector<16xi32>
            %add3A_278 = arith.addi %iota3A, %add3A_277 : vector<16xi32>
            %and3A_279 = arith.constant 15 : i32
            %and3A_280 = vector.broadcast %and3A_279 : i32 to vector<16xi32>
            %and3A_281 = arith.andi %add3A_278, %and3A_280 : vector<16xi32>
            %add3A_282 = vector.broadcast %mul3A_142 : i32 to vector<16xi32>
            %add3A_283 = arith.addi %add3A_282, %and3A_281 : vector<16xi32>
            %gather3A_284 = tpu.vector_load_idx %arg9[%add3A_283] : memref<4096xf32, #tpu.memory_space<vmem>>[vector<16xi32>], vector<16xf32>,
            %lt3A_285 = arith.cmpf olt, %gather3A_284, %get3A_121 : vector<16xf32>
            %jit3A_286 = arith.constant 1 : i32
            %jit3A_287 = arith.constant 0 : i32
            %broadcast_in_dim3A_288 = vector.broadcast %jit3A_286 : i32 to vector<16xi32>
            %broadcast_in_dim3A_289 = vector.broadcast %jit3A_287 : i32 to vector<16xi32>
            %select_n3A_290 = arith.select %lt3A_285, %broadcast_in_dim3A_288, %broadcast_in_dim3A_289 : vector<16xi1>, vector<16xi32>
            %add3A_291 = arith.addi %add3A_275, %select_n3A_290 : vector<16xi32>
            %add3A_292 = arith.constant 9 : i32
            %add3A_293 = vector.broadcast %add3A_292 : i32 to vector<16xi32>
            %add3A_294 = arith.addi %iota3A, %add3A_293 : vector<16xi32>
            %and3A_295 = arith.constant 15 : i32
            %and3A_296 = vector.broadcast %and3A_295 : i32 to vector<16xi32>
            %and3A_297 = arith.andi %add3A_294, %and3A_296 : vector<16xi32>
            %add3A_298 = vector.broadcast %mul3A_142 : i32 to vector<16xi32>
            %add3A_299 = arith.addi %add3A_298, %and3A_297 : vector<16xi32>
            %gather3A_300 = tpu.vector_load_idx %arg9[%add3A_299] : memref<4096xf32, #tpu.memory_space<vmem>>[vector<16xi32>], vector<16xf32>,
            %lt3A_301 = arith.cmpf olt, %gather3A_300, %get3A_121 : vector<16xf32>
            %jit3A_302 = arith.constant 1 : i32
            %jit3A_303 = arith.constant 0 : i32
            %broadcast_in_dim3A_304 = vector.broadcast %jit3A_302 : i32 to vector<16xi32>
            %broadcast_in_dim3A_305 = vector.broadcast %jit3A_303 : i32 to vector<16xi32>
            %select_n3A_306 = arith.select %lt3A_301, %broadcast_in_dim3A_304, %broadcast_in_dim3A_305 : vector<16xi1>, vector<16xi32>
            %add3A_307 = arith.addi %add3A_291, %select_n3A_306 : vector<16xi32>
            %add3A_308 = arith.constant 10 : i32
            %add3A_309 = vector.broadcast %add3A_308 : i32 to vector<16xi32>
            %add3A_310 = arith.addi %iota3A, %add3A_309 : vector<16xi32>
            %and3A_311 = arith.constant 15 : i32
            %and3A_312 = vector.broadcast %and3A_311 : i32 to vector<16xi32>
            %and3A_313 = arith.andi %add3A_310, %and3A_312 : vector<16xi32>
            %add3A_314 = vector.broadcast %mul3A_142 : i32 to vector<16xi32>
            %add3A_315 = arith.addi %add3A_314, %and3A_313 : vector<16xi32>
            %gather3A_316 = tpu.vector_load_idx %arg9[%add3A_315] : memref<4096xf32, #tpu.memory_space<vmem>>[vector<16xi32>], vector<16xf32>,
            %lt3A_317 = arith.cmpf olt, %gather3A_316, %get3A_121 : vector<16xf32>
            %jit3A_318 = arith.constant 1 : i32
            %jit3A_319 = arith.constant 0 : i32
            %broadcast_in_dim3A_320 = vector.broadcast %jit3A_318 : i32 to vector<16xi32>
            %broadcast_in_dim3A_321 = vector.broadcast %jit3A_319 : i32 to vector<16xi32>
            %select_n3A_322 = arith.select %lt3A_317, %broadcast_in_dim3A_320, %broadcast_in_dim3A_321 : vector<16xi1>, vector<16xi32>
            %add3A_323 = arith.addi %add3A_307, %select_n3A_322 : vector<16xi32>
            %add3A_324 = arith.constant 11 : i32
            %add3A_325 = vector.broadcast %add3A_324 : i32 to vector<16xi32>
            %add3A_326 = arith.addi %iota3A, %add3A_325 : vector<16xi32>
            %and3A_327 = arith.constant 15 : i32
            %and3A_328 = vector.broadcast %and3A_327 : i32 to vector<16xi32>
            %and3A_329 = arith.andi %add3A_326, %and3A_328 : vector<16xi32>
            %add3A_330 = vector.broadcast %mul3A_142 : i32 to vector<16xi32>
            %add3A_331 = arith.addi %add3A_330, %and3A_329 : vector<16xi32>
            %gather3A_332 = tpu.vector_load_idx %arg9[%add3A_331] : memref<4096xf32, #tpu.memory_space<vmem>>[vector<16xi32>], vector<16xf32>,
            %lt3A_333 = arith.cmpf olt, %gather3A_332, %get3A_121 : vector<16xf32>
            %jit3A_334 = arith.constant 1 : i32
            %jit3A_335 = arith.constant 0 : i32
            %broadcast_in_dim3A_336 = vector.broadcast %jit3A_334 : i32 to vector<16xi32>
            %broadcast_in_dim3A_337 = vector.broadcast %jit3A_335 : i32 to vector<16xi32>
            %select_n3A_338 = arith.select %lt3A_333, %broadcast_in_dim3A_336, %broadcast_in_dim3A_337 : vector<16xi1>, vector<16xi32>
            %add3A_339 = arith.addi %add3A_323, %select_n3A_338 : vector<16xi32>
            %add3A_340 = arith.constant 12 : i32
            %add3A_341 = vector.broadcast %add3A_340 : i32 to vector<16xi32>
            %add3A_342 = arith.addi %iota3A, %add3A_341 : vector<16xi32>
            %and3A_343 = arith.constant 15 : i32
            %and3A_344 = vector.broadcast %and3A_343 : i32 to vector<16xi32>
            %and3A_345 = arith.andi %add3A_342, %and3A_344 : vector<16xi32>
            %add3A_346 = vector.broadcast %mul3A_142 : i32 to vector<16xi32>
            %add3A_347 = arith.addi %add3A_346, %and3A_345 : vector<16xi32>
            %gather3A_348 = tpu.vector_load_idx %arg9[%add3A_347] : memref<4096xf32, #tpu.memory_space<vmem>>[vector<16xi32>], vector<16xf32>,
            %lt3A_349 = arith.cmpf olt, %gather3A_348, %get3A_121 : vector<16xf32>
            %jit3A_350 = arith.constant 1 : i32
            %jit3A_351 = arith.constant 0 : i32
            %broadcast_in_dim3A_352 = vector.broadcast %jit3A_350 : i32 to vector<16xi32>
            %broadcast_in_dim3A_353 = vector.broadcast %jit3A_351 : i32 to vector<16xi32>
            %select_n3A_354 = arith.select %lt3A_349, %broadcast_in_dim3A_352, %broadcast_in_dim3A_353 : vector<16xi1>, vector<16xi32>
            %add3A_355 = arith.addi %add3A_339, %select_n3A_354 : vector<16xi32>
            %add3A_356 = arith.constant 13 : i32
            %add3A_357 = vector.broadcast %add3A_356 : i32 to vector<16xi32>
            %add3A_358 = arith.addi %iota3A, %add3A_357 : vector<16xi32>
            %and3A_359 = arith.constant 15 : i32
            %and3A_360 = vector.broadcast %and3A_359 : i32 to vector<16xi32>
            %and3A_361 = arith.andi %add3A_358, %and3A_360 : vector<16xi32>
            %add3A_362 = vector.broadcast %mul3A_142 : i32 to vector<16xi32>
            %add3A_363 = arith.addi %add3A_362, %and3A_361 : vector<16xi32>
            %gather3A_364 = tpu.vector_load_idx %arg9[%add3A_363] : memref<4096xf32, #tpu.memory_space<vmem>>[vector<16xi32>], vector<16xf32>,
            %lt3A_365 = arith.cmpf olt, %gather3A_364, %get3A_121 : vector<16xf32>
            %jit3A_366 = arith.constant 1 : i32
            %jit3A_367 = arith.constant 0 : i32
            %broadcast_in_dim3A_368 = vector.broadcast %jit3A_366 : i32 to vector<16xi32>
            %broadcast_in_dim3A_369 = vector.broadcast %jit3A_367 : i32 to vector<16xi32>
            %select_n3A_370 = arith.select %lt3A_365, %broadcast_in_dim3A_368, %broadcast_in_dim3A_369 : vector<16xi1>, vector<16xi32>
            %add3A_371 = arith.addi %add3A_355, %select_n3A_370 : vector<16xi32>
            %add3A_372 = arith.constant 14 : i32
            %add3A_373 = vector.broadcast %add3A_372 : i32 to vector<16xi32>
            %add3A_374 = arith.addi %iota3A, %add3A_373 : vector<16xi32>
            %and3A_375 = arith.constant 15 : i32
            %and3A_376 = vector.broadcast %and3A_375 : i32 to vector<16xi32>
            %and3A_377 = arith.andi %add3A_374, %and3A_376 : vector<16xi32>
            %add3A_378 = vector.broadcast %mul3A_142 : i32 to vector<16xi32>
            %add3A_379 = arith.addi %add3A_378, %and3A_377 : vector<16xi32>
            %gather3A_380 = tpu.vector_load_idx %arg9[%add3A_379] : memref<4096xf32, #tpu.memory_space<vmem>>[vector<16xi32>], vector<16xf32>,
            %lt3A_381 = arith.cmpf olt, %gather3A_380, %get3A_121 : vector<16xf32>
            %jit3A_382 = arith.constant 1 : i32
            %jit3A_383 = arith.constant 0 : i32
            %broadcast_in_dim3A_384 = vector.broadcast %jit3A_382 : i32 to vector<16xi32>
            %broadcast_in_dim3A_385 = vector.broadcast %jit3A_383 : i32 to vector<16xi32>
            %select_n3A_386 = arith.select %lt3A_381, %broadcast_in_dim3A_384, %broadcast_in_dim3A_385 : vector<16xi1>, vector<16xi32>
            %add3A_387 = arith.addi %add3A_371, %select_n3A_386 : vector<16xi32>
            %add3A_388 = arith.constant 15 : i32
            %add3A_389 = vector.broadcast %add3A_388 : i32 to vector<16xi32>
            %add3A_390 = arith.addi %iota3A, %add3A_389 : vector<16xi32>
            %and3A_391 = arith.constant 15 : i32
            %and3A_392 = vector.broadcast %and3A_391 : i32 to vector<16xi32>
            %and3A_393 = arith.andi %add3A_390, %and3A_392 : vector<16xi32>
            %add3A_394 = vector.broadcast %mul3A_142 : i32 to vector<16xi32>
            %add3A_395 = arith.addi %add3A_394, %and3A_393 : vector<16xi32>
            %gather3A_396 = tpu.vector_load_idx %arg9[%add3A_395] : memref<4096xf32, #tpu.memory_space<vmem>>[vector<16xi32>], vector<16xf32>,
            %lt3A_397 = arith.cmpf olt, %gather3A_396, %get3A_121 : vector<16xf32>
            %jit3A_398 = arith.constant 1 : i32
            %jit3A_399 = arith.constant 0 : i32
            %broadcast_in_dim3A_400 = vector.broadcast %jit3A_398 : i32 to vector<16xi32>
            %broadcast_in_dim3A_401 = vector.broadcast %jit3A_399 : i32 to vector<16xi32>
            %select_n3A_402 = arith.select %lt3A_397, %broadcast_in_dim3A_400, %broadcast_in_dim3A_401 : vector<16xi1>, vector<16xi32>
            %add3A_403 = arith.addi %add3A_387, %select_n3A_402 : vector<16xi32>
            scf.yield %add3A_403 : vector<16xi32>
          }
          scf.yield %cond3A_148 : vector<16xi32>
        }
        scf.yield %cond3A_144 : vector<16xi32>
      }
      %while3A_133 = arith.constant 1 : i32
      %while3A_134 = scf.for %while3A_139 = %while3A_130 to %while3A_126 step %while3A_133 iter_args(%while3A_140 = %while3A_132) -> (vector<16xi32>)  : i32 {
        %mul3A_141 = arith.constant 16 : i32
        %mul3A_142 = arith.muli %while3A_139, %mul3A_141 : i32
        %lt3A = arith.cmpi slt, %while3A_139, %while3A_118 : i32
        %convert_element_type3A = arith.extui %lt3A : i1 to i32
        %cond3A = arith.constant 0 : i32
        %cond3A_143 = arith.cmpi ne, %convert_element_type3A, %cond3A : i32
        %cond3A_144 = scf.if %cond3A_143 -> (vector<16xi32>) {
          %add3A_145 = arith.constant 0 : i32
          %add3A_146 = vector.broadcast %add3A_145 : i32 to vector<16xi32>
          %add3A_147 = arith.addi %iota3A, %add3A_146 : vector<16xi32>
          %and3A_148 = arith.constant 15 : i32
          %and3A_149 = vector.broadcast %and3A_148 : i32 to vector<16xi32>
          %and3A_150 = arith.andi %add3A_147, %and3A_149 : vector<16xi32>
          %add3A_151 = vector.broadcast %mul3A_142 : i32 to vector<16xi32>
          %add3A_152 = arith.addi %add3A_151, %and3A_150 : vector<16xi32>
          %gather3A = tpu.vector_load_idx %arg9[%add3A_152] : memref<4096xf32, #tpu.memory_space<vmem>>[vector<16xi32>], vector<16xf32>,
          %le3A = arith.cmpf ole, %gather3A, %get3A_121 : vector<16xf32>
          %jit3A_153 = arith.constant 1 : i32
          %jit3A_154 = arith.constant 0 : i32
          %broadcast_in_dim3A_155 = vector.broadcast %jit3A_153 : i32 to vector<16xi32>
          %broadcast_in_dim3A_156 = vector.broadcast %jit3A_154 : i32 to vector<16xi32>
          %select_n3A_157 = arith.select %le3A, %broadcast_in_dim3A_155, %broadcast_in_dim3A_156 : vector<16xi1>, vector<16xi32>
          %add3A_158 = arith.addi %while3A_140, %select_n3A_157 : vector<16xi32>
          %add3A_159 = arith.constant 1 : i32
          %add3A_160 = vector.broadcast %add3A_159 : i32 to vector<16xi32>
          %add3A_161 = arith.addi %iota3A, %add3A_160 : vector<16xi32>
          %and3A_162 = arith.constant 15 : i32
          %and3A_163 = vector.broadcast %and3A_162 : i32 to vector<16xi32>
          %and3A_164 = arith.andi %add3A_161, %and3A_163 : vector<16xi32>
          %add3A_165 = vector.broadcast %mul3A_142 : i32 to vector<16xi32>
          %add3A_166 = arith.addi %add3A_165, %and3A_164 : vector<16xi32>
          %gather3A_167 = tpu.vector_load_idx %arg9[%add3A_166] : memref<4096xf32, #tpu.memory_space<vmem>>[vector<16xi32>], vector<16xf32>,
          %le3A_168 = arith.cmpf ole, %gather3A_167, %get3A_121 : vector<16xf32>
          %jit3A_169 = arith.constant 1 : i32
          %jit3A_170 = arith.constant 0 : i32
          %broadcast_in_dim3A_171 = vector.broadcast %jit3A_169 : i32 to vector<16xi32>
          %broadcast_in_dim3A_172 = vector.broadcast %jit3A_170 : i32 to vector<16xi32>
          %select_n3A_173 = arith.select %le3A_168, %broadcast_in_dim3A_171, %broadcast_in_dim3A_172 : vector<16xi1>, vector<16xi32>
          %add3A_174 = arith.addi %add3A_158, %select_n3A_173 : vector<16xi32>
          %add3A_175 = arith.constant 2 : i32
          %add3A_176 = vector.broadcast %add3A_175 : i32 to vector<16xi32>
          %add3A_177 = arith.addi %iota3A, %add3A_176 : vector<16xi32>
          %and3A_178 = arith.constant 15 : i32
          %and3A_179 = vector.broadcast %and3A_178 : i32 to vector<16xi32>
          %and3A_180 = arith.andi %add3A_177, %and3A_179 : vector<16xi32>
          %add3A_181 = vector.broadcast %mul3A_142 : i32 to vector<16xi32>
          %add3A_182 = arith.addi %add3A_181, %and3A_180 : vector<16xi32>
          %gather3A_183 = tpu.vector_load_idx %arg9[%add3A_182] : memref<4096xf32, #tpu.memory_space<vmem>>[vector<16xi32>], vector<16xf32>,
          %le3A_184 = arith.cmpf ole, %gather3A_183, %get3A_121 : vector<16xf32>
          %jit3A_185 = arith.constant 1 : i32
          %jit3A_186 = arith.constant 0 : i32
          %broadcast_in_dim3A_187 = vector.broadcast %jit3A_185 : i32 to vector<16xi32>
          %broadcast_in_dim3A_188 = vector.broadcast %jit3A_186 : i32 to vector<16xi32>
          %select_n3A_189 = arith.select %le3A_184, %broadcast_in_dim3A_187, %broadcast_in_dim3A_188 : vector<16xi1>, vector<16xi32>
          %add3A_190 = arith.addi %add3A_174, %select_n3A_189 : vector<16xi32>
          %add3A_191 = arith.constant 3 : i32
          %add3A_192 = vector.broadcast %add3A_191 : i32 to vector<16xi32>
          %add3A_193 = arith.addi %iota3A, %add3A_192 : vector<16xi32>
          %and3A_194 = arith.constant 15 : i32
          %and3A_195 = vector.broadcast %and3A_194 : i32 to vector<16xi32>
          %and3A_196 = arith.andi %add3A_193, %and3A_195 : vector<16xi32>
          %add3A_197 = vector.broadcast %mul3A_142 : i32 to vector<16xi32>
          %add3A_198 = arith.addi %add3A_197, %and3A_196 : vector<16xi32>
          %gather3A_199 = tpu.vector_load_idx %arg9[%add3A_198] : memref<4096xf32, #tpu.memory_space<vmem>>[vector<16xi32>], vector<16xf32>,
          %le3A_200 = arith.cmpf ole, %gather3A_199, %get3A_121 : vector<16xf32>
          %jit3A_201 = arith.constant 1 : i32
          %jit3A_202 = arith.constant 0 : i32
          %broadcast_in_dim3A_203 = vector.broadcast %jit3A_201 : i32 to vector<16xi32>
          %broadcast_in_dim3A_204 = vector.broadcast %jit3A_202 : i32 to vector<16xi32>
          %select_n3A_205 = arith.select %le3A_200, %broadcast_in_dim3A_203, %broadcast_in_dim3A_204 : vector<16xi1>, vector<16xi32>
          %add3A_206 = arith.addi %add3A_190, %select_n3A_205 : vector<16xi32>
          %add3A_207 = arith.constant 4 : i32
          %add3A_208 = vector.broadcast %add3A_207 : i32 to vector<16xi32>
          %add3A_209 = arith.addi %iota3A, %add3A_208 : vector<16xi32>
          %and3A_210 = arith.constant 15 : i32
          %and3A_211 = vector.broadcast %and3A_210 : i32 to vector<16xi32>
          %and3A_212 = arith.andi %add3A_209, %and3A_211 : vector<16xi32>
          %add3A_213 = vector.broadcast %mul3A_142 : i32 to vector<16xi32>
          %add3A_214 = arith.addi %add3A_213, %and3A_212 : vector<16xi32>
          %gather3A_215 = tpu.vector_load_idx %arg9[%add3A_214] : memref<4096xf32, #tpu.memory_space<vmem>>[vector<16xi32>], vector<16xf32>,
          %le3A_216 = arith.cmpf ole, %gather3A_215, %get3A_121 : vector<16xf32>
          %jit3A_217 = arith.constant 1 : i32
          %jit3A_218 = arith.constant 0 : i32
          %broadcast_in_dim3A_219 = vector.broadcast %jit3A_217 : i32 to vector<16xi32>
          %broadcast_in_dim3A_220 = vector.broadcast %jit3A_218 : i32 to vector<16xi32>
          %select_n3A_221 = arith.select %le3A_216, %broadcast_in_dim3A_219, %broadcast_in_dim3A_220 : vector<16xi1>, vector<16xi32>
          %add3A_222 = arith.addi %add3A_206, %select_n3A_221 : vector<16xi32>
          %add3A_223 = arith.constant 5 : i32
          %add3A_224 = vector.broadcast %add3A_223 : i32 to vector<16xi32>
          %add3A_225 = arith.addi %iota3A, %add3A_224 : vector<16xi32>
          %and3A_226 = arith.constant 15 : i32
          %and3A_227 = vector.broadcast %and3A_226 : i32 to vector<16xi32>
          %and3A_228 = arith.andi %add3A_225, %and3A_227 : vector<16xi32>
          %add3A_229 = vector.broadcast %mul3A_142 : i32 to vector<16xi32>
          %add3A_230 = arith.addi %add3A_229, %and3A_228 : vector<16xi32>
          %gather3A_231 = tpu.vector_load_idx %arg9[%add3A_230] : memref<4096xf32, #tpu.memory_space<vmem>>[vector<16xi32>], vector<16xf32>,
          %le3A_232 = arith.cmpf ole, %gather3A_231, %get3A_121 : vector<16xf32>
          %jit3A_233 = arith.constant 1 : i32
          %jit3A_234 = arith.constant 0 : i32
          %broadcast_in_dim3A_235 = vector.broadcast %jit3A_233 : i32 to vector<16xi32>
          %broadcast_in_dim3A_236 = vector.broadcast %jit3A_234 : i32 to vector<16xi32>
          %select_n3A_237 = arith.select %le3A_232, %broadcast_in_dim3A_235, %broadcast_in_dim3A_236 : vector<16xi1>, vector<16xi32>
          %add3A_238 = arith.addi %add3A_222, %select_n3A_237 : vector<16xi32>
          %add3A_239 = arith.constant 6 : i32
          %add3A_240 = vector.broadcast %add3A_239 : i32 to vector<16xi32>
          %add3A_241 = arith.addi %iota3A, %add3A_240 : vector<16xi32>
          %and3A_242 = arith.constant 15 : i32
          %and3A_243 = vector.broadcast %and3A_242 : i32 to vector<16xi32>
          %and3A_244 = arith.andi %add3A_241, %and3A_243 : vector<16xi32>
          %add3A_245 = vector.broadcast %mul3A_142 : i32 to vector<16xi32>
          %add3A_246 = arith.addi %add3A_245, %and3A_244 : vector<16xi32>
          %gather3A_247 = tpu.vector_load_idx %arg9[%add3A_246] : memref<4096xf32, #tpu.memory_space<vmem>>[vector<16xi32>], vector<16xf32>,
          %le3A_248 = arith.cmpf ole, %gather3A_247, %get3A_121 : vector<16xf32>
          %jit3A_249 = arith.constant 1 : i32
          %jit3A_250 = arith.constant 0 : i32
          %broadcast_in_dim3A_251 = vector.broadcast %jit3A_249 : i32 to vector<16xi32>
          %broadcast_in_dim3A_252 = vector.broadcast %jit3A_250 : i32 to vector<16xi32>
          %select_n3A_253 = arith.select %le3A_248, %broadcast_in_dim3A_251, %broadcast_in_dim3A_252 : vector<16xi1>, vector<16xi32>
          %add3A_254 = arith.addi %add3A_238, %select_n3A_253 : vector<16xi32>
          %add3A_255 = arith.constant 7 : i32
          %add3A_256 = vector.broadcast %add3A_255 : i32 to vector<16xi32>
          %add3A_257 = arith.addi %iota3A, %add3A_256 : vector<16xi32>
          %and3A_258 = arith.constant 15 : i32
          %and3A_259 = vector.broadcast %and3A_258 : i32 to vector<16xi32>
          %and3A_260 = arith.andi %add3A_257, %and3A_259 : vector<16xi32>
          %add3A_261 = vector.broadcast %mul3A_142 : i32 to vector<16xi32>
          %add3A_262 = arith.addi %add3A_261, %and3A_260 : vector<16xi32>
          %gather3A_263 = tpu.vector_load_idx %arg9[%add3A_262] : memref<4096xf32, #tpu.memory_space<vmem>>[vector<16xi32>], vector<16xf32>,
          %le3A_264 = arith.cmpf ole, %gather3A_263, %get3A_121 : vector<16xf32>
          %jit3A_265 = arith.constant 1 : i32
          %jit3A_266 = arith.constant 0 : i32
          %broadcast_in_dim3A_267 = vector.broadcast %jit3A_265 : i32 to vector<16xi32>
          %broadcast_in_dim3A_268 = vector.broadcast %jit3A_266 : i32 to vector<16xi32>
          %select_n3A_269 = arith.select %le3A_264, %broadcast_in_dim3A_267, %broadcast_in_dim3A_268 : vector<16xi1>, vector<16xi32>
          %add3A_270 = arith.addi %add3A_254, %select_n3A_269 : vector<16xi32>
          %add3A_271 = arith.constant 8 : i32
          %add3A_272 = vector.broadcast %add3A_271 : i32 to vector<16xi32>
          %add3A_273 = arith.addi %iota3A, %add3A_272 : vector<16xi32>
          %and3A_274 = arith.constant 15 : i32
          %and3A_275 = vector.broadcast %and3A_274 : i32 to vector<16xi32>
          %and3A_276 = arith.andi %add3A_273, %and3A_275 : vector<16xi32>
          %add3A_277 = vector.broadcast %mul3A_142 : i32 to vector<16xi32>
          %add3A_278 = arith.addi %add3A_277, %and3A_276 : vector<16xi32>
          %gather3A_279 = tpu.vector_load_idx %arg9[%add3A_278] : memref<4096xf32, #tpu.memory_space<vmem>>[vector<16xi32>], vector<16xf32>,
          %le3A_280 = arith.cmpf ole, %gather3A_279, %get3A_121 : vector<16xf32>
          %jit3A_281 = arith.constant 1 : i32
          %jit3A_282 = arith.constant 0 : i32
          %broadcast_in_dim3A_283 = vector.broadcast %jit3A_281 : i32 to vector<16xi32>
          %broadcast_in_dim3A_284 = vector.broadcast %jit3A_282 : i32 to vector<16xi32>
          %select_n3A_285 = arith.select %le3A_280, %broadcast_in_dim3A_283, %broadcast_in_dim3A_284 : vector<16xi1>, vector<16xi32>
          %add3A_286 = arith.addi %add3A_270, %select_n3A_285 : vector<16xi32>
          %add3A_287 = arith.constant 9 : i32
          %add3A_288 = vector.broadcast %add3A_287 : i32 to vector<16xi32>
          %add3A_289 = arith.addi %iota3A, %add3A_288 : vector<16xi32>
          %and3A_290 = arith.constant 15 : i32
          %and3A_291 = vector.broadcast %and3A_290 : i32 to vector<16xi32>
          %and3A_292 = arith.andi %add3A_289, %and3A_291 : vector<16xi32>
          %add3A_293 = vector.broadcast %mul3A_142 : i32 to vector<16xi32>
          %add3A_294 = arith.addi %add3A_293, %and3A_292 : vector<16xi32>
          %gather3A_295 = tpu.vector_load_idx %arg9[%add3A_294] : memref<4096xf32, #tpu.memory_space<vmem>>[vector<16xi32>], vector<16xf32>,
          %le3A_296 = arith.cmpf ole, %gather3A_295, %get3A_121 : vector<16xf32>
          %jit3A_297 = arith.constant 1 : i32
          %jit3A_298 = arith.constant 0 : i32
          %broadcast_in_dim3A_299 = vector.broadcast %jit3A_297 : i32 to vector<16xi32>
          %broadcast_in_dim3A_300 = vector.broadcast %jit3A_298 : i32 to vector<16xi32>
          %select_n3A_301 = arith.select %le3A_296, %broadcast_in_dim3A_299, %broadcast_in_dim3A_300 : vector<16xi1>, vector<16xi32>
          %add3A_302 = arith.addi %add3A_286, %select_n3A_301 : vector<16xi32>
          %add3A_303 = arith.constant 10 : i32
          %add3A_304 = vector.broadcast %add3A_303 : i32 to vector<16xi32>
          %add3A_305 = arith.addi %iota3A, %add3A_304 : vector<16xi32>
          %and3A_306 = arith.constant 15 : i32
          %and3A_307 = vector.broadcast %and3A_306 : i32 to vector<16xi32>
          %and3A_308 = arith.andi %add3A_305, %and3A_307 : vector<16xi32>
          %add3A_309 = vector.broadcast %mul3A_142 : i32 to vector<16xi32>
          %add3A_310 = arith.addi %add3A_309, %and3A_308 : vector<16xi32>
          %gather3A_311 = tpu.vector_load_idx %arg9[%add3A_310] : memref<4096xf32, #tpu.memory_space<vmem>>[vector<16xi32>], vector<16xf32>,
          %le3A_312 = arith.cmpf ole, %gather3A_311, %get3A_121 : vector<16xf32>
          %jit3A_313 = arith.constant 1 : i32
          %jit3A_314 = arith.constant 0 : i32
          %broadcast_in_dim3A_315 = vector.broadcast %jit3A_313 : i32 to vector<16xi32>
          %broadcast_in_dim3A_316 = vector.broadcast %jit3A_314 : i32 to vector<16xi32>
          %select_n3A_317 = arith.select %le3A_312, %broadcast_in_dim3A_315, %broadcast_in_dim3A_316 : vector<16xi1>, vector<16xi32>
          %add3A_318 = arith.addi %add3A_302, %select_n3A_317 : vector<16xi32>
          %add3A_319 = arith.constant 11 : i32
          %add3A_320 = vector.broadcast %add3A_319 : i32 to vector<16xi32>
          %add3A_321 = arith.addi %iota3A, %add3A_320 : vector<16xi32>
          %and3A_322 = arith.constant 15 : i32
          %and3A_323 = vector.broadcast %and3A_322 : i32 to vector<16xi32>
          %and3A_324 = arith.andi %add3A_321, %and3A_323 : vector<16xi32>
          %add3A_325 = vector.broadcast %mul3A_142 : i32 to vector<16xi32>
          %add3A_326 = arith.addi %add3A_325, %and3A_324 : vector<16xi32>
          %gather3A_327 = tpu.vector_load_idx %arg9[%add3A_326] : memref<4096xf32, #tpu.memory_space<vmem>>[vector<16xi32>], vector<16xf32>,
          %le3A_328 = arith.cmpf ole, %gather3A_327, %get3A_121 : vector<16xf32>
          %jit3A_329 = arith.constant 1 : i32
          %jit3A_330 = arith.constant 0 : i32
          %broadcast_in_dim3A_331 = vector.broadcast %jit3A_329 : i32 to vector<16xi32>
          %broadcast_in_dim3A_332 = vector.broadcast %jit3A_330 : i32 to vector<16xi32>
          %select_n3A_333 = arith.select %le3A_328, %broadcast_in_dim3A_331, %broadcast_in_dim3A_332 : vector<16xi1>, vector<16xi32>
          %add3A_334 = arith.addi %add3A_318, %select_n3A_333 : vector<16xi32>
          %add3A_335 = arith.constant 12 : i32
          %add3A_336 = vector.broadcast %add3A_335 : i32 to vector<16xi32>
          %add3A_337 = arith.addi %iota3A, %add3A_336 : vector<16xi32>
          %and3A_338 = arith.constant 15 : i32
          %and3A_339 = vector.broadcast %and3A_338 : i32 to vector<16xi32>
          %and3A_340 = arith.andi %add3A_337, %and3A_339 : vector<16xi32>
          %add3A_341 = vector.broadcast %mul3A_142 : i32 to vector<16xi32>
          %add3A_342 = arith.addi %add3A_341, %and3A_340 : vector<16xi32>
          %gather3A_343 = tpu.vector_load_idx %arg9[%add3A_342] : memref<4096xf32, #tpu.memory_space<vmem>>[vector<16xi32>], vector<16xf32>,
          %le3A_344 = arith.cmpf ole, %gather3A_343, %get3A_121 : vector<16xf32>
          %jit3A_345 = arith.constant 1 : i32
          %jit3A_346 = arith.constant 0 : i32
          %broadcast_in_dim3A_347 = vector.broadcast %jit3A_345 : i32 to vector<16xi32>
          %broadcast_in_dim3A_348 = vector.broadcast %jit3A_346 : i32 to vector<16xi32>
          %select_n3A_349 = arith.select %le3A_344, %broadcast_in_dim3A_347, %broadcast_in_dim3A_348 : vector<16xi1>, vector<16xi32>
          %add3A_350 = arith.addi %add3A_334, %select_n3A_349 : vector<16xi32>
          %add3A_351 = arith.constant 13 : i32
          %add3A_352 = vector.broadcast %add3A_351 : i32 to vector<16xi32>
          %add3A_353 = arith.addi %iota3A, %add3A_352 : vector<16xi32>
          %and3A_354 = arith.constant 15 : i32
          %and3A_355 = vector.broadcast %and3A_354 : i32 to vector<16xi32>
          %and3A_356 = arith.andi %add3A_353, %and3A_355 : vector<16xi32>
          %add3A_357 = vector.broadcast %mul3A_142 : i32 to vector<16xi32>
          %add3A_358 = arith.addi %add3A_357, %and3A_356 : vector<16xi32>
          %gather3A_359 = tpu.vector_load_idx %arg9[%add3A_358] : memref<4096xf32, #tpu.memory_space<vmem>>[vector<16xi32>], vector<16xf32>,
          %le3A_360 = arith.cmpf ole, %gather3A_359, %get3A_121 : vector<16xf32>
          %jit3A_361 = arith.constant 1 : i32
          %jit3A_362 = arith.constant 0 : i32
          %broadcast_in_dim3A_363 = vector.broadcast %jit3A_361 : i32 to vector<16xi32>
          %broadcast_in_dim3A_364 = vector.broadcast %jit3A_362 : i32 to vector<16xi32>
          %select_n3A_365 = arith.select %le3A_360, %broadcast_in_dim3A_363, %broadcast_in_dim3A_364 : vector<16xi1>, vector<16xi32>
          %add3A_366 = arith.addi %add3A_350, %select_n3A_365 : vector<16xi32>
          %add3A_367 = arith.constant 14 : i32
          %add3A_368 = vector.broadcast %add3A_367 : i32 to vector<16xi32>
          %add3A_369 = arith.addi %iota3A, %add3A_368 : vector<16xi32>
          %and3A_370 = arith.constant 15 : i32
          %and3A_371 = vector.broadcast %and3A_370 : i32 to vector<16xi32>
          %and3A_372 = arith.andi %add3A_369, %and3A_371 : vector<16xi32>
          %add3A_373 = vector.broadcast %mul3A_142 : i32 to vector<16xi32>
          %add3A_374 = arith.addi %add3A_373, %and3A_372 : vector<16xi32>
          %gather3A_375 = tpu.vector_load_idx %arg9[%add3A_374] : memref<4096xf32, #tpu.memory_space<vmem>>[vector<16xi32>], vector<16xf32>,
          %le3A_376 = arith.cmpf ole, %gather3A_375, %get3A_121 : vector<16xf32>
          %jit3A_377 = arith.constant 1 : i32
          %jit3A_378 = arith.constant 0 : i32
          %broadcast_in_dim3A_379 = vector.broadcast %jit3A_377 : i32 to vector<16xi32>
          %broadcast_in_dim3A_380 = vector.broadcast %jit3A_378 : i32 to vector<16xi32>
          %select_n3A_381 = arith.select %le3A_376, %broadcast_in_dim3A_379, %broadcast_in_dim3A_380 : vector<16xi1>, vector<16xi32>
          %add3A_382 = arith.addi %add3A_366, %select_n3A_381 : vector<16xi32>
          %add3A_383 = arith.constant 15 : i32
          %add3A_384 = vector.broadcast %add3A_383 : i32 to vector<16xi32>
          %add3A_385 = arith.addi %iota3A, %add3A_384 : vector<16xi32>
          %and3A_386 = arith.constant 15 : i32
          %and3A_387 = vector.broadcast %and3A_386 : i32 to vector<16xi32>
          %and3A_388 = arith.andi %add3A_385, %and3A_387 : vector<16xi32>
          %add3A_389 = vector.broadcast %mul3A_142 : i32 to vector<16xi32>
          %add3A_390 = arith.addi %add3A_389, %and3A_388 : vector<16xi32>
          %gather3A_391 = tpu.vector_load_idx %arg9[%add3A_390] : memref<4096xf32, #tpu.memory_space<vmem>>[vector<16xi32>], vector<16xf32>,
          %le3A_392 = arith.cmpf ole, %gather3A_391, %get3A_121 : vector<16xf32>
          %jit3A_393 = arith.constant 1 : i32
          %jit3A_394 = arith.constant 0 : i32
          %broadcast_in_dim3A_395 = vector.broadcast %jit3A_393 : i32 to vector<16xi32>
          %broadcast_in_dim3A_396 = vector.broadcast %jit3A_394 : i32 to vector<16xi32>
          %select_n3A_397 = arith.select %le3A_392, %broadcast_in_dim3A_395, %broadcast_in_dim3A_396 : vector<16xi1>, vector<16xi32>
          %add3A_398 = arith.addi %add3A_382, %select_n3A_397 : vector<16xi32>
          scf.yield %add3A_398 : vector<16xi32>
        } else {
          %eq3A = arith.cmpi eq, %while3A_139, %while3A_118 : i32
          %convert_element_type3A_145 = arith.extui %eq3A : i1 to i32
          %cond3A_146 = arith.constant 0 : i32
          %cond3A_147 = arith.cmpi ne, %convert_element_type3A_145, %cond3A_146 : i32
          %cond3A_148 = scf.if %cond3A_147 -> (vector<16xi32>) {
            %add3A_149 = arith.constant 0 : i32
            %add3A_150 = vector.broadcast %add3A_149 : i32 to vector<16xi32>
            %add3A_151 = arith.addi %iota3A, %add3A_150 : vector<16xi32>
            %and3A_152 = arith.constant 15 : i32
            %and3A_153 = vector.broadcast %and3A_152 : i32 to vector<16xi32>
            %and3A_154 = arith.andi %add3A_151, %and3A_153 : vector<16xi32>
            %add3A_155 = vector.broadcast %mul3A_142 : i32 to vector<16xi32>
            %add3A_156 = arith.addi %add3A_155, %and3A_154 : vector<16xi32>
            %gather3A = tpu.vector_load_idx %arg9[%add3A_156] : memref<4096xf32, #tpu.memory_space<vmem>>[vector<16xi32>], vector<16xf32>,
            %lt3A_157 = arith.cmpf olt, %gather3A, %get3A_121 : vector<16xf32>
            %eq3A_158 = arith.cmpf oeq, %gather3A, %get3A_121 : vector<16xf32>
            %lt3A_159 = arith.cmpi slt, %and3A_154, %iota3A : vector<16xi32>
            %and3A_160 = arith.andi %eq3A_158, %lt3A_159 : vector<16xi1>
            %or3A = arith.ori %lt3A_157, %and3A_160 : vector<16xi1>
            %jit3A_161 = arith.constant 1 : i32
            %jit3A_162 = arith.constant 0 : i32
            %broadcast_in_dim3A_163 = vector.broadcast %jit3A_161 : i32 to vector<16xi32>
            %broadcast_in_dim3A_164 = vector.broadcast %jit3A_162 : i32 to vector<16xi32>
            %select_n3A_165 = arith.select %or3A, %broadcast_in_dim3A_163, %broadcast_in_dim3A_164 : vector<16xi1>, vector<16xi32>
            %add3A_166 = arith.addi %while3A_140, %select_n3A_165 : vector<16xi32>
            %add3A_167 = arith.constant 1 : i32
            %add3A_168 = vector.broadcast %add3A_167 : i32 to vector<16xi32>
            %add3A_169 = arith.addi %iota3A, %add3A_168 : vector<16xi32>
            %and3A_170 = arith.constant 15 : i32
            %and3A_171 = vector.broadcast %and3A_170 : i32 to vector<16xi32>
            %and3A_172 = arith.andi %add3A_169, %and3A_171 : vector<16xi32>
            %add3A_173 = vector.broadcast %mul3A_142 : i32 to vector<16xi32>
            %add3A_174 = arith.addi %add3A_173, %and3A_172 : vector<16xi32>
            %gather3A_175 = tpu.vector_load_idx %arg9[%add3A_174] : memref<4096xf32, #tpu.memory_space<vmem>>[vector<16xi32>], vector<16xf32>,
            %lt3A_176 = arith.cmpf olt, %gather3A_175, %get3A_121 : vector<16xf32>
            %eq3A_177 = arith.cmpf oeq, %gather3A_175, %get3A_121 : vector<16xf32>
            %lt3A_178 = arith.cmpi slt, %and3A_172, %iota3A : vector<16xi32>
            %and3A_179 = arith.andi %eq3A_177, %lt3A_178 : vector<16xi1>
            %or3A_180 = arith.ori %lt3A_176, %and3A_179 : vector<16xi1>
            %jit3A_181 = arith.constant 1 : i32
            %jit3A_182 = arith.constant 0 : i32
            %broadcast_in_dim3A_183 = vector.broadcast %jit3A_181 : i32 to vector<16xi32>
            %broadcast_in_dim3A_184 = vector.broadcast %jit3A_182 : i32 to vector<16xi32>
            %select_n3A_185 = arith.select %or3A_180, %broadcast_in_dim3A_183, %broadcast_in_dim3A_184 : vector<16xi1>, vector<16xi32>
            %add3A_186 = arith.addi %add3A_166, %select_n3A_185 : vector<16xi32>
            %add3A_187 = arith.constant 2 : i32
            %add3A_188 = vector.broadcast %add3A_187 : i32 to vector<16xi32>
            %add3A_189 = arith.addi %iota3A, %add3A_188 : vector<16xi32>
            %and3A_190 = arith.constant 15 : i32
            %and3A_191 = vector.broadcast %and3A_190 : i32 to vector<16xi32>
            %and3A_192 = arith.andi %add3A_189, %and3A_191 : vector<16xi32>
            %add3A_193 = vector.broadcast %mul3A_142 : i32 to vector<16xi32>
            %add3A_194 = arith.addi %add3A_193, %and3A_192 : vector<16xi32>
            %gather3A_195 = tpu.vector_load_idx %arg9[%add3A_194] : memref<4096xf32, #tpu.memory_space<vmem>>[vector<16xi32>], vector<16xf32>,
            %lt3A_196 = arith.cmpf olt, %gather3A_195, %get3A_121 : vector<16xf32>
            %eq3A_197 = arith.cmpf oeq, %gather3A_195, %get3A_121 : vector<16xf32>
            %lt3A_198 = arith.cmpi slt, %and3A_192, %iota3A : vector<16xi32>
            %and3A_199 = arith.andi %eq3A_197, %lt3A_198 : vector<16xi1>
            %or3A_200 = arith.ori %lt3A_196, %and3A_199 : vector<16xi1>
            %jit3A_201 = arith.constant 1 : i32
            %jit3A_202 = arith.constant 0 : i32
            %broadcast_in_dim3A_203 = vector.broadcast %jit3A_201 : i32 to vector<16xi32>
            %broadcast_in_dim3A_204 = vector.broadcast %jit3A_202 : i32 to vector<16xi32>
            %select_n3A_205 = arith.select %or3A_200, %broadcast_in_dim3A_203, %broadcast_in_dim3A_204 : vector<16xi1>, vector<16xi32>
            %add3A_206 = arith.addi %add3A_186, %select_n3A_205 : vector<16xi32>
            %add3A_207 = arith.constant 3 : i32
            %add3A_208 = vector.broadcast %add3A_207 : i32 to vector<16xi32>
            %add3A_209 = arith.addi %iota3A, %add3A_208 : vector<16xi32>
            %and3A_210 = arith.constant 15 : i32
            %and3A_211 = vector.broadcast %and3A_210 : i32 to vector<16xi32>
            %and3A_212 = arith.andi %add3A_209, %and3A_211 : vector<16xi32>
            %add3A_213 = vector.broadcast %mul3A_142 : i32 to vector<16xi32>
            %add3A_214 = arith.addi %add3A_213, %and3A_212 : vector<16xi32>
            %gather3A_215 = tpu.vector_load_idx %arg9[%add3A_214] : memref<4096xf32, #tpu.memory_space<vmem>>[vector<16xi32>], vector<16xf32>,
            %lt3A_216 = arith.cmpf olt, %gather3A_215, %get3A_121 : vector<16xf32>
            %eq3A_217 = arith.cmpf oeq, %gather3A_215, %get3A_121 : vector<16xf32>
            %lt3A_218 = arith.cmpi slt, %and3A_212, %iota3A : vector<16xi32>
            %and3A_219 = arith.andi %eq3A_217, %lt3A_218 : vector<16xi1>
            %or3A_220 = arith.ori %lt3A_216, %and3A_219 : vector<16xi1>
            %jit3A_221 = arith.constant 1 : i32
            %jit3A_222 = arith.constant 0 : i32
            %broadcast_in_dim3A_223 = vector.broadcast %jit3A_221 : i32 to vector<16xi32>
            %broadcast_in_dim3A_224 = vector.broadcast %jit3A_222 : i32 to vector<16xi32>
            %select_n3A_225 = arith.select %or3A_220, %broadcast_in_dim3A_223, %broadcast_in_dim3A_224 : vector<16xi1>, vector<16xi32>
            %add3A_226 = arith.addi %add3A_206, %select_n3A_225 : vector<16xi32>
            %add3A_227 = arith.constant 4 : i32
            %add3A_228 = vector.broadcast %add3A_227 : i32 to vector<16xi32>
            %add3A_229 = arith.addi %iota3A, %add3A_228 : vector<16xi32>
            %and3A_230 = arith.constant 15 : i32
            %and3A_231 = vector.broadcast %and3A_230 : i32 to vector<16xi32>
            %and3A_232 = arith.andi %add3A_229, %and3A_231 : vector<16xi32>
            %add3A_233 = vector.broadcast %mul3A_142 : i32 to vector<16xi32>
            %add3A_234 = arith.addi %add3A_233, %and3A_232 : vector<16xi32>
            %gather3A_235 = tpu.vector_load_idx %arg9[%add3A_234] : memref<4096xf32, #tpu.memory_space<vmem>>[vector<16xi32>], vector<16xf32>,
            %lt3A_236 = arith.cmpf olt, %gather3A_235, %get3A_121 : vector<16xf32>
            %eq3A_237 = arith.cmpf oeq, %gather3A_235, %get3A_121 : vector<16xf32>
            %lt3A_238 = arith.cmpi slt, %and3A_232, %iota3A : vector<16xi32>
            %and3A_239 = arith.andi %eq3A_237, %lt3A_238 : vector<16xi1>
            %or3A_240 = arith.ori %lt3A_236, %and3A_239 : vector<16xi1>
            %jit3A_241 = arith.constant 1 : i32
            %jit3A_242 = arith.constant 0 : i32
            %broadcast_in_dim3A_243 = vector.broadcast %jit3A_241 : i32 to vector<16xi32>
            %broadcast_in_dim3A_244 = vector.broadcast %jit3A_242 : i32 to vector<16xi32>
            %select_n3A_245 = arith.select %or3A_240, %broadcast_in_dim3A_243, %broadcast_in_dim3A_244 : vector<16xi1>, vector<16xi32>
            %add3A_246 = arith.addi %add3A_226, %select_n3A_245 : vector<16xi32>
            %add3A_247 = arith.constant 5 : i32
            %add3A_248 = vector.broadcast %add3A_247 : i32 to vector<16xi32>
            %add3A_249 = arith.addi %iota3A, %add3A_248 : vector<16xi32>
            %and3A_250 = arith.constant 15 : i32
            %and3A_251 = vector.broadcast %and3A_250 : i32 to vector<16xi32>
            %and3A_252 = arith.andi %add3A_249, %and3A_251 : vector<16xi32>
            %add3A_253 = vector.broadcast %mul3A_142 : i32 to vector<16xi32>
            %add3A_254 = arith.addi %add3A_253, %and3A_252 : vector<16xi32>
            %gather3A_255 = tpu.vector_load_idx %arg9[%add3A_254] : memref<4096xf32, #tpu.memory_space<vmem>>[vector<16xi32>], vector<16xf32>,
            %lt3A_256 = arith.cmpf olt, %gather3A_255, %get3A_121 : vector<16xf32>
            %eq3A_257 = arith.cmpf oeq, %gather3A_255, %get3A_121 : vector<16xf32>
            %lt3A_258 = arith.cmpi slt, %and3A_252, %iota3A : vector<16xi32>
            %and3A_259 = arith.andi %eq3A_257, %lt3A_258 : vector<16xi1>
            %or3A_260 = arith.ori %lt3A_256, %and3A_259 : vector<16xi1>
            %jit3A_261 = arith.constant 1 : i32
            %jit3A_262 = arith.constant 0 : i32
            %broadcast_in_dim3A_263 = vector.broadcast %jit3A_261 : i32 to vector<16xi32>
            %broadcast_in_dim3A_264 = vector.broadcast %jit3A_262 : i32 to vector<16xi32>
            %select_n3A_265 = arith.select %or3A_260, %broadcast_in_dim3A_263, %broadcast_in_dim3A_264 : vector<16xi1>, vector<16xi32>
            %add3A_266 = arith.addi %add3A_246, %select_n3A_265 : vector<16xi32>
            %add3A_267 = arith.constant 6 : i32
            %add3A_268 = vector.broadcast %add3A_267 : i32 to vector<16xi32>
            %add3A_269 = arith.addi %iota3A, %add3A_268 : vector<16xi32>
            %and3A_270 = arith.constant 15 : i32
            %and3A_271 = vector.broadcast %and3A_270 : i32 to vector<16xi32>
            %and3A_272 = arith.andi %add3A_269, %and3A_271 : vector<16xi32>
            %add3A_273 = vector.broadcast %mul3A_142 : i32 to vector<16xi32>
            %add3A_274 = arith.addi %add3A_273, %and3A_272 : vector<16xi32>
            %gather3A_275 = tpu.vector_load_idx %arg9[%add3A_274] : memref<4096xf32, #tpu.memory_space<vmem>>[vector<16xi32>], vector<16xf32>,
            %lt3A_276 = arith.cmpf olt, %gather3A_275, %get3A_121 : vector<16xf32>
            %eq3A_277 = arith.cmpf oeq, %gather3A_275, %get3A_121 : vector<16xf32>
            %lt3A_278 = arith.cmpi slt, %and3A_272, %iota3A : vector<16xi32>
            %and3A_279 = arith.andi %eq3A_277, %lt3A_278 : vector<16xi1>
            %or3A_280 = arith.ori %lt3A_276, %and3A_279 : vector<16xi1>
            %jit3A_281 = arith.constant 1 : i32
            %jit3A_282 = arith.constant 0 : i32
            %broadcast_in_dim3A_283 = vector.broadcast %jit3A_281 : i32 to vector<16xi32>
            %broadcast_in_dim3A_284 = vector.broadcast %jit3A_282 : i32 to vector<16xi32>
            %select_n3A_285 = arith.select %or3A_280, %broadcast_in_dim3A_283, %broadcast_in_dim3A_284 : vector<16xi1>, vector<16xi32>
            %add3A_286 = arith.addi %add3A_266, %select_n3A_285 : vector<16xi32>
            %add3A_287 = arith.constant 7 : i32
            %add3A_288 = vector.broadcast %add3A_287 : i32 to vector<16xi32>
            %add3A_289 = arith.addi %iota3A, %add3A_288 : vector<16xi32>
            %and3A_290 = arith.constant 15 : i32
            %and3A_291 = vector.broadcast %and3A_290 : i32 to vector<16xi32>
            %and3A_292 = arith.andi %add3A_289, %and3A_291 : vector<16xi32>
            %add3A_293 = vector.broadcast %mul3A_142 : i32 to vector<16xi32>
            %add3A_294 = arith.addi %add3A_293, %and3A_292 : vector<16xi32>
            %gather3A_295 = tpu.vector_load_idx %arg9[%add3A_294] : memref<4096xf32, #tpu.memory_space<vmem>>[vector<16xi32>], vector<16xf32>,
            %lt3A_296 = arith.cmpf olt, %gather3A_295, %get3A_121 : vector<16xf32>
            %eq3A_297 = arith.cmpf oeq, %gather3A_295, %get3A_121 : vector<16xf32>
            %lt3A_298 = arith.cmpi slt, %and3A_292, %iota3A : vector<16xi32>
            %and3A_299 = arith.andi %eq3A_297, %lt3A_298 : vector<16xi1>
            %or3A_300 = arith.ori %lt3A_296, %and3A_299 : vector<16xi1>
            %jit3A_301 = arith.constant 1 : i32
            %jit3A_302 = arith.constant 0 : i32
            %broadcast_in_dim3A_303 = vector.broadcast %jit3A_301 : i32 to vector<16xi32>
            %broadcast_in_dim3A_304 = vector.broadcast %jit3A_302 : i32 to vector<16xi32>
            %select_n3A_305 = arith.select %or3A_300, %broadcast_in_dim3A_303, %broadcast_in_dim3A_304 : vector<16xi1>, vector<16xi32>
            %add3A_306 = arith.addi %add3A_286, %select_n3A_305 : vector<16xi32>
            %add3A_307 = arith.constant 8 : i32
            %add3A_308 = vector.broadcast %add3A_307 : i32 to vector<16xi32>
            %add3A_309 = arith.addi %iota3A, %add3A_308 : vector<16xi32>
            %and3A_310 = arith.constant 15 : i32
            %and3A_311 = vector.broadcast %and3A_310 : i32 to vector<16xi32>
            %and3A_312 = arith.andi %add3A_309, %and3A_311 : vector<16xi32>
            %add3A_313 = vector.broadcast %mul3A_142 : i32 to vector<16xi32>
            %add3A_314 = arith.addi %add3A_313, %and3A_312 : vector<16xi32>
            %gather3A_315 = tpu.vector_load_idx %arg9[%add3A_314] : memref<4096xf32, #tpu.memory_space<vmem>>[vector<16xi32>], vector<16xf32>,
            %lt3A_316 = arith.cmpf olt, %gather3A_315, %get3A_121 : vector<16xf32>
            %eq3A_317 = arith.cmpf oeq, %gather3A_315, %get3A_121 : vector<16xf32>
            %lt3A_318 = arith.cmpi slt, %and3A_312, %iota3A : vector<16xi32>
            %and3A_319 = arith.andi %eq3A_317, %lt3A_318 : vector<16xi1>
            %or3A_320 = arith.ori %lt3A_316, %and3A_319 : vector<16xi1>
            %jit3A_321 = arith.constant 1 : i32
            %jit3A_322 = arith.constant 0 : i32
            %broadcast_in_dim3A_323 = vector.broadcast %jit3A_321 : i32 to vector<16xi32>
            %broadcast_in_dim3A_324 = vector.broadcast %jit3A_322 : i32 to vector<16xi32>
            %select_n3A_325 = arith.select %or3A_320, %broadcast_in_dim3A_323, %broadcast_in_dim3A_324 : vector<16xi1>, vector<16xi32>
            %add3A_326 = arith.addi %add3A_306, %select_n3A_325 : vector<16xi32>
            %add3A_327 = arith.constant 9 : i32
            %add3A_328 = vector.broadcast %add3A_327 : i32 to vector<16xi32>
            %add3A_329 = arith.addi %iota3A, %add3A_328 : vector<16xi32>
            %and3A_330 = arith.constant 15 : i32
            %and3A_331 = vector.broadcast %and3A_330 : i32 to vector<16xi32>
            %and3A_332 = arith.andi %add3A_329, %and3A_331 : vector<16xi32>
            %add3A_333 = vector.broadcast %mul3A_142 : i32 to vector<16xi32>
            %add3A_334 = arith.addi %add3A_333, %and3A_332 : vector<16xi32>
            %gather3A_335 = tpu.vector_load_idx %arg9[%add3A_334] : memref<4096xf32, #tpu.memory_space<vmem>>[vector<16xi32>], vector<16xf32>,
            %lt3A_336 = arith.cmpf olt, %gather3A_335, %get3A_121 : vector<16xf32>
            %eq3A_337 = arith.cmpf oeq, %gather3A_335, %get3A_121 : vector<16xf32>
            %lt3A_338 = arith.cmpi slt, %and3A_332, %iota3A : vector<16xi32>
            %and3A_339 = arith.andi %eq3A_337, %lt3A_338 : vector<16xi1>
            %or3A_340 = arith.ori %lt3A_336, %and3A_339 : vector<16xi1>
            %jit3A_341 = arith.constant 1 : i32
            %jit3A_342 = arith.constant 0 : i32
            %broadcast_in_dim3A_343 = vector.broadcast %jit3A_341 : i32 to vector<16xi32>
            %broadcast_in_dim3A_344 = vector.broadcast %jit3A_342 : i32 to vector<16xi32>
            %select_n3A_345 = arith.select %or3A_340, %broadcast_in_dim3A_343, %broadcast_in_dim3A_344 : vector<16xi1>, vector<16xi32>
            %add3A_346 = arith.addi %add3A_326, %select_n3A_345 : vector<16xi32>
            %add3A_347 = arith.constant 10 : i32
            %add3A_348 = vector.broadcast %add3A_347 : i32 to vector<16xi32>
            %add3A_349 = arith.addi %iota3A, %add3A_348 : vector<16xi32>
            %and3A_350 = arith.constant 15 : i32
            %and3A_351 = vector.broadcast %and3A_350 : i32 to vector<16xi32>
            %and3A_352 = arith.andi %add3A_349, %and3A_351 : vector<16xi32>
            %add3A_353 = vector.broadcast %mul3A_142 : i32 to vector<16xi32>
            %add3A_354 = arith.addi %add3A_353, %and3A_352 : vector<16xi32>
            %gather3A_355 = tpu.vector_load_idx %arg9[%add3A_354] : memref<4096xf32, #tpu.memory_space<vmem>>[vector<16xi32>], vector<16xf32>,
            %lt3A_356 = arith.cmpf olt, %gather3A_355, %get3A_121 : vector<16xf32>
            %eq3A_357 = arith.cmpf oeq, %gather3A_355, %get3A_121 : vector<16xf32>
            %lt3A_358 = arith.cmpi slt, %and3A_352, %iota3A : vector<16xi32>
            %and3A_359 = arith.andi %eq3A_357, %lt3A_358 : vector<16xi1>
            %or3A_360 = arith.ori %lt3A_356, %and3A_359 : vector<16xi1>
            %jit3A_361 = arith.constant 1 : i32
            %jit3A_362 = arith.constant 0 : i32
            %broadcast_in_dim3A_363 = vector.broadcast %jit3A_361 : i32 to vector<16xi32>
            %broadcast_in_dim3A_364 = vector.broadcast %jit3A_362 : i32 to vector<16xi32>
            %select_n3A_365 = arith.select %or3A_360, %broadcast_in_dim3A_363, %broadcast_in_dim3A_364 : vector<16xi1>, vector<16xi32>
            %add3A_366 = arith.addi %add3A_346, %select_n3A_365 : vector<16xi32>
            %add3A_367 = arith.constant 11 : i32
            %add3A_368 = vector.broadcast %add3A_367 : i32 to vector<16xi32>
            %add3A_369 = arith.addi %iota3A, %add3A_368 : vector<16xi32>
            %and3A_370 = arith.constant 15 : i32
            %and3A_371 = vector.broadcast %and3A_370 : i32 to vector<16xi32>
            %and3A_372 = arith.andi %add3A_369, %and3A_371 : vector<16xi32>
            %add3A_373 = vector.broadcast %mul3A_142 : i32 to vector<16xi32>
            %add3A_374 = arith.addi %add3A_373, %and3A_372 : vector<16xi32>
            %gather3A_375 = tpu.vector_load_idx %arg9[%add3A_374] : memref<4096xf32, #tpu.memory_space<vmem>>[vector<16xi32>], vector<16xf32>,
            %lt3A_376 = arith.cmpf olt, %gather3A_375, %get3A_121 : vector<16xf32>
            %eq3A_377 = arith.cmpf oeq, %gather3A_375, %get3A_121 : vector<16xf32>
            %lt3A_378 = arith.cmpi slt, %and3A_372, %iota3A : vector<16xi32>
            %and3A_379 = arith.andi %eq3A_377, %lt3A_378 : vector<16xi1>
            %or3A_380 = arith.ori %lt3A_376, %and3A_379 : vector<16xi1>
            %jit3A_381 = arith.constant 1 : i32
            %jit3A_382 = arith.constant 0 : i32
            %broadcast_in_dim3A_383 = vector.broadcast %jit3A_381 : i32 to vector<16xi32>
            %broadcast_in_dim3A_384 = vector.broadcast %jit3A_382 : i32 to vector<16xi32>
            %select_n3A_385 = arith.select %or3A_380, %broadcast_in_dim3A_383, %broadcast_in_dim3A_384 : vector<16xi1>, vector<16xi32>
            %add3A_386 = arith.addi %add3A_366, %select_n3A_385 : vector<16xi32>
            %add3A_387 = arith.constant 12 : i32
            %add3A_388 = vector.broadcast %add3A_387 : i32 to vector<16xi32>
            %add3A_389 = arith.addi %iota3A, %add3A_388 : vector<16xi32>
            %and3A_390 = arith.constant 15 : i32
            %and3A_391 = vector.broadcast %and3A_390 : i32 to vector<16xi32>
            %and3A_392 = arith.andi %add3A_389, %and3A_391 : vector<16xi32>
            %add3A_393 = vector.broadcast %mul3A_142 : i32 to vector<16xi32>
            %add3A_394 = arith.addi %add3A_393, %and3A_392 : vector<16xi32>
            %gather3A_395 = tpu.vector_load_idx %arg9[%add3A_394] : memref<4096xf32, #tpu.memory_space<vmem>>[vector<16xi32>], vector<16xf32>,
            %lt3A_396 = arith.cmpf olt, %gather3A_395, %get3A_121 : vector<16xf32>
            %eq3A_397 = arith.cmpf oeq, %gather3A_395, %get3A_121 : vector<16xf32>
            %lt3A_398 = arith.cmpi slt, %and3A_392, %iota3A : vector<16xi32>
            %and3A_399 = arith.andi %eq3A_397, %lt3A_398 : vector<16xi1>
            %or3A_400 = arith.ori %lt3A_396, %and3A_399 : vector<16xi1>
            %jit3A_401 = arith.constant 1 : i32
            %jit3A_402 = arith.constant 0 : i32
            %broadcast_in_dim3A_403 = vector.broadcast %jit3A_401 : i32 to vector<16xi32>
            %broadcast_in_dim3A_404 = vector.broadcast %jit3A_402 : i32 to vector<16xi32>
            %select_n3A_405 = arith.select %or3A_400, %broadcast_in_dim3A_403, %broadcast_in_dim3A_404 : vector<16xi1>, vector<16xi32>
            %add3A_406 = arith.addi %add3A_386, %select_n3A_405 : vector<16xi32>
            %add3A_407 = arith.constant 13 : i32
            %add3A_408 = vector.broadcast %add3A_407 : i32 to vector<16xi32>
            %add3A_409 = arith.addi %iota3A, %add3A_408 : vector<16xi32>
            %and3A_410 = arith.constant 15 : i32
            %and3A_411 = vector.broadcast %and3A_410 : i32 to vector<16xi32>
            %and3A_412 = arith.andi %add3A_409, %and3A_411 : vector<16xi32>
            %add3A_413 = vector.broadcast %mul3A_142 : i32 to vector<16xi32>
            %add3A_414 = arith.addi %add3A_413, %and3A_412 : vector<16xi32>
            %gather3A_415 = tpu.vector_load_idx %arg9[%add3A_414] : memref<4096xf32, #tpu.memory_space<vmem>>[vector<16xi32>], vector<16xf32>,
            %lt3A_416 = arith.cmpf olt, %gather3A_415, %get3A_121 : vector<16xf32>
            %eq3A_417 = arith.cmpf oeq, %gather3A_415, %get3A_121 : vector<16xf32>
            %lt3A_418 = arith.cmpi slt, %and3A_412, %iota3A : vector<16xi32>
            %and3A_419 = arith.andi %eq3A_417, %lt3A_418 : vector<16xi1>
            %or3A_420 = arith.ori %lt3A_416, %and3A_419 : vector<16xi1>
            %jit3A_421 = arith.constant 1 : i32
            %jit3A_422 = arith.constant 0 : i32
            %broadcast_in_dim3A_423 = vector.broadcast %jit3A_421 : i32 to vector<16xi32>
            %broadcast_in_dim3A_424 = vector.broadcast %jit3A_422 : i32 to vector<16xi32>
            %select_n3A_425 = arith.select %or3A_420, %broadcast_in_dim3A_423, %broadcast_in_dim3A_424 : vector<16xi1>, vector<16xi32>
            %add3A_426 = arith.addi %add3A_406, %select_n3A_425 : vector<16xi32>
            %add3A_427 = arith.constant 14 : i32
            %add3A_428 = vector.broadcast %add3A_427 : i32 to vector<16xi32>
            %add3A_429 = arith.addi %iota3A, %add3A_428 : vector<16xi32>
            %and3A_430 = arith.constant 15 : i32
            %and3A_431 = vector.broadcast %and3A_430 : i32 to vector<16xi32>
            %and3A_432 = arith.andi %add3A_429, %and3A_431 : vector<16xi32>
            %add3A_433 = vector.broadcast %mul3A_142 : i32 to vector<16xi32>
            %add3A_434 = arith.addi %add3A_433, %and3A_432 : vector<16xi32>
            %gather3A_435 = tpu.vector_load_idx %arg9[%add3A_434] : memref<4096xf32, #tpu.memory_space<vmem>>[vector<16xi32>], vector<16xf32>,
            %lt3A_436 = arith.cmpf olt, %gather3A_435, %get3A_121 : vector<16xf32>
            %eq3A_437 = arith.cmpf oeq, %gather3A_435, %get3A_121 : vector<16xf32>
            %lt3A_438 = arith.cmpi slt, %and3A_432, %iota3A : vector<16xi32>
            %and3A_439 = arith.andi %eq3A_437, %lt3A_438 : vector<16xi1>
            %or3A_440 = arith.ori %lt3A_436, %and3A_439 : vector<16xi1>
            %jit3A_441 = arith.constant 1 : i32
            %jit3A_442 = arith.constant 0 : i32
            %broadcast_in_dim3A_443 = vector.broadcast %jit3A_441 : i32 to vector<16xi32>
            %broadcast_in_dim3A_444 = vector.broadcast %jit3A_442 : i32 to vector<16xi32>
            %select_n3A_445 = arith.select %or3A_440, %broadcast_in_dim3A_443, %broadcast_in_dim3A_444 : vector<16xi1>, vector<16xi32>
            %add3A_446 = arith.addi %add3A_426, %select_n3A_445 : vector<16xi32>
            %add3A_447 = arith.constant 15 : i32
            %add3A_448 = vector.broadcast %add3A_447 : i32 to vector<16xi32>
            %add3A_449 = arith.addi %iota3A, %add3A_448 : vector<16xi32>
            %and3A_450 = arith.constant 15 : i32
            %and3A_451 = vector.broadcast %and3A_450 : i32 to vector<16xi32>
            %and3A_452 = arith.andi %add3A_449, %and3A_451 : vector<16xi32>
            %add3A_453 = vector.broadcast %mul3A_142 : i32 to vector<16xi32>
            %add3A_454 = arith.addi %add3A_453, %and3A_452 : vector<16xi32>
            %gather3A_455 = tpu.vector_load_idx %arg9[%add3A_454] : memref<4096xf32, #tpu.memory_space<vmem>>[vector<16xi32>], vector<16xf32>,
            %lt3A_456 = arith.cmpf olt, %gather3A_455, %get3A_121 : vector<16xf32>
            %eq3A_457 = arith.cmpf oeq, %gather3A_455, %get3A_121 : vector<16xf32>
            %lt3A_458 = arith.cmpi slt, %and3A_452, %iota3A : vector<16xi32>
            %and3A_459 = arith.andi %eq3A_457, %lt3A_458 : vector<16xi1>
            %or3A_460 = arith.ori %lt3A_456, %and3A_459 : vector<16xi1>
            %jit3A_461 = arith.constant 1 : i32
            %jit3A_462 = arith.constant 0 : i32
            %broadcast_in_dim3A_463 = vector.broadcast %jit3A_461 : i32 to vector<16xi32>
            %broadcast_in_dim3A_464 = vector.broadcast %jit3A_462 : i32 to vector<16xi32>
            %select_n3A_465 = arith.select %or3A_460, %broadcast_in_dim3A_463, %broadcast_in_dim3A_464 : vector<16xi1>, vector<16xi32>
            %add3A_466 = arith.addi %add3A_446, %select_n3A_465 : vector<16xi32>
            scf.yield %add3A_466 : vector<16xi32>
          } else {
            %add3A_149 = arith.constant 0 : i32
            %add3A_150 = vector.broadcast %add3A_149 : i32 to vector<16xi32>
            %add3A_151 = arith.addi %iota3A, %add3A_150 : vector<16xi32>
            %and3A_152 = arith.constant 15 : i32
            %and3A_153 = vector.broadcast %and3A_152 : i32 to vector<16xi32>
            %and3A_154 = arith.andi %add3A_151, %and3A_153 : vector<16xi32>
            %add3A_155 = vector.broadcast %mul3A_142 : i32 to vector<16xi32>
            %add3A_156 = arith.addi %add3A_155, %and3A_154 : vector<16xi32>
            %gather3A = tpu.vector_load_idx %arg9[%add3A_156] : memref<4096xf32, #tpu.memory_space<vmem>>[vector<16xi32>], vector<16xf32>,
            %lt3A_157 = arith.cmpf olt, %gather3A, %get3A_121 : vector<16xf32>
            %jit3A_158 = arith.constant 1 : i32
            %jit3A_159 = arith.constant 0 : i32
            %broadcast_in_dim3A_160 = vector.broadcast %jit3A_158 : i32 to vector<16xi32>
            %broadcast_in_dim3A_161 = vector.broadcast %jit3A_159 : i32 to vector<16xi32>
            %select_n3A_162 = arith.select %lt3A_157, %broadcast_in_dim3A_160, %broadcast_in_dim3A_161 : vector<16xi1>, vector<16xi32>
            %add3A_163 = arith.addi %while3A_140, %select_n3A_162 : vector<16xi32>
            %add3A_164 = arith.constant 1 : i32
            %add3A_165 = vector.broadcast %add3A_164 : i32 to vector<16xi32>
            %add3A_166 = arith.addi %iota3A, %add3A_165 : vector<16xi32>
            %and3A_167 = arith.constant 15 : i32
            %and3A_168 = vector.broadcast %and3A_167 : i32 to vector<16xi32>
            %and3A_169 = arith.andi %add3A_166, %and3A_168 : vector<16xi32>
            %add3A_170 = vector.broadcast %mul3A_142 : i32 to vector<16xi32>
            %add3A_171 = arith.addi %add3A_170, %and3A_169 : vector<16xi32>
            %gather3A_172 = tpu.vector_load_idx %arg9[%add3A_171] : memref<4096xf32, #tpu.memory_space<vmem>>[vector<16xi32>], vector<16xf32>,
            %lt3A_173 = arith.cmpf olt, %gather3A_172, %get3A_121 : vector<16xf32>
            %jit3A_174 = arith.constant 1 : i32
            %jit3A_175 = arith.constant 0 : i32
            %broadcast_in_dim3A_176 = vector.broadcast %jit3A_174 : i32 to vector<16xi32>
            %broadcast_in_dim3A_177 = vector.broadcast %jit3A_175 : i32 to vector<16xi32>
            %select_n3A_178 = arith.select %lt3A_173, %broadcast_in_dim3A_176, %broadcast_in_dim3A_177 : vector<16xi1>, vector<16xi32>
            %add3A_179 = arith.addi %add3A_163, %select_n3A_178 : vector<16xi32>
            %add3A_180 = arith.constant 2 : i32
            %add3A_181 = vector.broadcast %add3A_180 : i32 to vector<16xi32>
            %add3A_182 = arith.addi %iota3A, %add3A_181 : vector<16xi32>
            %and3A_183 = arith.constant 15 : i32
            %and3A_184 = vector.broadcast %and3A_183 : i32 to vector<16xi32>
            %and3A_185 = arith.andi %add3A_182, %and3A_184 : vector<16xi32>
            %add3A_186 = vector.broadcast %mul3A_142 : i32 to vector<16xi32>
            %add3A_187 = arith.addi %add3A_186, %and3A_185 : vector<16xi32>
            %gather3A_188 = tpu.vector_load_idx %arg9[%add3A_187] : memref<4096xf32, #tpu.memory_space<vmem>>[vector<16xi32>], vector<16xf32>,
            %lt3A_189 = arith.cmpf olt, %gather3A_188, %get3A_121 : vector<16xf32>
            %jit3A_190 = arith.constant 1 : i32
            %jit3A_191 = arith.constant 0 : i32
            %broadcast_in_dim3A_192 = vector.broadcast %jit3A_190 : i32 to vector<16xi32>
            %broadcast_in_dim3A_193 = vector.broadcast %jit3A_191 : i32 to vector<16xi32>
            %select_n3A_194 = arith.select %lt3A_189, %broadcast_in_dim3A_192, %broadcast_in_dim3A_193 : vector<16xi1>, vector<16xi32>
            %add3A_195 = arith.addi %add3A_179, %select_n3A_194 : vector<16xi32>
            %add3A_196 = arith.constant 3 : i32
            %add3A_197 = vector.broadcast %add3A_196 : i32 to vector<16xi32>
            %add3A_198 = arith.addi %iota3A, %add3A_197 : vector<16xi32>
            %and3A_199 = arith.constant 15 : i32
            %and3A_200 = vector.broadcast %and3A_199 : i32 to vector<16xi32>
            %and3A_201 = arith.andi %add3A_198, %and3A_200 : vector<16xi32>
            %add3A_202 = vector.broadcast %mul3A_142 : i32 to vector<16xi32>
            %add3A_203 = arith.addi %add3A_202, %and3A_201 : vector<16xi32>
            %gather3A_204 = tpu.vector_load_idx %arg9[%add3A_203] : memref<4096xf32, #tpu.memory_space<vmem>>[vector<16xi32>], vector<16xf32>,
            %lt3A_205 = arith.cmpf olt, %gather3A_204, %get3A_121 : vector<16xf32>
            %jit3A_206 = arith.constant 1 : i32
            %jit3A_207 = arith.constant 0 : i32
            %broadcast_in_dim3A_208 = vector.broadcast %jit3A_206 : i32 to vector<16xi32>
            %broadcast_in_dim3A_209 = vector.broadcast %jit3A_207 : i32 to vector<16xi32>
            %select_n3A_210 = arith.select %lt3A_205, %broadcast_in_dim3A_208, %broadcast_in_dim3A_209 : vector<16xi1>, vector<16xi32>
            %add3A_211 = arith.addi %add3A_195, %select_n3A_210 : vector<16xi32>
            %add3A_212 = arith.constant 4 : i32
            %add3A_213 = vector.broadcast %add3A_212 : i32 to vector<16xi32>
            %add3A_214 = arith.addi %iota3A, %add3A_213 : vector<16xi32>
            %and3A_215 = arith.constant 15 : i32
            %and3A_216 = vector.broadcast %and3A_215 : i32 to vector<16xi32>
            %and3A_217 = arith.andi %add3A_214, %and3A_216 : vector<16xi32>
            %add3A_218 = vector.broadcast %mul3A_142 : i32 to vector<16xi32>
            %add3A_219 = arith.addi %add3A_218, %and3A_217 : vector<16xi32>
            %gather3A_220 = tpu.vector_load_idx %arg9[%add3A_219] : memref<4096xf32, #tpu.memory_space<vmem>>[vector<16xi32>], vector<16xf32>,
            %lt3A_221 = arith.cmpf olt, %gather3A_220, %get3A_121 : vector<16xf32>
            %jit3A_222 = arith.constant 1 : i32
            %jit3A_223 = arith.constant 0 : i32
            %broadcast_in_dim3A_224 = vector.broadcast %jit3A_222 : i32 to vector<16xi32>
            %broadcast_in_dim3A_225 = vector.broadcast %jit3A_223 : i32 to vector<16xi32>
            %select_n3A_226 = arith.select %lt3A_221, %broadcast_in_dim3A_224, %broadcast_in_dim3A_225 : vector<16xi1>, vector<16xi32>
            %add3A_227 = arith.addi %add3A_211, %select_n3A_226 : vector<16xi32>
            %add3A_228 = arith.constant 5 : i32
            %add3A_229 = vector.broadcast %add3A_228 : i32 to vector<16xi32>
            %add3A_230 = arith.addi %iota3A, %add3A_229 : vector<16xi32>
            %and3A_231 = arith.constant 15 : i32
            %and3A_232 = vector.broadcast %and3A_231 : i32 to vector<16xi32>
            %and3A_233 = arith.andi %add3A_230, %and3A_232 : vector<16xi32>
            %add3A_234 = vector.broadcast %mul3A_142 : i32 to vector<16xi32>
            %add3A_235 = arith.addi %add3A_234, %and3A_233 : vector<16xi32>
            %gather3A_236 = tpu.vector_load_idx %arg9[%add3A_235] : memref<4096xf32, #tpu.memory_space<vmem>>[vector<16xi32>], vector<16xf32>,
            %lt3A_237 = arith.cmpf olt, %gather3A_236, %get3A_121 : vector<16xf32>
            %jit3A_238 = arith.constant 1 : i32
            %jit3A_239 = arith.constant 0 : i32
            %broadcast_in_dim3A_240 = vector.broadcast %jit3A_238 : i32 to vector<16xi32>
            %broadcast_in_dim3A_241 = vector.broadcast %jit3A_239 : i32 to vector<16xi32>
            %select_n3A_242 = arith.select %lt3A_237, %broadcast_in_dim3A_240, %broadcast_in_dim3A_241 : vector<16xi1>, vector<16xi32>
            %add3A_243 = arith.addi %add3A_227, %select_n3A_242 : vector<16xi32>
            %add3A_244 = arith.constant 6 : i32
            %add3A_245 = vector.broadcast %add3A_244 : i32 to vector<16xi32>
            %add3A_246 = arith.addi %iota3A, %add3A_245 : vector<16xi32>
            %and3A_247 = arith.constant 15 : i32
            %and3A_248 = vector.broadcast %and3A_247 : i32 to vector<16xi32>
            %and3A_249 = arith.andi %add3A_246, %and3A_248 : vector<16xi32>
            %add3A_250 = vector.broadcast %mul3A_142 : i32 to vector<16xi32>
            %add3A_251 = arith.addi %add3A_250, %and3A_249 : vector<16xi32>
            %gather3A_252 = tpu.vector_load_idx %arg9[%add3A_251] : memref<4096xf32, #tpu.memory_space<vmem>>[vector<16xi32>], vector<16xf32>,
            %lt3A_253 = arith.cmpf olt, %gather3A_252, %get3A_121 : vector<16xf32>
            %jit3A_254 = arith.constant 1 : i32
            %jit3A_255 = arith.constant 0 : i32
            %broadcast_in_dim3A_256 = vector.broadcast %jit3A_254 : i32 to vector<16xi32>
            %broadcast_in_dim3A_257 = vector.broadcast %jit3A_255 : i32 to vector<16xi32>
            %select_n3A_258 = arith.select %lt3A_253, %broadcast_in_dim3A_256, %broadcast_in_dim3A_257 : vector<16xi1>, vector<16xi32>
            %add3A_259 = arith.addi %add3A_243, %select_n3A_258 : vector<16xi32>
            %add3A_260 = arith.constant 7 : i32
            %add3A_261 = vector.broadcast %add3A_260 : i32 to vector<16xi32>
            %add3A_262 = arith.addi %iota3A, %add3A_261 : vector<16xi32>
            %and3A_263 = arith.constant 15 : i32
            %and3A_264 = vector.broadcast %and3A_263 : i32 to vector<16xi32>
            %and3A_265 = arith.andi %add3A_262, %and3A_264 : vector<16xi32>
            %add3A_266 = vector.broadcast %mul3A_142 : i32 to vector<16xi32>
            %add3A_267 = arith.addi %add3A_266, %and3A_265 : vector<16xi32>
            %gather3A_268 = tpu.vector_load_idx %arg9[%add3A_267] : memref<4096xf32, #tpu.memory_space<vmem>>[vector<16xi32>], vector<16xf32>,
            %lt3A_269 = arith.cmpf olt, %gather3A_268, %get3A_121 : vector<16xf32>
            %jit3A_270 = arith.constant 1 : i32
            %jit3A_271 = arith.constant 0 : i32
            %broadcast_in_dim3A_272 = vector.broadcast %jit3A_270 : i32 to vector<16xi32>
            %broadcast_in_dim3A_273 = vector.broadcast %jit3A_271 : i32 to vector<16xi32>
            %select_n3A_274 = arith.select %lt3A_269, %broadcast_in_dim3A_272, %broadcast_in_dim3A_273 : vector<16xi1>, vector<16xi32>
            %add3A_275 = arith.addi %add3A_259, %select_n3A_274 : vector<16xi32>
            %add3A_276 = arith.constant 8 : i32
            %add3A_277 = vector.broadcast %add3A_276 : i32 to vector<16xi32>
            %add3A_278 = arith.addi %iota3A, %add3A_277 : vector<16xi32>
            %and3A_279 = arith.constant 15 : i32
            %and3A_280 = vector.broadcast %and3A_279 : i32 to vector<16xi32>
            %and3A_281 = arith.andi %add3A_278, %and3A_280 : vector<16xi32>
            %add3A_282 = vector.broadcast %mul3A_142 : i32 to vector<16xi32>
            %add3A_283 = arith.addi %add3A_282, %and3A_281 : vector<16xi32>
            %gather3A_284 = tpu.vector_load_idx %arg9[%add3A_283] : memref<4096xf32, #tpu.memory_space<vmem>>[vector<16xi32>], vector<16xf32>,
            %lt3A_285 = arith.cmpf olt, %gather3A_284, %get3A_121 : vector<16xf32>
            %jit3A_286 = arith.constant 1 : i32
            %jit3A_287 = arith.constant 0 : i32
            %broadcast_in_dim3A_288 = vector.broadcast %jit3A_286 : i32 to vector<16xi32>
            %broadcast_in_dim3A_289 = vector.broadcast %jit3A_287 : i32 to vector<16xi32>
            %select_n3A_290 = arith.select %lt3A_285, %broadcast_in_dim3A_288, %broadcast_in_dim3A_289 : vector<16xi1>, vector<16xi32>
            %add3A_291 = arith.addi %add3A_275, %select_n3A_290 : vector<16xi32>
            %add3A_292 = arith.constant 9 : i32
            %add3A_293 = vector.broadcast %add3A_292 : i32 to vector<16xi32>
            %add3A_294 = arith.addi %iota3A, %add3A_293 : vector<16xi32>
            %and3A_295 = arith.constant 15 : i32
            %and3A_296 = vector.broadcast %and3A_295 : i32 to vector<16xi32>
            %and3A_297 = arith.andi %add3A_294, %and3A_296 : vector<16xi32>
            %add3A_298 = vector.broadcast %mul3A_142 : i32 to vector<16xi32>
            %add3A_299 = arith.addi %add3A_298, %and3A_297 : vector<16xi32>
            %gather3A_300 = tpu.vector_load_idx %arg9[%add3A_299] : memref<4096xf32, #tpu.memory_space<vmem>>[vector<16xi32>], vector<16xf32>,
            %lt3A_301 = arith.cmpf olt, %gather3A_300, %get3A_121 : vector<16xf32>
            %jit3A_302 = arith.constant 1 : i32
            %jit3A_303 = arith.constant 0 : i32
            %broadcast_in_dim3A_304 = vector.broadcast %jit3A_302 : i32 to vector<16xi32>
            %broadcast_in_dim3A_305 = vector.broadcast %jit3A_303 : i32 to vector<16xi32>
            %select_n3A_306 = arith.select %lt3A_301, %broadcast_in_dim3A_304, %broadcast_in_dim3A_305 : vector<16xi1>, vector<16xi32>
            %add3A_307 = arith.addi %add3A_291, %select_n3A_306 : vector<16xi32>
            %add3A_308 = arith.constant 10 : i32
            %add3A_309 = vector.broadcast %add3A_308 : i32 to vector<16xi32>
            %add3A_310 = arith.addi %iota3A, %add3A_309 : vector<16xi32>
            %and3A_311 = arith.constant 15 : i32
            %and3A_312 = vector.broadcast %and3A_311 : i32 to vector<16xi32>
            %and3A_313 = arith.andi %add3A_310, %and3A_312 : vector<16xi32>
            %add3A_314 = vector.broadcast %mul3A_142 : i32 to vector<16xi32>
            %add3A_315 = arith.addi %add3A_314, %and3A_313 : vector<16xi32>
            %gather3A_316 = tpu.vector_load_idx %arg9[%add3A_315] : memref<4096xf32, #tpu.memory_space<vmem>>[vector<16xi32>], vector<16xf32>,
            %lt3A_317 = arith.cmpf olt, %gather3A_316, %get3A_121 : vector<16xf32>
            %jit3A_318 = arith.constant 1 : i32
            %jit3A_319 = arith.constant 0 : i32
            %broadcast_in_dim3A_320 = vector.broadcast %jit3A_318 : i32 to vector<16xi32>
            %broadcast_in_dim3A_321 = vector.broadcast %jit3A_319 : i32 to vector<16xi32>
            %select_n3A_322 = arith.select %lt3A_317, %broadcast_in_dim3A_320, %broadcast_in_dim3A_321 : vector<16xi1>, vector<16xi32>
            %add3A_323 = arith.addi %add3A_307, %select_n3A_322 : vector<16xi32>
            %add3A_324 = arith.constant 11 : i32
            %add3A_325 = vector.broadcast %add3A_324 : i32 to vector<16xi32>
            %add3A_326 = arith.addi %iota3A, %add3A_325 : vector<16xi32>
            %and3A_327 = arith.constant 15 : i32
            %and3A_328 = vector.broadcast %and3A_327 : i32 to vector<16xi32>
            %and3A_329 = arith.andi %add3A_326, %and3A_328 : vector<16xi32>
            %add3A_330 = vector.broadcast %mul3A_142 : i32 to vector<16xi32>
            %add3A_331 = arith.addi %add3A_330, %and3A_329 : vector<16xi32>
            %gather3A_332 = tpu.vector_load_idx %arg9[%add3A_331] : memref<4096xf32, #tpu.memory_space<vmem>>[vector<16xi32>], vector<16xf32>,
            %lt3A_333 = arith.cmpf olt, %gather3A_332, %get3A_121 : vector<16xf32>
            %jit3A_334 = arith.constant 1 : i32
            %jit3A_335 = arith.constant 0 : i32
            %broadcast_in_dim3A_336 = vector.broadcast %jit3A_334 : i32 to vector<16xi32>
            %broadcast_in_dim3A_337 = vector.broadcast %jit3A_335 : i32 to vector<16xi32>
            %select_n3A_338 = arith.select %lt3A_333, %broadcast_in_dim3A_336, %broadcast_in_dim3A_337 : vector<16xi1>, vector<16xi32>
            %add3A_339 = arith.addi %add3A_323, %select_n3A_338 : vector<16xi32>
            %add3A_340 = arith.constant 12 : i32
            %add3A_341 = vector.broadcast %add3A_340 : i32 to vector<16xi32>
            %add3A_342 = arith.addi %iota3A, %add3A_341 : vector<16xi32>
            %and3A_343 = arith.constant 15 : i32
            %and3A_344 = vector.broadcast %and3A_343 : i32 to vector<16xi32>
            %and3A_345 = arith.andi %add3A_342, %and3A_344 : vector<16xi32>
            %add3A_346 = vector.broadcast %mul3A_142 : i32 to vector<16xi32>
            %add3A_347 = arith.addi %add3A_346, %and3A_345 : vector<16xi32>
            %gather3A_348 = tpu.vector_load_idx %arg9[%add3A_347] : memref<4096xf32, #tpu.memory_space<vmem>>[vector<16xi32>], vector<16xf32>,
            %lt3A_349 = arith.cmpf olt, %gather3A_348, %get3A_121 : vector<16xf32>
            %jit3A_350 = arith.constant 1 : i32
            %jit3A_351 = arith.constant 0 : i32
            %broadcast_in_dim3A_352 = vector.broadcast %jit3A_350 : i32 to vector<16xi32>
            %broadcast_in_dim3A_353 = vector.broadcast %jit3A_351 : i32 to vector<16xi32>
            %select_n3A_354 = arith.select %lt3A_349, %broadcast_in_dim3A_352, %broadcast_in_dim3A_353 : vector<16xi1>, vector<16xi32>
            %add3A_355 = arith.addi %add3A_339, %select_n3A_354 : vector<16xi32>
            %add3A_356 = arith.constant 13 : i32
            %add3A_357 = vector.broadcast %add3A_356 : i32 to vector<16xi32>
            %add3A_358 = arith.addi %iota3A, %add3A_357 : vector<16xi32>
            %and3A_359 = arith.constant 15 : i32
            %and3A_360 = vector.broadcast %and3A_359 : i32 to vector<16xi32>
            %and3A_361 = arith.andi %add3A_358, %and3A_360 : vector<16xi32>
            %add3A_362 = vector.broadcast %mul3A_142 : i32 to vector<16xi32>
            %add3A_363 = arith.addi %add3A_362, %and3A_361 : vector<16xi32>
            %gather3A_364 = tpu.vector_load_idx %arg9[%add3A_363] : memref<4096xf32, #tpu.memory_space<vmem>>[vector<16xi32>], vector<16xf32>,
            %lt3A_365 = arith.cmpf olt, %gather3A_364, %get3A_121 : vector<16xf32>
            %jit3A_366 = arith.constant 1 : i32
            %jit3A_367 = arith.constant 0 : i32
            %broadcast_in_dim3A_368 = vector.broadcast %jit3A_366 : i32 to vector<16xi32>
            %broadcast_in_dim3A_369 = vector.broadcast %jit3A_367 : i32 to vector<16xi32>
            %select_n3A_370 = arith.select %lt3A_365, %broadcast_in_dim3A_368, %broadcast_in_dim3A_369 : vector<16xi1>, vector<16xi32>
            %add3A_371 = arith.addi %add3A_355, %select_n3A_370 : vector<16xi32>
            %add3A_372 = arith.constant 14 : i32
            %add3A_373 = vector.broadcast %add3A_372 : i32 to vector<16xi32>
            %add3A_374 = arith.addi %iota3A, %add3A_373 : vector<16xi32>
            %and3A_375 = arith.constant 15 : i32
            %and3A_376 = vector.broadcast %and3A_375 : i32 to vector<16xi32>
            %and3A_377 = arith.andi %add3A_374, %and3A_376 : vector<16xi32>
            %add3A_378 = vector.broadcast %mul3A_142 : i32 to vector<16xi32>
            %add3A_379 = arith.addi %add3A_378, %and3A_377 : vector<16xi32>
            %gather3A_380 = tpu.vector_load_idx %arg9[%add3A_379] : memref<4096xf32, #tpu.memory_space<vmem>>[vector<16xi32>], vector<16xf32>,
            %lt3A_381 = arith.cmpf olt, %gather3A_380, %get3A_121 : vector<16xf32>
            %jit3A_382 = arith.constant 1 : i32
            %jit3A_383 = arith.constant 0 : i32
            %broadcast_in_dim3A_384 = vector.broadcast %jit3A_382 : i32 to vector<16xi32>
            %broadcast_in_dim3A_385 = vector.broadcast %jit3A_383 : i32 to vector<16xi32>
            %select_n3A_386 = arith.select %lt3A_381, %broadcast_in_dim3A_384, %broadcast_in_dim3A_385 : vector<16xi1>, vector<16xi32>
            %add3A_387 = arith.addi %add3A_371, %select_n3A_386 : vector<16xi32>
            %add3A_388 = arith.constant 15 : i32
            %add3A_389 = vector.broadcast %add3A_388 : i32 to vector<16xi32>
            %add3A_390 = arith.addi %iota3A, %add3A_389 : vector<16xi32>
            %and3A_391 = arith.constant 15 : i32
            %and3A_392 = vector.broadcast %and3A_391 : i32 to vector<16xi32>
            %and3A_393 = arith.andi %add3A_390, %and3A_392 : vector<16xi32>
            %add3A_394 = vector.broadcast %mul3A_142 : i32 to vector<16xi32>
            %add3A_395 = arith.addi %add3A_394, %and3A_393 : vector<16xi32>
            %gather3A_396 = tpu.vector_load_idx %arg9[%add3A_395] : memref<4096xf32, #tpu.memory_space<vmem>>[vector<16xi32>], vector<16xf32>,
            %lt3A_397 = arith.cmpf olt, %gather3A_396, %get3A_121 : vector<16xf32>
            %jit3A_398 = arith.constant 1 : i32
            %jit3A_399 = arith.constant 0 : i32
            %broadcast_in_dim3A_400 = vector.broadcast %jit3A_398 : i32 to vector<16xi32>
            %broadcast_in_dim3A_401 = vector.broadcast %jit3A_399 : i32 to vector<16xi32>
            %select_n3A_402 = arith.select %lt3A_397, %broadcast_in_dim3A_400, %broadcast_in_dim3A_401 : vector<16xi1>, vector<16xi32>
            %add3A_403 = arith.addi %add3A_387, %select_n3A_402 : vector<16xi32>
            scf.yield %add3A_403 : vector<16xi32>
          }
          scf.yield %cond3A_148 : vector<16xi32>
        }
        scf.yield %cond3A_144 : vector<16xi32>
      }
      %mul3A_135 = arith.constant 16 : i32
      %mul3A_136 = arith.muli %while3A_118, %mul3A_135 : i32
      %get3A_137 = arith.index_cast %mul3A_136 : i32 to index
      %get3A_138 = tpu.vector_load %arg8[%get3A_137] {strides = array<i32>} : memref<4096xi32, #tpu.memory_space<vmem>>, vector<16xi32>,
      tpu.vector_store_idx %arg10[%while3A_134], %get3A_138 : memref<4096xi32, #tpu.memory_space<vmem>>[vector<16xi32>], vector<16xi32>,
    }
    %while3A_75 = arith.constant 1 : i32
    scf.for %while3A_118 = %while3A_73 to %while3A_69 step %while3A_75  : i32 {
      %mul3A_119 = arith.constant 16 : i32
      %mul3A_120 = arith.muli %while3A_118, %mul3A_119 : i32
      %get3A = arith.index_cast %mul3A_120 : i32 to index
      %get3A_121 = tpu.vector_load %arg9[%get3A] {strides = array<i32>} : memref<4096xf32, #tpu.memory_space<vmem>>, vector<16xf32>,
      %broadcast_in_dim3A_122 = arith.constant 0 : i32
      %broadcast_in_dim3A_123 = vector.broadcast %broadcast_in_dim3A_122 : i32 to vector<16xi32>
      %while3A_124 = arith.constant 0 : i32
      %while3A_125 = arith.subi %select_n3A_56, %while3A_124 : i32
      %while3A_126 = arith.addi %while3A_124, %while3A_125 : i32
      %while3A_127 = arith.constant 1 : i32
      %while3A_128 = arith.divsi %while3A_125, %while3A_127 : i32
      %while3A_129 = arith.muli %while3A_128, %while3A_127 : i32
      %while3A_130 = arith.addi %while3A_124, %while3A_129 : i32
      %while3A_131 = arith.constant 1 : i32
      %while3A_132 = scf.for %while3A_139 = %while3A_124 to %while3A_130 step %while3A_131 iter_args(%while3A_140 = %broadcast_in_dim3A_123) -> (vector<16xi32>)  : i32 {
        %mul3A_141 = arith.constant 16 : i32
        %mul3A_142 = arith.muli %while3A_139, %mul3A_141 : i32
        %lt3A = arith.cmpi slt, %while3A_139, %while3A_118 : i32
        %convert_element_type3A = arith.extui %lt3A : i1 to i32
        %cond3A = arith.constant 0 : i32
        %cond3A_143 = arith.cmpi ne, %convert_element_type3A, %cond3A : i32
        %cond3A_144 = scf.if %cond3A_143 -> (vector<16xi32>) {
          %add3A_145 = arith.constant 0 : i32
          %add3A_146 = vector.broadcast %add3A_145 : i32 to vector<16xi32>
          %add3A_147 = arith.addi %iota3A, %add3A_146 : vector<16xi32>
          %and3A_148 = arith.constant 15 : i32
          %and3A_149 = vector.broadcast %and3A_148 : i32 to vector<16xi32>
          %and3A_150 = arith.andi %add3A_147, %and3A_149 : vector<16xi32>
          %add3A_151 = vector.broadcast %mul3A_142 : i32 to vector<16xi32>
          %add3A_152 = arith.addi %add3A_151, %and3A_150 : vector<16xi32>
          %gather3A = tpu.vector_load_idx %arg9[%add3A_152] : memref<4096xf32, #tpu.memory_space<vmem>>[vector<16xi32>], vector<16xf32>,
          %le3A = arith.cmpf ole, %gather3A, %get3A_121 : vector<16xf32>
          %jit3A_153 = arith.constant 1 : i32
          %jit3A_154 = arith.constant 0 : i32
          %broadcast_in_dim3A_155 = vector.broadcast %jit3A_153 : i32 to vector<16xi32>
          %broadcast_in_dim3A_156 = vector.broadcast %jit3A_154 : i32 to vector<16xi32>
          %select_n3A_157 = arith.select %le3A, %broadcast_in_dim3A_155, %broadcast_in_dim3A_156 : vector<16xi1>, vector<16xi32>
          %add3A_158 = arith.addi %while3A_140, %select_n3A_157 : vector<16xi32>
          %add3A_159 = arith.constant 1 : i32
          %add3A_160 = vector.broadcast %add3A_159 : i32 to vector<16xi32>
          %add3A_161 = arith.addi %iota3A, %add3A_160 : vector<16xi32>
          %and3A_162 = arith.constant 15 : i32
          %and3A_163 = vector.broadcast %and3A_162 : i32 to vector<16xi32>
          %and3A_164 = arith.andi %add3A_161, %and3A_163 : vector<16xi32>
          %add3A_165 = vector.broadcast %mul3A_142 : i32 to vector<16xi32>
          %add3A_166 = arith.addi %add3A_165, %and3A_164 : vector<16xi32>
          %gather3A_167 = tpu.vector_load_idx %arg9[%add3A_166] : memref<4096xf32, #tpu.memory_space<vmem>>[vector<16xi32>], vector<16xf32>,
          %le3A_168 = arith.cmpf ole, %gather3A_167, %get3A_121 : vector<16xf32>
          %jit3A_169 = arith.constant 1 : i32
          %jit3A_170 = arith.constant 0 : i32
          %broadcast_in_dim3A_171 = vector.broadcast %jit3A_169 : i32 to vector<16xi32>
          %broadcast_in_dim3A_172 = vector.broadcast %jit3A_170 : i32 to vector<16xi32>
          %select_n3A_173 = arith.select %le3A_168, %broadcast_in_dim3A_171, %broadcast_in_dim3A_172 : vector<16xi1>, vector<16xi32>
          %add3A_174 = arith.addi %add3A_158, %select_n3A_173 : vector<16xi32>
          %add3A_175 = arith.constant 2 : i32
          %add3A_176 = vector.broadcast %add3A_175 : i32 to vector<16xi32>
          %add3A_177 = arith.addi %iota3A, %add3A_176 : vector<16xi32>
          %and3A_178 = arith.constant 15 : i32
          %and3A_179 = vector.broadcast %and3A_178 : i32 to vector<16xi32>
          %and3A_180 = arith.andi %add3A_177, %and3A_179 : vector<16xi32>
          %add3A_181 = vector.broadcast %mul3A_142 : i32 to vector<16xi32>
          %add3A_182 = arith.addi %add3A_181, %and3A_180 : vector<16xi32>
          %gather3A_183 = tpu.vector_load_idx %arg9[%add3A_182] : memref<4096xf32, #tpu.memory_space<vmem>>[vector<16xi32>], vector<16xf32>,
          %le3A_184 = arith.cmpf ole, %gather3A_183, %get3A_121 : vector<16xf32>
          %jit3A_185 = arith.constant 1 : i32
          %jit3A_186 = arith.constant 0 : i32
          %broadcast_in_dim3A_187 = vector.broadcast %jit3A_185 : i32 to vector<16xi32>
          %broadcast_in_dim3A_188 = vector.broadcast %jit3A_186 : i32 to vector<16xi32>
          %select_n3A_189 = arith.select %le3A_184, %broadcast_in_dim3A_187, %broadcast_in_dim3A_188 : vector<16xi1>, vector<16xi32>
          %add3A_190 = arith.addi %add3A_174, %select_n3A_189 : vector<16xi32>
          %add3A_191 = arith.constant 3 : i32
          %add3A_192 = vector.broadcast %add3A_191 : i32 to vector<16xi32>
          %add3A_193 = arith.addi %iota3A, %add3A_192 : vector<16xi32>
          %and3A_194 = arith.constant 15 : i32
          %and3A_195 = vector.broadcast %and3A_194 : i32 to vector<16xi32>
          %and3A_196 = arith.andi %add3A_193, %and3A_195 : vector<16xi32>
          %add3A_197 = vector.broadcast %mul3A_142 : i32 to vector<16xi32>
          %add3A_198 = arith.addi %add3A_197, %and3A_196 : vector<16xi32>
          %gather3A_199 = tpu.vector_load_idx %arg9[%add3A_198] : memref<4096xf32, #tpu.memory_space<vmem>>[vector<16xi32>], vector<16xf32>,
          %le3A_200 = arith.cmpf ole, %gather3A_199, %get3A_121 : vector<16xf32>
          %jit3A_201 = arith.constant 1 : i32
          %jit3A_202 = arith.constant 0 : i32
          %broadcast_in_dim3A_203 = vector.broadcast %jit3A_201 : i32 to vector<16xi32>
          %broadcast_in_dim3A_204 = vector.broadcast %jit3A_202 : i32 to vector<16xi32>
          %select_n3A_205 = arith.select %le3A_200, %broadcast_in_dim3A_203, %broadcast_in_dim3A_204 : vector<16xi1>, vector<16xi32>
          %add3A_206 = arith.addi %add3A_190, %select_n3A_205 : vector<16xi32>
          %add3A_207 = arith.constant 4 : i32
          %add3A_208 = vector.broadcast %add3A_207 : i32 to vector<16xi32>
          %add3A_209 = arith.addi %iota3A, %add3A_208 : vector<16xi32>
          %and3A_210 = arith.constant 15 : i32
          %and3A_211 = vector.broadcast %and3A_210 : i32 to vector<16xi32>
          %and3A_212 = arith.andi %add3A_209, %and3A_211 : vector<16xi32>
          %add3A_213 = vector.broadcast %mul3A_142 : i32 to vector<16xi32>
          %add3A_214 = arith.addi %add3A_213, %and3A_212 : vector<16xi32>
          %gather3A_215 = tpu.vector_load_idx %arg9[%add3A_214] : memref<4096xf32, #tpu.memory_space<vmem>>[vector<16xi32>], vector<16xf32>,
          %le3A_216 = arith.cmpf ole, %gather3A_215, %get3A_121 : vector<16xf32>
          %jit3A_217 = arith.constant 1 : i32
          %jit3A_218 = arith.constant 0 : i32
          %broadcast_in_dim3A_219 = vector.broadcast %jit3A_217 : i32 to vector<16xi32>
          %broadcast_in_dim3A_220 = vector.broadcast %jit3A_218 : i32 to vector<16xi32>
          %select_n3A_221 = arith.select %le3A_216, %broadcast_in_dim3A_219, %broadcast_in_dim3A_220 : vector<16xi1>, vector<16xi32>
          %add3A_222 = arith.addi %add3A_206, %select_n3A_221 : vector<16xi32>
          %add3A_223 = arith.constant 5 : i32
          %add3A_224 = vector.broadcast %add3A_223 : i32 to vector<16xi32>
          %add3A_225 = arith.addi %iota3A, %add3A_224 : vector<16xi32>
          %and3A_226 = arith.constant 15 : i32
          %and3A_227 = vector.broadcast %and3A_226 : i32 to vector<16xi32>
          %and3A_228 = arith.andi %add3A_225, %and3A_227 : vector<16xi32>
          %add3A_229 = vector.broadcast %mul3A_142 : i32 to vector<16xi32>
          %add3A_230 = arith.addi %add3A_229, %and3A_228 : vector<16xi32>
          %gather3A_231 = tpu.vector_load_idx %arg9[%add3A_230] : memref<4096xf32, #tpu.memory_space<vmem>>[vector<16xi32>], vector<16xf32>,
          %le3A_232 = arith.cmpf ole, %gather3A_231, %get3A_121 : vector<16xf32>
          %jit3A_233 = arith.constant 1 : i32
          %jit3A_234 = arith.constant 0 : i32
          %broadcast_in_dim3A_235 = vector.broadcast %jit3A_233 : i32 to vector<16xi32>
          %broadcast_in_dim3A_236 = vector.broadcast %jit3A_234 : i32 to vector<16xi32>
          %select_n3A_237 = arith.select %le3A_232, %broadcast_in_dim3A_235, %broadcast_in_dim3A_236 : vector<16xi1>, vector<16xi32>
          %add3A_238 = arith.addi %add3A_222, %select_n3A_237 : vector<16xi32>
          %add3A_239 = arith.constant 6 : i32
          %add3A_240 = vector.broadcast %add3A_239 : i32 to vector<16xi32>
          %add3A_241 = arith.addi %iota3A, %add3A_240 : vector<16xi32>
          %and3A_242 = arith.constant 15 : i32
          %and3A_243 = vector.broadcast %and3A_242 : i32 to vector<16xi32>
          %and3A_244 = arith.andi %add3A_241, %and3A_243 : vector<16xi32>
          %add3A_245 = vector.broadcast %mul3A_142 : i32 to vector<16xi32>
          %add3A_246 = arith.addi %add3A_245, %and3A_244 : vector<16xi32>
          %gather3A_247 = tpu.vector_load_idx %arg9[%add3A_246] : memref<4096xf32, #tpu.memory_space<vmem>>[vector<16xi32>], vector<16xf32>,
          %le3A_248 = arith.cmpf ole, %gather3A_247, %get3A_121 : vector<16xf32>
          %jit3A_249 = arith.constant 1 : i32
          %jit3A_250 = arith.constant 0 : i32
          %broadcast_in_dim3A_251 = vector.broadcast %jit3A_249 : i32 to vector<16xi32>
          %broadcast_in_dim3A_252 = vector.broadcast %jit3A_250 : i32 to vector<16xi32>
          %select_n3A_253 = arith.select %le3A_248, %broadcast_in_dim3A_251, %broadcast_in_dim3A_252 : vector<16xi1>, vector<16xi32>
          %add3A_254 = arith.addi %add3A_238, %select_n3A_253 : vector<16xi32>
          %add3A_255 = arith.constant 7 : i32
          %add3A_256 = vector.broadcast %add3A_255 : i32 to vector<16xi32>
          %add3A_257 = arith.addi %iota3A, %add3A_256 : vector<16xi32>
          %and3A_258 = arith.constant 15 : i32
          %and3A_259 = vector.broadcast %and3A_258 : i32 to vector<16xi32>
          %and3A_260 = arith.andi %add3A_257, %and3A_259 : vector<16xi32>
          %add3A_261 = vector.broadcast %mul3A_142 : i32 to vector<16xi32>
          %add3A_262 = arith.addi %add3A_261, %and3A_260 : vector<16xi32>
          %gather3A_263 = tpu.vector_load_idx %arg9[%add3A_262] : memref<4096xf32, #tpu.memory_space<vmem>>[vector<16xi32>], vector<16xf32>,
          %le3A_264 = arith.cmpf ole, %gather3A_263, %get3A_121 : vector<16xf32>
          %jit3A_265 = arith.constant 1 : i32
          %jit3A_266 = arith.constant 0 : i32
          %broadcast_in_dim3A_267 = vector.broadcast %jit3A_265 : i32 to vector<16xi32>
          %broadcast_in_dim3A_268 = vector.broadcast %jit3A_266 : i32 to vector<16xi32>
          %select_n3A_269 = arith.select %le3A_264, %broadcast_in_dim3A_267, %broadcast_in_dim3A_268 : vector<16xi1>, vector<16xi32>
          %add3A_270 = arith.addi %add3A_254, %select_n3A_269 : vector<16xi32>
          %add3A_271 = arith.constant 8 : i32
          %add3A_272 = vector.broadcast %add3A_271 : i32 to vector<16xi32>
          %add3A_273 = arith.addi %iota3A, %add3A_272 : vector<16xi32>
          %and3A_274 = arith.constant 15 : i32
          %and3A_275 = vector.broadcast %and3A_274 : i32 to vector<16xi32>
          %and3A_276 = arith.andi %add3A_273, %and3A_275 : vector<16xi32>
          %add3A_277 = vector.broadcast %mul3A_142 : i32 to vector<16xi32>
          %add3A_278 = arith.addi %add3A_277, %and3A_276 : vector<16xi32>
          %gather3A_279 = tpu.vector_load_idx %arg9[%add3A_278] : memref<4096xf32, #tpu.memory_space<vmem>>[vector<16xi32>], vector<16xf32>,
          %le3A_280 = arith.cmpf ole, %gather3A_279, %get3A_121 : vector<16xf32>
          %jit3A_281 = arith.constant 1 : i32
          %jit3A_282 = arith.constant 0 : i32
          %broadcast_in_dim3A_283 = vector.broadcast %jit3A_281 : i32 to vector<16xi32>
          %broadcast_in_dim3A_284 = vector.broadcast %jit3A_282 : i32 to vector<16xi32>
          %select_n3A_285 = arith.select %le3A_280, %broadcast_in_dim3A_283, %broadcast_in_dim3A_284 : vector<16xi1>, vector<16xi32>
          %add3A_286 = arith.addi %add3A_270, %select_n3A_285 : vector<16xi32>
          %add3A_287 = arith.constant 9 : i32
          %add3A_288 = vector.broadcast %add3A_287 : i32 to vector<16xi32>
          %add3A_289 = arith.addi %iota3A, %add3A_288 : vector<16xi32>
          %and3A_290 = arith.constant 15 : i32
          %and3A_291 = vector.broadcast %and3A_290 : i32 to vector<16xi32>
          %and3A_292 = arith.andi %add3A_289, %and3A_291 : vector<16xi32>
          %add3A_293 = vector.broadcast %mul3A_142 : i32 to vector<16xi32>
          %add3A_294 = arith.addi %add3A_293, %and3A_292 : vector<16xi32>
          %gather3A_295 = tpu.vector_load_idx %arg9[%add3A_294] : memref<4096xf32, #tpu.memory_space<vmem>>[vector<16xi32>], vector<16xf32>,
          %le3A_296 = arith.cmpf ole, %gather3A_295, %get3A_121 : vector<16xf32>
          %jit3A_297 = arith.constant 1 : i32
          %jit3A_298 = arith.constant 0 : i32
          %broadcast_in_dim3A_299 = vector.broadcast %jit3A_297 : i32 to vector<16xi32>
          %broadcast_in_dim3A_300 = vector.broadcast %jit3A_298 : i32 to vector<16xi32>
          %select_n3A_301 = arith.select %le3A_296, %broadcast_in_dim3A_299, %broadcast_in_dim3A_300 : vector<16xi1>, vector<16xi32>
          %add3A_302 = arith.addi %add3A_286, %select_n3A_301 : vector<16xi32>
          %add3A_303 = arith.constant 10 : i32
          %add3A_304 = vector.broadcast %add3A_303 : i32 to vector<16xi32>
          %add3A_305 = arith.addi %iota3A, %add3A_304 : vector<16xi32>
          %and3A_306 = arith.constant 15 : i32
          %and3A_307 = vector.broadcast %and3A_306 : i32 to vector<16xi32>
          %and3A_308 = arith.andi %add3A_305, %and3A_307 : vector<16xi32>
          %add3A_309 = vector.broadcast %mul3A_142 : i32 to vector<16xi32>
          %add3A_310 = arith.addi %add3A_309, %and3A_308 : vector<16xi32>
          %gather3A_311 = tpu.vector_load_idx %arg9[%add3A_310] : memref<4096xf32, #tpu.memory_space<vmem>>[vector<16xi32>], vector<16xf32>,
          %le3A_312 = arith.cmpf ole, %gather3A_311, %get3A_121 : vector<16xf32>
          %jit3A_313 = arith.constant 1 : i32
          %jit3A_314 = arith.constant 0 : i32
          %broadcast_in_dim3A_315 = vector.broadcast %jit3A_313 : i32 to vector<16xi32>
          %broadcast_in_dim3A_316 = vector.broadcast %jit3A_314 : i32 to vector<16xi32>
          %select_n3A_317 = arith.select %le3A_312, %broadcast_in_dim3A_315, %broadcast_in_dim3A_316 : vector<16xi1>, vector<16xi32>
          %add3A_318 = arith.addi %add3A_302, %select_n3A_317 : vector<16xi32>
          %add3A_319 = arith.constant 11 : i32
          %add3A_320 = vector.broadcast %add3A_319 : i32 to vector<16xi32>
          %add3A_321 = arith.addi %iota3A, %add3A_320 : vector<16xi32>
          %and3A_322 = arith.constant 15 : i32
          %and3A_323 = vector.broadcast %and3A_322 : i32 to vector<16xi32>
          %and3A_324 = arith.andi %add3A_321, %and3A_323 : vector<16xi32>
          %add3A_325 = vector.broadcast %mul3A_142 : i32 to vector<16xi32>
          %add3A_326 = arith.addi %add3A_325, %and3A_324 : vector<16xi32>
          %gather3A_327 = tpu.vector_load_idx %arg9[%add3A_326] : memref<4096xf32, #tpu.memory_space<vmem>>[vector<16xi32>], vector<16xf32>,
          %le3A_328 = arith.cmpf ole, %gather3A_327, %get3A_121 : vector<16xf32>
          %jit3A_329 = arith.constant 1 : i32
          %jit3A_330 = arith.constant 0 : i32
          %broadcast_in_dim3A_331 = vector.broadcast %jit3A_329 : i32 to vector<16xi32>
          %broadcast_in_dim3A_332 = vector.broadcast %jit3A_330 : i32 to vector<16xi32>
          %select_n3A_333 = arith.select %le3A_328, %broadcast_in_dim3A_331, %broadcast_in_dim3A_332 : vector<16xi1>, vector<16xi32>
          %add3A_334 = arith.addi %add3A_318, %select_n3A_333 : vector<16xi32>
          %add3A_335 = arith.constant 12 : i32
          %add3A_336 = vector.broadcast %add3A_335 : i32 to vector<16xi32>
          %add3A_337 = arith.addi %iota3A, %add3A_336 : vector<16xi32>
          %and3A_338 = arith.constant 15 : i32
          %and3A_339 = vector.broadcast %and3A_338 : i32 to vector<16xi32>
          %and3A_340 = arith.andi %add3A_337, %and3A_339 : vector<16xi32>
          %add3A_341 = vector.broadcast %mul3A_142 : i32 to vector<16xi32>
          %add3A_342 = arith.addi %add3A_341, %and3A_340 : vector<16xi32>
          %gather3A_343 = tpu.vector_load_idx %arg9[%add3A_342] : memref<4096xf32, #tpu.memory_space<vmem>>[vector<16xi32>], vector<16xf32>,
          %le3A_344 = arith.cmpf ole, %gather3A_343, %get3A_121 : vector<16xf32>
          %jit3A_345 = arith.constant 1 : i32
          %jit3A_346 = arith.constant 0 : i32
          %broadcast_in_dim3A_347 = vector.broadcast %jit3A_345 : i32 to vector<16xi32>
          %broadcast_in_dim3A_348 = vector.broadcast %jit3A_346 : i32 to vector<16xi32>
          %select_n3A_349 = arith.select %le3A_344, %broadcast_in_dim3A_347, %broadcast_in_dim3A_348 : vector<16xi1>, vector<16xi32>
          %add3A_350 = arith.addi %add3A_334, %select_n3A_349 : vector<16xi32>
          %add3A_351 = arith.constant 13 : i32
          %add3A_352 = vector.broadcast %add3A_351 : i32 to vector<16xi32>
          %add3A_353 = arith.addi %iota3A, %add3A_352 : vector<16xi32>
          %and3A_354 = arith.constant 15 : i32
          %and3A_355 = vector.broadcast %and3A_354 : i32 to vector<16xi32>
          %and3A_356 = arith.andi %add3A_353, %and3A_355 : vector<16xi32>
          %add3A_357 = vector.broadcast %mul3A_142 : i32 to vector<16xi32>
          %add3A_358 = arith.addi %add3A_357, %and3A_356 : vector<16xi32>
          %gather3A_359 = tpu.vector_load_idx %arg9[%add3A_358] : memref<4096xf32, #tpu.memory_space<vmem>>[vector<16xi32>], vector<16xf32>,
          %le3A_360 = arith.cmpf ole, %gather3A_359, %get3A_121 : vector<16xf32>
          %jit3A_361 = arith.constant 1 : i32
          %jit3A_362 = arith.constant 0 : i32
          %broadcast_in_dim3A_363 = vector.broadcast %jit3A_361 : i32 to vector<16xi32>
          %broadcast_in_dim3A_364 = vector.broadcast %jit3A_362 : i32 to vector<16xi32>
          %select_n3A_365 = arith.select %le3A_360, %broadcast_in_dim3A_363, %broadcast_in_dim3A_364 : vector<16xi1>, vector<16xi32>
          %add3A_366 = arith.addi %add3A_350, %select_n3A_365 : vector<16xi32>
          %add3A_367 = arith.constant 14 : i32
          %add3A_368 = vector.broadcast %add3A_367 : i32 to vector<16xi32>
          %add3A_369 = arith.addi %iota3A, %add3A_368 : vector<16xi32>
          %and3A_370 = arith.constant 15 : i32
          %and3A_371 = vector.broadcast %and3A_370 : i32 to vector<16xi32>
          %and3A_372 = arith.andi %add3A_369, %and3A_371 : vector<16xi32>
          %add3A_373 = vector.broadcast %mul3A_142 : i32 to vector<16xi32>
          %add3A_374 = arith.addi %add3A_373, %and3A_372 : vector<16xi32>
          %gather3A_375 = tpu.vector_load_idx %arg9[%add3A_374] : memref<4096xf32, #tpu.memory_space<vmem>>[vector<16xi32>], vector<16xf32>,
          %le3A_376 = arith.cmpf ole, %gather3A_375, %get3A_121 : vector<16xf32>
          %jit3A_377 = arith.constant 1 : i32
          %jit3A_378 = arith.constant 0 : i32
          %broadcast_in_dim3A_379 = vector.broadcast %jit3A_377 : i32 to vector<16xi32>
          %broadcast_in_dim3A_380 = vector.broadcast %jit3A_378 : i32 to vector<16xi32>
          %select_n3A_381 = arith.select %le3A_376, %broadcast_in_dim3A_379, %broadcast_in_dim3A_380 : vector<16xi1>, vector<16xi32>
          %add3A_382 = arith.addi %add3A_366, %select_n3A_381 : vector<16xi32>
          %add3A_383 = arith.constant 15 : i32
          %add3A_384 = vector.broadcast %add3A_383 : i32 to vector<16xi32>
          %add3A_385 = arith.addi %iota3A, %add3A_384 : vector<16xi32>
          %and3A_386 = arith.constant 15 : i32
          %and3A_387 = vector.broadcast %and3A_386 : i32 to vector<16xi32>
          %and3A_388 = arith.andi %add3A_385, %and3A_387 : vector<16xi32>
          %add3A_389 = vector.broadcast %mul3A_142 : i32 to vector<16xi32>
          %add3A_390 = arith.addi %add3A_389, %and3A_388 : vector<16xi32>
          %gather3A_391 = tpu.vector_load_idx %arg9[%add3A_390] : memref<4096xf32, #tpu.memory_space<vmem>>[vector<16xi32>], vector<16xf32>,
          %le3A_392 = arith.cmpf ole, %gather3A_391, %get3A_121 : vector<16xf32>
          %jit3A_393 = arith.constant 1 : i32
          %jit3A_394 = arith.constant 0 : i32
          %broadcast_in_dim3A_395 = vector.broadcast %jit3A_393 : i32 to vector<16xi32>
          %broadcast_in_dim3A_396 = vector.broadcast %jit3A_394 : i32 to vector<16xi32>
          %select_n3A_397 = arith.select %le3A_392, %broadcast_in_dim3A_395, %broadcast_in_dim3A_396 : vector<16xi1>, vector<16xi32>
          %add3A_398 = arith.addi %add3A_382, %select_n3A_397 : vector<16xi32>
          scf.yield %add3A_398 : vector<16xi32>
        } else {
          %eq3A = arith.cmpi eq, %while3A_139, %while3A_118 : i32
          %convert_element_type3A_145 = arith.extui %eq3A : i1 to i32
          %cond3A_146 = arith.constant 0 : i32
          %cond3A_147 = arith.cmpi ne, %convert_element_type3A_145, %cond3A_146 : i32
          %cond3A_148 = scf.if %cond3A_147 -> (vector<16xi32>) {
            %add3A_149 = arith.constant 0 : i32
            %add3A_150 = vector.broadcast %add3A_149 : i32 to vector<16xi32>
            %add3A_151 = arith.addi %iota3A, %add3A_150 : vector<16xi32>
            %and3A_152 = arith.constant 15 : i32
            %and3A_153 = vector.broadcast %and3A_152 : i32 to vector<16xi32>
            %and3A_154 = arith.andi %add3A_151, %and3A_153 : vector<16xi32>
            %add3A_155 = vector.broadcast %mul3A_142 : i32 to vector<16xi32>
            %add3A_156 = arith.addi %add3A_155, %and3A_154 : vector<16xi32>
            %gather3A = tpu.vector_load_idx %arg9[%add3A_156] : memref<4096xf32, #tpu.memory_space<vmem>>[vector<16xi32>], vector<16xf32>,
            %lt3A_157 = arith.cmpf olt, %gather3A, %get3A_121 : vector<16xf32>
            %eq3A_158 = arith.cmpf oeq, %gather3A, %get3A_121 : vector<16xf32>
            %lt3A_159 = arith.cmpi slt, %and3A_154, %iota3A : vector<16xi32>
            %and3A_160 = arith.andi %eq3A_158, %lt3A_159 : vector<16xi1>
            %or3A = arith.ori %lt3A_157, %and3A_160 : vector<16xi1>
            %jit3A_161 = arith.constant 1 : i32
            %jit3A_162 = arith.constant 0 : i32
            %broadcast_in_dim3A_163 = vector.broadcast %jit3A_161 : i32 to vector<16xi32>
            %broadcast_in_dim3A_164 = vector.broadcast %jit3A_162 : i32 to vector<16xi32>
            %select_n3A_165 = arith.select %or3A, %broadcast_in_dim3A_163, %broadcast_in_dim3A_164 : vector<16xi1>, vector<16xi32>
            %add3A_166 = arith.addi %while3A_140, %select_n3A_165 : vector<16xi32>
            %add3A_167 = arith.constant 1 : i32
            %add3A_168 = vector.broadcast %add3A_167 : i32 to vector<16xi32>
            %add3A_169 = arith.addi %iota3A, %add3A_168 : vector<16xi32>
            %and3A_170 = arith.constant 15 : i32
            %and3A_171 = vector.broadcast %and3A_170 : i32 to vector<16xi32>
            %and3A_172 = arith.andi %add3A_169, %and3A_171 : vector<16xi32>
            %add3A_173 = vector.broadcast %mul3A_142 : i32 to vector<16xi32>
            %add3A_174 = arith.addi %add3A_173, %and3A_172 : vector<16xi32>
            %gather3A_175 = tpu.vector_load_idx %arg9[%add3A_174] : memref<4096xf32, #tpu.memory_space<vmem>>[vector<16xi32>], vector<16xf32>,
            %lt3A_176 = arith.cmpf olt, %gather3A_175, %get3A_121 : vector<16xf32>
            %eq3A_177 = arith.cmpf oeq, %gather3A_175, %get3A_121 : vector<16xf32>
            %lt3A_178 = arith.cmpi slt, %and3A_172, %iota3A : vector<16xi32>
            %and3A_179 = arith.andi %eq3A_177, %lt3A_178 : vector<16xi1>
            %or3A_180 = arith.ori %lt3A_176, %and3A_179 : vector<16xi1>
            %jit3A_181 = arith.constant 1 : i32
            %jit3A_182 = arith.constant 0 : i32
            %broadcast_in_dim3A_183 = vector.broadcast %jit3A_181 : i32 to vector<16xi32>
            %broadcast_in_dim3A_184 = vector.broadcast %jit3A_182 : i32 to vector<16xi32>
            %select_n3A_185 = arith.select %or3A_180, %broadcast_in_dim3A_183, %broadcast_in_dim3A_184 : vector<16xi1>, vector<16xi32>
            %add3A_186 = arith.addi %add3A_166, %select_n3A_185 : vector<16xi32>
            %add3A_187 = arith.constant 2 : i32
            %add3A_188 = vector.broadcast %add3A_187 : i32 to vector<16xi32>
            %add3A_189 = arith.addi %iota3A, %add3A_188 : vector<16xi32>
            %and3A_190 = arith.constant 15 : i32
            %and3A_191 = vector.broadcast %and3A_190 : i32 to vector<16xi32>
            %and3A_192 = arith.andi %add3A_189, %and3A_191 : vector<16xi32>
            %add3A_193 = vector.broadcast %mul3A_142 : i32 to vector<16xi32>
            %add3A_194 = arith.addi %add3A_193, %and3A_192 : vector<16xi32>
            %gather3A_195 = tpu.vector_load_idx %arg9[%add3A_194] : memref<4096xf32, #tpu.memory_space<vmem>>[vector<16xi32>], vector<16xf32>,
            %lt3A_196 = arith.cmpf olt, %gather3A_195, %get3A_121 : vector<16xf32>
            %eq3A_197 = arith.cmpf oeq, %gather3A_195, %get3A_121 : vector<16xf32>
            %lt3A_198 = arith.cmpi slt, %and3A_192, %iota3A : vector<16xi32>
            %and3A_199 = arith.andi %eq3A_197, %lt3A_198 : vector<16xi1>
            %or3A_200 = arith.ori %lt3A_196, %and3A_199 : vector<16xi1>
            %jit3A_201 = arith.constant 1 : i32
            %jit3A_202 = arith.constant 0 : i32
            %broadcast_in_dim3A_203 = vector.broadcast %jit3A_201 : i32 to vector<16xi32>
            %broadcast_in_dim3A_204 = vector.broadcast %jit3A_202 : i32 to vector<16xi32>
            %select_n3A_205 = arith.select %or3A_200, %broadcast_in_dim3A_203, %broadcast_in_dim3A_204 : vector<16xi1>, vector<16xi32>
            %add3A_206 = arith.addi %add3A_186, %select_n3A_205 : vector<16xi32>
            %add3A_207 = arith.constant 3 : i32
            %add3A_208 = vector.broadcast %add3A_207 : i32 to vector<16xi32>
            %add3A_209 = arith.addi %iota3A, %add3A_208 : vector<16xi32>
            %and3A_210 = arith.constant 15 : i32
            %and3A_211 = vector.broadcast %and3A_210 : i32 to vector<16xi32>
            %and3A_212 = arith.andi %add3A_209, %and3A_211 : vector<16xi32>
            %add3A_213 = vector.broadcast %mul3A_142 : i32 to vector<16xi32>
            %add3A_214 = arith.addi %add3A_213, %and3A_212 : vector<16xi32>
            %gather3A_215 = tpu.vector_load_idx %arg9[%add3A_214] : memref<4096xf32, #tpu.memory_space<vmem>>[vector<16xi32>], vector<16xf32>,
            %lt3A_216 = arith.cmpf olt, %gather3A_215, %get3A_121 : vector<16xf32>
            %eq3A_217 = arith.cmpf oeq, %gather3A_215, %get3A_121 : vector<16xf32>
            %lt3A_218 = arith.cmpi slt, %and3A_212, %iota3A : vector<16xi32>
            %and3A_219 = arith.andi %eq3A_217, %lt3A_218 : vector<16xi1>
            %or3A_220 = arith.ori %lt3A_216, %and3A_219 : vector<16xi1>
            %jit3A_221 = arith.constant 1 : i32
            %jit3A_222 = arith.constant 0 : i32
            %broadcast_in_dim3A_223 = vector.broadcast %jit3A_221 : i32 to vector<16xi32>
            %broadcast_in_dim3A_224 = vector.broadcast %jit3A_222 : i32 to vector<16xi32>
            %select_n3A_225 = arith.select %or3A_220, %broadcast_in_dim3A_223, %broadcast_in_dim3A_224 : vector<16xi1>, vector<16xi32>
            %add3A_226 = arith.addi %add3A_206, %select_n3A_225 : vector<16xi32>
            %add3A_227 = arith.constant 4 : i32
            %add3A_228 = vector.broadcast %add3A_227 : i32 to vector<16xi32>
            %add3A_229 = arith.addi %iota3A, %add3A_228 : vector<16xi32>
            %and3A_230 = arith.constant 15 : i32
            %and3A_231 = vector.broadcast %and3A_230 : i32 to vector<16xi32>
            %and3A_232 = arith.andi %add3A_229, %and3A_231 : vector<16xi32>
            %add3A_233 = vector.broadcast %mul3A_142 : i32 to vector<16xi32>
            %add3A_234 = arith.addi %add3A_233, %and3A_232 : vector<16xi32>
            %gather3A_235 = tpu.vector_load_idx %arg9[%add3A_234] : memref<4096xf32, #tpu.memory_space<vmem>>[vector<16xi32>], vector<16xf32>,
            %lt3A_236 = arith.cmpf olt, %gather3A_235, %get3A_121 : vector<16xf32>
            %eq3A_237 = arith.cmpf oeq, %gather3A_235, %get3A_121 : vector<16xf32>
            %lt3A_238 = arith.cmpi slt, %and3A_232, %iota3A : vector<16xi32>
            %and3A_239 = arith.andi %eq3A_237, %lt3A_238 : vector<16xi1>
            %or3A_240 = arith.ori %lt3A_236, %and3A_239 : vector<16xi1>
            %jit3A_241 = arith.constant 1 : i32
            %jit3A_242 = arith.constant 0 : i32
            %broadcast_in_dim3A_243 = vector.broadcast %jit3A_241 : i32 to vector<16xi32>
            %broadcast_in_dim3A_244 = vector.broadcast %jit3A_242 : i32 to vector<16xi32>
            %select_n3A_245 = arith.select %or3A_240, %broadcast_in_dim3A_243, %broadcast_in_dim3A_244 : vector<16xi1>, vector<16xi32>
            %add3A_246 = arith.addi %add3A_226, %select_n3A_245 : vector<16xi32>
            %add3A_247 = arith.constant 5 : i32
            %add3A_248 = vector.broadcast %add3A_247 : i32 to vector<16xi32>
            %add3A_249 = arith.addi %iota3A, %add3A_248 : vector<16xi32>
            %and3A_250 = arith.constant 15 : i32
            %and3A_251 = vector.broadcast %and3A_250 : i32 to vector<16xi32>
            %and3A_252 = arith.andi %add3A_249, %and3A_251 : vector<16xi32>
            %add3A_253 = vector.broadcast %mul3A_142 : i32 to vector<16xi32>
            %add3A_254 = arith.addi %add3A_253, %and3A_252 : vector<16xi32>
            %gather3A_255 = tpu.vector_load_idx %arg9[%add3A_254] : memref<4096xf32, #tpu.memory_space<vmem>>[vector<16xi32>], vector<16xf32>,
            %lt3A_256 = arith.cmpf olt, %gather3A_255, %get3A_121 : vector<16xf32>
            %eq3A_257 = arith.cmpf oeq, %gather3A_255, %get3A_121 : vector<16xf32>
            %lt3A_258 = arith.cmpi slt, %and3A_252, %iota3A : vector<16xi32>
            %and3A_259 = arith.andi %eq3A_257, %lt3A_258 : vector<16xi1>
            %or3A_260 = arith.ori %lt3A_256, %and3A_259 : vector<16xi1>
            %jit3A_261 = arith.constant 1 : i32
            %jit3A_262 = arith.constant 0 : i32
            %broadcast_in_dim3A_263 = vector.broadcast %jit3A_261 : i32 to vector<16xi32>
            %broadcast_in_dim3A_264 = vector.broadcast %jit3A_262 : i32 to vector<16xi32>
            %select_n3A_265 = arith.select %or3A_260, %broadcast_in_dim3A_263, %broadcast_in_dim3A_264 : vector<16xi1>, vector<16xi32>
            %add3A_266 = arith.addi %add3A_246, %select_n3A_265 : vector<16xi32>
            %add3A_267 = arith.constant 6 : i32
            %add3A_268 = vector.broadcast %add3A_267 : i32 to vector<16xi32>
            %add3A_269 = arith.addi %iota3A, %add3A_268 : vector<16xi32>
            %and3A_270 = arith.constant 15 : i32
            %and3A_271 = vector.broadcast %and3A_270 : i32 to vector<16xi32>
            %and3A_272 = arith.andi %add3A_269, %and3A_271 : vector<16xi32>
            %add3A_273 = vector.broadcast %mul3A_142 : i32 to vector<16xi32>
            %add3A_274 = arith.addi %add3A_273, %and3A_272 : vector<16xi32>
            %gather3A_275 = tpu.vector_load_idx %arg9[%add3A_274] : memref<4096xf32, #tpu.memory_space<vmem>>[vector<16xi32>], vector<16xf32>,
            %lt3A_276 = arith.cmpf olt, %gather3A_275, %get3A_121 : vector<16xf32>
            %eq3A_277 = arith.cmpf oeq, %gather3A_275, %get3A_121 : vector<16xf32>
            %lt3A_278 = arith.cmpi slt, %and3A_272, %iota3A : vector<16xi32>
            %and3A_279 = arith.andi %eq3A_277, %lt3A_278 : vector<16xi1>
            %or3A_280 = arith.ori %lt3A_276, %and3A_279 : vector<16xi1>
            %jit3A_281 = arith.constant 1 : i32
            %jit3A_282 = arith.constant 0 : i32
            %broadcast_in_dim3A_283 = vector.broadcast %jit3A_281 : i32 to vector<16xi32>
            %broadcast_in_dim3A_284 = vector.broadcast %jit3A_282 : i32 to vector<16xi32>
            %select_n3A_285 = arith.select %or3A_280, %broadcast_in_dim3A_283, %broadcast_in_dim3A_284 : vector<16xi1>, vector<16xi32>
            %add3A_286 = arith.addi %add3A_266, %select_n3A_285 : vector<16xi32>
            %add3A_287 = arith.constant 7 : i32
            %add3A_288 = vector.broadcast %add3A_287 : i32 to vector<16xi32>
            %add3A_289 = arith.addi %iota3A, %add3A_288 : vector<16xi32>
            %and3A_290 = arith.constant 15 : i32
            %and3A_291 = vector.broadcast %and3A_290 : i32 to vector<16xi32>
            %and3A_292 = arith.andi %add3A_289, %and3A_291 : vector<16xi32>
            %add3A_293 = vector.broadcast %mul3A_142 : i32 to vector<16xi32>
            %add3A_294 = arith.addi %add3A_293, %and3A_292 : vector<16xi32>
            %gather3A_295 = tpu.vector_load_idx %arg9[%add3A_294] : memref<4096xf32, #tpu.memory_space<vmem>>[vector<16xi32>], vector<16xf32>,
            %lt3A_296 = arith.cmpf olt, %gather3A_295, %get3A_121 : vector<16xf32>
            %eq3A_297 = arith.cmpf oeq, %gather3A_295, %get3A_121 : vector<16xf32>
            %lt3A_298 = arith.cmpi slt, %and3A_292, %iota3A : vector<16xi32>
            %and3A_299 = arith.andi %eq3A_297, %lt3A_298 : vector<16xi1>
            %or3A_300 = arith.ori %lt3A_296, %and3A_299 : vector<16xi1>
            %jit3A_301 = arith.constant 1 : i32
            %jit3A_302 = arith.constant 0 : i32
            %broadcast_in_dim3A_303 = vector.broadcast %jit3A_301 : i32 to vector<16xi32>
            %broadcast_in_dim3A_304 = vector.broadcast %jit3A_302 : i32 to vector<16xi32>
            %select_n3A_305 = arith.select %or3A_300, %broadcast_in_dim3A_303, %broadcast_in_dim3A_304 : vector<16xi1>, vector<16xi32>
            %add3A_306 = arith.addi %add3A_286, %select_n3A_305 : vector<16xi32>
            %add3A_307 = arith.constant 8 : i32
            %add3A_308 = vector.broadcast %add3A_307 : i32 to vector<16xi32>
            %add3A_309 = arith.addi %iota3A, %add3A_308 : vector<16xi32>
            %and3A_310 = arith.constant 15 : i32
            %and3A_311 = vector.broadcast %and3A_310 : i32 to vector<16xi32>
            %and3A_312 = arith.andi %add3A_309, %and3A_311 : vector<16xi32>
            %add3A_313 = vector.broadcast %mul3A_142 : i32 to vector<16xi32>
            %add3A_314 = arith.addi %add3A_313, %and3A_312 : vector<16xi32>
            %gather3A_315 = tpu.vector_load_idx %arg9[%add3A_314] : memref<4096xf32, #tpu.memory_space<vmem>>[vector<16xi32>], vector<16xf32>,
            %lt3A_316 = arith.cmpf olt, %gather3A_315, %get3A_121 : vector<16xf32>
            %eq3A_317 = arith.cmpf oeq, %gather3A_315, %get3A_121 : vector<16xf32>
            %lt3A_318 = arith.cmpi slt, %and3A_312, %iota3A : vector<16xi32>
            %and3A_319 = arith.andi %eq3A_317, %lt3A_318 : vector<16xi1>
            %or3A_320 = arith.ori %lt3A_316, %and3A_319 : vector<16xi1>
            %jit3A_321 = arith.constant 1 : i32
            %jit3A_322 = arith.constant 0 : i32
            %broadcast_in_dim3A_323 = vector.broadcast %jit3A_321 : i32 to vector<16xi32>
            %broadcast_in_dim3A_324 = vector.broadcast %jit3A_322 : i32 to vector<16xi32>
            %select_n3A_325 = arith.select %or3A_320, %broadcast_in_dim3A_323, %broadcast_in_dim3A_324 : vector<16xi1>, vector<16xi32>
            %add3A_326 = arith.addi %add3A_306, %select_n3A_325 : vector<16xi32>
            %add3A_327 = arith.constant 9 : i32
            %add3A_328 = vector.broadcast %add3A_327 : i32 to vector<16xi32>
            %add3A_329 = arith.addi %iota3A, %add3A_328 : vector<16xi32>
            %and3A_330 = arith.constant 15 : i32
            %and3A_331 = vector.broadcast %and3A_330 : i32 to vector<16xi32>
            %and3A_332 = arith.andi %add3A_329, %and3A_331 : vector<16xi32>
            %add3A_333 = vector.broadcast %mul3A_142 : i32 to vector<16xi32>
            %add3A_334 = arith.addi %add3A_333, %and3A_332 : vector<16xi32>
            %gather3A_335 = tpu.vector_load_idx %arg9[%add3A_334] : memref<4096xf32, #tpu.memory_space<vmem>>[vector<16xi32>], vector<16xf32>,
            %lt3A_336 = arith.cmpf olt, %gather3A_335, %get3A_121 : vector<16xf32>
            %eq3A_337 = arith.cmpf oeq, %gather3A_335, %get3A_121 : vector<16xf32>
            %lt3A_338 = arith.cmpi slt, %and3A_332, %iota3A : vector<16xi32>
            %and3A_339 = arith.andi %eq3A_337, %lt3A_338 : vector<16xi1>
            %or3A_340 = arith.ori %lt3A_336, %and3A_339 : vector<16xi1>
            %jit3A_341 = arith.constant 1 : i32
            %jit3A_342 = arith.constant 0 : i32
            %broadcast_in_dim3A_343 = vector.broadcast %jit3A_341 : i32 to vector<16xi32>
            %broadcast_in_dim3A_344 = vector.broadcast %jit3A_342 : i32 to vector<16xi32>
            %select_n3A_345 = arith.select %or3A_340, %broadcast_in_dim3A_343, %broadcast_in_dim3A_344 : vector<16xi1>, vector<16xi32>
            %add3A_346 = arith.addi %add3A_326, %select_n3A_345 : vector<16xi32>
            %add3A_347 = arith.constant 10 : i32
            %add3A_348 = vector.broadcast %add3A_347 : i32 to vector<16xi32>
            %add3A_349 = arith.addi %iota3A, %add3A_348 : vector<16xi32>
            %and3A_350 = arith.constant 15 : i32
            %and3A_351 = vector.broadcast %and3A_350 : i32 to vector<16xi32>
            %and3A_352 = arith.andi %add3A_349, %and3A_351 : vector<16xi32>
            %add3A_353 = vector.broadcast %mul3A_142 : i32 to vector<16xi32>
            %add3A_354 = arith.addi %add3A_353, %and3A_352 : vector<16xi32>
            %gather3A_355 = tpu.vector_load_idx %arg9[%add3A_354] : memref<4096xf32, #tpu.memory_space<vmem>>[vector<16xi32>], vector<16xf32>,
            %lt3A_356 = arith.cmpf olt, %gather3A_355, %get3A_121 : vector<16xf32>
            %eq3A_357 = arith.cmpf oeq, %gather3A_355, %get3A_121 : vector<16xf32>
            %lt3A_358 = arith.cmpi slt, %and3A_352, %iota3A : vector<16xi32>
            %and3A_359 = arith.andi %eq3A_357, %lt3A_358 : vector<16xi1>
            %or3A_360 = arith.ori %lt3A_356, %and3A_359 : vector<16xi1>
            %jit3A_361 = arith.constant 1 : i32
            %jit3A_362 = arith.constant 0 : i32
            %broadcast_in_dim3A_363 = vector.broadcast %jit3A_361 : i32 to vector<16xi32>
            %broadcast_in_dim3A_364 = vector.broadcast %jit3A_362 : i32 to vector<16xi32>
            %select_n3A_365 = arith.select %or3A_360, %broadcast_in_dim3A_363, %broadcast_in_dim3A_364 : vector<16xi1>, vector<16xi32>
            %add3A_366 = arith.addi %add3A_346, %select_n3A_365 : vector<16xi32>
            %add3A_367 = arith.constant 11 : i32
            %add3A_368 = vector.broadcast %add3A_367 : i32 to vector<16xi32>
            %add3A_369 = arith.addi %iota3A, %add3A_368 : vector<16xi32>
            %and3A_370 = arith.constant 15 : i32
            %and3A_371 = vector.broadcast %and3A_370 : i32 to vector<16xi32>
            %and3A_372 = arith.andi %add3A_369, %and3A_371 : vector<16xi32>
            %add3A_373 = vector.broadcast %mul3A_142 : i32 to vector<16xi32>
            %add3A_374 = arith.addi %add3A_373, %and3A_372 : vector<16xi32>
            %gather3A_375 = tpu.vector_load_idx %arg9[%add3A_374] : memref<4096xf32, #tpu.memory_space<vmem>>[vector<16xi32>], vector<16xf32>,
            %lt3A_376 = arith.cmpf olt, %gather3A_375, %get3A_121 : vector<16xf32>
            %eq3A_377 = arith.cmpf oeq, %gather3A_375, %get3A_121 : vector<16xf32>
            %lt3A_378 = arith.cmpi slt, %and3A_372, %iota3A : vector<16xi32>
            %and3A_379 = arith.andi %eq3A_377, %lt3A_378 : vector<16xi1>
            %or3A_380 = arith.ori %lt3A_376, %and3A_379 : vector<16xi1>
            %jit3A_381 = arith.constant 1 : i32
            %jit3A_382 = arith.constant 0 : i32
            %broadcast_in_dim3A_383 = vector.broadcast %jit3A_381 : i32 to vector<16xi32>
            %broadcast_in_dim3A_384 = vector.broadcast %jit3A_382 : i32 to vector<16xi32>
            %select_n3A_385 = arith.select %or3A_380, %broadcast_in_dim3A_383, %broadcast_in_dim3A_384 : vector<16xi1>, vector<16xi32>
            %add3A_386 = arith.addi %add3A_366, %select_n3A_385 : vector<16xi32>
            %add3A_387 = arith.constant 12 : i32
            %add3A_388 = vector.broadcast %add3A_387 : i32 to vector<16xi32>
            %add3A_389 = arith.addi %iota3A, %add3A_388 : vector<16xi32>
            %and3A_390 = arith.constant 15 : i32
            %and3A_391 = vector.broadcast %and3A_390 : i32 to vector<16xi32>
            %and3A_392 = arith.andi %add3A_389, %and3A_391 : vector<16xi32>
            %add3A_393 = vector.broadcast %mul3A_142 : i32 to vector<16xi32>
            %add3A_394 = arith.addi %add3A_393, %and3A_392 : vector<16xi32>
            %gather3A_395 = tpu.vector_load_idx %arg9[%add3A_394] : memref<4096xf32, #tpu.memory_space<vmem>>[vector<16xi32>], vector<16xf32>,
            %lt3A_396 = arith.cmpf olt, %gather3A_395, %get3A_121 : vector<16xf32>
            %eq3A_397 = arith.cmpf oeq, %gather3A_395, %get3A_121 : vector<16xf32>
            %lt3A_398 = arith.cmpi slt, %and3A_392, %iota3A : vector<16xi32>
            %and3A_399 = arith.andi %eq3A_397, %lt3A_398 : vector<16xi1>
            %or3A_400 = arith.ori %lt3A_396, %and3A_399 : vector<16xi1>
            %jit3A_401 = arith.constant 1 : i32
            %jit3A_402 = arith.constant 0 : i32
            %broadcast_in_dim3A_403 = vector.broadcast %jit3A_401 : i32 to vector<16xi32>
            %broadcast_in_dim3A_404 = vector.broadcast %jit3A_402 : i32 to vector<16xi32>
            %select_n3A_405 = arith.select %or3A_400, %broadcast_in_dim3A_403, %broadcast_in_dim3A_404 : vector<16xi1>, vector<16xi32>
            %add3A_406 = arith.addi %add3A_386, %select_n3A_405 : vector<16xi32>
            %add3A_407 = arith.constant 13 : i32
            %add3A_408 = vector.broadcast %add3A_407 : i32 to vector<16xi32>
            %add3A_409 = arith.addi %iota3A, %add3A_408 : vector<16xi32>
            %and3A_410 = arith.constant 15 : i32
            %and3A_411 = vector.broadcast %and3A_410 : i32 to vector<16xi32>
            %and3A_412 = arith.andi %add3A_409, %and3A_411 : vector<16xi32>
            %add3A_413 = vector.broadcast %mul3A_142 : i32 to vector<16xi32>
            %add3A_414 = arith.addi %add3A_413, %and3A_412 : vector<16xi32>
            %gather3A_415 = tpu.vector_load_idx %arg9[%add3A_414] : memref<4096xf32, #tpu.memory_space<vmem>>[vector<16xi32>], vector<16xf32>,
            %lt3A_416 = arith.cmpf olt, %gather3A_415, %get3A_121 : vector<16xf32>
            %eq3A_417 = arith.cmpf oeq, %gather3A_415, %get3A_121 : vector<16xf32>
            %lt3A_418 = arith.cmpi slt, %and3A_412, %iota3A : vector<16xi32>
            %and3A_419 = arith.andi %eq3A_417, %lt3A_418 : vector<16xi1>
            %or3A_420 = arith.ori %lt3A_416, %and3A_419 : vector<16xi1>
            %jit3A_421 = arith.constant 1 : i32
            %jit3A_422 = arith.constant 0 : i32
            %broadcast_in_dim3A_423 = vector.broadcast %jit3A_421 : i32 to vector<16xi32>
            %broadcast_in_dim3A_424 = vector.broadcast %jit3A_422 : i32 to vector<16xi32>
            %select_n3A_425 = arith.select %or3A_420, %broadcast_in_dim3A_423, %broadcast_in_dim3A_424 : vector<16xi1>, vector<16xi32>
            %add3A_426 = arith.addi %add3A_406, %select_n3A_425 : vector<16xi32>
            %add3A_427 = arith.constant 14 : i32
            %add3A_428 = vector.broadcast %add3A_427 : i32 to vector<16xi32>
            %add3A_429 = arith.addi %iota3A, %add3A_428 : vector<16xi32>
            %and3A_430 = arith.constant 15 : i32
            %and3A_431 = vector.broadcast %and3A_430 : i32 to vector<16xi32>
            %and3A_432 = arith.andi %add3A_429, %and3A_431 : vector<16xi32>
            %add3A_433 = vector.broadcast %mul3A_142 : i32 to vector<16xi32>
            %add3A_434 = arith.addi %add3A_433, %and3A_432 : vector<16xi32>
            %gather3A_435 = tpu.vector_load_idx %arg9[%add3A_434] : memref<4096xf32, #tpu.memory_space<vmem>>[vector<16xi32>], vector<16xf32>,
            %lt3A_436 = arith.cmpf olt, %gather3A_435, %get3A_121 : vector<16xf32>
            %eq3A_437 = arith.cmpf oeq, %gather3A_435, %get3A_121 : vector<16xf32>
            %lt3A_438 = arith.cmpi slt, %and3A_432, %iota3A : vector<16xi32>
            %and3A_439 = arith.andi %eq3A_437, %lt3A_438 : vector<16xi1>
            %or3A_440 = arith.ori %lt3A_436, %and3A_439 : vector<16xi1>
            %jit3A_441 = arith.constant 1 : i32
            %jit3A_442 = arith.constant 0 : i32
            %broadcast_in_dim3A_443 = vector.broadcast %jit3A_441 : i32 to vector<16xi32>
            %broadcast_in_dim3A_444 = vector.broadcast %jit3A_442 : i32 to vector<16xi32>
            %select_n3A_445 = arith.select %or3A_440, %broadcast_in_dim3A_443, %broadcast_in_dim3A_444 : vector<16xi1>, vector<16xi32>
            %add3A_446 = arith.addi %add3A_426, %select_n3A_445 : vector<16xi32>
            %add3A_447 = arith.constant 15 : i32
            %add3A_448 = vector.broadcast %add3A_447 : i32 to vector<16xi32>
            %add3A_449 = arith.addi %iota3A, %add3A_448 : vector<16xi32>
            %and3A_450 = arith.constant 15 : i32
            %and3A_451 = vector.broadcast %and3A_450 : i32 to vector<16xi32>
            %and3A_452 = arith.andi %add3A_449, %and3A_451 : vector<16xi32>
            %add3A_453 = vector.broadcast %mul3A_142 : i32 to vector<16xi32>
            %add3A_454 = arith.addi %add3A_453, %and3A_452 : vector<16xi32>
            %gather3A_455 = tpu.vector_load_idx %arg9[%add3A_454] : memref<4096xf32, #tpu.memory_space<vmem>>[vector<16xi32>], vector<16xf32>,
            %lt3A_456 = arith.cmpf olt, %gather3A_455, %get3A_121 : vector<16xf32>
            %eq3A_457 = arith.cmpf oeq, %gather3A_455, %get3A_121 : vector<16xf32>
            %lt3A_458 = arith.cmpi slt, %and3A_452, %iota3A : vector<16xi32>
            %and3A_459 = arith.andi %eq3A_457, %lt3A_458 : vector<16xi1>
            %or3A_460 = arith.ori %lt3A_456, %and3A_459 : vector<16xi1>
            %jit3A_461 = arith.constant 1 : i32
            %jit3A_462 = arith.constant 0 : i32
            %broadcast_in_dim3A_463 = vector.broadcast %jit3A_461 : i32 to vector<16xi32>
            %broadcast_in_dim3A_464 = vector.broadcast %jit3A_462 : i32 to vector<16xi32>
            %select_n3A_465 = arith.select %or3A_460, %broadcast_in_dim3A_463, %broadcast_in_dim3A_464 : vector<16xi1>, vector<16xi32>
            %add3A_466 = arith.addi %add3A_446, %select_n3A_465 : vector<16xi32>
            scf.yield %add3A_466 : vector<16xi32>
          } else {
            %add3A_149 = arith.constant 0 : i32
            %add3A_150 = vector.broadcast %add3A_149 : i32 to vector<16xi32>
            %add3A_151 = arith.addi %iota3A, %add3A_150 : vector<16xi32>
            %and3A_152 = arith.constant 15 : i32
            %and3A_153 = vector.broadcast %and3A_152 : i32 to vector<16xi32>
            %and3A_154 = arith.andi %add3A_151, %and3A_153 : vector<16xi32>
            %add3A_155 = vector.broadcast %mul3A_142 : i32 to vector<16xi32>
            %add3A_156 = arith.addi %add3A_155, %and3A_154 : vector<16xi32>
            %gather3A = tpu.vector_load_idx %arg9[%add3A_156] : memref<4096xf32, #tpu.memory_space<vmem>>[vector<16xi32>], vector<16xf32>,
            %lt3A_157 = arith.cmpf olt, %gather3A, %get3A_121 : vector<16xf32>
            %jit3A_158 = arith.constant 1 : i32
            %jit3A_159 = arith.constant 0 : i32
            %broadcast_in_dim3A_160 = vector.broadcast %jit3A_158 : i32 to vector<16xi32>
            %broadcast_in_dim3A_161 = vector.broadcast %jit3A_159 : i32 to vector<16xi32>
            %select_n3A_162 = arith.select %lt3A_157, %broadcast_in_dim3A_160, %broadcast_in_dim3A_161 : vector<16xi1>, vector<16xi32>
            %add3A_163 = arith.addi %while3A_140, %select_n3A_162 : vector<16xi32>
            %add3A_164 = arith.constant 1 : i32
            %add3A_165 = vector.broadcast %add3A_164 : i32 to vector<16xi32>
            %add3A_166 = arith.addi %iota3A, %add3A_165 : vector<16xi32>
            %and3A_167 = arith.constant 15 : i32
            %and3A_168 = vector.broadcast %and3A_167 : i32 to vector<16xi32>
            %and3A_169 = arith.andi %add3A_166, %and3A_168 : vector<16xi32>
            %add3A_170 = vector.broadcast %mul3A_142 : i32 to vector<16xi32>
            %add3A_171 = arith.addi %add3A_170, %and3A_169 : vector<16xi32>
            %gather3A_172 = tpu.vector_load_idx %arg9[%add3A_171] : memref<4096xf32, #tpu.memory_space<vmem>>[vector<16xi32>], vector<16xf32>,
            %lt3A_173 = arith.cmpf olt, %gather3A_172, %get3A_121 : vector<16xf32>
            %jit3A_174 = arith.constant 1 : i32
            %jit3A_175 = arith.constant 0 : i32
            %broadcast_in_dim3A_176 = vector.broadcast %jit3A_174 : i32 to vector<16xi32>
            %broadcast_in_dim3A_177 = vector.broadcast %jit3A_175 : i32 to vector<16xi32>
            %select_n3A_178 = arith.select %lt3A_173, %broadcast_in_dim3A_176, %broadcast_in_dim3A_177 : vector<16xi1>, vector<16xi32>
            %add3A_179 = arith.addi %add3A_163, %select_n3A_178 : vector<16xi32>
            %add3A_180 = arith.constant 2 : i32
            %add3A_181 = vector.broadcast %add3A_180 : i32 to vector<16xi32>
            %add3A_182 = arith.addi %iota3A, %add3A_181 : vector<16xi32>
            %and3A_183 = arith.constant 15 : i32
            %and3A_184 = vector.broadcast %and3A_183 : i32 to vector<16xi32>
            %and3A_185 = arith.andi %add3A_182, %and3A_184 : vector<16xi32>
            %add3A_186 = vector.broadcast %mul3A_142 : i32 to vector<16xi32>
            %add3A_187 = arith.addi %add3A_186, %and3A_185 : vector<16xi32>
            %gather3A_188 = tpu.vector_load_idx %arg9[%add3A_187] : memref<4096xf32, #tpu.memory_space<vmem>>[vector<16xi32>], vector<16xf32>,
            %lt3A_189 = arith.cmpf olt, %gather3A_188, %get3A_121 : vector<16xf32>
            %jit3A_190 = arith.constant 1 : i32
            %jit3A_191 = arith.constant 0 : i32
            %broadcast_in_dim3A_192 = vector.broadcast %jit3A_190 : i32 to vector<16xi32>
            %broadcast_in_dim3A_193 = vector.broadcast %jit3A_191 : i32 to vector<16xi32>
            %select_n3A_194 = arith.select %lt3A_189, %broadcast_in_dim3A_192, %broadcast_in_dim3A_193 : vector<16xi1>, vector<16xi32>
            %add3A_195 = arith.addi %add3A_179, %select_n3A_194 : vector<16xi32>
            %add3A_196 = arith.constant 3 : i32
            %add3A_197 = vector.broadcast %add3A_196 : i32 to vector<16xi32>
            %add3A_198 = arith.addi %iota3A, %add3A_197 : vector<16xi32>
            %and3A_199 = arith.constant 15 : i32
            %and3A_200 = vector.broadcast %and3A_199 : i32 to vector<16xi32>
            %and3A_201 = arith.andi %add3A_198, %and3A_200 : vector<16xi32>
            %add3A_202 = vector.broadcast %mul3A_142 : i32 to vector<16xi32>
            %add3A_203 = arith.addi %add3A_202, %and3A_201 : vector<16xi32>
            %gather3A_204 = tpu.vector_load_idx %arg9[%add3A_203] : memref<4096xf32, #tpu.memory_space<vmem>>[vector<16xi32>], vector<16xf32>,
            %lt3A_205 = arith.cmpf olt, %gather3A_204, %get3A_121 : vector<16xf32>
            %jit3A_206 = arith.constant 1 : i32
            %jit3A_207 = arith.constant 0 : i32
            %broadcast_in_dim3A_208 = vector.broadcast %jit3A_206 : i32 to vector<16xi32>
            %broadcast_in_dim3A_209 = vector.broadcast %jit3A_207 : i32 to vector<16xi32>
            %select_n3A_210 = arith.select %lt3A_205, %broadcast_in_dim3A_208, %broadcast_in_dim3A_209 : vector<16xi1>, vector<16xi32>
            %add3A_211 = arith.addi %add3A_195, %select_n3A_210 : vector<16xi32>
            %add3A_212 = arith.constant 4 : i32
            %add3A_213 = vector.broadcast %add3A_212 : i32 to vector<16xi32>
            %add3A_214 = arith.addi %iota3A, %add3A_213 : vector<16xi32>
            %and3A_215 = arith.constant 15 : i32
            %and3A_216 = vector.broadcast %and3A_215 : i32 to vector<16xi32>
            %and3A_217 = arith.andi %add3A_214, %and3A_216 : vector<16xi32>
            %add3A_218 = vector.broadcast %mul3A_142 : i32 to vector<16xi32>
            %add3A_219 = arith.addi %add3A_218, %and3A_217 : vector<16xi32>
            %gather3A_220 = tpu.vector_load_idx %arg9[%add3A_219] : memref<4096xf32, #tpu.memory_space<vmem>>[vector<16xi32>], vector<16xf32>,
            %lt3A_221 = arith.cmpf olt, %gather3A_220, %get3A_121 : vector<16xf32>
            %jit3A_222 = arith.constant 1 : i32
            %jit3A_223 = arith.constant 0 : i32
            %broadcast_in_dim3A_224 = vector.broadcast %jit3A_222 : i32 to vector<16xi32>
            %broadcast_in_dim3A_225 = vector.broadcast %jit3A_223 : i32 to vector<16xi32>
            %select_n3A_226 = arith.select %lt3A_221, %broadcast_in_dim3A_224, %broadcast_in_dim3A_225 : vector<16xi1>, vector<16xi32>
            %add3A_227 = arith.addi %add3A_211, %select_n3A_226 : vector<16xi32>
            %add3A_228 = arith.constant 5 : i32
            %add3A_229 = vector.broadcast %add3A_228 : i32 to vector<16xi32>
            %add3A_230 = arith.addi %iota3A, %add3A_229 : vector<16xi32>
            %and3A_231 = arith.constant 15 : i32
            %and3A_232 = vector.broadcast %and3A_231 : i32 to vector<16xi32>
            %and3A_233 = arith.andi %add3A_230, %and3A_232 : vector<16xi32>
            %add3A_234 = vector.broadcast %mul3A_142 : i32 to vector<16xi32>
            %add3A_235 = arith.addi %add3A_234, %and3A_233 : vector<16xi32>
            %gather3A_236 = tpu.vector_load_idx %arg9[%add3A_235] : memref<4096xf32, #tpu.memory_space<vmem>>[vector<16xi32>], vector<16xf32>,
            %lt3A_237 = arith.cmpf olt, %gather3A_236, %get3A_121 : vector<16xf32>
            %jit3A_238 = arith.constant 1 : i32
            %jit3A_239 = arith.constant 0 : i32
            %broadcast_in_dim3A_240 = vector.broadcast %jit3A_238 : i32 to vector<16xi32>
            %broadcast_in_dim3A_241 = vector.broadcast %jit3A_239 : i32 to vector<16xi32>
            %select_n3A_242 = arith.select %lt3A_237, %broadcast_in_dim3A_240, %broadcast_in_dim3A_241 : vector<16xi1>, vector<16xi32>
            %add3A_243 = arith.addi %add3A_227, %select_n3A_242 : vector<16xi32>
            %add3A_244 = arith.constant 6 : i32
            %add3A_245 = vector.broadcast %add3A_244 : i32 to vector<16xi32>
            %add3A_246 = arith.addi %iota3A, %add3A_245 : vector<16xi32>
            %and3A_247 = arith.constant 15 : i32
            %and3A_248 = vector.broadcast %and3A_247 : i32 to vector<16xi32>
            %and3A_249 = arith.andi %add3A_246, %and3A_248 : vector<16xi32>
            %add3A_250 = vector.broadcast %mul3A_142 : i32 to vector<16xi32>
            %add3A_251 = arith.addi %add3A_250, %and3A_249 : vector<16xi32>
            %gather3A_252 = tpu.vector_load_idx %arg9[%add3A_251] : memref<4096xf32, #tpu.memory_space<vmem>>[vector<16xi32>], vector<16xf32>,
            %lt3A_253 = arith.cmpf olt, %gather3A_252, %get3A_121 : vector<16xf32>
            %jit3A_254 = arith.constant 1 : i32
            %jit3A_255 = arith.constant 0 : i32
            %broadcast_in_dim3A_256 = vector.broadcast %jit3A_254 : i32 to vector<16xi32>
            %broadcast_in_dim3A_257 = vector.broadcast %jit3A_255 : i32 to vector<16xi32>
            %select_n3A_258 = arith.select %lt3A_253, %broadcast_in_dim3A_256, %broadcast_in_dim3A_257 : vector<16xi1>, vector<16xi32>
            %add3A_259 = arith.addi %add3A_243, %select_n3A_258 : vector<16xi32>
            %add3A_260 = arith.constant 7 : i32
            %add3A_261 = vector.broadcast %add3A_260 : i32 to vector<16xi32>
            %add3A_262 = arith.addi %iota3A, %add3A_261 : vector<16xi32>
            %and3A_263 = arith.constant 15 : i32
            %and3A_264 = vector.broadcast %and3A_263 : i32 to vector<16xi32>
            %and3A_265 = arith.andi %add3A_262, %and3A_264 : vector<16xi32>
            %add3A_266 = vector.broadcast %mul3A_142 : i32 to vector<16xi32>
            %add3A_267 = arith.addi %add3A_266, %and3A_265 : vector<16xi32>
            %gather3A_268 = tpu.vector_load_idx %arg9[%add3A_267] : memref<4096xf32, #tpu.memory_space<vmem>>[vector<16xi32>], vector<16xf32>,
            %lt3A_269 = arith.cmpf olt, %gather3A_268, %get3A_121 : vector<16xf32>
            %jit3A_270 = arith.constant 1 : i32
            %jit3A_271 = arith.constant 0 : i32
            %broadcast_in_dim3A_272 = vector.broadcast %jit3A_270 : i32 to vector<16xi32>
            %broadcast_in_dim3A_273 = vector.broadcast %jit3A_271 : i32 to vector<16xi32>
            %select_n3A_274 = arith.select %lt3A_269, %broadcast_in_dim3A_272, %broadcast_in_dim3A_273 : vector<16xi1>, vector<16xi32>
            %add3A_275 = arith.addi %add3A_259, %select_n3A_274 : vector<16xi32>
            %add3A_276 = arith.constant 8 : i32
            %add3A_277 = vector.broadcast %add3A_276 : i32 to vector<16xi32>
            %add3A_278 = arith.addi %iota3A, %add3A_277 : vector<16xi32>
            %and3A_279 = arith.constant 15 : i32
            %and3A_280 = vector.broadcast %and3A_279 : i32 to vector<16xi32>
            %and3A_281 = arith.andi %add3A_278, %and3A_280 : vector<16xi32>
            %add3A_282 = vector.broadcast %mul3A_142 : i32 to vector<16xi32>
            %add3A_283 = arith.addi %add3A_282, %and3A_281 : vector<16xi32>
            %gather3A_284 = tpu.vector_load_idx %arg9[%add3A_283] : memref<4096xf32, #tpu.memory_space<vmem>>[vector<16xi32>], vector<16xf32>,
            %lt3A_285 = arith.cmpf olt, %gather3A_284, %get3A_121 : vector<16xf32>
            %jit3A_286 = arith.constant 1 : i32
            %jit3A_287 = arith.constant 0 : i32
            %broadcast_in_dim3A_288 = vector.broadcast %jit3A_286 : i32 to vector<16xi32>
            %broadcast_in_dim3A_289 = vector.broadcast %jit3A_287 : i32 to vector<16xi32>
            %select_n3A_290 = arith.select %lt3A_285, %broadcast_in_dim3A_288, %broadcast_in_dim3A_289 : vector<16xi1>, vector<16xi32>
            %add3A_291 = arith.addi %add3A_275, %select_n3A_290 : vector<16xi32>
            %add3A_292 = arith.constant 9 : i32
            %add3A_293 = vector.broadcast %add3A_292 : i32 to vector<16xi32>
            %add3A_294 = arith.addi %iota3A, %add3A_293 : vector<16xi32>
            %and3A_295 = arith.constant 15 : i32
            %and3A_296 = vector.broadcast %and3A_295 : i32 to vector<16xi32>
            %and3A_297 = arith.andi %add3A_294, %and3A_296 : vector<16xi32>
            %add3A_298 = vector.broadcast %mul3A_142 : i32 to vector<16xi32>
            %add3A_299 = arith.addi %add3A_298, %and3A_297 : vector<16xi32>
            %gather3A_300 = tpu.vector_load_idx %arg9[%add3A_299] : memref<4096xf32, #tpu.memory_space<vmem>>[vector<16xi32>], vector<16xf32>,
            %lt3A_301 = arith.cmpf olt, %gather3A_300, %get3A_121 : vector<16xf32>
            %jit3A_302 = arith.constant 1 : i32
            %jit3A_303 = arith.constant 0 : i32
            %broadcast_in_dim3A_304 = vector.broadcast %jit3A_302 : i32 to vector<16xi32>
            %broadcast_in_dim3A_305 = vector.broadcast %jit3A_303 : i32 to vector<16xi32>
            %select_n3A_306 = arith.select %lt3A_301, %broadcast_in_dim3A_304, %broadcast_in_dim3A_305 : vector<16xi1>, vector<16xi32>
            %add3A_307 = arith.addi %add3A_291, %select_n3A_306 : vector<16xi32>
            %add3A_308 = arith.constant 10 : i32
            %add3A_309 = vector.broadcast %add3A_308 : i32 to vector<16xi32>
            %add3A_310 = arith.addi %iota3A, %add3A_309 : vector<16xi32>
            %and3A_311 = arith.constant 15 : i32
            %and3A_312 = vector.broadcast %and3A_311 : i32 to vector<16xi32>
            %and3A_313 = arith.andi %add3A_310, %and3A_312 : vector<16xi32>
            %add3A_314 = vector.broadcast %mul3A_142 : i32 to vector<16xi32>
            %add3A_315 = arith.addi %add3A_314, %and3A_313 : vector<16xi32>
            %gather3A_316 = tpu.vector_load_idx %arg9[%add3A_315] : memref<4096xf32, #tpu.memory_space<vmem>>[vector<16xi32>], vector<16xf32>,
            %lt3A_317 = arith.cmpf olt, %gather3A_316, %get3A_121 : vector<16xf32>
            %jit3A_318 = arith.constant 1 : i32
            %jit3A_319 = arith.constant 0 : i32
            %broadcast_in_dim3A_320 = vector.broadcast %jit3A_318 : i32 to vector<16xi32>
            %broadcast_in_dim3A_321 = vector.broadcast %jit3A_319 : i32 to vector<16xi32>
            %select_n3A_322 = arith.select %lt3A_317, %broadcast_in_dim3A_320, %broadcast_in_dim3A_321 : vector<16xi1>, vector<16xi32>
            %add3A_323 = arith.addi %add3A_307, %select_n3A_322 : vector<16xi32>
            %add3A_324 = arith.constant 11 : i32
            %add3A_325 = vector.broadcast %add3A_324 : i32 to vector<16xi32>
            %add3A_326 = arith.addi %iota3A, %add3A_325 : vector<16xi32>
            %and3A_327 = arith.constant 15 : i32
            %and3A_328 = vector.broadcast %and3A_327 : i32 to vector<16xi32>
            %and3A_329 = arith.andi %add3A_326, %and3A_328 : vector<16xi32>
            %add3A_330 = vector.broadcast %mul3A_142 : i32 to vector<16xi32>
            %add3A_331 = arith.addi %add3A_330, %and3A_329 : vector<16xi32>
            %gather3A_332 = tpu.vector_load_idx %arg9[%add3A_331] : memref<4096xf32, #tpu.memory_space<vmem>>[vector<16xi32>], vector<16xf32>,
            %lt3A_333 = arith.cmpf olt, %gather3A_332, %get3A_121 : vector<16xf32>
            %jit3A_334 = arith.constant 1 : i32
            %jit3A_335 = arith.constant 0 : i32
            %broadcast_in_dim3A_336 = vector.broadcast %jit3A_334 : i32 to vector<16xi32>
            %broadcast_in_dim3A_337 = vector.broadcast %jit3A_335 : i32 to vector<16xi32>
            %select_n3A_338 = arith.select %lt3A_333, %broadcast_in_dim3A_336, %broadcast_in_dim3A_337 : vector<16xi1>, vector<16xi32>
            %add3A_339 = arith.addi %add3A_323, %select_n3A_338 : vector<16xi32>
            %add3A_340 = arith.constant 12 : i32
            %add3A_341 = vector.broadcast %add3A_340 : i32 to vector<16xi32>
            %add3A_342 = arith.addi %iota3A, %add3A_341 : vector<16xi32>
            %and3A_343 = arith.constant 15 : i32
            %and3A_344 = vector.broadcast %and3A_343 : i32 to vector<16xi32>
            %and3A_345 = arith.andi %add3A_342, %and3A_344 : vector<16xi32>
            %add3A_346 = vector.broadcast %mul3A_142 : i32 to vector<16xi32>
            %add3A_347 = arith.addi %add3A_346, %and3A_345 : vector<16xi32>
            %gather3A_348 = tpu.vector_load_idx %arg9[%add3A_347] : memref<4096xf32, #tpu.memory_space<vmem>>[vector<16xi32>], vector<16xf32>,
            %lt3A_349 = arith.cmpf olt, %gather3A_348, %get3A_121 : vector<16xf32>
            %jit3A_350 = arith.constant 1 : i32
            %jit3A_351 = arith.constant 0 : i32
            %broadcast_in_dim3A_352 = vector.broadcast %jit3A_350 : i32 to vector<16xi32>
            %broadcast_in_dim3A_353 = vector.broadcast %jit3A_351 : i32 to vector<16xi32>
            %select_n3A_354 = arith.select %lt3A_349, %broadcast_in_dim3A_352, %broadcast_in_dim3A_353 : vector<16xi1>, vector<16xi32>
            %add3A_355 = arith.addi %add3A_339, %select_n3A_354 : vector<16xi32>
            %add3A_356 = arith.constant 13 : i32
            %add3A_357 = vector.broadcast %add3A_356 : i32 to vector<16xi32>
            %add3A_358 = arith.addi %iota3A, %add3A_357 : vector<16xi32>
            %and3A_359 = arith.constant 15 : i32
            %and3A_360 = vector.broadcast %and3A_359 : i32 to vector<16xi32>
            %and3A_361 = arith.andi %add3A_358, %and3A_360 : vector<16xi32>
            %add3A_362 = vector.broadcast %mul3A_142 : i32 to vector<16xi32>
            %add3A_363 = arith.addi %add3A_362, %and3A_361 : vector<16xi32>
            %gather3A_364 = tpu.vector_load_idx %arg9[%add3A_363] : memref<4096xf32, #tpu.memory_space<vmem>>[vector<16xi32>], vector<16xf32>,
            %lt3A_365 = arith.cmpf olt, %gather3A_364, %get3A_121 : vector<16xf32>
            %jit3A_366 = arith.constant 1 : i32
            %jit3A_367 = arith.constant 0 : i32
            %broadcast_in_dim3A_368 = vector.broadcast %jit3A_366 : i32 to vector<16xi32>
            %broadcast_in_dim3A_369 = vector.broadcast %jit3A_367 : i32 to vector<16xi32>
            %select_n3A_370 = arith.select %lt3A_365, %broadcast_in_dim3A_368, %broadcast_in_dim3A_369 : vector<16xi1>, vector<16xi32>
            %add3A_371 = arith.addi %add3A_355, %select_n3A_370 : vector<16xi32>
            %add3A_372 = arith.constant 14 : i32
            %add3A_373 = vector.broadcast %add3A_372 : i32 to vector<16xi32>
            %add3A_374 = arith.addi %iota3A, %add3A_373 : vector<16xi32>
            %and3A_375 = arith.constant 15 : i32
            %and3A_376 = vector.broadcast %and3A_375 : i32 to vector<16xi32>
            %and3A_377 = arith.andi %add3A_374, %and3A_376 : vector<16xi32>
            %add3A_378 = vector.broadcast %mul3A_142 : i32 to vector<16xi32>
            %add3A_379 = arith.addi %add3A_378, %and3A_377 : vector<16xi32>
            %gather3A_380 = tpu.vector_load_idx %arg9[%add3A_379] : memref<4096xf32, #tpu.memory_space<vmem>>[vector<16xi32>], vector<16xf32>,
            %lt3A_381 = arith.cmpf olt, %gather3A_380, %get3A_121 : vector<16xf32>
            %jit3A_382 = arith.constant 1 : i32
            %jit3A_383 = arith.constant 0 : i32
            %broadcast_in_dim3A_384 = vector.broadcast %jit3A_382 : i32 to vector<16xi32>
            %broadcast_in_dim3A_385 = vector.broadcast %jit3A_383 : i32 to vector<16xi32>
            %select_n3A_386 = arith.select %lt3A_381, %broadcast_in_dim3A_384, %broadcast_in_dim3A_385 : vector<16xi1>, vector<16xi32>
            %add3A_387 = arith.addi %add3A_371, %select_n3A_386 : vector<16xi32>
            %add3A_388 = arith.constant 15 : i32
            %add3A_389 = vector.broadcast %add3A_388 : i32 to vector<16xi32>
            %add3A_390 = arith.addi %iota3A, %add3A_389 : vector<16xi32>
            %and3A_391 = arith.constant 15 : i32
            %and3A_392 = vector.broadcast %and3A_391 : i32 to vector<16xi32>
            %and3A_393 = arith.andi %add3A_390, %and3A_392 : vector<16xi32>
            %add3A_394 = vector.broadcast %mul3A_142 : i32 to vector<16xi32>
            %add3A_395 = arith.addi %add3A_394, %and3A_393 : vector<16xi32>
            %gather3A_396 = tpu.vector_load_idx %arg9[%add3A_395] : memref<4096xf32, #tpu.memory_space<vmem>>[vector<16xi32>], vector<16xf32>,
            %lt3A_397 = arith.cmpf olt, %gather3A_396, %get3A_121 : vector<16xf32>
            %jit3A_398 = arith.constant 1 : i32
            %jit3A_399 = arith.constant 0 : i32
            %broadcast_in_dim3A_400 = vector.broadcast %jit3A_398 : i32 to vector<16xi32>
            %broadcast_in_dim3A_401 = vector.broadcast %jit3A_399 : i32 to vector<16xi32>
            %select_n3A_402 = arith.select %lt3A_397, %broadcast_in_dim3A_400, %broadcast_in_dim3A_401 : vector<16xi1>, vector<16xi32>
            %add3A_403 = arith.addi %add3A_387, %select_n3A_402 : vector<16xi32>
            scf.yield %add3A_403 : vector<16xi32>
          }
          scf.yield %cond3A_148 : vector<16xi32>
        }
        scf.yield %cond3A_144 : vector<16xi32>
      }
      %while3A_133 = arith.constant 1 : i32
      %while3A_134 = scf.for %while3A_139 = %while3A_130 to %while3A_126 step %while3A_133 iter_args(%while3A_140 = %while3A_132) -> (vector<16xi32>)  : i32 {
        %mul3A_141 = arith.constant 16 : i32
        %mul3A_142 = arith.muli %while3A_139, %mul3A_141 : i32
        %lt3A = arith.cmpi slt, %while3A_139, %while3A_118 : i32
        %convert_element_type3A = arith.extui %lt3A : i1 to i32
        %cond3A = arith.constant 0 : i32
        %cond3A_143 = arith.cmpi ne, %convert_element_type3A, %cond3A : i32
        %cond3A_144 = scf.if %cond3A_143 -> (vector<16xi32>) {
          %add3A_145 = arith.constant 0 : i32
          %add3A_146 = vector.broadcast %add3A_145 : i32 to vector<16xi32>
          %add3A_147 = arith.addi %iota3A, %add3A_146 : vector<16xi32>
          %and3A_148 = arith.constant 15 : i32
          %and3A_149 = vector.broadcast %and3A_148 : i32 to vector<16xi32>
          %and3A_150 = arith.andi %add3A_147, %and3A_149 : vector<16xi32>
          %add3A_151 = vector.broadcast %mul3A_142 : i32 to vector<16xi32>
          %add3A_152 = arith.addi %add3A_151, %and3A_150 : vector<16xi32>
          %gather3A = tpu.vector_load_idx %arg9[%add3A_152] : memref<4096xf32, #tpu.memory_space<vmem>>[vector<16xi32>], vector<16xf32>,
          %le3A = arith.cmpf ole, %gather3A, %get3A_121 : vector<16xf32>
          %jit3A_153 = arith.constant 1 : i32
          %jit3A_154 = arith.constant 0 : i32
          %broadcast_in_dim3A_155 = vector.broadcast %jit3A_153 : i32 to vector<16xi32>
          %broadcast_in_dim3A_156 = vector.broadcast %jit3A_154 : i32 to vector<16xi32>
          %select_n3A_157 = arith.select %le3A, %broadcast_in_dim3A_155, %broadcast_in_dim3A_156 : vector<16xi1>, vector<16xi32>
          %add3A_158 = arith.addi %while3A_140, %select_n3A_157 : vector<16xi32>
          %add3A_159 = arith.constant 1 : i32
          %add3A_160 = vector.broadcast %add3A_159 : i32 to vector<16xi32>
          %add3A_161 = arith.addi %iota3A, %add3A_160 : vector<16xi32>
          %and3A_162 = arith.constant 15 : i32
          %and3A_163 = vector.broadcast %and3A_162 : i32 to vector<16xi32>
          %and3A_164 = arith.andi %add3A_161, %and3A_163 : vector<16xi32>
          %add3A_165 = vector.broadcast %mul3A_142 : i32 to vector<16xi32>
          %add3A_166 = arith.addi %add3A_165, %and3A_164 : vector<16xi32>
          %gather3A_167 = tpu.vector_load_idx %arg9[%add3A_166] : memref<4096xf32, #tpu.memory_space<vmem>>[vector<16xi32>], vector<16xf32>,
          %le3A_168 = arith.cmpf ole, %gather3A_167, %get3A_121 : vector<16xf32>
          %jit3A_169 = arith.constant 1 : i32
          %jit3A_170 = arith.constant 0 : i32
          %broadcast_in_dim3A_171 = vector.broadcast %jit3A_169 : i32 to vector<16xi32>
          %broadcast_in_dim3A_172 = vector.broadcast %jit3A_170 : i32 to vector<16xi32>
          %select_n3A_173 = arith.select %le3A_168, %broadcast_in_dim3A_171, %broadcast_in_dim3A_172 : vector<16xi1>, vector<16xi32>
          %add3A_174 = arith.addi %add3A_158, %select_n3A_173 : vector<16xi32>
          %add3A_175 = arith.constant 2 : i32
          %add3A_176 = vector.broadcast %add3A_175 : i32 to vector<16xi32>
          %add3A_177 = arith.addi %iota3A, %add3A_176 : vector<16xi32>
          %and3A_178 = arith.constant 15 : i32
          %and3A_179 = vector.broadcast %and3A_178 : i32 to vector<16xi32>
          %and3A_180 = arith.andi %add3A_177, %and3A_179 : vector<16xi32>
          %add3A_181 = vector.broadcast %mul3A_142 : i32 to vector<16xi32>
          %add3A_182 = arith.addi %add3A_181, %and3A_180 : vector<16xi32>
          %gather3A_183 = tpu.vector_load_idx %arg9[%add3A_182] : memref<4096xf32, #tpu.memory_space<vmem>>[vector<16xi32>], vector<16xf32>,
          %le3A_184 = arith.cmpf ole, %gather3A_183, %get3A_121 : vector<16xf32>
          %jit3A_185 = arith.constant 1 : i32
          %jit3A_186 = arith.constant 0 : i32
          %broadcast_in_dim3A_187 = vector.broadcast %jit3A_185 : i32 to vector<16xi32>
          %broadcast_in_dim3A_188 = vector.broadcast %jit3A_186 : i32 to vector<16xi32>
          %select_n3A_189 = arith.select %le3A_184, %broadcast_in_dim3A_187, %broadcast_in_dim3A_188 : vector<16xi1>, vector<16xi32>
          %add3A_190 = arith.addi %add3A_174, %select_n3A_189 : vector<16xi32>
          %add3A_191 = arith.constant 3 : i32
          %add3A_192 = vector.broadcast %add3A_191 : i32 to vector<16xi32>
          %add3A_193 = arith.addi %iota3A, %add3A_192 : vector<16xi32>
          %and3A_194 = arith.constant 15 : i32
          %and3A_195 = vector.broadcast %and3A_194 : i32 to vector<16xi32>
          %and3A_196 = arith.andi %add3A_193, %and3A_195 : vector<16xi32>
          %add3A_197 = vector.broadcast %mul3A_142 : i32 to vector<16xi32>
          %add3A_198 = arith.addi %add3A_197, %and3A_196 : vector<16xi32>
          %gather3A_199 = tpu.vector_load_idx %arg9[%add3A_198] : memref<4096xf32, #tpu.memory_space<vmem>>[vector<16xi32>], vector<16xf32>,
          %le3A_200 = arith.cmpf ole, %gather3A_199, %get3A_121 : vector<16xf32>
          %jit3A_201 = arith.constant 1 : i32
          %jit3A_202 = arith.constant 0 : i32
          %broadcast_in_dim3A_203 = vector.broadcast %jit3A_201 : i32 to vector<16xi32>
          %broadcast_in_dim3A_204 = vector.broadcast %jit3A_202 : i32 to vector<16xi32>
          %select_n3A_205 = arith.select %le3A_200, %broadcast_in_dim3A_203, %broadcast_in_dim3A_204 : vector<16xi1>, vector<16xi32>
          %add3A_206 = arith.addi %add3A_190, %select_n3A_205 : vector<16xi32>
          %add3A_207 = arith.constant 4 : i32
          %add3A_208 = vector.broadcast %add3A_207 : i32 to vector<16xi32>
          %add3A_209 = arith.addi %iota3A, %add3A_208 : vector<16xi32>
          %and3A_210 = arith.constant 15 : i32
          %and3A_211 = vector.broadcast %and3A_210 : i32 to vector<16xi32>
          %and3A_212 = arith.andi %add3A_209, %and3A_211 : vector<16xi32>
          %add3A_213 = vector.broadcast %mul3A_142 : i32 to vector<16xi32>
          %add3A_214 = arith.addi %add3A_213, %and3A_212 : vector<16xi32>
          %gather3A_215 = tpu.vector_load_idx %arg9[%add3A_214] : memref<4096xf32, #tpu.memory_space<vmem>>[vector<16xi32>], vector<16xf32>,
          %le3A_216 = arith.cmpf ole, %gather3A_215, %get3A_121 : vector<16xf32>
          %jit3A_217 = arith.constant 1 : i32
          %jit3A_218 = arith.constant 0 : i32
          %broadcast_in_dim3A_219 = vector.broadcast %jit3A_217 : i32 to vector<16xi32>
          %broadcast_in_dim3A_220 = vector.broadcast %jit3A_218 : i32 to vector<16xi32>
          %select_n3A_221 = arith.select %le3A_216, %broadcast_in_dim3A_219, %broadcast_in_dim3A_220 : vector<16xi1>, vector<16xi32>
          %add3A_222 = arith.addi %add3A_206, %select_n3A_221 : vector<16xi32>
          %add3A_223 = arith.constant 5 : i32
          %add3A_224 = vector.broadcast %add3A_223 : i32 to vector<16xi32>
          %add3A_225 = arith.addi %iota3A, %add3A_224 : vector<16xi32>
          %and3A_226 = arith.constant 15 : i32
          %and3A_227 = vector.broadcast %and3A_226 : i32 to vector<16xi32>
          %and3A_228 = arith.andi %add3A_225, %and3A_227 : vector<16xi32>
          %add3A_229 = vector.broadcast %mul3A_142 : i32 to vector<16xi32>
          %add3A_230 = arith.addi %add3A_229, %and3A_228 : vector<16xi32>
          %gather3A_231 = tpu.vector_load_idx %arg9[%add3A_230] : memref<4096xf32, #tpu.memory_space<vmem>>[vector<16xi32>], vector<16xf32>,
          %le3A_232 = arith.cmpf ole, %gather3A_231, %get3A_121 : vector<16xf32>
          %jit3A_233 = arith.constant 1 : i32
          %jit3A_234 = arith.constant 0 : i32
          %broadcast_in_dim3A_235 = vector.broadcast %jit3A_233 : i32 to vector<16xi32>
          %broadcast_in_dim3A_236 = vector.broadcast %jit3A_234 : i32 to vector<16xi32>
          %select_n3A_237 = arith.select %le3A_232, %broadcast_in_dim3A_235, %broadcast_in_dim3A_236 : vector<16xi1>, vector<16xi32>
          %add3A_238 = arith.addi %add3A_222, %select_n3A_237 : vector<16xi32>
          %add3A_239 = arith.constant 6 : i32
          %add3A_240 = vector.broadcast %add3A_239 : i32 to vector<16xi32>
          %add3A_241 = arith.addi %iota3A, %add3A_240 : vector<16xi32>
          %and3A_242 = arith.constant 15 : i32
          %and3A_243 = vector.broadcast %and3A_242 : i32 to vector<16xi32>
          %and3A_244 = arith.andi %add3A_241, %and3A_243 : vector<16xi32>
          %add3A_245 = vector.broadcast %mul3A_142 : i32 to vector<16xi32>
          %add3A_246 = arith.addi %add3A_245, %and3A_244 : vector<16xi32>
          %gather3A_247 = tpu.vector_load_idx %arg9[%add3A_246] : memref<4096xf32, #tpu.memory_space<vmem>>[vector<16xi32>], vector<16xf32>,
          %le3A_248 = arith.cmpf ole, %gather3A_247, %get3A_121 : vector<16xf32>
          %jit3A_249 = arith.constant 1 : i32
          %jit3A_250 = arith.constant 0 : i32
          %broadcast_in_dim3A_251 = vector.broadcast %jit3A_249 : i32 to vector<16xi32>
          %broadcast_in_dim3A_252 = vector.broadcast %jit3A_250 : i32 to vector<16xi32>
          %select_n3A_253 = arith.select %le3A_248, %broadcast_in_dim3A_251, %broadcast_in_dim3A_252 : vector<16xi1>, vector<16xi32>
          %add3A_254 = arith.addi %add3A_238, %select_n3A_253 : vector<16xi32>
          %add3A_255 = arith.constant 7 : i32
          %add3A_256 = vector.broadcast %add3A_255 : i32 to vector<16xi32>
          %add3A_257 = arith.addi %iota3A, %add3A_256 : vector<16xi32>
          %and3A_258 = arith.constant 15 : i32
          %and3A_259 = vector.broadcast %and3A_258 : i32 to vector<16xi32>
          %and3A_260 = arith.andi %add3A_257, %and3A_259 : vector<16xi32>
          %add3A_261 = vector.broadcast %mul3A_142 : i32 to vector<16xi32>
          %add3A_262 = arith.addi %add3A_261, %and3A_260 : vector<16xi32>
          %gather3A_263 = tpu.vector_load_idx %arg9[%add3A_262] : memref<4096xf32, #tpu.memory_space<vmem>>[vector<16xi32>], vector<16xf32>,
          %le3A_264 = arith.cmpf ole, %gather3A_263, %get3A_121 : vector<16xf32>
          %jit3A_265 = arith.constant 1 : i32
          %jit3A_266 = arith.constant 0 : i32
          %broadcast_in_dim3A_267 = vector.broadcast %jit3A_265 : i32 to vector<16xi32>
          %broadcast_in_dim3A_268 = vector.broadcast %jit3A_266 : i32 to vector<16xi32>
          %select_n3A_269 = arith.select %le3A_264, %broadcast_in_dim3A_267, %broadcast_in_dim3A_268 : vector<16xi1>, vector<16xi32>
          %add3A_270 = arith.addi %add3A_254, %select_n3A_269 : vector<16xi32>
          %add3A_271 = arith.constant 8 : i32
          %add3A_272 = vector.broadcast %add3A_271 : i32 to vector<16xi32>
          %add3A_273 = arith.addi %iota3A, %add3A_272 : vector<16xi32>
          %and3A_274 = arith.constant 15 : i32
          %and3A_275 = vector.broadcast %and3A_274 : i32 to vector<16xi32>
          %and3A_276 = arith.andi %add3A_273, %and3A_275 : vector<16xi32>
          %add3A_277 = vector.broadcast %mul3A_142 : i32 to vector<16xi32>
          %add3A_278 = arith.addi %add3A_277, %and3A_276 : vector<16xi32>
          %gather3A_279 = tpu.vector_load_idx %arg9[%add3A_278] : memref<4096xf32, #tpu.memory_space<vmem>>[vector<16xi32>], vector<16xf32>,
          %le3A_280 = arith.cmpf ole, %gather3A_279, %get3A_121 : vector<16xf32>
          %jit3A_281 = arith.constant 1 : i32
          %jit3A_282 = arith.constant 0 : i32
          %broadcast_in_dim3A_283 = vector.broadcast %jit3A_281 : i32 to vector<16xi32>
          %broadcast_in_dim3A_284 = vector.broadcast %jit3A_282 : i32 to vector<16xi32>
          %select_n3A_285 = arith.select %le3A_280, %broadcast_in_dim3A_283, %broadcast_in_dim3A_284 : vector<16xi1>, vector<16xi32>
          %add3A_286 = arith.addi %add3A_270, %select_n3A_285 : vector<16xi32>
          %add3A_287 = arith.constant 9 : i32
          %add3A_288 = vector.broadcast %add3A_287 : i32 to vector<16xi32>
          %add3A_289 = arith.addi %iota3A, %add3A_288 : vector<16xi32>
          %and3A_290 = arith.constant 15 : i32
          %and3A_291 = vector.broadcast %and3A_290 : i32 to vector<16xi32>
          %and3A_292 = arith.andi %add3A_289, %and3A_291 : vector<16xi32>
          %add3A_293 = vector.broadcast %mul3A_142 : i32 to vector<16xi32>
          %add3A_294 = arith.addi %add3A_293, %and3A_292 : vector<16xi32>
          %gather3A_295 = tpu.vector_load_idx %arg9[%add3A_294] : memref<4096xf32, #tpu.memory_space<vmem>>[vector<16xi32>], vector<16xf32>,
          %le3A_296 = arith.cmpf ole, %gather3A_295, %get3A_121 : vector<16xf32>
          %jit3A_297 = arith.constant 1 : i32
          %jit3A_298 = arith.constant 0 : i32
          %broadcast_in_dim3A_299 = vector.broadcast %jit3A_297 : i32 to vector<16xi32>
          %broadcast_in_dim3A_300 = vector.broadcast %jit3A_298 : i32 to vector<16xi32>
          %select_n3A_301 = arith.select %le3A_296, %broadcast_in_dim3A_299, %broadcast_in_dim3A_300 : vector<16xi1>, vector<16xi32>
          %add3A_302 = arith.addi %add3A_286, %select_n3A_301 : vector<16xi32>
          %add3A_303 = arith.constant 10 : i32
          %add3A_304 = vector.broadcast %add3A_303 : i32 to vector<16xi32>
          %add3A_305 = arith.addi %iota3A, %add3A_304 : vector<16xi32>
          %and3A_306 = arith.constant 15 : i32
          %and3A_307 = vector.broadcast %and3A_306 : i32 to vector<16xi32>
          %and3A_308 = arith.andi %add3A_305, %and3A_307 : vector<16xi32>
          %add3A_309 = vector.broadcast %mul3A_142 : i32 to vector<16xi32>
          %add3A_310 = arith.addi %add3A_309, %and3A_308 : vector<16xi32>
          %gather3A_311 = tpu.vector_load_idx %arg9[%add3A_310] : memref<4096xf32, #tpu.memory_space<vmem>>[vector<16xi32>], vector<16xf32>,
          %le3A_312 = arith.cmpf ole, %gather3A_311, %get3A_121 : vector<16xf32>
          %jit3A_313 = arith.constant 1 : i32
          %jit3A_314 = arith.constant 0 : i32
          %broadcast_in_dim3A_315 = vector.broadcast %jit3A_313 : i32 to vector<16xi32>
          %broadcast_in_dim3A_316 = vector.broadcast %jit3A_314 : i32 to vector<16xi32>
          %select_n3A_317 = arith.select %le3A_312, %broadcast_in_dim3A_315, %broadcast_in_dim3A_316 : vector<16xi1>, vector<16xi32>
          %add3A_318 = arith.addi %add3A_302, %select_n3A_317 : vector<16xi32>
          %add3A_319 = arith.constant 11 : i32
          %add3A_320 = vector.broadcast %add3A_319 : i32 to vector<16xi32>
          %add3A_321 = arith.addi %iota3A, %add3A_320 : vector<16xi32>
          %and3A_322 = arith.constant 15 : i32
          %and3A_323 = vector.broadcast %and3A_322 : i32 to vector<16xi32>
          %and3A_324 = arith.andi %add3A_321, %and3A_323 : vector<16xi32>
          %add3A_325 = vector.broadcast %mul3A_142 : i32 to vector<16xi32>
          %add3A_326 = arith.addi %add3A_325, %and3A_324 : vector<16xi32>
          %gather3A_327 = tpu.vector_load_idx %arg9[%add3A_326] : memref<4096xf32, #tpu.memory_space<vmem>>[vector<16xi32>], vector<16xf32>,
          %le3A_328 = arith.cmpf ole, %gather3A_327, %get3A_121 : vector<16xf32>
          %jit3A_329 = arith.constant 1 : i32
          %jit3A_330 = arith.constant 0 : i32
          %broadcast_in_dim3A_331 = vector.broadcast %jit3A_329 : i32 to vector<16xi32>
          %broadcast_in_dim3A_332 = vector.broadcast %jit3A_330 : i32 to vector<16xi32>
          %select_n3A_333 = arith.select %le3A_328, %broadcast_in_dim3A_331, %broadcast_in_dim3A_332 : vector<16xi1>, vector<16xi32>
          %add3A_334 = arith.addi %add3A_318, %select_n3A_333 : vector<16xi32>
          %add3A_335 = arith.constant 12 : i32
          %add3A_336 = vector.broadcast %add3A_335 : i32 to vector<16xi32>
          %add3A_337 = arith.addi %iota3A, %add3A_336 : vector<16xi32>
          %and3A_338 = arith.constant 15 : i32
          %and3A_339 = vector.broadcast %and3A_338 : i32 to vector<16xi32>
          %and3A_340 = arith.andi %add3A_337, %and3A_339 : vector<16xi32>
          %add3A_341 = vector.broadcast %mul3A_142 : i32 to vector<16xi32>
          %add3A_342 = arith.addi %add3A_341, %and3A_340 : vector<16xi32>
          %gather3A_343 = tpu.vector_load_idx %arg9[%add3A_342] : memref<4096xf32, #tpu.memory_space<vmem>>[vector<16xi32>], vector<16xf32>,
          %le3A_344 = arith.cmpf ole, %gather3A_343, %get3A_121 : vector<16xf32>
          %jit3A_345 = arith.constant 1 : i32
          %jit3A_346 = arith.constant 0 : i32
          %broadcast_in_dim3A_347 = vector.broadcast %jit3A_345 : i32 to vector<16xi32>
          %broadcast_in_dim3A_348 = vector.broadcast %jit3A_346 : i32 to vector<16xi32>
          %select_n3A_349 = arith.select %le3A_344, %broadcast_in_dim3A_347, %broadcast_in_dim3A_348 : vector<16xi1>, vector<16xi32>
          %add3A_350 = arith.addi %add3A_334, %select_n3A_349 : vector<16xi32>
          %add3A_351 = arith.constant 13 : i32
          %add3A_352 = vector.broadcast %add3A_351 : i32 to vector<16xi32>
          %add3A_353 = arith.addi %iota3A, %add3A_352 : vector<16xi32>
          %and3A_354 = arith.constant 15 : i32
          %and3A_355 = vector.broadcast %and3A_354 : i32 to vector<16xi32>
          %and3A_356 = arith.andi %add3A_353, %and3A_355 : vector<16xi32>
          %add3A_357 = vector.broadcast %mul3A_142 : i32 to vector<16xi32>
          %add3A_358 = arith.addi %add3A_357, %and3A_356 : vector<16xi32>
          %gather3A_359 = tpu.vector_load_idx %arg9[%add3A_358] : memref<4096xf32, #tpu.memory_space<vmem>>[vector<16xi32>], vector<16xf32>,
          %le3A_360 = arith.cmpf ole, %gather3A_359, %get3A_121 : vector<16xf32>
          %jit3A_361 = arith.constant 1 : i32
          %jit3A_362 = arith.constant 0 : i32
          %broadcast_in_dim3A_363 = vector.broadcast %jit3A_361 : i32 to vector<16xi32>
          %broadcast_in_dim3A_364 = vector.broadcast %jit3A_362 : i32 to vector<16xi32>
          %select_n3A_365 = arith.select %le3A_360, %broadcast_in_dim3A_363, %broadcast_in_dim3A_364 : vector<16xi1>, vector<16xi32>
          %add3A_366 = arith.addi %add3A_350, %select_n3A_365 : vector<16xi32>
          %add3A_367 = arith.constant 14 : i32
          %add3A_368 = vector.broadcast %add3A_367 : i32 to vector<16xi32>
          %add3A_369 = arith.addi %iota3A, %add3A_368 : vector<16xi32>
          %and3A_370 = arith.constant 15 : i32
          %and3A_371 = vector.broadcast %and3A_370 : i32 to vector<16xi32>
          %and3A_372 = arith.andi %add3A_369, %and3A_371 : vector<16xi32>
          %add3A_373 = vector.broadcast %mul3A_142 : i32 to vector<16xi32>
          %add3A_374 = arith.addi %add3A_373, %and3A_372 : vector<16xi32>
          %gather3A_375 = tpu.vector_load_idx %arg9[%add3A_374] : memref<4096xf32, #tpu.memory_space<vmem>>[vector<16xi32>], vector<16xf32>,
          %le3A_376 = arith.cmpf ole, %gather3A_375, %get3A_121 : vector<16xf32>
          %jit3A_377 = arith.constant 1 : i32
          %jit3A_378 = arith.constant 0 : i32
          %broadcast_in_dim3A_379 = vector.broadcast %jit3A_377 : i32 to vector<16xi32>
          %broadcast_in_dim3A_380 = vector.broadcast %jit3A_378 : i32 to vector<16xi32>
          %select_n3A_381 = arith.select %le3A_376, %broadcast_in_dim3A_379, %broadcast_in_dim3A_380 : vector<16xi1>, vector<16xi32>
          %add3A_382 = arith.addi %add3A_366, %select_n3A_381 : vector<16xi32>
          %add3A_383 = arith.constant 15 : i32
          %add3A_384 = vector.broadcast %add3A_383 : i32 to vector<16xi32>
          %add3A_385 = arith.addi %iota3A, %add3A_384 : vector<16xi32>
          %and3A_386 = arith.constant 15 : i32
          %and3A_387 = vector.broadcast %and3A_386 : i32 to vector<16xi32>
          %and3A_388 = arith.andi %add3A_385, %and3A_387 : vector<16xi32>
          %add3A_389 = vector.broadcast %mul3A_142 : i32 to vector<16xi32>
          %add3A_390 = arith.addi %add3A_389, %and3A_388 : vector<16xi32>
          %gather3A_391 = tpu.vector_load_idx %arg9[%add3A_390] : memref<4096xf32, #tpu.memory_space<vmem>>[vector<16xi32>], vector<16xf32>,
          %le3A_392 = arith.cmpf ole, %gather3A_391, %get3A_121 : vector<16xf32>
          %jit3A_393 = arith.constant 1 : i32
          %jit3A_394 = arith.constant 0 : i32
          %broadcast_in_dim3A_395 = vector.broadcast %jit3A_393 : i32 to vector<16xi32>
          %broadcast_in_dim3A_396 = vector.broadcast %jit3A_394 : i32 to vector<16xi32>
          %select_n3A_397 = arith.select %le3A_392, %broadcast_in_dim3A_395, %broadcast_in_dim3A_396 : vector<16xi1>, vector<16xi32>
          %add3A_398 = arith.addi %add3A_382, %select_n3A_397 : vector<16xi32>
          scf.yield %add3A_398 : vector<16xi32>
        } else {
          %eq3A = arith.cmpi eq, %while3A_139, %while3A_118 : i32
          %convert_element_type3A_145 = arith.extui %eq3A : i1 to i32
          %cond3A_146 = arith.constant 0 : i32
          %cond3A_147 = arith.cmpi ne, %convert_element_type3A_145, %cond3A_146 : i32
          %cond3A_148 = scf.if %cond3A_147 -> (vector<16xi32>) {
            %add3A_149 = arith.constant 0 : i32
            %add3A_150 = vector.broadcast %add3A_149 : i32 to vector<16xi32>
            %add3A_151 = arith.addi %iota3A, %add3A_150 : vector<16xi32>
            %and3A_152 = arith.constant 15 : i32
            %and3A_153 = vector.broadcast %and3A_152 : i32 to vector<16xi32>
            %and3A_154 = arith.andi %add3A_151, %and3A_153 : vector<16xi32>
            %add3A_155 = vector.broadcast %mul3A_142 : i32 to vector<16xi32>
            %add3A_156 = arith.addi %add3A_155, %and3A_154 : vector<16xi32>
            %gather3A = tpu.vector_load_idx %arg9[%add3A_156] : memref<4096xf32, #tpu.memory_space<vmem>>[vector<16xi32>], vector<16xf32>,
            %lt3A_157 = arith.cmpf olt, %gather3A, %get3A_121 : vector<16xf32>
            %eq3A_158 = arith.cmpf oeq, %gather3A, %get3A_121 : vector<16xf32>
            %lt3A_159 = arith.cmpi slt, %and3A_154, %iota3A : vector<16xi32>
            %and3A_160 = arith.andi %eq3A_158, %lt3A_159 : vector<16xi1>
            %or3A = arith.ori %lt3A_157, %and3A_160 : vector<16xi1>
            %jit3A_161 = arith.constant 1 : i32
            %jit3A_162 = arith.constant 0 : i32
            %broadcast_in_dim3A_163 = vector.broadcast %jit3A_161 : i32 to vector<16xi32>
            %broadcast_in_dim3A_164 = vector.broadcast %jit3A_162 : i32 to vector<16xi32>
            %select_n3A_165 = arith.select %or3A, %broadcast_in_dim3A_163, %broadcast_in_dim3A_164 : vector<16xi1>, vector<16xi32>
            %add3A_166 = arith.addi %while3A_140, %select_n3A_165 : vector<16xi32>
            %add3A_167 = arith.constant 1 : i32
            %add3A_168 = vector.broadcast %add3A_167 : i32 to vector<16xi32>
            %add3A_169 = arith.addi %iota3A, %add3A_168 : vector<16xi32>
            %and3A_170 = arith.constant 15 : i32
            %and3A_171 = vector.broadcast %and3A_170 : i32 to vector<16xi32>
            %and3A_172 = arith.andi %add3A_169, %and3A_171 : vector<16xi32>
            %add3A_173 = vector.broadcast %mul3A_142 : i32 to vector<16xi32>
            %add3A_174 = arith.addi %add3A_173, %and3A_172 : vector<16xi32>
            %gather3A_175 = tpu.vector_load_idx %arg9[%add3A_174] : memref<4096xf32, #tpu.memory_space<vmem>>[vector<16xi32>], vector<16xf32>,
            %lt3A_176 = arith.cmpf olt, %gather3A_175, %get3A_121 : vector<16xf32>
            %eq3A_177 = arith.cmpf oeq, %gather3A_175, %get3A_121 : vector<16xf32>
            %lt3A_178 = arith.cmpi slt, %and3A_172, %iota3A : vector<16xi32>
            %and3A_179 = arith.andi %eq3A_177, %lt3A_178 : vector<16xi1>
            %or3A_180 = arith.ori %lt3A_176, %and3A_179 : vector<16xi1>
            %jit3A_181 = arith.constant 1 : i32
            %jit3A_182 = arith.constant 0 : i32
            %broadcast_in_dim3A_183 = vector.broadcast %jit3A_181 : i32 to vector<16xi32>
            %broadcast_in_dim3A_184 = vector.broadcast %jit3A_182 : i32 to vector<16xi32>
            %select_n3A_185 = arith.select %or3A_180, %broadcast_in_dim3A_183, %broadcast_in_dim3A_184 : vector<16xi1>, vector<16xi32>
            %add3A_186 = arith.addi %add3A_166, %select_n3A_185 : vector<16xi32>
            %add3A_187 = arith.constant 2 : i32
            %add3A_188 = vector.broadcast %add3A_187 : i32 to vector<16xi32>
            %add3A_189 = arith.addi %iota3A, %add3A_188 : vector<16xi32>
            %and3A_190 = arith.constant 15 : i32
            %and3A_191 = vector.broadcast %and3A_190 : i32 to vector<16xi32>
            %and3A_192 = arith.andi %add3A_189, %and3A_191 : vector<16xi32>
            %add3A_193 = vector.broadcast %mul3A_142 : i32 to vector<16xi32>
            %add3A_194 = arith.addi %add3A_193, %and3A_192 : vector<16xi32>
            %gather3A_195 = tpu.vector_load_idx %arg9[%add3A_194] : memref<4096xf32, #tpu.memory_space<vmem>>[vector<16xi32>], vector<16xf32>,
            %lt3A_196 = arith.cmpf olt, %gather3A_195, %get3A_121 : vector<16xf32>
            %eq3A_197 = arith.cmpf oeq, %gather3A_195, %get3A_121 : vector<16xf32>
            %lt3A_198 = arith.cmpi slt, %and3A_192, %iota3A : vector<16xi32>
            %and3A_199 = arith.andi %eq3A_197, %lt3A_198 : vector<16xi1>
            %or3A_200 = arith.ori %lt3A_196, %and3A_199 : vector<16xi1>
            %jit3A_201 = arith.constant 1 : i32
            %jit3A_202 = arith.constant 0 : i32
            %broadcast_in_dim3A_203 = vector.broadcast %jit3A_201 : i32 to vector<16xi32>
            %broadcast_in_dim3A_204 = vector.broadcast %jit3A_202 : i32 to vector<16xi32>
            %select_n3A_205 = arith.select %or3A_200, %broadcast_in_dim3A_203, %broadcast_in_dim3A_204 : vector<16xi1>, vector<16xi32>
            %add3A_206 = arith.addi %add3A_186, %select_n3A_205 : vector<16xi32>
            %add3A_207 = arith.constant 3 : i32
            %add3A_208 = vector.broadcast %add3A_207 : i32 to vector<16xi32>
            %add3A_209 = arith.addi %iota3A, %add3A_208 : vector<16xi32>
            %and3A_210 = arith.constant 15 : i32
            %and3A_211 = vector.broadcast %and3A_210 : i32 to vector<16xi32>
            %and3A_212 = arith.andi %add3A_209, %and3A_211 : vector<16xi32>
            %add3A_213 = vector.broadcast %mul3A_142 : i32 to vector<16xi32>
            %add3A_214 = arith.addi %add3A_213, %and3A_212 : vector<16xi32>
            %gather3A_215 = tpu.vector_load_idx %arg9[%add3A_214] : memref<4096xf32, #tpu.memory_space<vmem>>[vector<16xi32>], vector<16xf32>,
            %lt3A_216 = arith.cmpf olt, %gather3A_215, %get3A_121 : vector<16xf32>
            %eq3A_217 = arith.cmpf oeq, %gather3A_215, %get3A_121 : vector<16xf32>
            %lt3A_218 = arith.cmpi slt, %and3A_212, %iota3A : vector<16xi32>
            %and3A_219 = arith.andi %eq3A_217, %lt3A_218 : vector<16xi1>
            %or3A_220 = arith.ori %lt3A_216, %and3A_219 : vector<16xi1>
            %jit3A_221 = arith.constant 1 : i32
            %jit3A_222 = arith.constant 0 : i32
            %broadcast_in_dim3A_223 = vector.broadcast %jit3A_221 : i32 to vector<16xi32>
            %broadcast_in_dim3A_224 = vector.broadcast %jit3A_222 : i32 to vector<16xi32>
            %select_n3A_225 = arith.select %or3A_220, %broadcast_in_dim3A_223, %broadcast_in_dim3A_224 : vector<16xi1>, vector<16xi32>
            %add3A_226 = arith.addi %add3A_206, %select_n3A_225 : vector<16xi32>
            %add3A_227 = arith.constant 4 : i32
            %add3A_228 = vector.broadcast %add3A_227 : i32 to vector<16xi32>
            %add3A_229 = arith.addi %iota3A, %add3A_228 : vector<16xi32>
            %and3A_230 = arith.constant 15 : i32
            %and3A_231 = vector.broadcast %and3A_230 : i32 to vector<16xi32>
            %and3A_232 = arith.andi %add3A_229, %and3A_231 : vector<16xi32>
            %add3A_233 = vector.broadcast %mul3A_142 : i32 to vector<16xi32>
            %add3A_234 = arith.addi %add3A_233, %and3A_232 : vector<16xi32>
            %gather3A_235 = tpu.vector_load_idx %arg9[%add3A_234] : memref<4096xf32, #tpu.memory_space<vmem>>[vector<16xi32>], vector<16xf32>,
            %lt3A_236 = arith.cmpf olt, %gather3A_235, %get3A_121 : vector<16xf32>
            %eq3A_237 = arith.cmpf oeq, %gather3A_235, %get3A_121 : vector<16xf32>
            %lt3A_238 = arith.cmpi slt, %and3A_232, %iota3A : vector<16xi32>
            %and3A_239 = arith.andi %eq3A_237, %lt3A_238 : vector<16xi1>
            %or3A_240 = arith.ori %lt3A_236, %and3A_239 : vector<16xi1>
            %jit3A_241 = arith.constant 1 : i32
            %jit3A_242 = arith.constant 0 : i32
            %broadcast_in_dim3A_243 = vector.broadcast %jit3A_241 : i32 to vector<16xi32>
            %broadcast_in_dim3A_244 = vector.broadcast %jit3A_242 : i32 to vector<16xi32>
            %select_n3A_245 = arith.select %or3A_240, %broadcast_in_dim3A_243, %broadcast_in_dim3A_244 : vector<16xi1>, vector<16xi32>
            %add3A_246 = arith.addi %add3A_226, %select_n3A_245 : vector<16xi32>
            %add3A_247 = arith.constant 5 : i32
            %add3A_248 = vector.broadcast %add3A_247 : i32 to vector<16xi32>
            %add3A_249 = arith.addi %iota3A, %add3A_248 : vector<16xi32>
            %and3A_250 = arith.constant 15 : i32
            %and3A_251 = vector.broadcast %and3A_250 : i32 to vector<16xi32>
            %and3A_252 = arith.andi %add3A_249, %and3A_251 : vector<16xi32>
            %add3A_253 = vector.broadcast %mul3A_142 : i32 to vector<16xi32>
            %add3A_254 = arith.addi %add3A_253, %and3A_252 : vector<16xi32>
            %gather3A_255 = tpu.vector_load_idx %arg9[%add3A_254] : memref<4096xf32, #tpu.memory_space<vmem>>[vector<16xi32>], vector<16xf32>,
            %lt3A_256 = arith.cmpf olt, %gather3A_255, %get3A_121 : vector<16xf32>
            %eq3A_257 = arith.cmpf oeq, %gather3A_255, %get3A_121 : vector<16xf32>
            %lt3A_258 = arith.cmpi slt, %and3A_252, %iota3A : vector<16xi32>
            %and3A_259 = arith.andi %eq3A_257, %lt3A_258 : vector<16xi1>
            %or3A_260 = arith.ori %lt3A_256, %and3A_259 : vector<16xi1>
            %jit3A_261 = arith.constant 1 : i32
            %jit3A_262 = arith.constant 0 : i32
            %broadcast_in_dim3A_263 = vector.broadcast %jit3A_261 : i32 to vector<16xi32>
            %broadcast_in_dim3A_264 = vector.broadcast %jit3A_262 : i32 to vector<16xi32>
            %select_n3A_265 = arith.select %or3A_260, %broadcast_in_dim3A_263, %broadcast_in_dim3A_264 : vector<16xi1>, vector<16xi32>
            %add3A_266 = arith.addi %add3A_246, %select_n3A_265 : vector<16xi32>
            %add3A_267 = arith.constant 6 : i32
            %add3A_268 = vector.broadcast %add3A_267 : i32 to vector<16xi32>
            %add3A_269 = arith.addi %iota3A, %add3A_268 : vector<16xi32>
            %and3A_270 = arith.constant 15 : i32
            %and3A_271 = vector.broadcast %and3A_270 : i32 to vector<16xi32>
            %and3A_272 = arith.andi %add3A_269, %and3A_271 : vector<16xi32>
            %add3A_273 = vector.broadcast %mul3A_142 : i32 to vector<16xi32>
            %add3A_274 = arith.addi %add3A_273, %and3A_272 : vector<16xi32>
            %gather3A_275 = tpu.vector_load_idx %arg9[%add3A_274] : memref<4096xf32, #tpu.memory_space<vmem>>[vector<16xi32>], vector<16xf32>,
            %lt3A_276 = arith.cmpf olt, %gather3A_275, %get3A_121 : vector<16xf32>
            %eq3A_277 = arith.cmpf oeq, %gather3A_275, %get3A_121 : vector<16xf32>
            %lt3A_278 = arith.cmpi slt, %and3A_272, %iota3A : vector<16xi32>
            %and3A_279 = arith.andi %eq3A_277, %lt3A_278 : vector<16xi1>
            %or3A_280 = arith.ori %lt3A_276, %and3A_279 : vector<16xi1>
            %jit3A_281 = arith.constant 1 : i32
            %jit3A_282 = arith.constant 0 : i32
            %broadcast_in_dim3A_283 = vector.broadcast %jit3A_281 : i32 to vector<16xi32>
            %broadcast_in_dim3A_284 = vector.broadcast %jit3A_282 : i32 to vector<16xi32>
            %select_n3A_285 = arith.select %or3A_280, %broadcast_in_dim3A_283, %broadcast_in_dim3A_284 : vector<16xi1>, vector<16xi32>
            %add3A_286 = arith.addi %add3A_266, %select_n3A_285 : vector<16xi32>
            %add3A_287 = arith.constant 7 : i32
            %add3A_288 = vector.broadcast %add3A_287 : i32 to vector<16xi32>
            %add3A_289 = arith.addi %iota3A, %add3A_288 : vector<16xi32>
            %and3A_290 = arith.constant 15 : i32
            %and3A_291 = vector.broadcast %and3A_290 : i32 to vector<16xi32>
            %and3A_292 = arith.andi %add3A_289, %and3A_291 : vector<16xi32>
            %add3A_293 = vector.broadcast %mul3A_142 : i32 to vector<16xi32>
            %add3A_294 = arith.addi %add3A_293, %and3A_292 : vector<16xi32>
            %gather3A_295 = tpu.vector_load_idx %arg9[%add3A_294] : memref<4096xf32, #tpu.memory_space<vmem>>[vector<16xi32>], vector<16xf32>,
            %lt3A_296 = arith.cmpf olt, %gather3A_295, %get3A_121 : vector<16xf32>
            %eq3A_297 = arith.cmpf oeq, %gather3A_295, %get3A_121 : vector<16xf32>
            %lt3A_298 = arith.cmpi slt, %and3A_292, %iota3A : vector<16xi32>
            %and3A_299 = arith.andi %eq3A_297, %lt3A_298 : vector<16xi1>
            %or3A_300 = arith.ori %lt3A_296, %and3A_299 : vector<16xi1>
            %jit3A_301 = arith.constant 1 : i32
            %jit3A_302 = arith.constant 0 : i32
            %broadcast_in_dim3A_303 = vector.broadcast %jit3A_301 : i32 to vector<16xi32>
            %broadcast_in_dim3A_304 = vector.broadcast %jit3A_302 : i32 to vector<16xi32>
            %select_n3A_305 = arith.select %or3A_300, %broadcast_in_dim3A_303, %broadcast_in_dim3A_304 : vector<16xi1>, vector<16xi32>
            %add3A_306 = arith.addi %add3A_286, %select_n3A_305 : vector<16xi32>
            %add3A_307 = arith.constant 8 : i32
            %add3A_308 = vector.broadcast %add3A_307 : i32 to vector<16xi32>
            %add3A_309 = arith.addi %iota3A, %add3A_308 : vector<16xi32>
            %and3A_310 = arith.constant 15 : i32
            %and3A_311 = vector.broadcast %and3A_310 : i32 to vector<16xi32>
            %and3A_312 = arith.andi %add3A_309, %and3A_311 : vector<16xi32>
            %add3A_313 = vector.broadcast %mul3A_142 : i32 to vector<16xi32>
            %add3A_314 = arith.addi %add3A_313, %and3A_312 : vector<16xi32>
            %gather3A_315 = tpu.vector_load_idx %arg9[%add3A_314] : memref<4096xf32, #tpu.memory_space<vmem>>[vector<16xi32>], vector<16xf32>,
            %lt3A_316 = arith.cmpf olt, %gather3A_315, %get3A_121 : vector<16xf32>
            %eq3A_317 = arith.cmpf oeq, %gather3A_315, %get3A_121 : vector<16xf32>
            %lt3A_318 = arith.cmpi slt, %and3A_312, %iota3A : vector<16xi32>
            %and3A_319 = arith.andi %eq3A_317, %lt3A_318 : vector<16xi1>
            %or3A_320 = arith.ori %lt3A_316, %and3A_319 : vector<16xi1>
            %jit3A_321 = arith.constant 1 : i32
            %jit3A_322 = arith.constant 0 : i32
            %broadcast_in_dim3A_323 = vector.broadcast %jit3A_321 : i32 to vector<16xi32>
            %broadcast_in_dim3A_324 = vector.broadcast %jit3A_322 : i32 to vector<16xi32>
            %select_n3A_325 = arith.select %or3A_320, %broadcast_in_dim3A_323, %broadcast_in_dim3A_324 : vector<16xi1>, vector<16xi32>
            %add3A_326 = arith.addi %add3A_306, %select_n3A_325 : vector<16xi32>
            %add3A_327 = arith.constant 9 : i32
            %add3A_328 = vector.broadcast %add3A_327 : i32 to vector<16xi32>
            %add3A_329 = arith.addi %iota3A, %add3A_328 : vector<16xi32>
            %and3A_330 = arith.constant 15 : i32
            %and3A_331 = vector.broadcast %and3A_330 : i32 to vector<16xi32>
            %and3A_332 = arith.andi %add3A_329, %and3A_331 : vector<16xi32>
            %add3A_333 = vector.broadcast %mul3A_142 : i32 to vector<16xi32>
            %add3A_334 = arith.addi %add3A_333, %and3A_332 : vector<16xi32>
            %gather3A_335 = tpu.vector_load_idx %arg9[%add3A_334] : memref<4096xf32, #tpu.memory_space<vmem>>[vector<16xi32>], vector<16xf32>,
            %lt3A_336 = arith.cmpf olt, %gather3A_335, %get3A_121 : vector<16xf32>
            %eq3A_337 = arith.cmpf oeq, %gather3A_335, %get3A_121 : vector<16xf32>
            %lt3A_338 = arith.cmpi slt, %and3A_332, %iota3A : vector<16xi32>
            %and3A_339 = arith.andi %eq3A_337, %lt3A_338 : vector<16xi1>
            %or3A_340 = arith.ori %lt3A_336, %and3A_339 : vector<16xi1>
            %jit3A_341 = arith.constant 1 : i32
            %jit3A_342 = arith.constant 0 : i32
            %broadcast_in_dim3A_343 = vector.broadcast %jit3A_341 : i32 to vector<16xi32>
            %broadcast_in_dim3A_344 = vector.broadcast %jit3A_342 : i32 to vector<16xi32>
            %select_n3A_345 = arith.select %or3A_340, %broadcast_in_dim3A_343, %broadcast_in_dim3A_344 : vector<16xi1>, vector<16xi32>
            %add3A_346 = arith.addi %add3A_326, %select_n3A_345 : vector<16xi32>
            %add3A_347 = arith.constant 10 : i32
            %add3A_348 = vector.broadcast %add3A_347 : i32 to vector<16xi32>
            %add3A_349 = arith.addi %iota3A, %add3A_348 : vector<16xi32>
            %and3A_350 = arith.constant 15 : i32
            %and3A_351 = vector.broadcast %and3A_350 : i32 to vector<16xi32>
            %and3A_352 = arith.andi %add3A_349, %and3A_351 : vector<16xi32>
            %add3A_353 = vector.broadcast %mul3A_142 : i32 to vector<16xi32>
            %add3A_354 = arith.addi %add3A_353, %and3A_352 : vector<16xi32>
            %gather3A_355 = tpu.vector_load_idx %arg9[%add3A_354] : memref<4096xf32, #tpu.memory_space<vmem>>[vector<16xi32>], vector<16xf32>,
            %lt3A_356 = arith.cmpf olt, %gather3A_355, %get3A_121 : vector<16xf32>
            %eq3A_357 = arith.cmpf oeq, %gather3A_355, %get3A_121 : vector<16xf32>
            %lt3A_358 = arith.cmpi slt, %and3A_352, %iota3A : vector<16xi32>
            %and3A_359 = arith.andi %eq3A_357, %lt3A_358 : vector<16xi1>
            %or3A_360 = arith.ori %lt3A_356, %and3A_359 : vector<16xi1>
            %jit3A_361 = arith.constant 1 : i32
            %jit3A_362 = arith.constant 0 : i32
            %broadcast_in_dim3A_363 = vector.broadcast %jit3A_361 : i32 to vector<16xi32>
            %broadcast_in_dim3A_364 = vector.broadcast %jit3A_362 : i32 to vector<16xi32>
            %select_n3A_365 = arith.select %or3A_360, %broadcast_in_dim3A_363, %broadcast_in_dim3A_364 : vector<16xi1>, vector<16xi32>
            %add3A_366 = arith.addi %add3A_346, %select_n3A_365 : vector<16xi32>
            %add3A_367 = arith.constant 11 : i32
            %add3A_368 = vector.broadcast %add3A_367 : i32 to vector<16xi32>
            %add3A_369 = arith.addi %iota3A, %add3A_368 : vector<16xi32>
            %and3A_370 = arith.constant 15 : i32
            %and3A_371 = vector.broadcast %and3A_370 : i32 to vector<16xi32>
            %and3A_372 = arith.andi %add3A_369, %and3A_371 : vector<16xi32>
            %add3A_373 = vector.broadcast %mul3A_142 : i32 to vector<16xi32>
            %add3A_374 = arith.addi %add3A_373, %and3A_372 : vector<16xi32>
            %gather3A_375 = tpu.vector_load_idx %arg9[%add3A_374] : memref<4096xf32, #tpu.memory_space<vmem>>[vector<16xi32>], vector<16xf32>,
            %lt3A_376 = arith.cmpf olt, %gather3A_375, %get3A_121 : vector<16xf32>
            %eq3A_377 = arith.cmpf oeq, %gather3A_375, %get3A_121 : vector<16xf32>
            %lt3A_378 = arith.cmpi slt, %and3A_372, %iota3A : vector<16xi32>
            %and3A_379 = arith.andi %eq3A_377, %lt3A_378 : vector<16xi1>
            %or3A_380 = arith.ori %lt3A_376, %and3A_379 : vector<16xi1>
            %jit3A_381 = arith.constant 1 : i32
            %jit3A_382 = arith.constant 0 : i32
            %broadcast_in_dim3A_383 = vector.broadcast %jit3A_381 : i32 to vector<16xi32>
            %broadcast_in_dim3A_384 = vector.broadcast %jit3A_382 : i32 to vector<16xi32>
            %select_n3A_385 = arith.select %or3A_380, %broadcast_in_dim3A_383, %broadcast_in_dim3A_384 : vector<16xi1>, vector<16xi32>
            %add3A_386 = arith.addi %add3A_366, %select_n3A_385 : vector<16xi32>
            %add3A_387 = arith.constant 12 : i32
            %add3A_388 = vector.broadcast %add3A_387 : i32 to vector<16xi32>
            %add3A_389 = arith.addi %iota3A, %add3A_388 : vector<16xi32>
            %and3A_390 = arith.constant 15 : i32
            %and3A_391 = vector.broadcast %and3A_390 : i32 to vector<16xi32>
            %and3A_392 = arith.andi %add3A_389, %and3A_391 : vector<16xi32>
            %add3A_393 = vector.broadcast %mul3A_142 : i32 to vector<16xi32>
            %add3A_394 = arith.addi %add3A_393, %and3A_392 : vector<16xi32>
            %gather3A_395 = tpu.vector_load_idx %arg9[%add3A_394] : memref<4096xf32, #tpu.memory_space<vmem>>[vector<16xi32>], vector<16xf32>,
            %lt3A_396 = arith.cmpf olt, %gather3A_395, %get3A_121 : vector<16xf32>
            %eq3A_397 = arith.cmpf oeq, %gather3A_395, %get3A_121 : vector<16xf32>
            %lt3A_398 = arith.cmpi slt, %and3A_392, %iota3A : vector<16xi32>
            %and3A_399 = arith.andi %eq3A_397, %lt3A_398 : vector<16xi1>
            %or3A_400 = arith.ori %lt3A_396, %and3A_399 : vector<16xi1>
            %jit3A_401 = arith.constant 1 : i32
            %jit3A_402 = arith.constant 0 : i32
            %broadcast_in_dim3A_403 = vector.broadcast %jit3A_401 : i32 to vector<16xi32>
            %broadcast_in_dim3A_404 = vector.broadcast %jit3A_402 : i32 to vector<16xi32>
            %select_n3A_405 = arith.select %or3A_400, %broadcast_in_dim3A_403, %broadcast_in_dim3A_404 : vector<16xi1>, vector<16xi32>
            %add3A_406 = arith.addi %add3A_386, %select_n3A_405 : vector<16xi32>
            %add3A_407 = arith.constant 13 : i32
            %add3A_408 = vector.broadcast %add3A_407 : i32 to vector<16xi32>
            %add3A_409 = arith.addi %iota3A, %add3A_408 : vector<16xi32>
            %and3A_410 = arith.constant 15 : i32
            %and3A_411 = vector.broadcast %and3A_410 : i32 to vector<16xi32>
            %and3A_412 = arith.andi %add3A_409, %and3A_411 : vector<16xi32>
            %add3A_413 = vector.broadcast %mul3A_142 : i32 to vector<16xi32>
            %add3A_414 = arith.addi %add3A_413, %and3A_412 : vector<16xi32>
            %gather3A_415 = tpu.vector_load_idx %arg9[%add3A_414] : memref<4096xf32, #tpu.memory_space<vmem>>[vector<16xi32>], vector<16xf32>,
            %lt3A_416 = arith.cmpf olt, %gather3A_415, %get3A_121 : vector<16xf32>
            %eq3A_417 = arith.cmpf oeq, %gather3A_415, %get3A_121 : vector<16xf32>
            %lt3A_418 = arith.cmpi slt, %and3A_412, %iota3A : vector<16xi32>
            %and3A_419 = arith.andi %eq3A_417, %lt3A_418 : vector<16xi1>
            %or3A_420 = arith.ori %lt3A_416, %and3A_419 : vector<16xi1>
            %jit3A_421 = arith.constant 1 : i32
            %jit3A_422 = arith.constant 0 : i32
            %broadcast_in_dim3A_423 = vector.broadcast %jit3A_421 : i32 to vector<16xi32>
            %broadcast_in_dim3A_424 = vector.broadcast %jit3A_422 : i32 to vector<16xi32>
            %select_n3A_425 = arith.select %or3A_420, %broadcast_in_dim3A_423, %broadcast_in_dim3A_424 : vector<16xi1>, vector<16xi32>
            %add3A_426 = arith.addi %add3A_406, %select_n3A_425 : vector<16xi32>
            %add3A_427 = arith.constant 14 : i32
            %add3A_428 = vector.broadcast %add3A_427 : i32 to vector<16xi32>
            %add3A_429 = arith.addi %iota3A, %add3A_428 : vector<16xi32>
            %and3A_430 = arith.constant 15 : i32
            %and3A_431 = vector.broadcast %and3A_430 : i32 to vector<16xi32>
            %and3A_432 = arith.andi %add3A_429, %and3A_431 : vector<16xi32>
            %add3A_433 = vector.broadcast %mul3A_142 : i32 to vector<16xi32>
            %add3A_434 = arith.addi %add3A_433, %and3A_432 : vector<16xi32>
            %gather3A_435 = tpu.vector_load_idx %arg9[%add3A_434] : memref<4096xf32, #tpu.memory_space<vmem>>[vector<16xi32>], vector<16xf32>,
            %lt3A_436 = arith.cmpf olt, %gather3A_435, %get3A_121 : vector<16xf32>
            %eq3A_437 = arith.cmpf oeq, %gather3A_435, %get3A_121 : vector<16xf32>
            %lt3A_438 = arith.cmpi slt, %and3A_432, %iota3A : vector<16xi32>
            %and3A_439 = arith.andi %eq3A_437, %lt3A_438 : vector<16xi1>
            %or3A_440 = arith.ori %lt3A_436, %and3A_439 : vector<16xi1>
            %jit3A_441 = arith.constant 1 : i32
            %jit3A_442 = arith.constant 0 : i32
            %broadcast_in_dim3A_443 = vector.broadcast %jit3A_441 : i32 to vector<16xi32>
            %broadcast_in_dim3A_444 = vector.broadcast %jit3A_442 : i32 to vector<16xi32>
            %select_n3A_445 = arith.select %or3A_440, %broadcast_in_dim3A_443, %broadcast_in_dim3A_444 : vector<16xi1>, vector<16xi32>
            %add3A_446 = arith.addi %add3A_426, %select_n3A_445 : vector<16xi32>
            %add3A_447 = arith.constant 15 : i32
            %add3A_448 = vector.broadcast %add3A_447 : i32 to vector<16xi32>
            %add3A_449 = arith.addi %iota3A, %add3A_448 : vector<16xi32>
            %and3A_450 = arith.constant 15 : i32
            %and3A_451 = vector.broadcast %and3A_450 : i32 to vector<16xi32>
            %and3A_452 = arith.andi %add3A_449, %and3A_451 : vector<16xi32>
            %add3A_453 = vector.broadcast %mul3A_142 : i32 to vector<16xi32>
            %add3A_454 = arith.addi %add3A_453, %and3A_452 : vector<16xi32>
            %gather3A_455 = tpu.vector_load_idx %arg9[%add3A_454] : memref<4096xf32, #tpu.memory_space<vmem>>[vector<16xi32>], vector<16xf32>,
            %lt3A_456 = arith.cmpf olt, %gather3A_455, %get3A_121 : vector<16xf32>
            %eq3A_457 = arith.cmpf oeq, %gather3A_455, %get3A_121 : vector<16xf32>
            %lt3A_458 = arith.cmpi slt, %and3A_452, %iota3A : vector<16xi32>
            %and3A_459 = arith.andi %eq3A_457, %lt3A_458 : vector<16xi1>
            %or3A_460 = arith.ori %lt3A_456, %and3A_459 : vector<16xi1>
            %jit3A_461 = arith.constant 1 : i32
            %jit3A_462 = arith.constant 0 : i32
            %broadcast_in_dim3A_463 = vector.broadcast %jit3A_461 : i32 to vector<16xi32>
            %broadcast_in_dim3A_464 = vector.broadcast %jit3A_462 : i32 to vector<16xi32>
            %select_n3A_465 = arith.select %or3A_460, %broadcast_in_dim3A_463, %broadcast_in_dim3A_464 : vector<16xi1>, vector<16xi32>
            %add3A_466 = arith.addi %add3A_446, %select_n3A_465 : vector<16xi32>
            scf.yield %add3A_466 : vector<16xi32>
          } else {
            %add3A_149 = arith.constant 0 : i32
            %add3A_150 = vector.broadcast %add3A_149 : i32 to vector<16xi32>
            %add3A_151 = arith.addi %iota3A, %add3A_150 : vector<16xi32>
            %and3A_152 = arith.constant 15 : i32
            %and3A_153 = vector.broadcast %and3A_152 : i32 to vector<16xi32>
            %and3A_154 = arith.andi %add3A_151, %and3A_153 : vector<16xi32>
            %add3A_155 = vector.broadcast %mul3A_142 : i32 to vector<16xi32>
            %add3A_156 = arith.addi %add3A_155, %and3A_154 : vector<16xi32>
            %gather3A = tpu.vector_load_idx %arg9[%add3A_156] : memref<4096xf32, #tpu.memory_space<vmem>>[vector<16xi32>], vector<16xf32>,
            %lt3A_157 = arith.cmpf olt, %gather3A, %get3A_121 : vector<16xf32>
            %jit3A_158 = arith.constant 1 : i32
            %jit3A_159 = arith.constant 0 : i32
            %broadcast_in_dim3A_160 = vector.broadcast %jit3A_158 : i32 to vector<16xi32>
            %broadcast_in_dim3A_161 = vector.broadcast %jit3A_159 : i32 to vector<16xi32>
            %select_n3A_162 = arith.select %lt3A_157, %broadcast_in_dim3A_160, %broadcast_in_dim3A_161 : vector<16xi1>, vector<16xi32>
            %add3A_163 = arith.addi %while3A_140, %select_n3A_162 : vector<16xi32>
            %add3A_164 = arith.constant 1 : i32
            %add3A_165 = vector.broadcast %add3A_164 : i32 to vector<16xi32>
            %add3A_166 = arith.addi %iota3A, %add3A_165 : vector<16xi32>
            %and3A_167 = arith.constant 15 : i32
            %and3A_168 = vector.broadcast %and3A_167 : i32 to vector<16xi32>
            %and3A_169 = arith.andi %add3A_166, %and3A_168 : vector<16xi32>
            %add3A_170 = vector.broadcast %mul3A_142 : i32 to vector<16xi32>
            %add3A_171 = arith.addi %add3A_170, %and3A_169 : vector<16xi32>
            %gather3A_172 = tpu.vector_load_idx %arg9[%add3A_171] : memref<4096xf32, #tpu.memory_space<vmem>>[vector<16xi32>], vector<16xf32>,
            %lt3A_173 = arith.cmpf olt, %gather3A_172, %get3A_121 : vector<16xf32>
            %jit3A_174 = arith.constant 1 : i32
            %jit3A_175 = arith.constant 0 : i32
            %broadcast_in_dim3A_176 = vector.broadcast %jit3A_174 : i32 to vector<16xi32>
            %broadcast_in_dim3A_177 = vector.broadcast %jit3A_175 : i32 to vector<16xi32>
            %select_n3A_178 = arith.select %lt3A_173, %broadcast_in_dim3A_176, %broadcast_in_dim3A_177 : vector<16xi1>, vector<16xi32>
            %add3A_179 = arith.addi %add3A_163, %select_n3A_178 : vector<16xi32>
            %add3A_180 = arith.constant 2 : i32
            %add3A_181 = vector.broadcast %add3A_180 : i32 to vector<16xi32>
            %add3A_182 = arith.addi %iota3A, %add3A_181 : vector<16xi32>
            %and3A_183 = arith.constant 15 : i32
            %and3A_184 = vector.broadcast %and3A_183 : i32 to vector<16xi32>
            %and3A_185 = arith.andi %add3A_182, %and3A_184 : vector<16xi32>
            %add3A_186 = vector.broadcast %mul3A_142 : i32 to vector<16xi32>
            %add3A_187 = arith.addi %add3A_186, %and3A_185 : vector<16xi32>
            %gather3A_188 = tpu.vector_load_idx %arg9[%add3A_187] : memref<4096xf32, #tpu.memory_space<vmem>>[vector<16xi32>], vector<16xf32>,
            %lt3A_189 = arith.cmpf olt, %gather3A_188, %get3A_121 : vector<16xf32>
            %jit3A_190 = arith.constant 1 : i32
            %jit3A_191 = arith.constant 0 : i32
            %broadcast_in_dim3A_192 = vector.broadcast %jit3A_190 : i32 to vector<16xi32>
            %broadcast_in_dim3A_193 = vector.broadcast %jit3A_191 : i32 to vector<16xi32>
            %select_n3A_194 = arith.select %lt3A_189, %broadcast_in_dim3A_192, %broadcast_in_dim3A_193 : vector<16xi1>, vector<16xi32>
            %add3A_195 = arith.addi %add3A_179, %select_n3A_194 : vector<16xi32>
            %add3A_196 = arith.constant 3 : i32
            %add3A_197 = vector.broadcast %add3A_196 : i32 to vector<16xi32>
            %add3A_198 = arith.addi %iota3A, %add3A_197 : vector<16xi32>
            %and3A_199 = arith.constant 15 : i32
            %and3A_200 = vector.broadcast %and3A_199 : i32 to vector<16xi32>
            %and3A_201 = arith.andi %add3A_198, %and3A_200 : vector<16xi32>
            %add3A_202 = vector.broadcast %mul3A_142 : i32 to vector<16xi32>
            %add3A_203 = arith.addi %add3A_202, %and3A_201 : vector<16xi32>
            %gather3A_204 = tpu.vector_load_idx %arg9[%add3A_203] : memref<4096xf32, #tpu.memory_space<vmem>>[vector<16xi32>], vector<16xf32>,
            %lt3A_205 = arith.cmpf olt, %gather3A_204, %get3A_121 : vector<16xf32>
            %jit3A_206 = arith.constant 1 : i32
            %jit3A_207 = arith.constant 0 : i32
            %broadcast_in_dim3A_208 = vector.broadcast %jit3A_206 : i32 to vector<16xi32>
            %broadcast_in_dim3A_209 = vector.broadcast %jit3A_207 : i32 to vector<16xi32>
            %select_n3A_210 = arith.select %lt3A_205, %broadcast_in_dim3A_208, %broadcast_in_dim3A_209 : vector<16xi1>, vector<16xi32>
            %add3A_211 = arith.addi %add3A_195, %select_n3A_210 : vector<16xi32>
            %add3A_212 = arith.constant 4 : i32
            %add3A_213 = vector.broadcast %add3A_212 : i32 to vector<16xi32>
            %add3A_214 = arith.addi %iota3A, %add3A_213 : vector<16xi32>
            %and3A_215 = arith.constant 15 : i32
            %and3A_216 = vector.broadcast %and3A_215 : i32 to vector<16xi32>
            %and3A_217 = arith.andi %add3A_214, %and3A_216 : vector<16xi32>
            %add3A_218 = vector.broadcast %mul3A_142 : i32 to vector<16xi32>
            %add3A_219 = arith.addi %add3A_218, %and3A_217 : vector<16xi32>
            %gather3A_220 = tpu.vector_load_idx %arg9[%add3A_219] : memref<4096xf32, #tpu.memory_space<vmem>>[vector<16xi32>], vector<16xf32>,
            %lt3A_221 = arith.cmpf olt, %gather3A_220, %get3A_121 : vector<16xf32>
            %jit3A_222 = arith.constant 1 : i32
            %jit3A_223 = arith.constant 0 : i32
            %broadcast_in_dim3A_224 = vector.broadcast %jit3A_222 : i32 to vector<16xi32>
            %broadcast_in_dim3A_225 = vector.broadcast %jit3A_223 : i32 to vector<16xi32>
            %select_n3A_226 = arith.select %lt3A_221, %broadcast_in_dim3A_224, %broadcast_in_dim3A_225 : vector<16xi1>, vector<16xi32>
            %add3A_227 = arith.addi %add3A_211, %select_n3A_226 : vector<16xi32>
            %add3A_228 = arith.constant 5 : i32
            %add3A_229 = vector.broadcast %add3A_228 : i32 to vector<16xi32>
            %add3A_230 = arith.addi %iota3A, %add3A_229 : vector<16xi32>
            %and3A_231 = arith.constant 15 : i32
            %and3A_232 = vector.broadcast %and3A_231 : i32 to vector<16xi32>
            %and3A_233 = arith.andi %add3A_230, %and3A_232 : vector<16xi32>
            %add3A_234 = vector.broadcast %mul3A_142 : i32 to vector<16xi32>
            %add3A_235 = arith.addi %add3A_234, %and3A_233 : vector<16xi32>
            %gather3A_236 = tpu.vector_load_idx %arg9[%add3A_235] : memref<4096xf32, #tpu.memory_space<vmem>>[vector<16xi32>], vector<16xf32>,
            %lt3A_237 = arith.cmpf olt, %gather3A_236, %get3A_121 : vector<16xf32>
            %jit3A_238 = arith.constant 1 : i32
            %jit3A_239 = arith.constant 0 : i32
            %broadcast_in_dim3A_240 = vector.broadcast %jit3A_238 : i32 to vector<16xi32>
            %broadcast_in_dim3A_241 = vector.broadcast %jit3A_239 : i32 to vector<16xi32>
            %select_n3A_242 = arith.select %lt3A_237, %broadcast_in_dim3A_240, %broadcast_in_dim3A_241 : vector<16xi1>, vector<16xi32>
            %add3A_243 = arith.addi %add3A_227, %select_n3A_242 : vector<16xi32>
            %add3A_244 = arith.constant 6 : i32
            %add3A_245 = vector.broadcast %add3A_244 : i32 to vector<16xi32>
            %add3A_246 = arith.addi %iota3A, %add3A_245 : vector<16xi32>
            %and3A_247 = arith.constant 15 : i32
            %and3A_248 = vector.broadcast %and3A_247 : i32 to vector<16xi32>
            %and3A_249 = arith.andi %add3A_246, %and3A_248 : vector<16xi32>
            %add3A_250 = vector.broadcast %mul3A_142 : i32 to vector<16xi32>
            %add3A_251 = arith.addi %add3A_250, %and3A_249 : vector<16xi32>
            %gather3A_252 = tpu.vector_load_idx %arg9[%add3A_251] : memref<4096xf32, #tpu.memory_space<vmem>>[vector<16xi32>], vector<16xf32>,
            %lt3A_253 = arith.cmpf olt, %gather3A_252, %get3A_121 : vector<16xf32>
            %jit3A_254 = arith.constant 1 : i32
            %jit3A_255 = arith.constant 0 : i32
            %broadcast_in_dim3A_256 = vector.broadcast %jit3A_254 : i32 to vector<16xi32>
            %broadcast_in_dim3A_257 = vector.broadcast %jit3A_255 : i32 to vector<16xi32>
            %select_n3A_258 = arith.select %lt3A_253, %broadcast_in_dim3A_256, %broadcast_in_dim3A_257 : vector<16xi1>, vector<16xi32>
            %add3A_259 = arith.addi %add3A_243, %select_n3A_258 : vector<16xi32>
            %add3A_260 = arith.constant 7 : i32
            %add3A_261 = vector.broadcast %add3A_260 : i32 to vector<16xi32>
            %add3A_262 = arith.addi %iota3A, %add3A_261 : vector<16xi32>
            %and3A_263 = arith.constant 15 : i32
            %and3A_264 = vector.broadcast %and3A_263 : i32 to vector<16xi32>
            %and3A_265 = arith.andi %add3A_262, %and3A_264 : vector<16xi32>
            %add3A_266 = vector.broadcast %mul3A_142 : i32 to vector<16xi32>
            %add3A_267 = arith.addi %add3A_266, %and3A_265 : vector<16xi32>
            %gather3A_268 = tpu.vector_load_idx %arg9[%add3A_267] : memref<4096xf32, #tpu.memory_space<vmem>>[vector<16xi32>], vector<16xf32>,
            %lt3A_269 = arith.cmpf olt, %gather3A_268, %get3A_121 : vector<16xf32>
            %jit3A_270 = arith.constant 1 : i32
            %jit3A_271 = arith.constant 0 : i32
            %broadcast_in_dim3A_272 = vector.broadcast %jit3A_270 : i32 to vector<16xi32>
            %broadcast_in_dim3A_273 = vector.broadcast %jit3A_271 : i32 to vector<16xi32>
            %select_n3A_274 = arith.select %lt3A_269, %broadcast_in_dim3A_272, %broadcast_in_dim3A_273 : vector<16xi1>, vector<16xi32>
            %add3A_275 = arith.addi %add3A_259, %select_n3A_274 : vector<16xi32>
            %add3A_276 = arith.constant 8 : i32
            %add3A_277 = vector.broadcast %add3A_276 : i32 to vector<16xi32>
            %add3A_278 = arith.addi %iota3A, %add3A_277 : vector<16xi32>
            %and3A_279 = arith.constant 15 : i32
            %and3A_280 = vector.broadcast %and3A_279 : i32 to vector<16xi32>
            %and3A_281 = arith.andi %add3A_278, %and3A_280 : vector<16xi32>
            %add3A_282 = vector.broadcast %mul3A_142 : i32 to vector<16xi32>
            %add3A_283 = arith.addi %add3A_282, %and3A_281 : vector<16xi32>
            %gather3A_284 = tpu.vector_load_idx %arg9[%add3A_283] : memref<4096xf32, #tpu.memory_space<vmem>>[vector<16xi32>], vector<16xf32>,
            %lt3A_285 = arith.cmpf olt, %gather3A_284, %get3A_121 : vector<16xf32>
            %jit3A_286 = arith.constant 1 : i32
            %jit3A_287 = arith.constant 0 : i32
            %broadcast_in_dim3A_288 = vector.broadcast %jit3A_286 : i32 to vector<16xi32>
            %broadcast_in_dim3A_289 = vector.broadcast %jit3A_287 : i32 to vector<16xi32>
            %select_n3A_290 = arith.select %lt3A_285, %broadcast_in_dim3A_288, %broadcast_in_dim3A_289 : vector<16xi1>, vector<16xi32>
            %add3A_291 = arith.addi %add3A_275, %select_n3A_290 : vector<16xi32>
            %add3A_292 = arith.constant 9 : i32
            %add3A_293 = vector.broadcast %add3A_292 : i32 to vector<16xi32>
            %add3A_294 = arith.addi %iota3A, %add3A_293 : vector<16xi32>
            %and3A_295 = arith.constant 15 : i32
            %and3A_296 = vector.broadcast %and3A_295 : i32 to vector<16xi32>
            %and3A_297 = arith.andi %add3A_294, %and3A_296 : vector<16xi32>
            %add3A_298 = vector.broadcast %mul3A_142 : i32 to vector<16xi32>
            %add3A_299 = arith.addi %add3A_298, %and3A_297 : vector<16xi32>
            %gather3A_300 = tpu.vector_load_idx %arg9[%add3A_299] : memref<4096xf32, #tpu.memory_space<vmem>>[vector<16xi32>], vector<16xf32>,
            %lt3A_301 = arith.cmpf olt, %gather3A_300, %get3A_121 : vector<16xf32>
            %jit3A_302 = arith.constant 1 : i32
            %jit3A_303 = arith.constant 0 : i32
            %broadcast_in_dim3A_304 = vector.broadcast %jit3A_302 : i32 to vector<16xi32>
            %broadcast_in_dim3A_305 = vector.broadcast %jit3A_303 : i32 to vector<16xi32>
            %select_n3A_306 = arith.select %lt3A_301, %broadcast_in_dim3A_304, %broadcast_in_dim3A_305 : vector<16xi1>, vector<16xi32>
            %add3A_307 = arith.addi %add3A_291, %select_n3A_306 : vector<16xi32>
            %add3A_308 = arith.constant 10 : i32
            %add3A_309 = vector.broadcast %add3A_308 : i32 to vector<16xi32>
            %add3A_310 = arith.addi %iota3A, %add3A_309 : vector<16xi32>
            %and3A_311 = arith.constant 15 : i32
            %and3A_312 = vector.broadcast %and3A_311 : i32 to vector<16xi32>
            %and3A_313 = arith.andi %add3A_310, %and3A_312 : vector<16xi32>
            %add3A_314 = vector.broadcast %mul3A_142 : i32 to vector<16xi32>
            %add3A_315 = arith.addi %add3A_314, %and3A_313 : vector<16xi32>
            %gather3A_316 = tpu.vector_load_idx %arg9[%add3A_315] : memref<4096xf32, #tpu.memory_space<vmem>>[vector<16xi32>], vector<16xf32>,
            %lt3A_317 = arith.cmpf olt, %gather3A_316, %get3A_121 : vector<16xf32>
            %jit3A_318 = arith.constant 1 : i32
            %jit3A_319 = arith.constant 0 : i32
            %broadcast_in_dim3A_320 = vector.broadcast %jit3A_318 : i32 to vector<16xi32>
            %broadcast_in_dim3A_321 = vector.broadcast %jit3A_319 : i32 to vector<16xi32>
            %select_n3A_322 = arith.select %lt3A_317, %broadcast_in_dim3A_320, %broadcast_in_dim3A_321 : vector<16xi1>, vector<16xi32>
            %add3A_323 = arith.addi %add3A_307, %select_n3A_322 : vector<16xi32>
            %add3A_324 = arith.constant 11 : i32
            %add3A_325 = vector.broadcast %add3A_324 : i32 to vector<16xi32>
            %add3A_326 = arith.addi %iota3A, %add3A_325 : vector<16xi32>
            %and3A_327 = arith.constant 15 : i32
            %and3A_328 = vector.broadcast %and3A_327 : i32 to vector<16xi32>
            %and3A_329 = arith.andi %add3A_326, %and3A_328 : vector<16xi32>
            %add3A_330 = vector.broadcast %mul3A_142 : i32 to vector<16xi32>
            %add3A_331 = arith.addi %add3A_330, %and3A_329 : vector<16xi32>
            %gather3A_332 = tpu.vector_load_idx %arg9[%add3A_331] : memref<4096xf32, #tpu.memory_space<vmem>>[vector<16xi32>], vector<16xf32>,
            %lt3A_333 = arith.cmpf olt, %gather3A_332, %get3A_121 : vector<16xf32>
            %jit3A_334 = arith.constant 1 : i32
            %jit3A_335 = arith.constant 0 : i32
            %broadcast_in_dim3A_336 = vector.broadcast %jit3A_334 : i32 to vector<16xi32>
            %broadcast_in_dim3A_337 = vector.broadcast %jit3A_335 : i32 to vector<16xi32>
            %select_n3A_338 = arith.select %lt3A_333, %broadcast_in_dim3A_336, %broadcast_in_dim3A_337 : vector<16xi1>, vector<16xi32>
            %add3A_339 = arith.addi %add3A_323, %select_n3A_338 : vector<16xi32>
            %add3A_340 = arith.constant 12 : i32
            %add3A_341 = vector.broadcast %add3A_340 : i32 to vector<16xi32>
            %add3A_342 = arith.addi %iota3A, %add3A_341 : vector<16xi32>
            %and3A_343 = arith.constant 15 : i32
            %and3A_344 = vector.broadcast %and3A_343 : i32 to vector<16xi32>
            %and3A_345 = arith.andi %add3A_342, %and3A_344 : vector<16xi32>
            %add3A_346 = vector.broadcast %mul3A_142 : i32 to vector<16xi32>
            %add3A_347 = arith.addi %add3A_346, %and3A_345 : vector<16xi32>
            %gather3A_348 = tpu.vector_load_idx %arg9[%add3A_347] : memref<4096xf32, #tpu.memory_space<vmem>>[vector<16xi32>], vector<16xf32>,
            %lt3A_349 = arith.cmpf olt, %gather3A_348, %get3A_121 : vector<16xf32>
            %jit3A_350 = arith.constant 1 : i32
            %jit3A_351 = arith.constant 0 : i32
            %broadcast_in_dim3A_352 = vector.broadcast %jit3A_350 : i32 to vector<16xi32>
            %broadcast_in_dim3A_353 = vector.broadcast %jit3A_351 : i32 to vector<16xi32>
            %select_n3A_354 = arith.select %lt3A_349, %broadcast_in_dim3A_352, %broadcast_in_dim3A_353 : vector<16xi1>, vector<16xi32>
            %add3A_355 = arith.addi %add3A_339, %select_n3A_354 : vector<16xi32>
            %add3A_356 = arith.constant 13 : i32
            %add3A_357 = vector.broadcast %add3A_356 : i32 to vector<16xi32>
            %add3A_358 = arith.addi %iota3A, %add3A_357 : vector<16xi32>
            %and3A_359 = arith.constant 15 : i32
            %and3A_360 = vector.broadcast %and3A_359 : i32 to vector<16xi32>
            %and3A_361 = arith.andi %add3A_358, %and3A_360 : vector<16xi32>
            %add3A_362 = vector.broadcast %mul3A_142 : i32 to vector<16xi32>
            %add3A_363 = arith.addi %add3A_362, %and3A_361 : vector<16xi32>
            %gather3A_364 = tpu.vector_load_idx %arg9[%add3A_363] : memref<4096xf32, #tpu.memory_space<vmem>>[vector<16xi32>], vector<16xf32>,
            %lt3A_365 = arith.cmpf olt, %gather3A_364, %get3A_121 : vector<16xf32>
            %jit3A_366 = arith.constant 1 : i32
            %jit3A_367 = arith.constant 0 : i32
            %broadcast_in_dim3A_368 = vector.broadcast %jit3A_366 : i32 to vector<16xi32>
            %broadcast_in_dim3A_369 = vector.broadcast %jit3A_367 : i32 to vector<16xi32>
            %select_n3A_370 = arith.select %lt3A_365, %broadcast_in_dim3A_368, %broadcast_in_dim3A_369 : vector<16xi1>, vector<16xi32>
            %add3A_371 = arith.addi %add3A_355, %select_n3A_370 : vector<16xi32>
            %add3A_372 = arith.constant 14 : i32
            %add3A_373 = vector.broadcast %add3A_372 : i32 to vector<16xi32>
            %add3A_374 = arith.addi %iota3A, %add3A_373 : vector<16xi32>
            %and3A_375 = arith.constant 15 : i32
            %and3A_376 = vector.broadcast %and3A_375 : i32 to vector<16xi32>
            %and3A_377 = arith.andi %add3A_374, %and3A_376 : vector<16xi32>
            %add3A_378 = vector.broadcast %mul3A_142 : i32 to vector<16xi32>
            %add3A_379 = arith.addi %add3A_378, %and3A_377 : vector<16xi32>
            %gather3A_380 = tpu.vector_load_idx %arg9[%add3A_379] : memref<4096xf32, #tpu.memory_space<vmem>>[vector<16xi32>], vector<16xf32>,
            %lt3A_381 = arith.cmpf olt, %gather3A_380, %get3A_121 : vector<16xf32>
            %jit3A_382 = arith.constant 1 : i32
            %jit3A_383 = arith.constant 0 : i32
            %broadcast_in_dim3A_384 = vector.broadcast %jit3A_382 : i32 to vector<16xi32>
            %broadcast_in_dim3A_385 = vector.broadcast %jit3A_383 : i32 to vector<16xi32>
            %select_n3A_386 = arith.select %lt3A_381, %broadcast_in_dim3A_384, %broadcast_in_dim3A_385 : vector<16xi1>, vector<16xi32>
            %add3A_387 = arith.addi %add3A_371, %select_n3A_386 : vector<16xi32>
            %add3A_388 = arith.constant 15 : i32
            %add3A_389 = vector.broadcast %add3A_388 : i32 to vector<16xi32>
            %add3A_390 = arith.addi %iota3A, %add3A_389 : vector<16xi32>
            %and3A_391 = arith.constant 15 : i32
            %and3A_392 = vector.broadcast %and3A_391 : i32 to vector<16xi32>
            %and3A_393 = arith.andi %add3A_390, %and3A_392 : vector<16xi32>
            %add3A_394 = vector.broadcast %mul3A_142 : i32 to vector<16xi32>
            %add3A_395 = arith.addi %add3A_394, %and3A_393 : vector<16xi32>
            %gather3A_396 = tpu.vector_load_idx %arg9[%add3A_395] : memref<4096xf32, #tpu.memory_space<vmem>>[vector<16xi32>], vector<16xf32>,
            %lt3A_397 = arith.cmpf olt, %gather3A_396, %get3A_121 : vector<16xf32>
            %jit3A_398 = arith.constant 1 : i32
            %jit3A_399 = arith.constant 0 : i32
            %broadcast_in_dim3A_400 = vector.broadcast %jit3A_398 : i32 to vector<16xi32>
            %broadcast_in_dim3A_401 = vector.broadcast %jit3A_399 : i32 to vector<16xi32>
            %select_n3A_402 = arith.select %lt3A_397, %broadcast_in_dim3A_400, %broadcast_in_dim3A_401 : vector<16xi1>, vector<16xi32>
            %add3A_403 = arith.addi %add3A_387, %select_n3A_402 : vector<16xi32>
            scf.yield %add3A_403 : vector<16xi32>
          }
          scf.yield %cond3A_148 : vector<16xi32>
        }
        scf.yield %cond3A_144 : vector<16xi32>
      }
      %mul3A_135 = arith.constant 16 : i32
      %mul3A_136 = arith.muli %while3A_118, %mul3A_135 : i32
      %get3A_137 = arith.index_cast %mul3A_136 : i32 to index
      %get3A_138 = tpu.vector_load %arg8[%get3A_137] {strides = array<i32>} : memref<4096xi32, #tpu.memory_space<vmem>>, vector<16xi32>,
      tpu.vector_store_idx %arg10[%while3A_134], %get3A_138 : memref<4096xi32, #tpu.memory_space<vmem>>[vector<16xi32>], vector<16xi32>,
    }
    tpu.wait_dma2 semaphore(%arg13 : memref<!tpu.dma_semaphore, #tpu.memory_space<semaphore_mem>>) src(%arg2 : memref<65536xf32, #tpu.memory_space<hbm>>) dst(%arg5 : memref<65536xf32, #tpu.memory_space<vmem>>)
    %add3A_76 = arith.constant 1024 : i32
    %add3A_77 = arith.addi %scan3A_29, %add3A_76 : i32
    %sub3A_78 = arith.constant 1 : i32
    %sub3A_79 = arith.subi %add3A_77, %sub3A_78 : i32
    %jit3A_80 = arith.constant 1024 : i32
    %div3A_81 = arith.divsi %sub3A_79, %jit3A_80 : i32
    %sign3A_82 = arith.constant 0 : i32
    %sign3A_83 = arith.cmpi sgt, %sub3A_79, %sign3A_82 : i32
    %sign3A_84 = arith.extui %sign3A_83 : i1 to i32
    %sign3A_85 = arith.constant 0 : i32
    %sign3A_86 = arith.cmpi slt, %sub3A_79, %sign3A_85 : i32
    %sign3A_87 = arith.extui %sign3A_86 : i1 to i32
    %sign3A_88 = arith.subi %sign3A_84, %sign3A_87 : i32
    %sign3A_89 = arith.constant 0 : i32
    %sign3A_90 = arith.cmpi sgt, %jit3A_80, %sign3A_89 : i32
    %sign3A_91 = arith.extui %sign3A_90 : i1 to i32
    %sign3A_92 = arith.constant 0 : i32
    %sign3A_93 = arith.cmpi slt, %jit3A_80, %sign3A_92 : i32
    %sign3A_94 = arith.extui %sign3A_93 : i1 to i32
    %sign3A_95 = arith.subi %sign3A_91, %sign3A_94 : i32
    %ne3A_96 = arith.cmpi ne, %sign3A_88, %sign3A_95 : i32
    %rem3A_97 = arith.remsi %sub3A_79, %jit3A_80 : i32
    %ne3A_98 = arith.constant 0 : i32
    %ne3A_99 = arith.cmpi ne, %rem3A_97, %ne3A_98 : i32
    %and3A_100 = arith.andi %ne3A_96, %ne3A_99 : i1
    %sub3A_101 = arith.constant 1 : i32
    %sub3A_102 = arith.subi %div3A_81, %sub3A_101 : i32
    %select_n3A_103 = arith.select %and3A_100, %sub3A_102, %div3A_81 : i32
    %while3A_104 = arith.constant 0 : i32
    %while3A_105 = arith.constant 0 : i32
    %while3A_106 = arith.subi %select_n3A_103, %while3A_105 : i32
    %while3A_107 = arith.addi %while3A_105, %while3A_106 : i32
    %while3A_108 = arith.constant 1 : i32
    %while3A_109 = arith.divsi %while3A_106, %while3A_108 : i32
    %while3A_110 = arith.muli %while3A_109, %while3A_108 : i32
    %while3A_111 = arith.addi %while3A_105, %while3A_110 : i32
    %while3A_112 = arith.constant 1 : i32
    scf.for %while3A_118 = %while3A_105 to %while3A_111 step %while3A_112  : i32 {
      %mul3A_119 = arith.constant 64 : i32
      %mul3A_120 = arith.muli %while3A_118, %mul3A_119 : i32
      %sub3A_121 = arith.subi %select_n3A_56, %mul3A_120 : i32
      %min3A = arith.constant 64 : i32
      %min3A_122 = arith.minsi %sub3A_121, %min3A : i32
      %while3A_123 = arith.constant 0 : i32
      %while3A_124 = arith.constant 0 : i32
      %while3A_125 = arith.subi %min3A_122, %while3A_124 : i32
      %while3A_126 = arith.addi %while3A_124, %while3A_125 : i32
      %while3A_127 = arith.constant 1 : i32
      %while3A_128 = arith.divsi %while3A_125, %while3A_127 : i32
      %while3A_129 = arith.muli %while3A_128, %while3A_127 : i32
      %while3A_130 = arith.addi %while3A_124, %while3A_129 : i32
      %while3A_131 = arith.constant 1 : i32
      scf.for %while3A_135 = %while3A_124 to %while3A_130 step %while3A_131  : i32 {
        %mul3A_136 = arith.constant 16 : i32
        %mul3A_137 = arith.muli %while3A_135, %mul3A_136 : i32
        %mul3A_138 = arith.constant 16 : i32
        %mul3A_139 = arith.muli %mul3A_120, %mul3A_138 : i32
        %add3A_140 = arith.addi %mul3A_139, %mul3A_137 : i32
        %get3A = arith.index_cast %add3A_140 : i32 to index
        %get3A_141 = tpu.vector_load %arg10[%get3A] {strides = array<i32>} : memref<4096xi32, #tpu.memory_space<vmem>>, vector<16xi32>,
        %add3A_142 = arith.constant 0 : i32
        %add3A_143 = vector.broadcast %add3A_142 : i32 to vector<16xi32>
        %add3A_144 = arith.addi %get3A_141, %add3A_143 : vector<16xi32>
        %gather3A = tpu.vector_load_idx %arg5[%add3A_144] : memref<65536xf32, #tpu.memory_space<vmem>>[vector<16xi32>], vector<16xf32>,
        %swap3A_145 = arith.constant 0 : i32
        %swap3A_146 = arith.index_cast %swap3A_145 : i32 to index
        %swap3A_147 = arith.index_cast %mul3A_137 : i32 to index
        %swap3A_148 = tpu.vector_load %arg11[%swap3A_146, %swap3A_147] {strides = array<i32>} : memref<16x1024xf32, #tpu.memory_space<vmem>>, vector<16xf32>,
        tpu.vector_store %arg11[%swap3A_146, %swap3A_147], %gather3A {strides = array<i32>} : memref<16x1024xf32, #tpu.memory_space<vmem>>, vector<16xf32>,
        %add3A_149 = arith.constant 4096 : i32
        %add3A_150 = vector.broadcast %add3A_149 : i32 to vector<16xi32>
        %add3A_151 = arith.addi %get3A_141, %add3A_150 : vector<16xi32>
        %gather3A_152 = tpu.vector_load_idx %arg5[%add3A_151] : memref<65536xf32, #tpu.memory_space<vmem>>[vector<16xi32>], vector<16xf32>,
        %swap3A_153 = arith.constant 1 : i32
        %swap3A_154 = arith.index_cast %swap3A_153 : i32 to index
        %swap3A_155 = arith.index_cast %mul3A_137 : i32 to index
        %swap3A_156 = tpu.vector_load %arg11[%swap3A_154, %swap3A_155] {strides = array<i32>} : memref<16x1024xf32, #tpu.memory_space<vmem>>, vector<16xf32>,
        tpu.vector_store %arg11[%swap3A_154, %swap3A_155], %gather3A_152 {strides = array<i32>} : memref<16x1024xf32, #tpu.memory_space<vmem>>, vector<16xf32>,
        %add3A_157 = arith.constant 8192 : i32
        %add3A_158 = vector.broadcast %add3A_157 : i32 to vector<16xi32>
        %add3A_159 = arith.addi %get3A_141, %add3A_158 : vector<16xi32>
        %gather3A_160 = tpu.vector_load_idx %arg5[%add3A_159] : memref<65536xf32, #tpu.memory_space<vmem>>[vector<16xi32>], vector<16xf32>,
        %swap3A_161 = arith.constant 2 : i32
        %swap3A_162 = arith.index_cast %swap3A_161 : i32 to index
        %swap3A_163 = arith.index_cast %mul3A_137 : i32 to index
        %swap3A_164 = tpu.vector_load %arg11[%swap3A_162, %swap3A_163] {strides = array<i32>} : memref<16x1024xf32, #tpu.memory_space<vmem>>, vector<16xf32>,
        tpu.vector_store %arg11[%swap3A_162, %swap3A_163], %gather3A_160 {strides = array<i32>} : memref<16x1024xf32, #tpu.memory_space<vmem>>, vector<16xf32>,
        %add3A_165 = arith.constant 12288 : i32
        %add3A_166 = vector.broadcast %add3A_165 : i32 to vector<16xi32>
        %add3A_167 = arith.addi %get3A_141, %add3A_166 : vector<16xi32>
        %gather3A_168 = tpu.vector_load_idx %arg5[%add3A_167] : memref<65536xf32, #tpu.memory_space<vmem>>[vector<16xi32>], vector<16xf32>,
        %swap3A_169 = arith.constant 3 : i32
        %swap3A_170 = arith.index_cast %swap3A_169 : i32 to index
        %swap3A_171 = arith.index_cast %mul3A_137 : i32 to index
        %swap3A_172 = tpu.vector_load %arg11[%swap3A_170, %swap3A_171] {strides = array<i32>} : memref<16x1024xf32, #tpu.memory_space<vmem>>, vector<16xf32>,
        tpu.vector_store %arg11[%swap3A_170, %swap3A_171], %gather3A_168 {strides = array<i32>} : memref<16x1024xf32, #tpu.memory_space<vmem>>, vector<16xf32>,
        %add3A_173 = arith.constant 16384 : i32
        %add3A_174 = vector.broadcast %add3A_173 : i32 to vector<16xi32>
        %add3A_175 = arith.addi %get3A_141, %add3A_174 : vector<16xi32>
        %gather3A_176 = tpu.vector_load_idx %arg5[%add3A_175] : memref<65536xf32, #tpu.memory_space<vmem>>[vector<16xi32>], vector<16xf32>,
        %swap3A_177 = arith.constant 4 : i32
        %swap3A_178 = arith.index_cast %swap3A_177 : i32 to index
        %swap3A_179 = arith.index_cast %mul3A_137 : i32 to index
        %swap3A_180 = tpu.vector_load %arg11[%swap3A_178, %swap3A_179] {strides = array<i32>} : memref<16x1024xf32, #tpu.memory_space<vmem>>, vector<16xf32>,
        tpu.vector_store %arg11[%swap3A_178, %swap3A_179], %gather3A_176 {strides = array<i32>} : memref<16x1024xf32, #tpu.memory_space<vmem>>, vector<16xf32>,
        %add3A_181 = arith.constant 20480 : i32
        %add3A_182 = vector.broadcast %add3A_181 : i32 to vector<16xi32>
        %add3A_183 = arith.addi %get3A_141, %add3A_182 : vector<16xi32>
        %gather3A_184 = tpu.vector_load_idx %arg5[%add3A_183] : memref<65536xf32, #tpu.memory_space<vmem>>[vector<16xi32>], vector<16xf32>,
        %swap3A_185 = arith.constant 5 : i32
        %swap3A_186 = arith.index_cast %swap3A_185 : i32 to index
        %swap3A_187 = arith.index_cast %mul3A_137 : i32 to index
        %swap3A_188 = tpu.vector_load %arg11[%swap3A_186, %swap3A_187] {strides = array<i32>} : memref<16x1024xf32, #tpu.memory_space<vmem>>, vector<16xf32>,
        tpu.vector_store %arg11[%swap3A_186, %swap3A_187], %gather3A_184 {strides = array<i32>} : memref<16x1024xf32, #tpu.memory_space<vmem>>, vector<16xf32>,
        %add3A_189 = arith.constant 24576 : i32
        %add3A_190 = vector.broadcast %add3A_189 : i32 to vector<16xi32>
        %add3A_191 = arith.addi %get3A_141, %add3A_190 : vector<16xi32>
        %gather3A_192 = tpu.vector_load_idx %arg5[%add3A_191] : memref<65536xf32, #tpu.memory_space<vmem>>[vector<16xi32>], vector<16xf32>,
        %swap3A_193 = arith.constant 6 : i32
        %swap3A_194 = arith.index_cast %swap3A_193 : i32 to index
        %swap3A_195 = arith.index_cast %mul3A_137 : i32 to index
        %swap3A_196 = tpu.vector_load %arg11[%swap3A_194, %swap3A_195] {strides = array<i32>} : memref<16x1024xf32, #tpu.memory_space<vmem>>, vector<16xf32>,
        tpu.vector_store %arg11[%swap3A_194, %swap3A_195], %gather3A_192 {strides = array<i32>} : memref<16x1024xf32, #tpu.memory_space<vmem>>, vector<16xf32>,
        %add3A_197 = arith.constant 28672 : i32
        %add3A_198 = vector.broadcast %add3A_197 : i32 to vector<16xi32>
        %add3A_199 = arith.addi %get3A_141, %add3A_198 : vector<16xi32>
        %gather3A_200 = tpu.vector_load_idx %arg5[%add3A_199] : memref<65536xf32, #tpu.memory_space<vmem>>[vector<16xi32>], vector<16xf32>,
        %swap3A_201 = arith.constant 7 : i32
        %swap3A_202 = arith.index_cast %swap3A_201 : i32 to index
        %swap3A_203 = arith.index_cast %mul3A_137 : i32 to index
        %swap3A_204 = tpu.vector_load %arg11[%swap3A_202, %swap3A_203] {strides = array<i32>} : memref<16x1024xf32, #tpu.memory_space<vmem>>, vector<16xf32>,
        tpu.vector_store %arg11[%swap3A_202, %swap3A_203], %gather3A_200 {strides = array<i32>} : memref<16x1024xf32, #tpu.memory_space<vmem>>, vector<16xf32>,
        %add3A_205 = arith.constant 32768 : i32
        %add3A_206 = vector.broadcast %add3A_205 : i32 to vector<16xi32>
        %add3A_207 = arith.addi %get3A_141, %add3A_206 : vector<16xi32>
        %gather3A_208 = tpu.vector_load_idx %arg5[%add3A_207] : memref<65536xf32, #tpu.memory_space<vmem>>[vector<16xi32>], vector<16xf32>,
        %swap3A_209 = arith.constant 8 : i32
        %swap3A_210 = arith.index_cast %swap3A_209 : i32 to index
        %swap3A_211 = arith.index_cast %mul3A_137 : i32 to index
        %swap3A_212 = tpu.vector_load %arg11[%swap3A_210, %swap3A_211] {strides = array<i32>} : memref<16x1024xf32, #tpu.memory_space<vmem>>, vector<16xf32>,
        tpu.vector_store %arg11[%swap3A_210, %swap3A_211], %gather3A_208 {strides = array<i32>} : memref<16x1024xf32, #tpu.memory_space<vmem>>, vector<16xf32>,
        %add3A_213 = arith.constant 36864 : i32
        %add3A_214 = vector.broadcast %add3A_213 : i32 to vector<16xi32>
        %add3A_215 = arith.addi %get3A_141, %add3A_214 : vector<16xi32>
        %gather3A_216 = tpu.vector_load_idx %arg5[%add3A_215] : memref<65536xf32, #tpu.memory_space<vmem>>[vector<16xi32>], vector<16xf32>,
        %swap3A_217 = arith.constant 9 : i32
        %swap3A_218 = arith.index_cast %swap3A_217 : i32 to index
        %swap3A_219 = arith.index_cast %mul3A_137 : i32 to index
        %swap3A_220 = tpu.vector_load %arg11[%swap3A_218, %swap3A_219] {strides = array<i32>} : memref<16x1024xf32, #tpu.memory_space<vmem>>, vector<16xf32>,
        tpu.vector_store %arg11[%swap3A_218, %swap3A_219], %gather3A_216 {strides = array<i32>} : memref<16x1024xf32, #tpu.memory_space<vmem>>, vector<16xf32>,
        %add3A_221 = arith.constant 40960 : i32
        %add3A_222 = vector.broadcast %add3A_221 : i32 to vector<16xi32>
        %add3A_223 = arith.addi %get3A_141, %add3A_222 : vector<16xi32>
        %gather3A_224 = tpu.vector_load_idx %arg5[%add3A_223] : memref<65536xf32, #tpu.memory_space<vmem>>[vector<16xi32>], vector<16xf32>,
        %swap3A_225 = arith.constant 10 : i32
        %swap3A_226 = arith.index_cast %swap3A_225 : i32 to index
        %swap3A_227 = arith.index_cast %mul3A_137 : i32 to index
        %swap3A_228 = tpu.vector_load %arg11[%swap3A_226, %swap3A_227] {strides = array<i32>} : memref<16x1024xf32, #tpu.memory_space<vmem>>, vector<16xf32>,
        tpu.vector_store %arg11[%swap3A_226, %swap3A_227], %gather3A_224 {strides = array<i32>} : memref<16x1024xf32, #tpu.memory_space<vmem>>, vector<16xf32>,
        %add3A_229 = arith.constant 45056 : i32
        %add3A_230 = vector.broadcast %add3A_229 : i32 to vector<16xi32>
        %add3A_231 = arith.addi %get3A_141, %add3A_230 : vector<16xi32>
        %gather3A_232 = tpu.vector_load_idx %arg5[%add3A_231] : memref<65536xf32, #tpu.memory_space<vmem>>[vector<16xi32>], vector<16xf32>,
        %swap3A_233 = arith.constant 11 : i32
        %swap3A_234 = arith.index_cast %swap3A_233 : i32 to index
        %swap3A_235 = arith.index_cast %mul3A_137 : i32 to index
        %swap3A_236 = tpu.vector_load %arg11[%swap3A_234, %swap3A_235] {strides = array<i32>} : memref<16x1024xf32, #tpu.memory_space<vmem>>, vector<16xf32>,
        tpu.vector_store %arg11[%swap3A_234, %swap3A_235], %gather3A_232 {strides = array<i32>} : memref<16x1024xf32, #tpu.memory_space<vmem>>, vector<16xf32>,
        %add3A_237 = arith.constant 49152 : i32
        %add3A_238 = vector.broadcast %add3A_237 : i32 to vector<16xi32>
        %add3A_239 = arith.addi %get3A_141, %add3A_238 : vector<16xi32>
        %gather3A_240 = tpu.vector_load_idx %arg5[%add3A_239] : memref<65536xf32, #tpu.memory_space<vmem>>[vector<16xi32>], vector<16xf32>,
        %swap3A_241 = arith.constant 12 : i32
        %swap3A_242 = arith.index_cast %swap3A_241 : i32 to index
        %swap3A_243 = arith.index_cast %mul3A_137 : i32 to index
        %swap3A_244 = tpu.vector_load %arg11[%swap3A_242, %swap3A_243] {strides = array<i32>} : memref<16x1024xf32, #tpu.memory_space<vmem>>, vector<16xf32>,
        tpu.vector_store %arg11[%swap3A_242, %swap3A_243], %gather3A_240 {strides = array<i32>} : memref<16x1024xf32, #tpu.memory_space<vmem>>, vector<16xf32>,
        %add3A_245 = arith.constant 53248 : i32
        %add3A_246 = vector.broadcast %add3A_245 : i32 to vector<16xi32>
        %add3A_247 = arith.addi %get3A_141, %add3A_246 : vector<16xi32>
        %gather3A_248 = tpu.vector_load_idx %arg5[%add3A_247] : memref<65536xf32, #tpu.memory_space<vmem>>[vector<16xi32>], vector<16xf32>,
        %swap3A_249 = arith.constant 13 : i32
        %swap3A_250 = arith.index_cast %swap3A_249 : i32 to index
        %swap3A_251 = arith.index_cast %mul3A_137 : i32 to index
        %swap3A_252 = tpu.vector_load %arg11[%swap3A_250, %swap3A_251] {strides = array<i32>} : memref<16x1024xf32, #tpu.memory_space<vmem>>, vector<16xf32>,
        tpu.vector_store %arg11[%swap3A_250, %swap3A_251], %gather3A_248 {strides = array<i32>} : memref<16x1024xf32, #tpu.memory_space<vmem>>, vector<16xf32>,
        %add3A_253 = arith.constant 57344 : i32
        %add3A_254 = vector.broadcast %add3A_253 : i32 to vector<16xi32>
        %add3A_255 = arith.addi %get3A_141, %add3A_254 : vector<16xi32>
        %gather3A_256 = tpu.vector_load_idx %arg5[%add3A_255] : memref<65536xf32, #tpu.memory_space<vmem>>[vector<16xi32>], vector<16xf32>,
        %swap3A_257 = arith.constant 14 : i32
        %swap3A_258 = arith.index_cast %swap3A_257 : i32 to index
        %swap3A_259 = arith.index_cast %mul3A_137 : i32 to index
        %swap3A_260 = tpu.vector_load %arg11[%swap3A_258, %swap3A_259] {strides = array<i32>} : memref<16x1024xf32, #tpu.memory_space<vmem>>, vector<16xf32>,
        tpu.vector_store %arg11[%swap3A_258, %swap3A_259], %gather3A_256 {strides = array<i32>} : memref<16x1024xf32, #tpu.memory_space<vmem>>, vector<16xf32>,
        %add3A_261 = arith.constant 61440 : i32
        %add3A_262 = vector.broadcast %add3A_261 : i32 to vector<16xi32>
        %add3A_263 = arith.addi %get3A_141, %add3A_262 : vector<16xi32>
        %gather3A_264 = tpu.vector_load_idx %arg5[%add3A_263] : memref<65536xf32, #tpu.memory_space<vmem>>[vector<16xi32>], vector<16xf32>,
        %swap3A_265 = arith.constant 15 : i32
        %swap3A_266 = arith.index_cast %swap3A_265 : i32 to index
        %swap3A_267 = arith.index_cast %mul3A_137 : i32 to index
        %swap3A_268 = tpu.vector_load %arg11[%swap3A_266, %swap3A_267] {strides = array<i32>} : memref<16x1024xf32, #tpu.memory_space<vmem>>, vector<16xf32>,
        tpu.vector_store %arg11[%swap3A_266, %swap3A_267], %gather3A_264 {strides = array<i32>} : memref<16x1024xf32, #tpu.memory_space<vmem>>, vector<16xf32>,
      }
      %while3A_132 = arith.constant 1 : i32
      scf.for %while3A_135 = %while3A_130 to %while3A_126 step %while3A_132  : i32 {
        %mul3A_136 = arith.constant 16 : i32
        %mul3A_137 = arith.muli %while3A_135, %mul3A_136 : i32
        %mul3A_138 = arith.constant 16 : i32
        %mul3A_139 = arith.muli %mul3A_120, %mul3A_138 : i32
        %add3A_140 = arith.addi %mul3A_139, %mul3A_137 : i32
        %get3A = arith.index_cast %add3A_140 : i32 to index
        %get3A_141 = tpu.vector_load %arg10[%get3A] {strides = array<i32>} : memref<4096xi32, #tpu.memory_space<vmem>>, vector<16xi32>,
        %add3A_142 = arith.constant 0 : i32
        %add3A_143 = vector.broadcast %add3A_142 : i32 to vector<16xi32>
        %add3A_144 = arith.addi %get3A_141, %add3A_143 : vector<16xi32>
        %gather3A = tpu.vector_load_idx %arg5[%add3A_144] : memref<65536xf32, #tpu.memory_space<vmem>>[vector<16xi32>], vector<16xf32>,
        %swap3A_145 = arith.constant 0 : i32
        %swap3A_146 = arith.index_cast %swap3A_145 : i32 to index
        %swap3A_147 = arith.index_cast %mul3A_137 : i32 to index
        %swap3A_148 = tpu.vector_load %arg11[%swap3A_146, %swap3A_147] {strides = array<i32>} : memref<16x1024xf32, #tpu.memory_space<vmem>>, vector<16xf32>,
        tpu.vector_store %arg11[%swap3A_146, %swap3A_147], %gather3A {strides = array<i32>} : memref<16x1024xf32, #tpu.memory_space<vmem>>, vector<16xf32>,
        %add3A_149 = arith.constant 4096 : i32
        %add3A_150 = vector.broadcast %add3A_149 : i32 to vector<16xi32>
        %add3A_151 = arith.addi %get3A_141, %add3A_150 : vector<16xi32>
        %gather3A_152 = tpu.vector_load_idx %arg5[%add3A_151] : memref<65536xf32, #tpu.memory_space<vmem>>[vector<16xi32>], vector<16xf32>,
        %swap3A_153 = arith.constant 1 : i32
        %swap3A_154 = arith.index_cast %swap3A_153 : i32 to index
        %swap3A_155 = arith.index_cast %mul3A_137 : i32 to index
        %swap3A_156 = tpu.vector_load %arg11[%swap3A_154, %swap3A_155] {strides = array<i32>} : memref<16x1024xf32, #tpu.memory_space<vmem>>, vector<16xf32>,
        tpu.vector_store %arg11[%swap3A_154, %swap3A_155], %gather3A_152 {strides = array<i32>} : memref<16x1024xf32, #tpu.memory_space<vmem>>, vector<16xf32>,
        %add3A_157 = arith.constant 8192 : i32
        %add3A_158 = vector.broadcast %add3A_157 : i32 to vector<16xi32>
        %add3A_159 = arith.addi %get3A_141, %add3A_158 : vector<16xi32>
        %gather3A_160 = tpu.vector_load_idx %arg5[%add3A_159] : memref<65536xf32, #tpu.memory_space<vmem>>[vector<16xi32>], vector<16xf32>,
        %swap3A_161 = arith.constant 2 : i32
        %swap3A_162 = arith.index_cast %swap3A_161 : i32 to index
        %swap3A_163 = arith.index_cast %mul3A_137 : i32 to index
        %swap3A_164 = tpu.vector_load %arg11[%swap3A_162, %swap3A_163] {strides = array<i32>} : memref<16x1024xf32, #tpu.memory_space<vmem>>, vector<16xf32>,
        tpu.vector_store %arg11[%swap3A_162, %swap3A_163], %gather3A_160 {strides = array<i32>} : memref<16x1024xf32, #tpu.memory_space<vmem>>, vector<16xf32>,
        %add3A_165 = arith.constant 12288 : i32
        %add3A_166 = vector.broadcast %add3A_165 : i32 to vector<16xi32>
        %add3A_167 = arith.addi %get3A_141, %add3A_166 : vector<16xi32>
        %gather3A_168 = tpu.vector_load_idx %arg5[%add3A_167] : memref<65536xf32, #tpu.memory_space<vmem>>[vector<16xi32>], vector<16xf32>,
        %swap3A_169 = arith.constant 3 : i32
        %swap3A_170 = arith.index_cast %swap3A_169 : i32 to index
        %swap3A_171 = arith.index_cast %mul3A_137 : i32 to index
        %swap3A_172 = tpu.vector_load %arg11[%swap3A_170, %swap3A_171] {strides = array<i32>} : memref<16x1024xf32, #tpu.memory_space<vmem>>, vector<16xf32>,
        tpu.vector_store %arg11[%swap3A_170, %swap3A_171], %gather3A_168 {strides = array<i32>} : memref<16x1024xf32, #tpu.memory_space<vmem>>, vector<16xf32>,
        %add3A_173 = arith.constant 16384 : i32
        %add3A_174 = vector.broadcast %add3A_173 : i32 to vector<16xi32>
        %add3A_175 = arith.addi %get3A_141, %add3A_174 : vector<16xi32>
        %gather3A_176 = tpu.vector_load_idx %arg5[%add3A_175] : memref<65536xf32, #tpu.memory_space<vmem>>[vector<16xi32>], vector<16xf32>,
        %swap3A_177 = arith.constant 4 : i32
        %swap3A_178 = arith.index_cast %swap3A_177 : i32 to index
        %swap3A_179 = arith.index_cast %mul3A_137 : i32 to index
        %swap3A_180 = tpu.vector_load %arg11[%swap3A_178, %swap3A_179] {strides = array<i32>} : memref<16x1024xf32, #tpu.memory_space<vmem>>, vector<16xf32>,
        tpu.vector_store %arg11[%swap3A_178, %swap3A_179], %gather3A_176 {strides = array<i32>} : memref<16x1024xf32, #tpu.memory_space<vmem>>, vector<16xf32>,
        %add3A_181 = arith.constant 20480 : i32
        %add3A_182 = vector.broadcast %add3A_181 : i32 to vector<16xi32>
        %add3A_183 = arith.addi %get3A_141, %add3A_182 : vector<16xi32>
        %gather3A_184 = tpu.vector_load_idx %arg5[%add3A_183] : memref<65536xf32, #tpu.memory_space<vmem>>[vector<16xi32>], vector<16xf32>,
        %swap3A_185 = arith.constant 5 : i32
        %swap3A_186 = arith.index_cast %swap3A_185 : i32 to index
        %swap3A_187 = arith.index_cast %mul3A_137 : i32 to index
        %swap3A_188 = tpu.vector_load %arg11[%swap3A_186, %swap3A_187] {strides = array<i32>} : memref<16x1024xf32, #tpu.memory_space<vmem>>, vector<16xf32>,
        tpu.vector_store %arg11[%swap3A_186, %swap3A_187], %gather3A_184 {strides = array<i32>} : memref<16x1024xf32, #tpu.memory_space<vmem>>, vector<16xf32>,
        %add3A_189 = arith.constant 24576 : i32
        %add3A_190 = vector.broadcast %add3A_189 : i32 to vector<16xi32>
        %add3A_191 = arith.addi %get3A_141, %add3A_190 : vector<16xi32>
        %gather3A_192 = tpu.vector_load_idx %arg5[%add3A_191] : memref<65536xf32, #tpu.memory_space<vmem>>[vector<16xi32>], vector<16xf32>,
        %swap3A_193 = arith.constant 6 : i32
        %swap3A_194 = arith.index_cast %swap3A_193 : i32 to index
        %swap3A_195 = arith.index_cast %mul3A_137 : i32 to index
        %swap3A_196 = tpu.vector_load %arg11[%swap3A_194, %swap3A_195] {strides = array<i32>} : memref<16x1024xf32, #tpu.memory_space<vmem>>, vector<16xf32>,
        tpu.vector_store %arg11[%swap3A_194, %swap3A_195], %gather3A_192 {strides = array<i32>} : memref<16x1024xf32, #tpu.memory_space<vmem>>, vector<16xf32>,
        %add3A_197 = arith.constant 28672 : i32
        %add3A_198 = vector.broadcast %add3A_197 : i32 to vector<16xi32>
        %add3A_199 = arith.addi %get3A_141, %add3A_198 : vector<16xi32>
        %gather3A_200 = tpu.vector_load_idx %arg5[%add3A_199] : memref<65536xf32, #tpu.memory_space<vmem>>[vector<16xi32>], vector<16xf32>,
        %swap3A_201 = arith.constant 7 : i32
        %swap3A_202 = arith.index_cast %swap3A_201 : i32 to index
        %swap3A_203 = arith.index_cast %mul3A_137 : i32 to index
        %swap3A_204 = tpu.vector_load %arg11[%swap3A_202, %swap3A_203] {strides = array<i32>} : memref<16x1024xf32, #tpu.memory_space<vmem>>, vector<16xf32>,
        tpu.vector_store %arg11[%swap3A_202, %swap3A_203], %gather3A_200 {strides = array<i32>} : memref<16x1024xf32, #tpu.memory_space<vmem>>, vector<16xf32>,
        %add3A_205 = arith.constant 32768 : i32
        %add3A_206 = vector.broadcast %add3A_205 : i32 to vector<16xi32>
        %add3A_207 = arith.addi %get3A_141, %add3A_206 : vector<16xi32>
        %gather3A_208 = tpu.vector_load_idx %arg5[%add3A_207] : memref<65536xf32, #tpu.memory_space<vmem>>[vector<16xi32>], vector<16xf32>,
        %swap3A_209 = arith.constant 8 : i32
        %swap3A_210 = arith.index_cast %swap3A_209 : i32 to index
        %swap3A_211 = arith.index_cast %mul3A_137 : i32 to index
        %swap3A_212 = tpu.vector_load %arg11[%swap3A_210, %swap3A_211] {strides = array<i32>} : memref<16x1024xf32, #tpu.memory_space<vmem>>, vector<16xf32>,
        tpu.vector_store %arg11[%swap3A_210, %swap3A_211], %gather3A_208 {strides = array<i32>} : memref<16x1024xf32, #tpu.memory_space<vmem>>, vector<16xf32>,
        %add3A_213 = arith.constant 36864 : i32
        %add3A_214 = vector.broadcast %add3A_213 : i32 to vector<16xi32>
        %add3A_215 = arith.addi %get3A_141, %add3A_214 : vector<16xi32>
        %gather3A_216 = tpu.vector_load_idx %arg5[%add3A_215] : memref<65536xf32, #tpu.memory_space<vmem>>[vector<16xi32>], vector<16xf32>,
        %swap3A_217 = arith.constant 9 : i32
        %swap3A_218 = arith.index_cast %swap3A_217 : i32 to index
        %swap3A_219 = arith.index_cast %mul3A_137 : i32 to index
        %swap3A_220 = tpu.vector_load %arg11[%swap3A_218, %swap3A_219] {strides = array<i32>} : memref<16x1024xf32, #tpu.memory_space<vmem>>, vector<16xf32>,
        tpu.vector_store %arg11[%swap3A_218, %swap3A_219], %gather3A_216 {strides = array<i32>} : memref<16x1024xf32, #tpu.memory_space<vmem>>, vector<16xf32>,
        %add3A_221 = arith.constant 40960 : i32
        %add3A_222 = vector.broadcast %add3A_221 : i32 to vector<16xi32>
        %add3A_223 = arith.addi %get3A_141, %add3A_222 : vector<16xi32>
        %gather3A_224 = tpu.vector_load_idx %arg5[%add3A_223] : memref<65536xf32, #tpu.memory_space<vmem>>[vector<16xi32>], vector<16xf32>,
        %swap3A_225 = arith.constant 10 : i32
        %swap3A_226 = arith.index_cast %swap3A_225 : i32 to index
        %swap3A_227 = arith.index_cast %mul3A_137 : i32 to index
        %swap3A_228 = tpu.vector_load %arg11[%swap3A_226, %swap3A_227] {strides = array<i32>} : memref<16x1024xf32, #tpu.memory_space<vmem>>, vector<16xf32>,
        tpu.vector_store %arg11[%swap3A_226, %swap3A_227], %gather3A_224 {strides = array<i32>} : memref<16x1024xf32, #tpu.memory_space<vmem>>, vector<16xf32>,
        %add3A_229 = arith.constant 45056 : i32
        %add3A_230 = vector.broadcast %add3A_229 : i32 to vector<16xi32>
        %add3A_231 = arith.addi %get3A_141, %add3A_230 : vector<16xi32>
        %gather3A_232 = tpu.vector_load_idx %arg5[%add3A_231] : memref<65536xf32, #tpu.memory_space<vmem>>[vector<16xi32>], vector<16xf32>,
        %swap3A_233 = arith.constant 11 : i32
        %swap3A_234 = arith.index_cast %swap3A_233 : i32 to index
        %swap3A_235 = arith.index_cast %mul3A_137 : i32 to index
        %swap3A_236 = tpu.vector_load %arg11[%swap3A_234, %swap3A_235] {strides = array<i32>} : memref<16x1024xf32, #tpu.memory_space<vmem>>, vector<16xf32>,
        tpu.vector_store %arg11[%swap3A_234, %swap3A_235], %gather3A_232 {strides = array<i32>} : memref<16x1024xf32, #tpu.memory_space<vmem>>, vector<16xf32>,
        %add3A_237 = arith.constant 49152 : i32
        %add3A_238 = vector.broadcast %add3A_237 : i32 to vector<16xi32>
        %add3A_239 = arith.addi %get3A_141, %add3A_238 : vector<16xi32>
        %gather3A_240 = tpu.vector_load_idx %arg5[%add3A_239] : memref<65536xf32, #tpu.memory_space<vmem>>[vector<16xi32>], vector<16xf32>,
        %swap3A_241 = arith.constant 12 : i32
        %swap3A_242 = arith.index_cast %swap3A_241 : i32 to index
        %swap3A_243 = arith.index_cast %mul3A_137 : i32 to index
        %swap3A_244 = tpu.vector_load %arg11[%swap3A_242, %swap3A_243] {strides = array<i32>} : memref<16x1024xf32, #tpu.memory_space<vmem>>, vector<16xf32>,
        tpu.vector_store %arg11[%swap3A_242, %swap3A_243], %gather3A_240 {strides = array<i32>} : memref<16x1024xf32, #tpu.memory_space<vmem>>, vector<16xf32>,
        %add3A_245 = arith.constant 53248 : i32
        %add3A_246 = vector.broadcast %add3A_245 : i32 to vector<16xi32>
        %add3A_247 = arith.addi %get3A_141, %add3A_246 : vector<16xi32>
        %gather3A_248 = tpu.vector_load_idx %arg5[%add3A_247] : memref<65536xf32, #tpu.memory_space<vmem>>[vector<16xi32>], vector<16xf32>,
        %swap3A_249 = arith.constant 13 : i32
        %swap3A_250 = arith.index_cast %swap3A_249 : i32 to index
        %swap3A_251 = arith.index_cast %mul3A_137 : i32 to index
        %swap3A_252 = tpu.vector_load %arg11[%swap3A_250, %swap3A_251] {strides = array<i32>} : memref<16x1024xf32, #tpu.memory_space<vmem>>, vector<16xf32>,
        tpu.vector_store %arg11[%swap3A_250, %swap3A_251], %gather3A_248 {strides = array<i32>} : memref<16x1024xf32, #tpu.memory_space<vmem>>, vector<16xf32>,
        %add3A_253 = arith.constant 57344 : i32
        %add3A_254 = vector.broadcast %add3A_253 : i32 to vector<16xi32>
        %add3A_255 = arith.addi %get3A_141, %add3A_254 : vector<16xi32>
        %gather3A_256 = tpu.vector_load_idx %arg5[%add3A_255] : memref<65536xf32, #tpu.memory_space<vmem>>[vector<16xi32>], vector<16xf32>,
        %swap3A_257 = arith.constant 14 : i32
        %swap3A_258 = arith.index_cast %swap3A_257 : i32 to index
        %swap3A_259 = arith.index_cast %mul3A_137 : i32 to index
        %swap3A_260 = tpu.vector_load %arg11[%swap3A_258, %swap3A_259] {strides = array<i32>} : memref<16x1024xf32, #tpu.memory_space<vmem>>, vector<16xf32>,
        tpu.vector_store %arg11[%swap3A_258, %swap3A_259], %gather3A_256 {strides = array<i32>} : memref<16x1024xf32, #tpu.memory_space<vmem>>, vector<16xf32>,
        %add3A_261 = arith.constant 61440 : i32
        %add3A_262 = vector.broadcast %add3A_261 : i32 to vector<16xi32>
        %add3A_263 = arith.addi %get3A_141, %add3A_262 : vector<16xi32>
        %gather3A_264 = tpu.vector_load_idx %arg5[%add3A_263] : memref<65536xf32, #tpu.memory_space<vmem>>[vector<16xi32>], vector<16xf32>,
        %swap3A_265 = arith.constant 15 : i32
        %swap3A_266 = arith.index_cast %swap3A_265 : i32 to index
        %swap3A_267 = arith.index_cast %mul3A_137 : i32 to index
        %swap3A_268 = tpu.vector_load %arg11[%swap3A_266, %swap3A_267] {strides = array<i32>} : memref<16x1024xf32, #tpu.memory_space<vmem>>, vector<16xf32>,
        tpu.vector_store %arg11[%swap3A_266, %swap3A_267], %gather3A_264 {strides = array<i32>} : memref<16x1024xf32, #tpu.memory_space<vmem>>, vector<16xf32>,
      }
      %mul3A_133 = arith.constant 1024 : i32
      %mul3A_134 = arith.muli %while3A_118, %mul3A_133 : i32
      "tpu.region"() ({
        %run_scoped3A = tpu.sem_alloc : memref<!tpu.dma_semaphore, #tpu.memory_space<semaphore_mem>>
        %dma_start3A = arith.constant 0 : i32
        %dma_start3A_135 = tpu.memref_slice %arg3[%add3A, %dma_start3A, %mul3A_134] : memref<32x16x4096xf32, #tpu.memory_space<hbm>> -> memref<1x16x1024xf32, #tpu.memory_space<hbm>>
        %dma_start3A_136 = tpu.memref_squeeze %dma_start3A_135 : memref<1x16x1024xf32, #tpu.memory_space<hbm>> -> memref<16x1024xf32, #tpu.memory_space<hbm>>
        %dma_start3A_137 = arith.constant 0 : i32
        %dma_start3A_138 = tpu.memref_slice %arg3[%add3A, %dma_start3A_137, %mul3A_134] : memref<32x16x4096xf32, #tpu.memory_space<hbm>> -> memref<1x16x1024xf32, #tpu.memory_space<hbm>>
        %dma_start3A_139 = tpu.memref_squeeze %dma_start3A_138 : memref<1x16x1024xf32, #tpu.memory_space<hbm>> -> memref<16x1024xf32, #tpu.memory_space<hbm>>
        tpu.enqueue_dma source(%arg11 : memref<16x1024xf32, #tpu.memory_space<vmem>>) target(%dma_start3A_139 : memref<16x1024xf32, #tpu.memory_space<hbm>>) target_semaphore(%run_scoped3A : memref<!tpu.dma_semaphore, #tpu.memory_space<semaphore_mem>>)
        %dma_wait3A = arith.constant 0 : i32
        %dma_wait3A_140 = tpu.memref_slice %arg3[%add3A, %dma_wait3A, %mul3A_134] : memref<32x16x4096xf32, #tpu.memory_space<hbm>> -> memref<1x16x1024xf32, #tpu.memory_space<hbm>>
        %dma_wait3A_141 = tpu.memref_squeeze %dma_wait3A_140 : memref<1x16x1024xf32, #tpu.memory_space<hbm>> -> memref<16x1024xf32, #tpu.memory_space<hbm>>
        %dma_wait3A_142 = arith.constant 0 : i32
        %dma_wait3A_143 = tpu.memref_slice %arg3[%add3A, %dma_wait3A_142, %mul3A_134] : memref<32x16x4096xf32, #tpu.memory_space<hbm>> -> memref<1x16x1024xf32, #tpu.memory_space<hbm>>
        %dma_wait3A_144 = tpu.memref_squeeze %dma_wait3A_143 : memref<1x16x1024xf32, #tpu.memory_space<hbm>> -> memref<16x1024xf32, #tpu.memory_space<hbm>>
        tpu.wait_dma2 semaphore(%run_scoped3A : memref<!tpu.dma_semaphore, #tpu.memory_space<semaphore_mem>>) src(%arg11 : memref<16x1024xf32, #tpu.memory_space<vmem>>) dst(%dma_wait3A_144 : memref<16x1024xf32, #tpu.memory_space<hbm>>)
        tpu.yield
      }) : () -> ()
    }
    %while3A_113 = arith.constant 1 : i32
    scf.for %while3A_118 = %while3A_111 to %while3A_107 step %while3A_113  : i32 {
      %mul3A_119 = arith.constant 64 : i32
      %mul3A_120 = arith.muli %while3A_118, %mul3A_119 : i32
      %sub3A_121 = arith.subi %select_n3A_56, %mul3A_120 : i32
      %min3A = arith.constant 64 : i32
      %min3A_122 = arith.minsi %sub3A_121, %min3A : i32
      %while3A_123 = arith.constant 0 : i32
      %while3A_124 = arith.constant 0 : i32
      %while3A_125 = arith.subi %min3A_122, %while3A_124 : i32
      %while3A_126 = arith.addi %while3A_124, %while3A_125 : i32
      %while3A_127 = arith.constant 1 : i32
      %while3A_128 = arith.divsi %while3A_125, %while3A_127 : i32
      %while3A_129 = arith.muli %while3A_128, %while3A_127 : i32
      %while3A_130 = arith.addi %while3A_124, %while3A_129 : i32
      %while3A_131 = arith.constant 1 : i32
      scf.for %while3A_135 = %while3A_124 to %while3A_130 step %while3A_131  : i32 {
        %mul3A_136 = arith.constant 16 : i32
        %mul3A_137 = arith.muli %while3A_135, %mul3A_136 : i32
        %mul3A_138 = arith.constant 16 : i32
        %mul3A_139 = arith.muli %mul3A_120, %mul3A_138 : i32
        %add3A_140 = arith.addi %mul3A_139, %mul3A_137 : i32
        %get3A = arith.index_cast %add3A_140 : i32 to index
        %get3A_141 = tpu.vector_load %arg10[%get3A] {strides = array<i32>} : memref<4096xi32, #tpu.memory_space<vmem>>, vector<16xi32>,
        %add3A_142 = arith.constant 0 : i32
        %add3A_143 = vector.broadcast %add3A_142 : i32 to vector<16xi32>
        %add3A_144 = arith.addi %get3A_141, %add3A_143 : vector<16xi32>
        %gather3A = tpu.vector_load_idx %arg5[%add3A_144] : memref<65536xf32, #tpu.memory_space<vmem>>[vector<16xi32>], vector<16xf32>,
        %swap3A_145 = arith.constant 0 : i32
        %swap3A_146 = arith.index_cast %swap3A_145 : i32 to index
        %swap3A_147 = arith.index_cast %mul3A_137 : i32 to index
        %swap3A_148 = tpu.vector_load %arg11[%swap3A_146, %swap3A_147] {strides = array<i32>} : memref<16x1024xf32, #tpu.memory_space<vmem>>, vector<16xf32>,
        tpu.vector_store %arg11[%swap3A_146, %swap3A_147], %gather3A {strides = array<i32>} : memref<16x1024xf32, #tpu.memory_space<vmem>>, vector<16xf32>,
        %add3A_149 = arith.constant 4096 : i32
        %add3A_150 = vector.broadcast %add3A_149 : i32 to vector<16xi32>
        %add3A_151 = arith.addi %get3A_141, %add3A_150 : vector<16xi32>
        %gather3A_152 = tpu.vector_load_idx %arg5[%add3A_151] : memref<65536xf32, #tpu.memory_space<vmem>>[vector<16xi32>], vector<16xf32>,
        %swap3A_153 = arith.constant 1 : i32
        %swap3A_154 = arith.index_cast %swap3A_153 : i32 to index
        %swap3A_155 = arith.index_cast %mul3A_137 : i32 to index
        %swap3A_156 = tpu.vector_load %arg11[%swap3A_154, %swap3A_155] {strides = array<i32>} : memref<16x1024xf32, #tpu.memory_space<vmem>>, vector<16xf32>,
        tpu.vector_store %arg11[%swap3A_154, %swap3A_155], %gather3A_152 {strides = array<i32>} : memref<16x1024xf32, #tpu.memory_space<vmem>>, vector<16xf32>,
        %add3A_157 = arith.constant 8192 : i32
        %add3A_158 = vector.broadcast %add3A_157 : i32 to vector<16xi32>
        %add3A_159 = arith.addi %get3A_141, %add3A_158 : vector<16xi32>
        %gather3A_160 = tpu.vector_load_idx %arg5[%add3A_159] : memref<65536xf32, #tpu.memory_space<vmem>>[vector<16xi32>], vector<16xf32>,
        %swap3A_161 = arith.constant 2 : i32
        %swap3A_162 = arith.index_cast %swap3A_161 : i32 to index
        %swap3A_163 = arith.index_cast %mul3A_137 : i32 to index
        %swap3A_164 = tpu.vector_load %arg11[%swap3A_162, %swap3A_163] {strides = array<i32>} : memref<16x1024xf32, #tpu.memory_space<vmem>>, vector<16xf32>,
        tpu.vector_store %arg11[%swap3A_162, %swap3A_163], %gather3A_160 {strides = array<i32>} : memref<16x1024xf32, #tpu.memory_space<vmem>>, vector<16xf32>,
        %add3A_165 = arith.constant 12288 : i32
        %add3A_166 = vector.broadcast %add3A_165 : i32 to vector<16xi32>
        %add3A_167 = arith.addi %get3A_141, %add3A_166 : vector<16xi32>
        %gather3A_168 = tpu.vector_load_idx %arg5[%add3A_167] : memref<65536xf32, #tpu.memory_space<vmem>>[vector<16xi32>], vector<16xf32>,
        %swap3A_169 = arith.constant 3 : i32
        %swap3A_170 = arith.index_cast %swap3A_169 : i32 to index
        %swap3A_171 = arith.index_cast %mul3A_137 : i32 to index
        %swap3A_172 = tpu.vector_load %arg11[%swap3A_170, %swap3A_171] {strides = array<i32>} : memref<16x1024xf32, #tpu.memory_space<vmem>>, vector<16xf32>,
        tpu.vector_store %arg11[%swap3A_170, %swap3A_171], %gather3A_168 {strides = array<i32>} : memref<16x1024xf32, #tpu.memory_space<vmem>>, vector<16xf32>,
        %add3A_173 = arith.constant 16384 : i32
        %add3A_174 = vector.broadcast %add3A_173 : i32 to vector<16xi32>
        %add3A_175 = arith.addi %get3A_141, %add3A_174 : vector<16xi32>
        %gather3A_176 = tpu.vector_load_idx %arg5[%add3A_175] : memref<65536xf32, #tpu.memory_space<vmem>>[vector<16xi32>], vector<16xf32>,
        %swap3A_177 = arith.constant 4 : i32
        %swap3A_178 = arith.index_cast %swap3A_177 : i32 to index
        %swap3A_179 = arith.index_cast %mul3A_137 : i32 to index
        %swap3A_180 = tpu.vector_load %arg11[%swap3A_178, %swap3A_179] {strides = array<i32>} : memref<16x1024xf32, #tpu.memory_space<vmem>>, vector<16xf32>,
        tpu.vector_store %arg11[%swap3A_178, %swap3A_179], %gather3A_176 {strides = array<i32>} : memref<16x1024xf32, #tpu.memory_space<vmem>>, vector<16xf32>,
        %add3A_181 = arith.constant 20480 : i32
        %add3A_182 = vector.broadcast %add3A_181 : i32 to vector<16xi32>
        %add3A_183 = arith.addi %get3A_141, %add3A_182 : vector<16xi32>
        %gather3A_184 = tpu.vector_load_idx %arg5[%add3A_183] : memref<65536xf32, #tpu.memory_space<vmem>>[vector<16xi32>], vector<16xf32>,
        %swap3A_185 = arith.constant 5 : i32
        %swap3A_186 = arith.index_cast %swap3A_185 : i32 to index
        %swap3A_187 = arith.index_cast %mul3A_137 : i32 to index
        %swap3A_188 = tpu.vector_load %arg11[%swap3A_186, %swap3A_187] {strides = array<i32>} : memref<16x1024xf32, #tpu.memory_space<vmem>>, vector<16xf32>,
        tpu.vector_store %arg11[%swap3A_186, %swap3A_187], %gather3A_184 {strides = array<i32>} : memref<16x1024xf32, #tpu.memory_space<vmem>>, vector<16xf32>,
        %add3A_189 = arith.constant 24576 : i32
        %add3A_190 = vector.broadcast %add3A_189 : i32 to vector<16xi32>
        %add3A_191 = arith.addi %get3A_141, %add3A_190 : vector<16xi32>
        %gather3A_192 = tpu.vector_load_idx %arg5[%add3A_191] : memref<65536xf32, #tpu.memory_space<vmem>>[vector<16xi32>], vector<16xf32>,
        %swap3A_193 = arith.constant 6 : i32
        %swap3A_194 = arith.index_cast %swap3A_193 : i32 to index
        %swap3A_195 = arith.index_cast %mul3A_137 : i32 to index
        %swap3A_196 = tpu.vector_load %arg11[%swap3A_194, %swap3A_195] {strides = array<i32>} : memref<16x1024xf32, #tpu.memory_space<vmem>>, vector<16xf32>,
        tpu.vector_store %arg11[%swap3A_194, %swap3A_195], %gather3A_192 {strides = array<i32>} : memref<16x1024xf32, #tpu.memory_space<vmem>>, vector<16xf32>,
        %add3A_197 = arith.constant 28672 : i32
        %add3A_198 = vector.broadcast %add3A_197 : i32 to vector<16xi32>
        %add3A_199 = arith.addi %get3A_141, %add3A_198 : vector<16xi32>
        %gather3A_200 = tpu.vector_load_idx %arg5[%add3A_199] : memref<65536xf32, #tpu.memory_space<vmem>>[vector<16xi32>], vector<16xf32>,
        %swap3A_201 = arith.constant 7 : i32
        %swap3A_202 = arith.index_cast %swap3A_201 : i32 to index
        %swap3A_203 = arith.index_cast %mul3A_137 : i32 to index
        %swap3A_204 = tpu.vector_load %arg11[%swap3A_202, %swap3A_203] {strides = array<i32>} : memref<16x1024xf32, #tpu.memory_space<vmem>>, vector<16xf32>,
        tpu.vector_store %arg11[%swap3A_202, %swap3A_203], %gather3A_200 {strides = array<i32>} : memref<16x1024xf32, #tpu.memory_space<vmem>>, vector<16xf32>,
        %add3A_205 = arith.constant 32768 : i32
        %add3A_206 = vector.broadcast %add3A_205 : i32 to vector<16xi32>
        %add3A_207 = arith.addi %get3A_141, %add3A_206 : vector<16xi32>
        %gather3A_208 = tpu.vector_load_idx %arg5[%add3A_207] : memref<65536xf32, #tpu.memory_space<vmem>>[vector<16xi32>], vector<16xf32>,
        %swap3A_209 = arith.constant 8 : i32
        %swap3A_210 = arith.index_cast %swap3A_209 : i32 to index
        %swap3A_211 = arith.index_cast %mul3A_137 : i32 to index
        %swap3A_212 = tpu.vector_load %arg11[%swap3A_210, %swap3A_211] {strides = array<i32>} : memref<16x1024xf32, #tpu.memory_space<vmem>>, vector<16xf32>,
        tpu.vector_store %arg11[%swap3A_210, %swap3A_211], %gather3A_208 {strides = array<i32>} : memref<16x1024xf32, #tpu.memory_space<vmem>>, vector<16xf32>,
        %add3A_213 = arith.constant 36864 : i32
        %add3A_214 = vector.broadcast %add3A_213 : i32 to vector<16xi32>
        %add3A_215 = arith.addi %get3A_141, %add3A_214 : vector<16xi32>
        %gather3A_216 = tpu.vector_load_idx %arg5[%add3A_215] : memref<65536xf32, #tpu.memory_space<vmem>>[vector<16xi32>], vector<16xf32>,
        %swap3A_217 = arith.constant 9 : i32
        %swap3A_218 = arith.index_cast %swap3A_217 : i32 to index
        %swap3A_219 = arith.index_cast %mul3A_137 : i32 to index
        %swap3A_220 = tpu.vector_load %arg11[%swap3A_218, %swap3A_219] {strides = array<i32>} : memref<16x1024xf32, #tpu.memory_space<vmem>>, vector<16xf32>,
        tpu.vector_store %arg11[%swap3A_218, %swap3A_219], %gather3A_216 {strides = array<i32>} : memref<16x1024xf32, #tpu.memory_space<vmem>>, vector<16xf32>,
        %add3A_221 = arith.constant 40960 : i32
        %add3A_222 = vector.broadcast %add3A_221 : i32 to vector<16xi32>
        %add3A_223 = arith.addi %get3A_141, %add3A_222 : vector<16xi32>
        %gather3A_224 = tpu.vector_load_idx %arg5[%add3A_223] : memref<65536xf32, #tpu.memory_space<vmem>>[vector<16xi32>], vector<16xf32>,
        %swap3A_225 = arith.constant 10 : i32
        %swap3A_226 = arith.index_cast %swap3A_225 : i32 to index
        %swap3A_227 = arith.index_cast %mul3A_137 : i32 to index
        %swap3A_228 = tpu.vector_load %arg11[%swap3A_226, %swap3A_227] {strides = array<i32>} : memref<16x1024xf32, #tpu.memory_space<vmem>>, vector<16xf32>,
        tpu.vector_store %arg11[%swap3A_226, %swap3A_227], %gather3A_224 {strides = array<i32>} : memref<16x1024xf32, #tpu.memory_space<vmem>>, vector<16xf32>,
        %add3A_229 = arith.constant 45056 : i32
        %add3A_230 = vector.broadcast %add3A_229 : i32 to vector<16xi32>
        %add3A_231 = arith.addi %get3A_141, %add3A_230 : vector<16xi32>
        %gather3A_232 = tpu.vector_load_idx %arg5[%add3A_231] : memref<65536xf32, #tpu.memory_space<vmem>>[vector<16xi32>], vector<16xf32>,
        %swap3A_233 = arith.constant 11 : i32
        %swap3A_234 = arith.index_cast %swap3A_233 : i32 to index
        %swap3A_235 = arith.index_cast %mul3A_137 : i32 to index
        %swap3A_236 = tpu.vector_load %arg11[%swap3A_234, %swap3A_235] {strides = array<i32>} : memref<16x1024xf32, #tpu.memory_space<vmem>>, vector<16xf32>,
        tpu.vector_store %arg11[%swap3A_234, %swap3A_235], %gather3A_232 {strides = array<i32>} : memref<16x1024xf32, #tpu.memory_space<vmem>>, vector<16xf32>,
        %add3A_237 = arith.constant 49152 : i32
        %add3A_238 = vector.broadcast %add3A_237 : i32 to vector<16xi32>
        %add3A_239 = arith.addi %get3A_141, %add3A_238 : vector<16xi32>
        %gather3A_240 = tpu.vector_load_idx %arg5[%add3A_239] : memref<65536xf32, #tpu.memory_space<vmem>>[vector<16xi32>], vector<16xf32>,
        %swap3A_241 = arith.constant 12 : i32
        %swap3A_242 = arith.index_cast %swap3A_241 : i32 to index
        %swap3A_243 = arith.index_cast %mul3A_137 : i32 to index
        %swap3A_244 = tpu.vector_load %arg11[%swap3A_242, %swap3A_243] {strides = array<i32>} : memref<16x1024xf32, #tpu.memory_space<vmem>>, vector<16xf32>,
        tpu.vector_store %arg11[%swap3A_242, %swap3A_243], %gather3A_240 {strides = array<i32>} : memref<16x1024xf32, #tpu.memory_space<vmem>>, vector<16xf32>,
        %add3A_245 = arith.constant 53248 : i32
        %add3A_246 = vector.broadcast %add3A_245 : i32 to vector<16xi32>
        %add3A_247 = arith.addi %get3A_141, %add3A_246 : vector<16xi32>
        %gather3A_248 = tpu.vector_load_idx %arg5[%add3A_247] : memref<65536xf32, #tpu.memory_space<vmem>>[vector<16xi32>], vector<16xf32>,
        %swap3A_249 = arith.constant 13 : i32
        %swap3A_250 = arith.index_cast %swap3A_249 : i32 to index
        %swap3A_251 = arith.index_cast %mul3A_137 : i32 to index
        %swap3A_252 = tpu.vector_load %arg11[%swap3A_250, %swap3A_251] {strides = array<i32>} : memref<16x1024xf32, #tpu.memory_space<vmem>>, vector<16xf32>,
        tpu.vector_store %arg11[%swap3A_250, %swap3A_251], %gather3A_248 {strides = array<i32>} : memref<16x1024xf32, #tpu.memory_space<vmem>>, vector<16xf32>,
        %add3A_253 = arith.constant 57344 : i32
        %add3A_254 = vector.broadcast %add3A_253 : i32 to vector<16xi32>
        %add3A_255 = arith.addi %get3A_141, %add3A_254 : vector<16xi32>
        %gather3A_256 = tpu.vector_load_idx %arg5[%add3A_255] : memref<65536xf32, #tpu.memory_space<vmem>>[vector<16xi32>], vector<16xf32>,
        %swap3A_257 = arith.constant 14 : i32
        %swap3A_258 = arith.index_cast %swap3A_257 : i32 to index
        %swap3A_259 = arith.index_cast %mul3A_137 : i32 to index
        %swap3A_260 = tpu.vector_load %arg11[%swap3A_258, %swap3A_259] {strides = array<i32>} : memref<16x1024xf32, #tpu.memory_space<vmem>>, vector<16xf32>,
        tpu.vector_store %arg11[%swap3A_258, %swap3A_259], %gather3A_256 {strides = array<i32>} : memref<16x1024xf32, #tpu.memory_space<vmem>>, vector<16xf32>,
        %add3A_261 = arith.constant 61440 : i32
        %add3A_262 = vector.broadcast %add3A_261 : i32 to vector<16xi32>
        %add3A_263 = arith.addi %get3A_141, %add3A_262 : vector<16xi32>
        %gather3A_264 = tpu.vector_load_idx %arg5[%add3A_263] : memref<65536xf32, #tpu.memory_space<vmem>>[vector<16xi32>], vector<16xf32>,
        %swap3A_265 = arith.constant 15 : i32
        %swap3A_266 = arith.index_cast %swap3A_265 : i32 to index
        %swap3A_267 = arith.index_cast %mul3A_137 : i32 to index
        %swap3A_268 = tpu.vector_load %arg11[%swap3A_266, %swap3A_267] {strides = array<i32>} : memref<16x1024xf32, #tpu.memory_space<vmem>>, vector<16xf32>,
        tpu.vector_store %arg11[%swap3A_266, %swap3A_267], %gather3A_264 {strides = array<i32>} : memref<16x1024xf32, #tpu.memory_space<vmem>>, vector<16xf32>,
      }
      %while3A_132 = arith.constant 1 : i32
      scf.for %while3A_135 = %while3A_130 to %while3A_126 step %while3A_132  : i32 {
        %mul3A_136 = arith.constant 16 : i32
        %mul3A_137 = arith.muli %while3A_135, %mul3A_136 : i32
        %mul3A_138 = arith.constant 16 : i32
        %mul3A_139 = arith.muli %mul3A_120, %mul3A_138 : i32
        %add3A_140 = arith.addi %mul3A_139, %mul3A_137 : i32
        %get3A = arith.index_cast %add3A_140 : i32 to index
        %get3A_141 = tpu.vector_load %arg10[%get3A] {strides = array<i32>} : memref<4096xi32, #tpu.memory_space<vmem>>, vector<16xi32>,
        %add3A_142 = arith.constant 0 : i32
        %add3A_143 = vector.broadcast %add3A_142 : i32 to vector<16xi32>
        %add3A_144 = arith.addi %get3A_141, %add3A_143 : vector<16xi32>
        %gather3A = tpu.vector_load_idx %arg5[%add3A_144] : memref<65536xf32, #tpu.memory_space<vmem>>[vector<16xi32>], vector<16xf32>,
        %swap3A_145 = arith.constant 0 : i32
        %swap3A_146 = arith.index_cast %swap3A_145 : i32 to index
        %swap3A_147 = arith.index_cast %mul3A_137 : i32 to index
        %swap3A_148 = tpu.vector_load %arg11[%swap3A_146, %swap3A_147] {strides = array<i32>} : memref<16x1024xf32, #tpu.memory_space<vmem>>, vector<16xf32>,
        tpu.vector_store %arg11[%swap3A_146, %swap3A_147], %gather3A {strides = array<i32>} : memref<16x1024xf32, #tpu.memory_space<vmem>>, vector<16xf32>,
        %add3A_149 = arith.constant 4096 : i32
        %add3A_150 = vector.broadcast %add3A_149 : i32 to vector<16xi32>
        %add3A_151 = arith.addi %get3A_141, %add3A_150 : vector<16xi32>
        %gather3A_152 = tpu.vector_load_idx %arg5[%add3A_151] : memref<65536xf32, #tpu.memory_space<vmem>>[vector<16xi32>], vector<16xf32>,
        %swap3A_153 = arith.constant 1 : i32
        %swap3A_154 = arith.index_cast %swap3A_153 : i32 to index
        %swap3A_155 = arith.index_cast %mul3A_137 : i32 to index
        %swap3A_156 = tpu.vector_load %arg11[%swap3A_154, %swap3A_155] {strides = array<i32>} : memref<16x1024xf32, #tpu.memory_space<vmem>>, vector<16xf32>,
        tpu.vector_store %arg11[%swap3A_154, %swap3A_155], %gather3A_152 {strides = array<i32>} : memref<16x1024xf32, #tpu.memory_space<vmem>>, vector<16xf32>,
        %add3A_157 = arith.constant 8192 : i32
        %add3A_158 = vector.broadcast %add3A_157 : i32 to vector<16xi32>
        %add3A_159 = arith.addi %get3A_141, %add3A_158 : vector<16xi32>
        %gather3A_160 = tpu.vector_load_idx %arg5[%add3A_159] : memref<65536xf32, #tpu.memory_space<vmem>>[vector<16xi32>], vector<16xf32>,
        %swap3A_161 = arith.constant 2 : i32
        %swap3A_162 = arith.index_cast %swap3A_161 : i32 to index
        %swap3A_163 = arith.index_cast %mul3A_137 : i32 to index
        %swap3A_164 = tpu.vector_load %arg11[%swap3A_162, %swap3A_163] {strides = array<i32>} : memref<16x1024xf32, #tpu.memory_space<vmem>>, vector<16xf32>,
        tpu.vector_store %arg11[%swap3A_162, %swap3A_163], %gather3A_160 {strides = array<i32>} : memref<16x1024xf32, #tpu.memory_space<vmem>>, vector<16xf32>,
        %add3A_165 = arith.constant 12288 : i32
        %add3A_166 = vector.broadcast %add3A_165 : i32 to vector<16xi32>
        %add3A_167 = arith.addi %get3A_141, %add3A_166 : vector<16xi32>
        %gather3A_168 = tpu.vector_load_idx %arg5[%add3A_167] : memref<65536xf32, #tpu.memory_space<vmem>>[vector<16xi32>], vector<16xf32>,
        %swap3A_169 = arith.constant 3 : i32
        %swap3A_170 = arith.index_cast %swap3A_169 : i32 to index
        %swap3A_171 = arith.index_cast %mul3A_137 : i32 to index
        %swap3A_172 = tpu.vector_load %arg11[%swap3A_170, %swap3A_171] {strides = array<i32>} : memref<16x1024xf32, #tpu.memory_space<vmem>>, vector<16xf32>,
        tpu.vector_store %arg11[%swap3A_170, %swap3A_171], %gather3A_168 {strides = array<i32>} : memref<16x1024xf32, #tpu.memory_space<vmem>>, vector<16xf32>,
        %add3A_173 = arith.constant 16384 : i32
        %add3A_174 = vector.broadcast %add3A_173 : i32 to vector<16xi32>
        %add3A_175 = arith.addi %get3A_141, %add3A_174 : vector<16xi32>
        %gather3A_176 = tpu.vector_load_idx %arg5[%add3A_175] : memref<65536xf32, #tpu.memory_space<vmem>>[vector<16xi32>], vector<16xf32>,
        %swap3A_177 = arith.constant 4 : i32
        %swap3A_178 = arith.index_cast %swap3A_177 : i32 to index
        %swap3A_179 = arith.index_cast %mul3A_137 : i32 to index
        %swap3A_180 = tpu.vector_load %arg11[%swap3A_178, %swap3A_179] {strides = array<i32>} : memref<16x1024xf32, #tpu.memory_space<vmem>>, vector<16xf32>,
        tpu.vector_store %arg11[%swap3A_178, %swap3A_179], %gather3A_176 {strides = array<i32>} : memref<16x1024xf32, #tpu.memory_space<vmem>>, vector<16xf32>,
        %add3A_181 = arith.constant 20480 : i32
        %add3A_182 = vector.broadcast %add3A_181 : i32 to vector<16xi32>
        %add3A_183 = arith.addi %get3A_141, %add3A_182 : vector<16xi32>
        %gather3A_184 = tpu.vector_load_idx %arg5[%add3A_183] : memref<65536xf32, #tpu.memory_space<vmem>>[vector<16xi32>], vector<16xf32>,
        %swap3A_185 = arith.constant 5 : i32
        %swap3A_186 = arith.index_cast %swap3A_185 : i32 to index
        %swap3A_187 = arith.index_cast %mul3A_137 : i32 to index
        %swap3A_188 = tpu.vector_load %arg11[%swap3A_186, %swap3A_187] {strides = array<i32>} : memref<16x1024xf32, #tpu.memory_space<vmem>>, vector<16xf32>,
        tpu.vector_store %arg11[%swap3A_186, %swap3A_187], %gather3A_184 {strides = array<i32>} : memref<16x1024xf32, #tpu.memory_space<vmem>>, vector<16xf32>,
        %add3A_189 = arith.constant 24576 : i32
        %add3A_190 = vector.broadcast %add3A_189 : i32 to vector<16xi32>
        %add3A_191 = arith.addi %get3A_141, %add3A_190 : vector<16xi32>
        %gather3A_192 = tpu.vector_load_idx %arg5[%add3A_191] : memref<65536xf32, #tpu.memory_space<vmem>>[vector<16xi32>], vector<16xf32>,
        %swap3A_193 = arith.constant 6 : i32
        %swap3A_194 = arith.index_cast %swap3A_193 : i32 to index
        %swap3A_195 = arith.index_cast %mul3A_137 : i32 to index
        %swap3A_196 = tpu.vector_load %arg11[%swap3A_194, %swap3A_195] {strides = array<i32>} : memref<16x1024xf32, #tpu.memory_space<vmem>>, vector<16xf32>,
        tpu.vector_store %arg11[%swap3A_194, %swap3A_195], %gather3A_192 {strides = array<i32>} : memref<16x1024xf32, #tpu.memory_space<vmem>>, vector<16xf32>,
        %add3A_197 = arith.constant 28672 : i32
        %add3A_198 = vector.broadcast %add3A_197 : i32 to vector<16xi32>
        %add3A_199 = arith.addi %get3A_141, %add3A_198 : vector<16xi32>
        %gather3A_200 = tpu.vector_load_idx %arg5[%add3A_199] : memref<65536xf32, #tpu.memory_space<vmem>>[vector<16xi32>], vector<16xf32>,
        %swap3A_201 = arith.constant 7 : i32
        %swap3A_202 = arith.index_cast %swap3A_201 : i32 to index
        %swap3A_203 = arith.index_cast %mul3A_137 : i32 to index
        %swap3A_204 = tpu.vector_load %arg11[%swap3A_202, %swap3A_203] {strides = array<i32>} : memref<16x1024xf32, #tpu.memory_space<vmem>>, vector<16xf32>,
        tpu.vector_store %arg11[%swap3A_202, %swap3A_203], %gather3A_200 {strides = array<i32>} : memref<16x1024xf32, #tpu.memory_space<vmem>>, vector<16xf32>,
        %add3A_205 = arith.constant 32768 : i32
        %add3A_206 = vector.broadcast %add3A_205 : i32 to vector<16xi32>
        %add3A_207 = arith.addi %get3A_141, %add3A_206 : vector<16xi32>
        %gather3A_208 = tpu.vector_load_idx %arg5[%add3A_207] : memref<65536xf32, #tpu.memory_space<vmem>>[vector<16xi32>], vector<16xf32>,
        %swap3A_209 = arith.constant 8 : i32
        %swap3A_210 = arith.index_cast %swap3A_209 : i32 to index
        %swap3A_211 = arith.index_cast %mul3A_137 : i32 to index
        %swap3A_212 = tpu.vector_load %arg11[%swap3A_210, %swap3A_211] {strides = array<i32>} : memref<16x1024xf32, #tpu.memory_space<vmem>>, vector<16xf32>,
        tpu.vector_store %arg11[%swap3A_210, %swap3A_211], %gather3A_208 {strides = array<i32>} : memref<16x1024xf32, #tpu.memory_space<vmem>>, vector<16xf32>,
        %add3A_213 = arith.constant 36864 : i32
        %add3A_214 = vector.broadcast %add3A_213 : i32 to vector<16xi32>
        %add3A_215 = arith.addi %get3A_141, %add3A_214 : vector<16xi32>
        %gather3A_216 = tpu.vector_load_idx %arg5[%add3A_215] : memref<65536xf32, #tpu.memory_space<vmem>>[vector<16xi32>], vector<16xf32>,
        %swap3A_217 = arith.constant 9 : i32
        %swap3A_218 = arith.index_cast %swap3A_217 : i32 to index
        %swap3A_219 = arith.index_cast %mul3A_137 : i32 to index
        %swap3A_220 = tpu.vector_load %arg11[%swap3A_218, %swap3A_219] {strides = array<i32>} : memref<16x1024xf32, #tpu.memory_space<vmem>>, vector<16xf32>,
        tpu.vector_store %arg11[%swap3A_218, %swap3A_219], %gather3A_216 {strides = array<i32>} : memref<16x1024xf32, #tpu.memory_space<vmem>>, vector<16xf32>,
        %add3A_221 = arith.constant 40960 : i32
        %add3A_222 = vector.broadcast %add3A_221 : i32 to vector<16xi32>
        %add3A_223 = arith.addi %get3A_141, %add3A_222 : vector<16xi32>
        %gather3A_224 = tpu.vector_load_idx %arg5[%add3A_223] : memref<65536xf32, #tpu.memory_space<vmem>>[vector<16xi32>], vector<16xf32>,
        %swap3A_225 = arith.constant 10 : i32
        %swap3A_226 = arith.index_cast %swap3A_225 : i32 to index
        %swap3A_227 = arith.index_cast %mul3A_137 : i32 to index
        %swap3A_228 = tpu.vector_load %arg11[%swap3A_226, %swap3A_227] {strides = array<i32>} : memref<16x1024xf32, #tpu.memory_space<vmem>>, vector<16xf32>,
        tpu.vector_store %arg11[%swap3A_226, %swap3A_227], %gather3A_224 {strides = array<i32>} : memref<16x1024xf32, #tpu.memory_space<vmem>>, vector<16xf32>,
        %add3A_229 = arith.constant 45056 : i32
        %add3A_230 = vector.broadcast %add3A_229 : i32 to vector<16xi32>
        %add3A_231 = arith.addi %get3A_141, %add3A_230 : vector<16xi32>
        %gather3A_232 = tpu.vector_load_idx %arg5[%add3A_231] : memref<65536xf32, #tpu.memory_space<vmem>>[vector<16xi32>], vector<16xf32>,
        %swap3A_233 = arith.constant 11 : i32
        %swap3A_234 = arith.index_cast %swap3A_233 : i32 to index
        %swap3A_235 = arith.index_cast %mul3A_137 : i32 to index
        %swap3A_236 = tpu.vector_load %arg11[%swap3A_234, %swap3A_235] {strides = array<i32>} : memref<16x1024xf32, #tpu.memory_space<vmem>>, vector<16xf32>,
        tpu.vector_store %arg11[%swap3A_234, %swap3A_235], %gather3A_232 {strides = array<i32>} : memref<16x1024xf32, #tpu.memory_space<vmem>>, vector<16xf32>,
        %add3A_237 = arith.constant 49152 : i32
        %add3A_238 = vector.broadcast %add3A_237 : i32 to vector<16xi32>
        %add3A_239 = arith.addi %get3A_141, %add3A_238 : vector<16xi32>
        %gather3A_240 = tpu.vector_load_idx %arg5[%add3A_239] : memref<65536xf32, #tpu.memory_space<vmem>>[vector<16xi32>], vector<16xf32>,
        %swap3A_241 = arith.constant 12 : i32
        %swap3A_242 = arith.index_cast %swap3A_241 : i32 to index
        %swap3A_243 = arith.index_cast %mul3A_137 : i32 to index
        %swap3A_244 = tpu.vector_load %arg11[%swap3A_242, %swap3A_243] {strides = array<i32>} : memref<16x1024xf32, #tpu.memory_space<vmem>>, vector<16xf32>,
        tpu.vector_store %arg11[%swap3A_242, %swap3A_243], %gather3A_240 {strides = array<i32>} : memref<16x1024xf32, #tpu.memory_space<vmem>>, vector<16xf32>,
        %add3A_245 = arith.constant 53248 : i32
        %add3A_246 = vector.broadcast %add3A_245 : i32 to vector<16xi32>
        %add3A_247 = arith.addi %get3A_141, %add3A_246 : vector<16xi32>
        %gather3A_248 = tpu.vector_load_idx %arg5[%add3A_247] : memref<65536xf32, #tpu.memory_space<vmem>>[vector<16xi32>], vector<16xf32>,
        %swap3A_249 = arith.constant 13 : i32
        %swap3A_250 = arith.index_cast %swap3A_249 : i32 to index
        %swap3A_251 = arith.index_cast %mul3A_137 : i32 to index
        %swap3A_252 = tpu.vector_load %arg11[%swap3A_250, %swap3A_251] {strides = array<i32>} : memref<16x1024xf32, #tpu.memory_space<vmem>>, vector<16xf32>,
        tpu.vector_store %arg11[%swap3A_250, %swap3A_251], %gather3A_248 {strides = array<i32>} : memref<16x1024xf32, #tpu.memory_space<vmem>>, vector<16xf32>,
        %add3A_253 = arith.constant 57344 : i32
        %add3A_254 = vector.broadcast %add3A_253 : i32 to vector<16xi32>
        %add3A_255 = arith.addi %get3A_141, %add3A_254 : vector<16xi32>
        %gather3A_256 = tpu.vector_load_idx %arg5[%add3A_255] : memref<65536xf32, #tpu.memory_space<vmem>>[vector<16xi32>], vector<16xf32>,
        %swap3A_257 = arith.constant 14 : i32
        %swap3A_258 = arith.index_cast %swap3A_257 : i32 to index
        %swap3A_259 = arith.index_cast %mul3A_137 : i32 to index
        %swap3A_260 = tpu.vector_load %arg11[%swap3A_258, %swap3A_259] {strides = array<i32>} : memref<16x1024xf32, #tpu.memory_space<vmem>>, vector<16xf32>,
        tpu.vector_store %arg11[%swap3A_258, %swap3A_259], %gather3A_256 {strides = array<i32>} : memref<16x1024xf32, #tpu.memory_space<vmem>>, vector<16xf32>,
        %add3A_261 = arith.constant 61440 : i32
        %add3A_262 = vector.broadcast %add3A_261 : i32 to vector<16xi32>
        %add3A_263 = arith.addi %get3A_141, %add3A_262 : vector<16xi32>
        %gather3A_264 = tpu.vector_load_idx %arg5[%add3A_263] : memref<65536xf32, #tpu.memory_space<vmem>>[vector<16xi32>], vector<16xf32>,
        %swap3A_265 = arith.constant 15 : i32
        %swap3A_266 = arith.index_cast %swap3A_265 : i32 to index
        %swap3A_267 = arith.index_cast %mul3A_137 : i32 to index
        %swap3A_268 = tpu.vector_load %arg11[%swap3A_266, %swap3A_267] {strides = array<i32>} : memref<16x1024xf32, #tpu.memory_space<vmem>>, vector<16xf32>,
        tpu.vector_store %arg11[%swap3A_266, %swap3A_267], %gather3A_264 {strides = array<i32>} : memref<16x1024xf32, #tpu.memory_space<vmem>>, vector<16xf32>,
      }
      %mul3A_133 = arith.constant 1024 : i32
      %mul3A_134 = arith.muli %while3A_118, %mul3A_133 : i32
      "tpu.region"() ({
        %run_scoped3A = tpu.sem_alloc : memref<!tpu.dma_semaphore, #tpu.memory_space<semaphore_mem>>
        %dma_start3A = arith.constant 0 : i32
        %dma_start3A_135 = tpu.memref_slice %arg3[%add3A, %dma_start3A, %mul3A_134] : memref<32x16x4096xf32, #tpu.memory_space<hbm>> -> memref<1x16x1024xf32, #tpu.memory_space<hbm>>
        %dma_start3A_136 = tpu.memref_squeeze %dma_start3A_135 : memref<1x16x1024xf32, #tpu.memory_space<hbm>> -> memref<16x1024xf32, #tpu.memory_space<hbm>>
        %dma_start3A_137 = arith.constant 0 : i32
        %dma_start3A_138 = tpu.memref_slice %arg3[%add3A, %dma_start3A_137, %mul3A_134] : memref<32x16x4096xf32, #tpu.memory_space<hbm>> -> memref<1x16x1024xf32, #tpu.memory_space<hbm>>
        %dma_start3A_139 = tpu.memref_squeeze %dma_start3A_138 : memref<1x16x1024xf32, #tpu.memory_space<hbm>> -> memref<16x1024xf32, #tpu.memory_space<hbm>>
        tpu.enqueue_dma source(%arg11 : memref<16x1024xf32, #tpu.memory_space<vmem>>) target(%dma_start3A_139 : memref<16x1024xf32, #tpu.memory_space<hbm>>) target_semaphore(%run_scoped3A : memref<!tpu.dma_semaphore, #tpu.memory_space<semaphore_mem>>)
        %dma_wait3A = arith.constant 0 : i32
        %dma_wait3A_140 = tpu.memref_slice %arg3[%add3A, %dma_wait3A, %mul3A_134] : memref<32x16x4096xf32, #tpu.memory_space<hbm>> -> memref<1x16x1024xf32, #tpu.memory_space<hbm>>
        %dma_wait3A_141 = tpu.memref_squeeze %dma_wait3A_140 : memref<1x16x1024xf32, #tpu.memory_space<hbm>> -> memref<16x1024xf32, #tpu.memory_space<hbm>>
        %dma_wait3A_142 = arith.constant 0 : i32
        %dma_wait3A_143 = tpu.memref_slice %arg3[%add3A, %dma_wait3A_142, %mul3A_134] : memref<32x16x4096xf32, #tpu.memory_space<hbm>> -> memref<1x16x1024xf32, #tpu.memory_space<hbm>>
        %dma_wait3A_144 = tpu.memref_squeeze %dma_wait3A_143 : memref<1x16x1024xf32, #tpu.memory_space<hbm>> -> memref<16x1024xf32, #tpu.memory_space<hbm>>
        tpu.wait_dma2 semaphore(%run_scoped3A : memref<!tpu.dma_semaphore, #tpu.memory_space<semaphore_mem>>) src(%arg11 : memref<16x1024xf32, #tpu.memory_space<vmem>>) dst(%dma_wait3A_144 : memref<16x1024xf32, #tpu.memory_space<hbm>>)
        tpu.yield
      }) : () -> ()
    }
    %broadcast_in_dim3A = arith.constant 0 : i32
    %broadcast_in_dim3A_114 = vector.broadcast %broadcast_in_dim3A : i32 to vector<16xi32>
    %add3A_115 = vector.broadcast %scan3A_29 : i32 to vector<16xi32>
    %add3A_116 = arith.addi %broadcast_in_dim3A_114, %add3A_115 : vector<16xi32>
    %swap3A = arith.constant 0 : index
    %swap3A_117 = tpu.vector_load %arg12[%swap3A] {strides = array<i32>} : memref<16xi32, #tpu.memory_space<vmem>>, vector<16xi32>,
    tpu.vector_store %arg12[%swap3A], %add3A_116 {strides = array<i32>} : memref<16xi32, #tpu.memory_space<vmem>>, vector<16xi32>,
    "tpu.region"() ({
      %run_scoped3A = tpu.sem_alloc : memref<!tpu.dma_semaphore, #tpu.memory_space<semaphore_mem>>
      %dma_start3A = arith.constant 0 : i32
      %dma_start3A_118 = tpu.memref_slice %arg4[%add3A, %dma_start3A] : memref<32x16xi32, #tpu.memory_space<hbm>> -> memref<1x16xi32, #tpu.memory_space<hbm>>
      %dma_start3A_119 = tpu.memref_squeeze %dma_start3A_118 : memref<1x16xi32, #tpu.memory_space<hbm>> -> memref<16xi32, #tpu.memory_space<hbm>>
      %dma_start3A_120 = arith.constant 0 : i32
      %dma_start3A_121 = tpu.memref_slice %arg4[%add3A, %dma_start3A_120] : memref<32x16xi32, #tpu.memory_space<hbm>> -> memref<1x16xi32, #tpu.memory_space<hbm>>
      %dma_start3A_122 = tpu.memref_squeeze %dma_start3A_121 : memref<1x16xi32, #tpu.memory_space<hbm>> -> memref<16xi32, #tpu.memory_space<hbm>>
      tpu.enqueue_dma source(%arg12 : memref<16xi32, #tpu.memory_space<vmem>>) target(%dma_start3A_122 : memref<16xi32, #tpu.memory_space<hbm>>) target_semaphore(%run_scoped3A : memref<!tpu.dma_semaphore, #tpu.memory_space<semaphore_mem>>)
      %dma_wait3A = arith.constant 0 : i32
      %dma_wait3A_123 = tpu.memref_slice %arg4[%add3A, %dma_wait3A] : memref<32x16xi32, #tpu.memory_space<hbm>> -> memref<1x16xi32, #tpu.memory_space<hbm>>
      %dma_wait3A_124 = tpu.memref_squeeze %dma_wait3A_123 : memref<1x16xi32, #tpu.memory_space<hbm>> -> memref<16xi32, #tpu.memory_space<hbm>>
      %dma_wait3A_125 = arith.constant 0 : i32
      %dma_wait3A_126 = tpu.memref_slice %arg4[%add3A, %dma_wait3A_125] : memref<32x16xi32, #tpu.memory_space<hbm>> -> memref<1x16xi32, #tpu.memory_space<hbm>>
      %dma_wait3A_127 = tpu.memref_squeeze %dma_wait3A_126 : memref<1x16xi32, #tpu.memory_space<hbm>> -> memref<16xi32, #tpu.memory_space<hbm>>
      tpu.wait_dma2 semaphore(%run_scoped3A : memref<!tpu.dma_semaphore, #tpu.memory_space<semaphore_mem>>) src(%arg12 : memref<16xi32, #tpu.memory_space<vmem>>) dst(%dma_wait3A_127 : memref<16xi32, #tpu.memory_space<hbm>>)
      tpu.yield
    }) : () -> ()
    return
  }
}

module attributes {stable_mosaic.version = 14 : i64} {
  func.func @_prep_body(%arg0: memref<3x32x128xf32, #tpu.memory_space<vmem>>, %arg1: memref<11x32x128xf32, #tpu.memory_space<vmem>>, %arg2: memref<1x32x128xf32, #tpu.memory_space<vmem>>, %arg3: memref<1x16xf32, #tpu.memory_space<vmem>>, %arg4: memref<16x32x128xf32, #tpu.memory_space<vmem>>) attributes {dimension_semantics = [], scalar_prefetch = 0 : i64, scratch_operands = 0 : i64, tpu.core_type = #tpu.core_type<tc>} {
    %get3A = arith.constant 0 : index
    %get3A_0 = arith.constant 0 : index
    %get3A_1 = vector.load %arg3[%get3A, %get3A_0] : memref<1x16xf32, #tpu.memory_space<vmem>>, vector<1x1xf32>
    %get3A_2 = vector.extract %get3A_1[0, 0] : f32 from vector<1x1xf32>
    %get3A_3 = arith.constant 0 : index
    %get3A_4 = arith.constant 1 : index
    %get3A_5 = vector.load %arg3[%get3A_3, %get3A_4] : memref<1x16xf32, #tpu.memory_space<vmem>>, vector<1x1xf32>
    %get3A_6 = vector.extract %get3A_5[0, 0] : f32 from vector<1x1xf32>
    %get3A_7 = arith.constant 0 : index
    %get3A_8 = arith.constant 2 : index
    %get3A_9 = vector.load %arg3[%get3A_7, %get3A_8] : memref<1x16xf32, #tpu.memory_space<vmem>>, vector<1x1xf32>
    %get3A_10 = vector.extract %get3A_9[0, 0] : f32 from vector<1x1xf32>
    %get3A_11 = arith.constant 0 : index
    %get3A_12 = arith.constant 3 : index
    %get3A_13 = vector.load %arg3[%get3A_11, %get3A_12] : memref<1x16xf32, #tpu.memory_space<vmem>>, vector<1x1xf32>
    %get3A_14 = vector.extract %get3A_13[0, 0] : f32 from vector<1x1xf32>
    %get3A_15 = arith.constant 0 : index
    %get3A_16 = arith.constant 4 : index
    %get3A_17 = vector.load %arg3[%get3A_15, %get3A_16] : memref<1x16xf32, #tpu.memory_space<vmem>>, vector<1x1xf32>
    %get3A_18 = vector.extract %get3A_17[0, 0] : f32 from vector<1x1xf32>
    %get3A_19 = arith.constant 0 : index
    %get3A_20 = arith.constant 5 : index
    %get3A_21 = vector.load %arg3[%get3A_19, %get3A_20] : memref<1x16xf32, #tpu.memory_space<vmem>>, vector<1x1xf32>
    %get3A_22 = vector.extract %get3A_21[0, 0] : f32 from vector<1x1xf32>
    %get3A_23 = arith.constant 0 : index
    %get3A_24 = arith.constant 6 : index
    %get3A_25 = vector.load %arg3[%get3A_23, %get3A_24] : memref<1x16xf32, #tpu.memory_space<vmem>>, vector<1x1xf32>
    %get3A_26 = vector.extract %get3A_25[0, 0] : f32 from vector<1x1xf32>
    %get3A_27 = arith.constant 0 : index
    %get3A_28 = arith.constant 7 : index
    %get3A_29 = vector.load %arg3[%get3A_27, %get3A_28] : memref<1x16xf32, #tpu.memory_space<vmem>>, vector<1x1xf32>
    %get3A_30 = vector.extract %get3A_29[0, 0] : f32 from vector<1x1xf32>
    %get3A_31 = arith.constant 0 : index
    %get3A_32 = arith.constant 8 : index
    %get3A_33 = vector.load %arg3[%get3A_31, %get3A_32] : memref<1x16xf32, #tpu.memory_space<vmem>>, vector<1x1xf32>
    %get3A_34 = vector.extract %get3A_33[0, 0] : f32 from vector<1x1xf32>
    %get3A_35 = arith.constant 0 : index
    %get3A_36 = arith.constant 9 : index
    %get3A_37 = vector.load %arg3[%get3A_35, %get3A_36] : memref<1x16xf32, #tpu.memory_space<vmem>>, vector<1x1xf32>
    %get3A_38 = vector.extract %get3A_37[0, 0] : f32 from vector<1x1xf32>
    %get3A_39 = arith.constant 0 : index
    %get3A_40 = arith.constant 10 : index
    %get3A_41 = vector.load %arg3[%get3A_39, %get3A_40] : memref<1x16xf32, #tpu.memory_space<vmem>>, vector<1x1xf32>
    %get3A_42 = vector.extract %get3A_41[0, 0] : f32 from vector<1x1xf32>
    %mul3A = arith.mulf %get3A_18, %get3A_18 : f32
    %mul3A_43 = arith.mulf %get3A_22, %get3A_22 : f32
    %add3A = arith.addf %mul3A, %mul3A_43 : f32
    %mul3A_44 = arith.mulf %get3A_26, %get3A_26 : f32
    %add3A_45 = arith.addf %add3A, %mul3A_44 : f32
    %mul3A_46 = arith.mulf %get3A_30, %get3A_30 : f32
    %add3A_47 = arith.addf %add3A_45, %mul3A_46 : f32
    %rsqrt3A = math.rsqrt %add3A_47 : f32
    %mul3A_48 = arith.mulf %get3A_18, %rsqrt3A : f32
    %mul3A_49 = arith.mulf %get3A_22, %rsqrt3A : f32
    %mul3A_50 = arith.mulf %get3A_26, %rsqrt3A : f32
    %mul3A_51 = arith.mulf %get3A_30, %rsqrt3A : f32
    %mul3A_52 = arith.mulf %mul3A_50, %mul3A_50 : f32
    %mul3A_53 = arith.mulf %mul3A_51, %mul3A_51 : f32
    %add3A_54 = arith.addf %mul3A_52, %mul3A_53 : f32
    %mul3A_55 = arith.constant 2.000000e+00 : f32
    %mul3A_56 = arith.mulf %mul3A_55, %add3A_54 : f32
    %sub3A = arith.constant 1.000000e+00 : f32
    %sub3A_57 = arith.subf %sub3A, %mul3A_56 : f32
    %mul3A_58 = arith.mulf %mul3A_49, %mul3A_50 : f32
    %mul3A_59 = arith.mulf %mul3A_48, %mul3A_51 : f32
    %sub3A_60 = arith.subf %mul3A_58, %mul3A_59 : f32
    %mul3A_61 = arith.constant 2.000000e+00 : f32
    %mul3A_62 = arith.mulf %mul3A_61, %sub3A_60 : f32
    %mul3A_63 = arith.mulf %mul3A_49, %mul3A_51 : f32
    %mul3A_64 = arith.mulf %mul3A_48, %mul3A_50 : f32
    %add3A_65 = arith.addf %mul3A_63, %mul3A_64 : f32
    %mul3A_66 = arith.constant 2.000000e+00 : f32
    %mul3A_67 = arith.mulf %mul3A_66, %add3A_65 : f32
    %mul3A_68 = arith.mulf %mul3A_49, %mul3A_50 : f32
    %mul3A_69 = arith.mulf %mul3A_48, %mul3A_51 : f32
    %add3A_70 = arith.addf %mul3A_68, %mul3A_69 : f32
    %mul3A_71 = arith.constant 2.000000e+00 : f32
    %mul3A_72 = arith.mulf %mul3A_71, %add3A_70 : f32
    %mul3A_73 = arith.mulf %mul3A_49, %mul3A_49 : f32
    %mul3A_74 = arith.mulf %mul3A_51, %mul3A_51 : f32
    %add3A_75 = arith.addf %mul3A_73, %mul3A_74 : f32
    %mul3A_76 = arith.constant 2.000000e+00 : f32
    %mul3A_77 = arith.mulf %mul3A_76, %add3A_75 : f32
    %sub3A_78 = arith.constant 1.000000e+00 : f32
    %sub3A_79 = arith.subf %sub3A_78, %mul3A_77 : f32
    %mul3A_80 = arith.mulf %mul3A_50, %mul3A_51 : f32
    %mul3A_81 = arith.mulf %mul3A_48, %mul3A_49 : f32
    %sub3A_82 = arith.subf %mul3A_80, %mul3A_81 : f32
    %mul3A_83 = arith.constant 2.000000e+00 : f32
    %mul3A_84 = arith.mulf %mul3A_83, %sub3A_82 : f32
    %mul3A_85 = arith.mulf %mul3A_49, %mul3A_51 : f32
    %mul3A_86 = arith.mulf %mul3A_48, %mul3A_50 : f32
    %sub3A_87 = arith.subf %mul3A_85, %mul3A_86 : f32
    %mul3A_88 = arith.constant 2.000000e+00 : f32
    %mul3A_89 = arith.mulf %mul3A_88, %sub3A_87 : f32
    %mul3A_90 = arith.mulf %mul3A_50, %mul3A_51 : f32
    %mul3A_91 = arith.mulf %mul3A_48, %mul3A_49 : f32
    %add3A_92 = arith.addf %mul3A_90, %mul3A_91 : f32
    %mul3A_93 = arith.constant 2.000000e+00 : f32
    %mul3A_94 = arith.mulf %mul3A_93, %add3A_92 : f32
    %mul3A_95 = arith.mulf %mul3A_49, %mul3A_49 : f32
    %mul3A_96 = arith.mulf %mul3A_50, %mul3A_50 : f32
    %add3A_97 = arith.addf %mul3A_95, %mul3A_96 : f32
    %mul3A_98 = arith.constant 2.000000e+00 : f32
    %mul3A_99 = arith.mulf %mul3A_98, %add3A_97 : f32
    %sub3A_100 = arith.constant 1.000000e+00 : f32
    %sub3A_101 = arith.subf %sub3A_100, %mul3A_99 : f32
    %get3A_102 = arith.constant 0 : index
    %get3A_103 = arith.constant 0 : index
    %get3A_104 = arith.constant 0 : index
    %get3A_105 = vector.load %arg0[%get3A_102, %get3A_103, %get3A_104] : memref<3x32x128xf32, #tpu.memory_space<vmem>>, vector<1x32x128xf32>
    %get3A_106 = vector.shape_cast %get3A_105 : vector<1x32x128xf32> to vector<32x128xf32>
    %get3A_107 = arith.constant 1 : index
    %get3A_108 = arith.constant 0 : index
    %get3A_109 = arith.constant 0 : index
    %get3A_110 = vector.load %arg0[%get3A_107, %get3A_108, %get3A_109] : memref<3x32x128xf32, #tpu.memory_space<vmem>>, vector<1x32x128xf32>
    %get3A_111 = vector.shape_cast %get3A_110 : vector<1x32x128xf32> to vector<32x128xf32>
    %get3A_112 = arith.constant 2 : index
    %get3A_113 = arith.constant 0 : index
    %get3A_114 = arith.constant 0 : index
    %get3A_115 = vector.load %arg0[%get3A_112, %get3A_113, %get3A_114] : memref<3x32x128xf32, #tpu.memory_space<vmem>>, vector<1x32x128xf32>
    %get3A_116 = vector.shape_cast %get3A_115 : vector<1x32x128xf32> to vector<32x128xf32>
    %mul3A_117 = vector.broadcast %sub3A_57 : f32 to vector<32x128xf32>
    %mul3A_118 = arith.mulf %mul3A_117, %get3A_106 : vector<32x128xf32>
    %mul3A_119 = vector.broadcast %mul3A_62 : f32 to vector<32x128xf32>
    %mul3A_120 = arith.mulf %mul3A_119, %get3A_111 : vector<32x128xf32>
    %add3A_121 = arith.addf %mul3A_118, %mul3A_120 : vector<32x128xf32>
    %mul3A_122 = vector.broadcast %mul3A_67 : f32 to vector<32x128xf32>
    %mul3A_123 = arith.mulf %mul3A_122, %get3A_116 : vector<32x128xf32>
    %add3A_124 = arith.addf %add3A_121, %mul3A_123 : vector<32x128xf32>
    %add3A_125 = vector.broadcast %get3A_34 : f32 to vector<32x128xf32>
    %add3A_126 = arith.addf %add3A_124, %add3A_125 : vector<32x128xf32>
    %mul3A_127 = vector.broadcast %mul3A_72 : f32 to vector<32x128xf32>
    %mul3A_128 = arith.mulf %mul3A_127, %get3A_106 : vector<32x128xf32>
    %mul3A_129 = vector.broadcast %sub3A_79 : f32 to vector<32x128xf32>
    %mul3A_130 = arith.mulf %mul3A_129, %get3A_111 : vector<32x128xf32>
    %add3A_131 = arith.addf %mul3A_128, %mul3A_130 : vector<32x128xf32>
    %mul3A_132 = vector.broadcast %mul3A_84 : f32 to vector<32x128xf32>
    %mul3A_133 = arith.mulf %mul3A_132, %get3A_116 : vector<32x128xf32>
    %add3A_134 = arith.addf %add3A_131, %mul3A_133 : vector<32x128xf32>
    %add3A_135 = vector.broadcast %get3A_38 : f32 to vector<32x128xf32>
    %add3A_136 = arith.addf %add3A_134, %add3A_135 : vector<32x128xf32>
    %mul3A_137 = vector.broadcast %mul3A_89 : f32 to vector<32x128xf32>
    %mul3A_138 = arith.mulf %mul3A_137, %get3A_106 : vector<32x128xf32>
    %mul3A_139 = vector.broadcast %mul3A_94 : f32 to vector<32x128xf32>
    %mul3A_140 = arith.mulf %mul3A_139, %get3A_111 : vector<32x128xf32>
    %add3A_141 = arith.addf %mul3A_138, %mul3A_140 : vector<32x128xf32>
    %mul3A_142 = vector.broadcast %sub3A_101 : f32 to vector<32x128xf32>
    %mul3A_143 = arith.mulf %mul3A_142, %get3A_116 : vector<32x128xf32>
    %add3A_144 = arith.addf %add3A_141, %mul3A_143 : vector<32x128xf32>
    %add3A_145 = vector.broadcast %get3A_42 : f32 to vector<32x128xf32>
    %add3A_146 = arith.addf %add3A_144, %add3A_145 : vector<32x128xf32>
    %abs3A = math.absf %add3A_146 : vector<32x128xf32>
    %lt3A = arith.constant 9.99999997E-7 : f32
    %lt3A_147 = vector.broadcast %lt3A : f32 to vector<32x128xf32>
    %lt3A_148 = arith.cmpf olt, %abs3A, %lt3A_147 : vector<32x128xf32>
    %jit3A = arith.constant 9.99999997E-7 : f32
    %broadcast_in_dim3A = vector.broadcast %jit3A : f32 to vector<32x128xf32>
    %select_n3A = arith.select %lt3A_148, %broadcast_in_dim3A, %add3A_146 : vector<32x128xi1>, vector<32x128xf32>
    %mul3A_149 = vector.broadcast %get3A_2 : f32 to vector<32x128xf32>
    %mul3A_150 = arith.mulf %mul3A_149, %add3A_126 : vector<32x128xf32>
    %div3A = arith.divf %mul3A_150, %select_n3A : vector<32x128xf32>
    %add3A_151 = vector.broadcast %get3A_10 : f32 to vector<32x128xf32>
    %add3A_152 = arith.addf %div3A, %add3A_151 : vector<32x128xf32>
    %mul3A_153 = vector.broadcast %get3A_6 : f32 to vector<32x128xf32>
    %mul3A_154 = arith.mulf %mul3A_153, %add3A_136 : vector<32x128xf32>
    %div3A_155 = arith.divf %mul3A_154, %select_n3A : vector<32x128xf32>
    %add3A_156 = vector.broadcast %get3A_14 : f32 to vector<32x128xf32>
    %add3A_157 = arith.addf %div3A_155, %add3A_156 : vector<32x128xf32>
    %get3A_158 = arith.constant 0 : index
    %get3A_159 = arith.constant 0 : index
    %get3A_160 = arith.constant 0 : index
    %get3A_161 = vector.load %arg1[%get3A_158, %get3A_159, %get3A_160] : memref<11x32x128xf32, #tpu.memory_space<vmem>>, vector<1x32x128xf32>
    %get3A_162 = vector.shape_cast %get3A_161 : vector<1x32x128xf32> to vector<32x128xf32>
    %get3A_163 = arith.constant 1 : index
    %get3A_164 = arith.constant 0 : index
    %get3A_165 = arith.constant 0 : index
    %get3A_166 = vector.load %arg1[%get3A_163, %get3A_164, %get3A_165] : memref<11x32x128xf32, #tpu.memory_space<vmem>>, vector<1x32x128xf32>
    %get3A_167 = vector.shape_cast %get3A_166 : vector<1x32x128xf32> to vector<32x128xf32>
    %get3A_168 = arith.constant 2 : index
    %get3A_169 = arith.constant 0 : index
    %get3A_170 = arith.constant 0 : index
    %get3A_171 = vector.load %arg1[%get3A_168, %get3A_169, %get3A_170] : memref<11x32x128xf32, #tpu.memory_space<vmem>>, vector<1x32x128xf32>
    %get3A_172 = vector.shape_cast %get3A_171 : vector<1x32x128xf32> to vector<32x128xf32>
    %get3A_173 = arith.constant 3 : index
    %get3A_174 = arith.constant 0 : index
    %get3A_175 = arith.constant 0 : index
    %get3A_176 = vector.load %arg1[%get3A_173, %get3A_174, %get3A_175] : memref<11x32x128xf32, #tpu.memory_space<vmem>>, vector<1x32x128xf32>
    %get3A_177 = vector.shape_cast %get3A_176 : vector<1x32x128xf32> to vector<32x128xf32>
    %mul3A_178 = arith.mulf %get3A_162, %get3A_162 : vector<32x128xf32>
    %mul3A_179 = arith.mulf %get3A_167, %get3A_167 : vector<32x128xf32>
    %add3A_180 = arith.addf %mul3A_178, %mul3A_179 : vector<32x128xf32>
    %mul3A_181 = arith.mulf %get3A_172, %get3A_172 : vector<32x128xf32>
    %add3A_182 = arith.addf %add3A_180, %mul3A_181 : vector<32x128xf32>
    %mul3A_183 = arith.mulf %get3A_177, %get3A_177 : vector<32x128xf32>
    %add3A_184 = arith.addf %add3A_182, %mul3A_183 : vector<32x128xf32>
    %rsqrt3A_185 = math.rsqrt %add3A_184 : vector<32x128xf32>
    %mul3A_186 = arith.mulf %get3A_162, %rsqrt3A_185 : vector<32x128xf32>
    %mul3A_187 = arith.mulf %get3A_167, %rsqrt3A_185 : vector<32x128xf32>
    %mul3A_188 = arith.mulf %get3A_172, %rsqrt3A_185 : vector<32x128xf32>
    %mul3A_189 = arith.mulf %get3A_177, %rsqrt3A_185 : vector<32x128xf32>
    %mul3A_190 = arith.mulf %mul3A_188, %mul3A_188 : vector<32x128xf32>
    %mul3A_191 = arith.mulf %mul3A_189, %mul3A_189 : vector<32x128xf32>
    %add3A_192 = arith.addf %mul3A_190, %mul3A_191 : vector<32x128xf32>
    %mul3A_193 = arith.constant 2.000000e+00 : f32
    %mul3A_194 = vector.broadcast %mul3A_193 : f32 to vector<32x128xf32>
    %mul3A_195 = arith.mulf %mul3A_194, %add3A_192 : vector<32x128xf32>
    %sub3A_196 = arith.constant 1.000000e+00 : f32
    %sub3A_197 = vector.broadcast %sub3A_196 : f32 to vector<32x128xf32>
    %sub3A_198 = arith.subf %sub3A_197, %mul3A_195 : vector<32x128xf32>
    %mul3A_199 = arith.mulf %mul3A_187, %mul3A_188 : vector<32x128xf32>
    %mul3A_200 = arith.mulf %mul3A_186, %mul3A_189 : vector<32x128xf32>
    %sub3A_201 = arith.subf %mul3A_199, %mul3A_200 : vector<32x128xf32>
    %mul3A_202 = arith.constant 2.000000e+00 : f32
    %mul3A_203 = vector.broadcast %mul3A_202 : f32 to vector<32x128xf32>
    %mul3A_204 = arith.mulf %mul3A_203, %sub3A_201 : vector<32x128xf32>
    %mul3A_205 = arith.mulf %mul3A_187, %mul3A_189 : vector<32x128xf32>
    %mul3A_206 = arith.mulf %mul3A_186, %mul3A_188 : vector<32x128xf32>
    %add3A_207 = arith.addf %mul3A_205, %mul3A_206 : vector<32x128xf32>
    %mul3A_208 = arith.constant 2.000000e+00 : f32
    %mul3A_209 = vector.broadcast %mul3A_208 : f32 to vector<32x128xf32>
    %mul3A_210 = arith.mulf %mul3A_209, %add3A_207 : vector<32x128xf32>
    %mul3A_211 = arith.mulf %mul3A_187, %mul3A_188 : vector<32x128xf32>
    %mul3A_212 = arith.mulf %mul3A_186, %mul3A_189 : vector<32x128xf32>
    %add3A_213 = arith.addf %mul3A_211, %mul3A_212 : vector<32x128xf32>
    %mul3A_214 = arith.constant 2.000000e+00 : f32
    %mul3A_215 = vector.broadcast %mul3A_214 : f32 to vector<32x128xf32>
    %mul3A_216 = arith.mulf %mul3A_215, %add3A_213 : vector<32x128xf32>
    %mul3A_217 = arith.mulf %mul3A_187, %mul3A_187 : vector<32x128xf32>
    %mul3A_218 = arith.mulf %mul3A_189, %mul3A_189 : vector<32x128xf32>
    %add3A_219 = arith.addf %mul3A_217, %mul3A_218 : vector<32x128xf32>
    %mul3A_220 = arith.constant 2.000000e+00 : f32
    %mul3A_221 = vector.broadcast %mul3A_220 : f32 to vector<32x128xf32>
    %mul3A_222 = arith.mulf %mul3A_221, %add3A_219 : vector<32x128xf32>
    %sub3A_223 = arith.constant 1.000000e+00 : f32
    %sub3A_224 = vector.broadcast %sub3A_223 : f32 to vector<32x128xf32>
    %sub3A_225 = arith.subf %sub3A_224, %mul3A_222 : vector<32x128xf32>
    %mul3A_226 = arith.mulf %mul3A_188, %mul3A_189 : vector<32x128xf32>
    %mul3A_227 = arith.mulf %mul3A_186, %mul3A_187 : vector<32x128xf32>
    %sub3A_228 = arith.subf %mul3A_226, %mul3A_227 : vector<32x128xf32>
    %mul3A_229 = arith.constant 2.000000e+00 : f32
    %mul3A_230 = vector.broadcast %mul3A_229 : f32 to vector<32x128xf32>
    %mul3A_231 = arith.mulf %mul3A_230, %sub3A_228 : vector<32x128xf32>
    %mul3A_232 = arith.mulf %mul3A_187, %mul3A_189 : vector<32x128xf32>
    %mul3A_233 = arith.mulf %mul3A_186, %mul3A_188 : vector<32x128xf32>
    %sub3A_234 = arith.subf %mul3A_232, %mul3A_233 : vector<32x128xf32>
    %mul3A_235 = arith.constant 2.000000e+00 : f32
    %mul3A_236 = vector.broadcast %mul3A_235 : f32 to vector<32x128xf32>
    %mul3A_237 = arith.mulf %mul3A_236, %sub3A_234 : vector<32x128xf32>
    %mul3A_238 = arith.mulf %mul3A_188, %mul3A_189 : vector<32x128xf32>
    %mul3A_239 = arith.mulf %mul3A_186, %mul3A_187 : vector<32x128xf32>
    %add3A_240 = arith.addf %mul3A_238, %mul3A_239 : vector<32x128xf32>
    %mul3A_241 = arith.constant 2.000000e+00 : f32
    %mul3A_242 = vector.broadcast %mul3A_241 : f32 to vector<32x128xf32>
    %mul3A_243 = arith.mulf %mul3A_242, %add3A_240 : vector<32x128xf32>
    %mul3A_244 = arith.mulf %mul3A_187, %mul3A_187 : vector<32x128xf32>
    %mul3A_245 = arith.mulf %mul3A_188, %mul3A_188 : vector<32x128xf32>
    %add3A_246 = arith.addf %mul3A_244, %mul3A_245 : vector<32x128xf32>
    %mul3A_247 = arith.constant 2.000000e+00 : f32
    %mul3A_248 = vector.broadcast %mul3A_247 : f32 to vector<32x128xf32>
    %mul3A_249 = arith.mulf %mul3A_248, %add3A_246 : vector<32x128xf32>
    %sub3A_250 = arith.constant 1.000000e+00 : f32
    %sub3A_251 = vector.broadcast %sub3A_250 : f32 to vector<32x128xf32>
    %sub3A_252 = arith.subf %sub3A_251, %mul3A_249 : vector<32x128xf32>
    %get3A_253 = arith.constant 4 : index
    %get3A_254 = arith.constant 0 : index
    %get3A_255 = arith.constant 0 : index
    %get3A_256 = vector.load %arg1[%get3A_253, %get3A_254, %get3A_255] : memref<11x32x128xf32, #tpu.memory_space<vmem>>, vector<1x32x128xf32>
    %get3A_257 = vector.shape_cast %get3A_256 : vector<1x32x128xf32> to vector<32x128xf32>
    %exp3A = math.exp %get3A_257 : vector<32x128xf32>
    %get3A_258 = arith.constant 5 : index
    %get3A_259 = arith.constant 0 : index
    %get3A_260 = arith.constant 0 : index
    %get3A_261 = vector.load %arg1[%get3A_258, %get3A_259, %get3A_260] : memref<11x32x128xf32, #tpu.memory_space<vmem>>, vector<1x32x128xf32>
    %get3A_262 = vector.shape_cast %get3A_261 : vector<1x32x128xf32> to vector<32x128xf32>
    %exp3A_263 = math.exp %get3A_262 : vector<32x128xf32>
    %get3A_264 = arith.constant 6 : index
    %get3A_265 = arith.constant 0 : index
    %get3A_266 = arith.constant 0 : index
    %get3A_267 = vector.load %arg1[%get3A_264, %get3A_265, %get3A_266] : memref<11x32x128xf32, #tpu.memory_space<vmem>>, vector<1x32x128xf32>
    %get3A_268 = vector.shape_cast %get3A_267 : vector<1x32x128xf32> to vector<32x128xf32>
    %exp3A_269 = math.exp %get3A_268 : vector<32x128xf32>
    %mul3A_270 = arith.mulf %exp3A, %exp3A : vector<32x128xf32>
    %mul3A_271 = arith.mulf %exp3A_263, %exp3A_263 : vector<32x128xf32>
    %mul3A_272 = arith.mulf %exp3A_269, %exp3A_269 : vector<32x128xf32>
    %get3A_273 = arith.constant 7 : index
    %get3A_274 = arith.constant 0 : index
    %get3A_275 = arith.constant 0 : index
    %get3A_276 = vector.load %arg1[%get3A_273, %get3A_274, %get3A_275] : memref<11x32x128xf32, #tpu.memory_space<vmem>>, vector<1x32x128xf32>
    %get3A_277 = vector.shape_cast %get3A_276 : vector<1x32x128xf32> to vector<32x128xf32>
    %logistic3A = arith.negf %get3A_277 : vector<32x128xf32>
    %logistic3A_278 = math.exp %logistic3A : vector<32x128xf32>
    %logistic3A_279 = arith.constant 1.000000e+00 : f32
    %logistic3A_280 = vector.broadcast %logistic3A_279 : f32 to vector<32x128xf32>
    %logistic3A_281 = arith.addf %logistic3A_280, %logistic3A_278 : vector<32x128xf32>
    %logistic3A_282 = arith.divf %logistic3A_280, %logistic3A_281 : vector<32x128xf32>
    %get3A_283 = arith.constant 8 : index
    %get3A_284 = arith.constant 0 : index
    %get3A_285 = arith.constant 0 : index
    %get3A_286 = vector.load %arg1[%get3A_283, %get3A_284, %get3A_285] : memref<11x32x128xf32, #tpu.memory_space<vmem>>, vector<1x32x128xf32>
    %get3A_287 = vector.shape_cast %get3A_286 : vector<1x32x128xf32> to vector<32x128xf32>
    %mul3A_288 = arith.constant 0.282094806 : f32
    %mul3A_289 = vector.broadcast %mul3A_288 : f32 to vector<32x128xf32>
    %mul3A_290 = arith.mulf %mul3A_289, %get3A_287 : vector<32x128xf32>
    %add3A_291 = arith.constant 5.000000e-01 : f32
    %add3A_292 = vector.broadcast %add3A_291 : f32 to vector<32x128xf32>
    %add3A_293 = arith.addf %add3A_292, %mul3A_290 : vector<32x128xf32>
    %jit3A_294 = arith.constant 0.000000e+00 : f32
    %jit3A_295 = arith.constant 1.000000e+00 : f32
    %max3A = vector.broadcast %jit3A_294 : f32 to vector<32x128xf32>
    %max3A_296 = arith.maximumf %max3A, %add3A_293 : vector<32x128xf32>
    %min3A = vector.broadcast %jit3A_295 : f32 to vector<32x128xf32>
    %min3A_297 = arith.minimumf %min3A, %max3A_296 : vector<32x128xf32>
    %get3A_298 = arith.constant 9 : index
    %get3A_299 = arith.constant 0 : index
    %get3A_300 = arith.constant 0 : index
    %get3A_301 = vector.load %arg1[%get3A_298, %get3A_299, %get3A_300] : memref<11x32x128xf32, #tpu.memory_space<vmem>>, vector<1x32x128xf32>
    %get3A_302 = vector.shape_cast %get3A_301 : vector<1x32x128xf32> to vector<32x128xf32>
    %mul3A_303 = arith.constant 0.282094806 : f32
    %mul3A_304 = vector.broadcast %mul3A_303 : f32 to vector<32x128xf32>
    %mul3A_305 = arith.mulf %mul3A_304, %get3A_302 : vector<32x128xf32>
    %add3A_306 = arith.constant 5.000000e-01 : f32
    %add3A_307 = vector.broadcast %add3A_306 : f32 to vector<32x128xf32>
    %add3A_308 = arith.addf %add3A_307, %mul3A_305 : vector<32x128xf32>
    %jit3A_309 = arith.constant 0.000000e+00 : f32
    %jit3A_310 = arith.constant 1.000000e+00 : f32
    %max3A_311 = vector.broadcast %jit3A_309 : f32 to vector<32x128xf32>
    %max3A_312 = arith.maximumf %max3A_311, %add3A_308 : vector<32x128xf32>
    %min3A_313 = vector.broadcast %jit3A_310 : f32 to vector<32x128xf32>
    %min3A_314 = arith.minimumf %min3A_313, %max3A_312 : vector<32x128xf32>
    %get3A_315 = arith.constant 10 : index
    %get3A_316 = arith.constant 0 : index
    %get3A_317 = arith.constant 0 : index
    %get3A_318 = vector.load %arg1[%get3A_315, %get3A_316, %get3A_317] : memref<11x32x128xf32, #tpu.memory_space<vmem>>, vector<1x32x128xf32>
    %get3A_319 = vector.shape_cast %get3A_318 : vector<1x32x128xf32> to vector<32x128xf32>
    %mul3A_320 = arith.constant 0.282094806 : f32
    %mul3A_321 = vector.broadcast %mul3A_320 : f32 to vector<32x128xf32>
    %mul3A_322 = arith.mulf %mul3A_321, %get3A_319 : vector<32x128xf32>
    %add3A_323 = arith.constant 5.000000e-01 : f32
    %add3A_324 = vector.broadcast %add3A_323 : f32 to vector<32x128xf32>
    %add3A_325 = arith.addf %add3A_324, %mul3A_322 : vector<32x128xf32>
    %jit3A_326 = arith.constant 0.000000e+00 : f32
    %jit3A_327 = arith.constant 1.000000e+00 : f32
    %max3A_328 = vector.broadcast %jit3A_326 : f32 to vector<32x128xf32>
    %max3A_329 = arith.maximumf %max3A_328, %add3A_325 : vector<32x128xf32>
    %min3A_330 = vector.broadcast %jit3A_327 : f32 to vector<32x128xf32>
    %min3A_331 = arith.minimumf %min3A_330, %max3A_329 : vector<32x128xf32>
    %mul3A_332 = vector.broadcast %sub3A_57 : f32 to vector<32x128xf32>
    %mul3A_333 = arith.mulf %mul3A_332, %sub3A_198 : vector<32x128xf32>
    %mul3A_334 = vector.broadcast %mul3A_62 : f32 to vector<32x128xf32>
    %mul3A_335 = arith.mulf %mul3A_334, %mul3A_216 : vector<32x128xf32>
    %add3A_336 = arith.addf %mul3A_333, %mul3A_335 : vector<32x128xf32>
    %mul3A_337 = vector.broadcast %mul3A_67 : f32 to vector<32x128xf32>
    %mul3A_338 = arith.mulf %mul3A_337, %mul3A_237 : vector<32x128xf32>
    %add3A_339 = arith.addf %add3A_336, %mul3A_338 : vector<32x128xf32>
    %mul3A_340 = vector.broadcast %sub3A_57 : f32 to vector<32x128xf32>
    %mul3A_341 = arith.mulf %mul3A_340, %mul3A_204 : vector<32x128xf32>
    %mul3A_342 = vector.broadcast %mul3A_62 : f32 to vector<32x128xf32>
    %mul3A_343 = arith.mulf %mul3A_342, %sub3A_225 : vector<32x128xf32>
    %add3A_344 = arith.addf %mul3A_341, %mul3A_343 : vector<32x128xf32>
    %mul3A_345 = vector.broadcast %mul3A_67 : f32 to vector<32x128xf32>
    %mul3A_346 = arith.mulf %mul3A_345, %mul3A_243 : vector<32x128xf32>
    %add3A_347 = arith.addf %add3A_344, %mul3A_346 : vector<32x128xf32>
    %mul3A_348 = vector.broadcast %sub3A_57 : f32 to vector<32x128xf32>
    %mul3A_349 = arith.mulf %mul3A_348, %mul3A_210 : vector<32x128xf32>
    %mul3A_350 = vector.broadcast %mul3A_62 : f32 to vector<32x128xf32>
    %mul3A_351 = arith.mulf %mul3A_350, %mul3A_231 : vector<32x128xf32>
    %add3A_352 = arith.addf %mul3A_349, %mul3A_351 : vector<32x128xf32>
    %mul3A_353 = vector.broadcast %mul3A_67 : f32 to vector<32x128xf32>
    %mul3A_354 = arith.mulf %mul3A_353, %sub3A_252 : vector<32x128xf32>
    %add3A_355 = arith.addf %add3A_352, %mul3A_354 : vector<32x128xf32>
    %mul3A_356 = vector.broadcast %mul3A_72 : f32 to vector<32x128xf32>
    %mul3A_357 = arith.mulf %mul3A_356, %sub3A_198 : vector<32x128xf32>
    %mul3A_358 = vector.broadcast %sub3A_79 : f32 to vector<32x128xf32>
    %mul3A_359 = arith.mulf %mul3A_358, %mul3A_216 : vector<32x128xf32>
    %add3A_360 = arith.addf %mul3A_357, %mul3A_359 : vector<32x128xf32>
    %mul3A_361 = vector.broadcast %mul3A_84 : f32 to vector<32x128xf32>
    %mul3A_362 = arith.mulf %mul3A_361, %mul3A_237 : vector<32x128xf32>
    %add3A_363 = arith.addf %add3A_360, %mul3A_362 : vector<32x128xf32>
    %mul3A_364 = vector.broadcast %mul3A_72 : f32 to vector<32x128xf32>
    %mul3A_365 = arith.mulf %mul3A_364, %mul3A_204 : vector<32x128xf32>
    %mul3A_366 = vector.broadcast %sub3A_79 : f32 to vector<32x128xf32>
    %mul3A_367 = arith.mulf %mul3A_366, %sub3A_225 : vector<32x128xf32>
    %add3A_368 = arith.addf %mul3A_365, %mul3A_367 : vector<32x128xf32>
    %mul3A_369 = vector.broadcast %mul3A_84 : f32 to vector<32x128xf32>
    %mul3A_370 = arith.mulf %mul3A_369, %mul3A_243 : vector<32x128xf32>
    %add3A_371 = arith.addf %add3A_368, %mul3A_370 : vector<32x128xf32>
    %mul3A_372 = vector.broadcast %mul3A_72 : f32 to vector<32x128xf32>
    %mul3A_373 = arith.mulf %mul3A_372, %mul3A_210 : vector<32x128xf32>
    %mul3A_374 = vector.broadcast %sub3A_79 : f32 to vector<32x128xf32>
    %mul3A_375 = arith.mulf %mul3A_374, %mul3A_231 : vector<32x128xf32>
    %add3A_376 = arith.addf %mul3A_373, %mul3A_375 : vector<32x128xf32>
    %mul3A_377 = vector.broadcast %mul3A_84 : f32 to vector<32x128xf32>
    %mul3A_378 = arith.mulf %mul3A_377, %sub3A_252 : vector<32x128xf32>
    %add3A_379 = arith.addf %add3A_376, %mul3A_378 : vector<32x128xf32>
    %mul3A_380 = vector.broadcast %mul3A_89 : f32 to vector<32x128xf32>
    %mul3A_381 = arith.mulf %mul3A_380, %sub3A_198 : vector<32x128xf32>
    %mul3A_382 = vector.broadcast %mul3A_94 : f32 to vector<32x128xf32>
    %mul3A_383 = arith.mulf %mul3A_382, %mul3A_216 : vector<32x128xf32>
    %add3A_384 = arith.addf %mul3A_381, %mul3A_383 : vector<32x128xf32>
    %mul3A_385 = vector.broadcast %sub3A_101 : f32 to vector<32x128xf32>
    %mul3A_386 = arith.mulf %mul3A_385, %mul3A_237 : vector<32x128xf32>
    %add3A_387 = arith.addf %add3A_384, %mul3A_386 : vector<32x128xf32>
    %mul3A_388 = vector.broadcast %mul3A_89 : f32 to vector<32x128xf32>
    %mul3A_389 = arith.mulf %mul3A_388, %mul3A_204 : vector<32x128xf32>
    %mul3A_390 = vector.broadcast %mul3A_94 : f32 to vector<32x128xf32>
    %mul3A_391 = arith.mulf %mul3A_390, %sub3A_225 : vector<32x128xf32>
    %add3A_392 = arith.addf %mul3A_389, %mul3A_391 : vector<32x128xf32>
    %mul3A_393 = vector.broadcast %sub3A_101 : f32 to vector<32x128xf32>
    %mul3A_394 = arith.mulf %mul3A_393, %mul3A_243 : vector<32x128xf32>
    %add3A_395 = arith.addf %add3A_392, %mul3A_394 : vector<32x128xf32>
    %mul3A_396 = vector.broadcast %mul3A_89 : f32 to vector<32x128xf32>
    %mul3A_397 = arith.mulf %mul3A_396, %mul3A_210 : vector<32x128xf32>
    %mul3A_398 = vector.broadcast %mul3A_94 : f32 to vector<32x128xf32>
    %mul3A_399 = arith.mulf %mul3A_398, %mul3A_231 : vector<32x128xf32>
    %add3A_400 = arith.addf %mul3A_397, %mul3A_399 : vector<32x128xf32>
    %mul3A_401 = vector.broadcast %sub3A_101 : f32 to vector<32x128xf32>
    %mul3A_402 = arith.mulf %mul3A_401, %sub3A_252 : vector<32x128xf32>
    %add3A_403 = arith.addf %add3A_400, %mul3A_402 : vector<32x128xf32>
    %div3A_404 = vector.broadcast %get3A_2 : f32 to vector<32x128xf32>
    %div3A_405 = arith.divf %div3A_404, %select_n3A : vector<32x128xf32>
    %neg3A = arith.constant 0.000000e+00 : f32
    %neg3A_406 = arith.subf %neg3A, %get3A_2 : f32
    %mul3A_407 = vector.broadcast %neg3A_406 : f32 to vector<32x128xf32>
    %mul3A_408 = arith.mulf %mul3A_407, %add3A_126 : vector<32x128xf32>
    %mul3A_409 = arith.mulf %select_n3A, %select_n3A : vector<32x128xf32>
    %div3A_410 = arith.divf %mul3A_408, %mul3A_409 : vector<32x128xf32>
    %div3A_411 = vector.broadcast %get3A_6 : f32 to vector<32x128xf32>
    %div3A_412 = arith.divf %div3A_411, %select_n3A : vector<32x128xf32>
    %neg3A_413 = arith.constant 0.000000e+00 : f32
    %neg3A_414 = arith.subf %neg3A_413, %get3A_6 : f32
    %mul3A_415 = vector.broadcast %neg3A_414 : f32 to vector<32x128xf32>
    %mul3A_416 = arith.mulf %mul3A_415, %add3A_136 : vector<32x128xf32>
    %mul3A_417 = arith.mulf %select_n3A, %select_n3A : vector<32x128xf32>
    %div3A_418 = arith.divf %mul3A_416, %mul3A_417 : vector<32x128xf32>
    %mul3A_419 = arith.mulf %div3A_405, %add3A_339 : vector<32x128xf32>
    %mul3A_420 = arith.mulf %div3A_410, %add3A_387 : vector<32x128xf32>
    %add3A_421 = arith.addf %mul3A_419, %mul3A_420 : vector<32x128xf32>
    %mul3A_422 = arith.mulf %div3A_405, %add3A_347 : vector<32x128xf32>
    %mul3A_423 = arith.mulf %div3A_410, %add3A_395 : vector<32x128xf32>
    %add3A_424 = arith.addf %mul3A_422, %mul3A_423 : vector<32x128xf32>
    %mul3A_425 = arith.mulf %div3A_405, %add3A_355 : vector<32x128xf32>
    %mul3A_426 = arith.mulf %div3A_410, %add3A_403 : vector<32x128xf32>
    %add3A_427 = arith.addf %mul3A_425, %mul3A_426 : vector<32x128xf32>
    %mul3A_428 = arith.mulf %div3A_412, %add3A_363 : vector<32x128xf32>
    %mul3A_429 = arith.mulf %div3A_418, %add3A_387 : vector<32x128xf32>
    %add3A_430 = arith.addf %mul3A_428, %mul3A_429 : vector<32x128xf32>
    %mul3A_431 = arith.mulf %div3A_412, %add3A_371 : vector<32x128xf32>
    %mul3A_432 = arith.mulf %div3A_418, %add3A_395 : vector<32x128xf32>
    %add3A_433 = arith.addf %mul3A_431, %mul3A_432 : vector<32x128xf32>
    %mul3A_434 = arith.mulf %div3A_412, %add3A_379 : vector<32x128xf32>
    %mul3A_435 = arith.mulf %div3A_418, %add3A_403 : vector<32x128xf32>
    %add3A_436 = arith.addf %mul3A_434, %mul3A_435 : vector<32x128xf32>
    %mul3A_437 = arith.mulf %mul3A_270, %add3A_421 : vector<32x128xf32>
    %mul3A_438 = arith.mulf %mul3A_437, %add3A_421 : vector<32x128xf32>
    %mul3A_439 = arith.mulf %mul3A_271, %add3A_424 : vector<32x128xf32>
    %mul3A_440 = arith.mulf %mul3A_439, %add3A_424 : vector<32x128xf32>
    %add3A_441 = arith.addf %mul3A_438, %mul3A_440 : vector<32x128xf32>
    %mul3A_442 = arith.mulf %mul3A_272, %add3A_427 : vector<32x128xf32>
    %mul3A_443 = arith.mulf %mul3A_442, %add3A_427 : vector<32x128xf32>
    %add3A_444 = arith.addf %add3A_441, %mul3A_443 : vector<32x128xf32>
    %add3A_445 = arith.constant 3.000000e-01 : f32
    %add3A_446 = vector.broadcast %add3A_445 : f32 to vector<32x128xf32>
    %add3A_447 = arith.addf %add3A_444, %add3A_446 : vector<32x128xf32>
    %mul3A_448 = arith.mulf %mul3A_270, %add3A_430 : vector<32x128xf32>
    %mul3A_449 = arith.mulf %mul3A_448, %add3A_430 : vector<32x128xf32>
    %mul3A_450 = arith.mulf %mul3A_271, %add3A_433 : vector<32x128xf32>
    %mul3A_451 = arith.mulf %mul3A_450, %add3A_433 : vector<32x128xf32>
    %add3A_452 = arith.addf %mul3A_449, %mul3A_451 : vector<32x128xf32>
    %mul3A_453 = arith.mulf %mul3A_272, %add3A_436 : vector<32x128xf32>
    %mul3A_454 = arith.mulf %mul3A_453, %add3A_436 : vector<32x128xf32>
    %add3A_455 = arith.addf %add3A_452, %mul3A_454 : vector<32x128xf32>
    %add3A_456 = arith.constant 3.000000e-01 : f32
    %add3A_457 = vector.broadcast %add3A_456 : f32 to vector<32x128xf32>
    %add3A_458 = arith.addf %add3A_455, %add3A_457 : vector<32x128xf32>
    %mul3A_459 = arith.mulf %mul3A_270, %add3A_421 : vector<32x128xf32>
    %mul3A_460 = arith.mulf %mul3A_459, %add3A_430 : vector<32x128xf32>
    %mul3A_461 = arith.mulf %mul3A_271, %add3A_424 : vector<32x128xf32>
    %mul3A_462 = arith.mulf %mul3A_461, %add3A_433 : vector<32x128xf32>
    %add3A_463 = arith.addf %mul3A_460, %mul3A_462 : vector<32x128xf32>
    %mul3A_464 = arith.mulf %mul3A_272, %add3A_427 : vector<32x128xf32>
    %mul3A_465 = arith.mulf %mul3A_464, %add3A_436 : vector<32x128xf32>
    %add3A_466 = arith.addf %add3A_463, %mul3A_465 : vector<32x128xf32>
    %mul3A_467 = arith.mulf %add3A_447, %add3A_458 : vector<32x128xf32>
    %mul3A_468 = arith.mulf %add3A_466, %add3A_466 : vector<32x128xf32>
    %sub3A_469 = arith.subf %mul3A_467, %mul3A_468 : vector<32x128xf32>
    %max3A_470 = arith.constant 9.99999971E-10 : f32
    %max3A_471 = vector.broadcast %max3A_470 : f32 to vector<32x128xf32>
    %max3A_472 = arith.maximumf %sub3A_469, %max3A_471 : vector<32x128xf32>
    %div3A_473 = arith.divf %add3A_458, %max3A_472 : vector<32x128xf32>
    %neg3A_474 = arith.constant 0.000000e+00 : f32
    %neg3A_475 = vector.broadcast %neg3A_474 : f32 to vector<32x128xf32>
    %neg3A_476 = arith.subf %neg3A_475, %add3A_466 : vector<32x128xf32>
    %div3A_477 = arith.divf %neg3A_476, %max3A_472 : vector<32x128xf32>
    %div3A_478 = arith.divf %add3A_447, %max3A_472 : vector<32x128xf32>
    %gt3A = arith.constant 4.000000e-01 : f32
    %gt3A_479 = vector.broadcast %gt3A : f32 to vector<32x128xf32>
    %gt3A_480 = arith.cmpf ogt, %add3A_146, %gt3A_479 : vector<32x128xf32>
    %lt3A_481 = arith.constant 1.000000e+03 : f32
    %lt3A_482 = vector.broadcast %lt3A_481 : f32 to vector<32x128xf32>
    %lt3A_483 = arith.cmpf olt, %add3A_146, %lt3A_482 : vector<32x128xf32>
    %and3A = arith.andi %gt3A_480, %lt3A_483 : vector<32x128xi1>
    %ge3A = arith.constant -4.800000e+01 : f32
    %ge3A_484 = vector.broadcast %ge3A : f32 to vector<32x128xf32>
    %ge3A_485 = arith.cmpf oge, %add3A_152, %ge3A_484 : vector<32x128xf32>
    %and3A_486 = arith.andi %and3A, %ge3A_485 : vector<32x128xi1>
    %lt3A_487 = arith.constant 1.120000e+02 : f32
    %lt3A_488 = vector.broadcast %lt3A_487 : f32 to vector<32x128xf32>
    %lt3A_489 = arith.cmpf olt, %add3A_152, %lt3A_488 : vector<32x128xf32>
    %and3A_490 = arith.andi %and3A_486, %lt3A_489 : vector<32x128xi1>
    %ge3A_491 = arith.constant -4.800000e+01 : f32
    %ge3A_492 = vector.broadcast %ge3A_491 : f32 to vector<32x128xf32>
    %ge3A_493 = arith.cmpf oge, %add3A_157, %ge3A_492 : vector<32x128xf32>
    %and3A_494 = arith.andi %and3A_490, %ge3A_493 : vector<32x128xi1>
    %lt3A_495 = arith.constant 1.120000e+02 : f32
    %lt3A_496 = vector.broadcast %lt3A_495 : f32 to vector<32x128xf32>
    %lt3A_497 = arith.cmpf olt, %add3A_157, %lt3A_496 : vector<32x128xf32>
    %and3A_498 = arith.andi %and3A_494, %lt3A_497 : vector<32x128xi1>
    %get3A_499 = arith.constant 0 : index
    %get3A_500 = arith.constant 0 : index
    %get3A_501 = arith.constant 0 : index
    %get3A_502 = vector.load %arg2[%get3A_499, %get3A_500, %get3A_501] : memref<1x32x128xf32, #tpu.memory_space<vmem>>, vector<1x32x128xf32>
    %get3A_503 = vector.shape_cast %get3A_502 : vector<1x32x128xf32> to vector<32x128xf32>
    %lt3A_504 = arith.constant 5.000000e-01 : f32
    %lt3A_505 = vector.broadcast %lt3A_504 : f32 to vector<32x128xf32>
    %lt3A_506 = arith.cmpf olt, %get3A_503, %lt3A_505 : vector<32x128xf32>
    %and3A_507 = arith.andi %and3A_498, %lt3A_506 : vector<32x128xi1>
    %jit3A_508 = arith.constant 0.000000e+00 : f32
    %broadcast_in_dim3A_509 = vector.broadcast %jit3A_508 : f32 to vector<32x128xf32>
    %select_n3A_510 = arith.select %and3A_507, %logistic3A_282, %broadcast_in_dim3A_509 : vector<32x128xi1>, vector<32x128xf32>
    %max3A_511 = arith.constant 9.99999996E-13 : f32
    %max3A_512 = vector.broadcast %max3A_511 : f32 to vector<32x128xf32>
    %max3A_513 = arith.maximumf %select_n3A_510, %max3A_512 : vector<32x128xf32>
    %mul3A_514 = arith.constant 2.550000e+02 : f32
    %mul3A_515 = vector.broadcast %mul3A_514 : f32 to vector<32x128xf32>
    %mul3A_516 = arith.mulf %mul3A_515, %max3A_513 : vector<32x128xf32>
    %log3A = math.log %mul3A_516 : vector<32x128xf32>
    %max3A_517 = arith.constant 0.000000e+00 : f32
    %max3A_518 = vector.broadcast %max3A_517 : f32 to vector<32x128xf32>
    %max3A_519 = arith.maximumf %log3A, %max3A_518 : vector<32x128xf32>
    %mul3A_520 = arith.constant 2.000000e+00 : f32
    %mul3A_521 = vector.broadcast %mul3A_520 : f32 to vector<32x128xf32>
    %mul3A_522 = arith.mulf %mul3A_521, %max3A_519 : vector<32x128xf32>
    %mul3A_523 = arith.mulf %mul3A_522, %add3A_447 : vector<32x128xf32>
    %sqrt3A = math.sqrt %mul3A_523 : vector<32x128xf32>
    %add3A_524 = arith.constant 1.000000e-01 : f32
    %add3A_525 = vector.broadcast %add3A_524 : f32 to vector<32x128xf32>
    %add3A_526 = arith.addf %sqrt3A, %add3A_525 : vector<32x128xf32>
    %mul3A_527 = arith.constant 2.000000e+00 : f32
    %mul3A_528 = vector.broadcast %mul3A_527 : f32 to vector<32x128xf32>
    %mul3A_529 = arith.mulf %mul3A_528, %max3A_519 : vector<32x128xf32>
    %mul3A_530 = arith.mulf %mul3A_529, %add3A_458 : vector<32x128xf32>
    %sqrt3A_531 = math.sqrt %mul3A_530 : vector<32x128xf32>
    %add3A_532 = arith.constant 1.000000e-01 : f32
    %add3A_533 = vector.broadcast %add3A_532 : f32 to vector<32x128xf32>
    %add3A_534 = arith.addf %sqrt3A_531, %add3A_533 : vector<32x128xf32>
    %gt3A_535 = arith.constant 1.000000e+06 : f32
    %gt3A_536 = vector.broadcast %gt3A_535 : f32 to vector<32x128xf32>
    %gt3A_537 = arith.cmpf ogt, %add3A_447, %gt3A_536 : vector<32x128xf32>
    %gt3A_538 = arith.constant 1.000000e+06 : f32
    %gt3A_539 = vector.broadcast %gt3A_538 : f32 to vector<32x128xf32>
    %gt3A_540 = arith.cmpf ogt, %add3A_458, %gt3A_539 : vector<32x128xf32>
    %or3A = arith.ori %gt3A_537, %gt3A_540 : vector<32x128xi1>
    %jit3A_541 = arith.constant 1.000000e+04 : f32
    %broadcast_in_dim3A_542 = vector.broadcast %jit3A_541 : f32 to vector<32x128xf32>
    %select_n3A_543 = arith.select %or3A, %broadcast_in_dim3A_542, %add3A_526 : vector<32x128xi1>, vector<32x128xf32>
    %jit3A_544 = arith.constant 1.000000e+04 : f32
    %broadcast_in_dim3A_545 = vector.broadcast %jit3A_544 : f32 to vector<32x128xf32>
    %select_n3A_546 = arith.select %or3A, %broadcast_in_dim3A_545, %add3A_534 : vector<32x128xi1>, vector<32x128xf32>
    %sub3A_547 = arith.subf %add3A_152, %select_n3A_543 : vector<32x128xf32>
    %sub3A_548 = arith.constant 1.550000e+01 : f32
    %sub3A_549 = vector.broadcast %sub3A_548 : f32 to vector<32x128xf32>
    %sub3A_550 = arith.subf %sub3A_547, %sub3A_549 : vector<32x128xf32>
    %div3A_551 = arith.constant 1.600000e+01 : f32
    %div3A_552 = vector.broadcast %div3A_551 : f32 to vector<32x128xf32>
    %div3A_553 = arith.divf %sub3A_550, %div3A_552 : vector<32x128xf32>
    %ceil3A = math.ceil %div3A_553 : vector<32x128xf32>
    %jit3A_554 = arith.constant 0.000000e+00 : f32
    %jit3A_555 = arith.constant 3.000000e+00 : f32
    %max3A_556 = vector.broadcast %jit3A_554 : f32 to vector<32x128xf32>
    %max3A_557 = arith.maximumf %max3A_556, %ceil3A : vector<32x128xf32>
    %min3A_558 = vector.broadcast %jit3A_555 : f32 to vector<32x128xf32>
    %min3A_559 = arith.minimumf %min3A_558, %max3A_557 : vector<32x128xf32>
    %add3A_560 = arith.addf %add3A_152, %select_n3A_543 : vector<32x128xf32>
    %sub3A_561 = arith.constant 5.000000e-01 : f32
    %sub3A_562 = vector.broadcast %sub3A_561 : f32 to vector<32x128xf32>
    %sub3A_563 = arith.subf %add3A_560, %sub3A_562 : vector<32x128xf32>
    %div3A_564 = arith.constant 1.600000e+01 : f32
    %div3A_565 = vector.broadcast %div3A_564 : f32 to vector<32x128xf32>
    %div3A_566 = arith.divf %sub3A_563, %div3A_565 : vector<32x128xf32>
    %floor3A = math.floor %div3A_566 : vector<32x128xf32>
    %sub3A_567 = arith.subf %add3A_157, %select_n3A_546 : vector<32x128xf32>
    %sub3A_568 = arith.constant 7.500000e+00 : f32
    %sub3A_569 = vector.broadcast %sub3A_568 : f32 to vector<32x128xf32>
    %sub3A_570 = arith.subf %sub3A_567, %sub3A_569 : vector<32x128xf32>
    %div3A_571 = arith.constant 8.000000e+00 : f32
    %div3A_572 = vector.broadcast %div3A_571 : f32 to vector<32x128xf32>
    %div3A_573 = arith.divf %sub3A_570, %div3A_572 : vector<32x128xf32>
    %ceil3A_574 = math.ceil %div3A_573 : vector<32x128xf32>
    %jit3A_575 = arith.constant 0.000000e+00 : f32
    %jit3A_576 = arith.constant 7.000000e+00 : f32
    %max3A_577 = vector.broadcast %jit3A_575 : f32 to vector<32x128xf32>
    %max3A_578 = arith.maximumf %max3A_577, %ceil3A_574 : vector<32x128xf32>
    %min3A_579 = vector.broadcast %jit3A_576 : f32 to vector<32x128xf32>
    %min3A_580 = arith.minimumf %min3A_579, %max3A_578 : vector<32x128xf32>
    %add3A_581 = arith.addf %add3A_157, %select_n3A_546 : vector<32x128xf32>
    %sub3A_582 = arith.constant 5.000000e-01 : f32
    %sub3A_583 = vector.broadcast %sub3A_582 : f32 to vector<32x128xf32>
    %sub3A_584 = arith.subf %add3A_581, %sub3A_583 : vector<32x128xf32>
    %div3A_585 = arith.constant 8.000000e+00 : f32
    %div3A_586 = vector.broadcast %div3A_585 : f32 to vector<32x128xf32>
    %div3A_587 = arith.divf %sub3A_584, %div3A_586 : vector<32x128xf32>
    %floor3A_588 = math.floor %div3A_587 : vector<32x128xf32>
    %gt3A_589 = arith.constant 0.000000e+00 : f32
    %gt3A_590 = vector.broadcast %gt3A_589 : f32 to vector<32x128xf32>
    %gt3A_591 = arith.cmpf ogt, %log3A, %gt3A_590 : vector<32x128xf32>
    %and3A_592 = arith.andi %and3A_507, %gt3A_591 : vector<32x128xi1>
    %add3A_593 = arith.addf %add3A_152, %select_n3A_543 : vector<32x128xf32>
    %ge3A_594 = arith.constant 5.000000e-01 : f32
    %ge3A_595 = vector.broadcast %ge3A_594 : f32 to vector<32x128xf32>
    %ge3A_596 = arith.cmpf oge, %add3A_593, %ge3A_595 : vector<32x128xf32>
    %and3A_597 = arith.andi %and3A_592, %ge3A_596 : vector<32x128xi1>
    %sub3A_598 = arith.subf %add3A_152, %select_n3A_543 : vector<32x128xf32>
    %le3A = arith.constant 6.350000e+01 : f32
    %le3A_599 = vector.broadcast %le3A : f32 to vector<32x128xf32>
    %le3A_600 = arith.cmpf ole, %sub3A_598, %le3A_599 : vector<32x128xf32>
    %and3A_601 = arith.andi %and3A_597, %le3A_600 : vector<32x128xi1>
    %add3A_602 = arith.addf %add3A_157, %select_n3A_546 : vector<32x128xf32>
    %ge3A_603 = arith.constant 5.000000e-01 : f32
    %ge3A_604 = vector.broadcast %ge3A_603 : f32 to vector<32x128xf32>
    %ge3A_605 = arith.cmpf oge, %add3A_602, %ge3A_604 : vector<32x128xf32>
    %and3A_606 = arith.andi %and3A_601, %ge3A_605 : vector<32x128xi1>
    %sub3A_607 = arith.subf %add3A_157, %select_n3A_546 : vector<32x128xf32>
    %le3A_608 = arith.constant 6.350000e+01 : f32
    %le3A_609 = vector.broadcast %le3A_608 : f32 to vector<32x128xf32>
    %le3A_610 = arith.cmpf ole, %sub3A_607, %le3A_609 : vector<32x128xf32>
    %and3A_611 = arith.andi %and3A_606, %le3A_610 : vector<32x128xi1>
    %ge3A_612 = arith.constant 0.000000e+00 : f32
    %ge3A_613 = vector.broadcast %ge3A_612 : f32 to vector<32x128xf32>
    %ge3A_614 = arith.cmpf oge, %floor3A, %ge3A_613 : vector<32x128xf32>
    %and3A_615 = arith.andi %and3A_611, %ge3A_614 : vector<32x128xi1>
    %ge3A_616 = arith.constant 0.000000e+00 : f32
    %ge3A_617 = vector.broadcast %ge3A_616 : f32 to vector<32x128xf32>
    %ge3A_618 = arith.cmpf oge, %floor3A_588, %ge3A_617 : vector<32x128xf32>
    %and3A_619 = arith.andi %and3A_615, %ge3A_618 : vector<32x128xi1>
    %jit3A_620 = arith.constant 0.000000e+00 : f32
    %jit3A_621 = arith.constant 3.000000e+00 : f32
    %max3A_622 = vector.broadcast %jit3A_620 : f32 to vector<32x128xf32>
    %max3A_623 = arith.maximumf %max3A_622, %floor3A : vector<32x128xf32>
    %min3A_624 = vector.broadcast %jit3A_621 : f32 to vector<32x128xf32>
    %min3A_625 = arith.minimumf %min3A_624, %max3A_623 : vector<32x128xf32>
    %jit3A_626 = arith.constant 0.000000e+00 : f32
    %jit3A_627 = arith.constant 7.000000e+00 : f32
    %max3A_628 = vector.broadcast %jit3A_626 : f32 to vector<32x128xf32>
    %max3A_629 = arith.maximumf %max3A_628, %floor3A_588 : vector<32x128xf32>
    %min3A_630 = vector.broadcast %jit3A_627 : f32 to vector<32x128xf32>
    %min3A_631 = arith.minimumf %min3A_630, %max3A_629 : vector<32x128xf32>
    %mul3A_632 = arith.constant 4.000000e+00 : f32
    %mul3A_633 = vector.broadcast %mul3A_632 : f32 to vector<32x128xf32>
    %mul3A_634 = arith.mulf %mul3A_633, %min3A_625 : vector<32x128xf32>
    %add3A_635 = arith.addf %min3A_559, %mul3A_634 : vector<32x128xf32>
    %mul3A_636 = arith.constant 1.600000e+01 : f32
    %mul3A_637 = vector.broadcast %mul3A_636 : f32 to vector<32x128xf32>
    %mul3A_638 = arith.mulf %mul3A_637, %min3A_580 : vector<32x128xf32>
    %add3A_639 = arith.addf %add3A_635, %mul3A_638 : vector<32x128xf32>
    %mul3A_640 = arith.constant 1.280000e+02 : f32
    %mul3A_641 = vector.broadcast %mul3A_640 : f32 to vector<32x128xf32>
    %mul3A_642 = arith.mulf %mul3A_641, %min3A_631 : vector<32x128xf32>
    %add3A_643 = arith.addf %add3A_639, %mul3A_642 : vector<32x128xf32>
    %add3A_644 = arith.constant 1.024000e+03 : f32
    %add3A_645 = vector.broadcast %add3A_644 : f32 to vector<32x128xf32>
    %add3A_646 = arith.addf %add3A_643, %add3A_645 : vector<32x128xf32>
    %jit3A_647 = arith.constant 0.000000e+00 : f32
    %broadcast_in_dim3A_648 = vector.broadcast %jit3A_647 : f32 to vector<32x128xf32>
    %select_n3A_649 = arith.select %and3A_619, %add3A_646, %broadcast_in_dim3A_648 : vector<32x128xi1>, vector<32x128xf32>
    %broadcast_in_dim3A_650 = arith.constant 0.000000e+00 : f32
    %broadcast_in_dim3A_651 = vector.broadcast %broadcast_in_dim3A_650 : f32 to vector<32x128xf32>
    %jit3A_652 = arith.constant 0.000000e+00 : f32
    %broadcast_in_dim3A_653 = vector.broadcast %jit3A_652 : f32 to vector<32x128xf32>
    %select_n3A_654 = arith.select %and3A_507, %add3A_152, %broadcast_in_dim3A_653 : vector<32x128xi1>, vector<32x128xf32>
    %swap3A = arith.constant 0 : index
    %swap3A_655 = arith.constant 0 : index
    %swap3A_656 = arith.constant 0 : index
    %swap3A_657 = vector.load %arg4[%swap3A, %swap3A_655, %swap3A_656] : memref<16x32x128xf32, #tpu.memory_space<vmem>>, vector<1x32x128xf32>
    %swap3A_658 = vector.shape_cast %swap3A_657 : vector<1x32x128xf32> to vector<32x128xf32>
    %swap3A_659 = vector.shape_cast %select_n3A_654 : vector<32x128xf32> to vector<1x32x128xf32>
    tpu.vector_store %arg4[%swap3A, %swap3A_655, %swap3A_656], %swap3A_659 {strides = array<i32>} : memref<16x32x128xf32, #tpu.memory_space<vmem>>, vector<1x32x128xf32>,
    %jit3A_660 = arith.constant 0.000000e+00 : f32
    %broadcast_in_dim3A_661 = vector.broadcast %jit3A_660 : f32 to vector<32x128xf32>
    %select_n3A_662 = arith.select %and3A_507, %add3A_157, %broadcast_in_dim3A_661 : vector<32x128xi1>, vector<32x128xf32>
    %swap3A_663 = arith.constant 1 : index
    %swap3A_664 = arith.constant 0 : index
    %swap3A_665 = arith.constant 0 : index
    %swap3A_666 = vector.load %arg4[%swap3A_663, %swap3A_664, %swap3A_665] : memref<16x32x128xf32, #tpu.memory_space<vmem>>, vector<1x32x128xf32>
    %swap3A_667 = vector.shape_cast %swap3A_666 : vector<1x32x128xf32> to vector<32x128xf32>
    %swap3A_668 = vector.shape_cast %select_n3A_662 : vector<32x128xf32> to vector<1x32x128xf32>
    tpu.vector_store %arg4[%swap3A_663, %swap3A_664, %swap3A_665], %swap3A_668 {strides = array<i32>} : memref<16x32x128xf32, #tpu.memory_space<vmem>>, vector<1x32x128xf32>,
    %jit3A_669 = arith.constant 0.000000e+00 : f32
    %broadcast_in_dim3A_670 = vector.broadcast %jit3A_669 : f32 to vector<32x128xf32>
    %select_n3A_671 = arith.select %and3A_507, %div3A_473, %broadcast_in_dim3A_670 : vector<32x128xi1>, vector<32x128xf32>
    %swap3A_672 = arith.constant 2 : index
    %swap3A_673 = arith.constant 0 : index
    %swap3A_674 = arith.constant 0 : index
    %swap3A_675 = vector.load %arg4[%swap3A_672, %swap3A_673, %swap3A_674] : memref<16x32x128xf32, #tpu.memory_space<vmem>>, vector<1x32x128xf32>
    %swap3A_676 = vector.shape_cast %swap3A_675 : vector<1x32x128xf32> to vector<32x128xf32>
    %swap3A_677 = vector.shape_cast %select_n3A_671 : vector<32x128xf32> to vector<1x32x128xf32>
    tpu.vector_store %arg4[%swap3A_672, %swap3A_673, %swap3A_674], %swap3A_677 {strides = array<i32>} : memref<16x32x128xf32, #tpu.memory_space<vmem>>, vector<1x32x128xf32>,
    %jit3A_678 = arith.constant 0.000000e+00 : f32
    %broadcast_in_dim3A_679 = vector.broadcast %jit3A_678 : f32 to vector<32x128xf32>
    %select_n3A_680 = arith.select %and3A_507, %div3A_477, %broadcast_in_dim3A_679 : vector<32x128xi1>, vector<32x128xf32>
    %swap3A_681 = arith.constant 3 : index
    %swap3A_682 = arith.constant 0 : index
    %swap3A_683 = arith.constant 0 : index
    %swap3A_684 = vector.load %arg4[%swap3A_681, %swap3A_682, %swap3A_683] : memref<16x32x128xf32, #tpu.memory_space<vmem>>, vector<1x32x128xf32>
    %swap3A_685 = vector.shape_cast %swap3A_684 : vector<1x32x128xf32> to vector<32x128xf32>
    %swap3A_686 = vector.shape_cast %select_n3A_680 : vector<32x128xf32> to vector<1x32x128xf32>
    tpu.vector_store %arg4[%swap3A_681, %swap3A_682, %swap3A_683], %swap3A_686 {strides = array<i32>} : memref<16x32x128xf32, #tpu.memory_space<vmem>>, vector<1x32x128xf32>,
    %jit3A_687 = arith.constant 0.000000e+00 : f32
    %broadcast_in_dim3A_688 = vector.broadcast %jit3A_687 : f32 to vector<32x128xf32>
    %select_n3A_689 = arith.select %and3A_507, %div3A_478, %broadcast_in_dim3A_688 : vector<32x128xi1>, vector<32x128xf32>
    %swap3A_690 = arith.constant 4 : index
    %swap3A_691 = arith.constant 0 : index
    %swap3A_692 = arith.constant 0 : index
    %swap3A_693 = vector.load %arg4[%swap3A_690, %swap3A_691, %swap3A_692] : memref<16x32x128xf32, #tpu.memory_space<vmem>>, vector<1x32x128xf32>
    %swap3A_694 = vector.shape_cast %swap3A_693 : vector<1x32x128xf32> to vector<32x128xf32>
    %swap3A_695 = vector.shape_cast %select_n3A_689 : vector<32x128xf32> to vector<1x32x128xf32>
    tpu.vector_store %arg4[%swap3A_690, %swap3A_691, %swap3A_692], %swap3A_695 {strides = array<i32>} : memref<16x32x128xf32, #tpu.memory_space<vmem>>, vector<1x32x128xf32>,
    %swap3A_696 = arith.constant 5 : index
    %swap3A_697 = arith.constant 0 : index
    %swap3A_698 = arith.constant 0 : index
    %swap3A_699 = vector.load %arg4[%swap3A_696, %swap3A_697, %swap3A_698] : memref<16x32x128xf32, #tpu.memory_space<vmem>>, vector<1x32x128xf32>
    %swap3A_700 = vector.shape_cast %swap3A_699 : vector<1x32x128xf32> to vector<32x128xf32>
    %swap3A_701 = vector.shape_cast %select_n3A_510 : vector<32x128xf32> to vector<1x32x128xf32>
    tpu.vector_store %arg4[%swap3A_696, %swap3A_697, %swap3A_698], %swap3A_701 {strides = array<i32>} : memref<16x32x128xf32, #tpu.memory_space<vmem>>, vector<1x32x128xf32>,
    %swap3A_702 = arith.constant 6 : index
    %swap3A_703 = arith.constant 0 : index
    %swap3A_704 = arith.constant 0 : index
    %swap3A_705 = vector.load %arg4[%swap3A_702, %swap3A_703, %swap3A_704] : memref<16x32x128xf32, #tpu.memory_space<vmem>>, vector<1x32x128xf32>
    %swap3A_706 = vector.shape_cast %swap3A_705 : vector<1x32x128xf32> to vector<32x128xf32>
    %swap3A_707 = vector.shape_cast %broadcast_in_dim3A_651 : vector<32x128xf32> to vector<1x32x128xf32>
    tpu.vector_store %arg4[%swap3A_702, %swap3A_703, %swap3A_704], %swap3A_707 {strides = array<i32>} : memref<16x32x128xf32, #tpu.memory_space<vmem>>, vector<1x32x128xf32>,
    %swap3A_708 = arith.constant 7 : index
    %swap3A_709 = arith.constant 0 : index
    %swap3A_710 = arith.constant 0 : index
    %swap3A_711 = vector.load %arg4[%swap3A_708, %swap3A_709, %swap3A_710] : memref<16x32x128xf32, #tpu.memory_space<vmem>>, vector<1x32x128xf32>
    %swap3A_712 = vector.shape_cast %swap3A_711 : vector<1x32x128xf32> to vector<32x128xf32>
    %swap3A_713 = vector.shape_cast %broadcast_in_dim3A_651 : vector<32x128xf32> to vector<1x32x128xf32>
    tpu.vector_store %arg4[%swap3A_708, %swap3A_709, %swap3A_710], %swap3A_713 {strides = array<i32>} : memref<16x32x128xf32, #tpu.memory_space<vmem>>, vector<1x32x128xf32>,
    %swap3A_714 = arith.constant 8 : index
    %swap3A_715 = arith.constant 0 : index
    %swap3A_716 = arith.constant 0 : index
    %swap3A_717 = vector.load %arg4[%swap3A_714, %swap3A_715, %swap3A_716] : memref<16x32x128xf32, #tpu.memory_space<vmem>>, vector<1x32x128xf32>
    %swap3A_718 = vector.shape_cast %swap3A_717 : vector<1x32x128xf32> to vector<32x128xf32>
    %swap3A_719 = vector.shape_cast %min3A_297 : vector<32x128xf32> to vector<1x32x128xf32>
    tpu.vector_store %arg4[%swap3A_714, %swap3A_715, %swap3A_716], %swap3A_719 {strides = array<i32>} : memref<16x32x128xf32, #tpu.memory_space<vmem>>, vector<1x32x128xf32>,
    %swap3A_720 = arith.constant 9 : index
    %swap3A_721 = arith.constant 0 : index
    %swap3A_722 = arith.constant 0 : index
    %swap3A_723 = vector.load %arg4[%swap3A_720, %swap3A_721, %swap3A_722] : memref<16x32x128xf32, #tpu.memory_space<vmem>>, vector<1x32x128xf32>
    %swap3A_724 = vector.shape_cast %swap3A_723 : vector<1x32x128xf32> to vector<32x128xf32>
    %swap3A_725 = vector.shape_cast %min3A_314 : vector<32x128xf32> to vector<1x32x128xf32>
    tpu.vector_store %arg4[%swap3A_720, %swap3A_721, %swap3A_722], %swap3A_725 {strides = array<i32>} : memref<16x32x128xf32, #tpu.memory_space<vmem>>, vector<1x32x128xf32>,
    %swap3A_726 = arith.constant 10 : index
    %swap3A_727 = arith.constant 0 : index
    %swap3A_728 = arith.constant 0 : index
    %swap3A_729 = vector.load %arg4[%swap3A_726, %swap3A_727, %swap3A_728] : memref<16x32x128xf32, #tpu.memory_space<vmem>>, vector<1x32x128xf32>
    %swap3A_730 = vector.shape_cast %swap3A_729 : vector<1x32x128xf32> to vector<32x128xf32>
    %swap3A_731 = vector.shape_cast %min3A_331 : vector<32x128xf32> to vector<1x32x128xf32>
    tpu.vector_store %arg4[%swap3A_726, %swap3A_727, %swap3A_728], %swap3A_731 {strides = array<i32>} : memref<16x32x128xf32, #tpu.memory_space<vmem>>, vector<1x32x128xf32>,
    %swap3A_732 = arith.constant 11 : index
    %swap3A_733 = arith.constant 0 : index
    %swap3A_734 = arith.constant 0 : index
    %swap3A_735 = vector.load %arg4[%swap3A_732, %swap3A_733, %swap3A_734] : memref<16x32x128xf32, #tpu.memory_space<vmem>>, vector<1x32x128xf32>
    %swap3A_736 = vector.shape_cast %swap3A_735 : vector<1x32x128xf32> to vector<32x128xf32>
    %swap3A_737 = vector.shape_cast %add3A_146 : vector<32x128xf32> to vector<1x32x128xf32>
    tpu.vector_store %arg4[%swap3A_732, %swap3A_733, %swap3A_734], %swap3A_737 {strides = array<i32>} : memref<16x32x128xf32, #tpu.memory_space<vmem>>, vector<1x32x128xf32>,
    %add3A_738 = arith.constant 1.000000e+00 : f32
    %add3A_739 = vector.broadcast %add3A_738 : f32 to vector<32x128xf32>
    %add3A_740 = arith.addf %broadcast_in_dim3A_651, %add3A_739 : vector<32x128xf32>
    %swap3A_741 = arith.constant 12 : index
    %swap3A_742 = arith.constant 0 : index
    %swap3A_743 = arith.constant 0 : index
    %swap3A_744 = vector.load %arg4[%swap3A_741, %swap3A_742, %swap3A_743] : memref<16x32x128xf32, #tpu.memory_space<vmem>>, vector<1x32x128xf32>
    %swap3A_745 = vector.shape_cast %swap3A_744 : vector<1x32x128xf32> to vector<32x128xf32>
    %swap3A_746 = vector.shape_cast %add3A_740 : vector<32x128xf32> to vector<1x32x128xf32>
    tpu.vector_store %arg4[%swap3A_741, %swap3A_742, %swap3A_743], %swap3A_746 {strides = array<i32>} : memref<16x32x128xf32, #tpu.memory_space<vmem>>, vector<1x32x128xf32>,
    %swap3A_747 = arith.constant 13 : index
    %swap3A_748 = arith.constant 0 : index
    %swap3A_749 = arith.constant 0 : index
    %swap3A_750 = vector.load %arg4[%swap3A_747, %swap3A_748, %swap3A_749] : memref<16x32x128xf32, #tpu.memory_space<vmem>>, vector<1x32x128xf32>
    %swap3A_751 = vector.shape_cast %swap3A_750 : vector<1x32x128xf32> to vector<32x128xf32>
    %swap3A_752 = vector.shape_cast %broadcast_in_dim3A_651 : vector<32x128xf32> to vector<1x32x128xf32>
    tpu.vector_store %arg4[%swap3A_747, %swap3A_748, %swap3A_749], %swap3A_752 {strides = array<i32>} : memref<16x32x128xf32, #tpu.memory_space<vmem>>, vector<1x32x128xf32>,
    %swap3A_753 = arith.constant 14 : index
    %swap3A_754 = arith.constant 0 : index
    %swap3A_755 = arith.constant 0 : index
    %swap3A_756 = vector.load %arg4[%swap3A_753, %swap3A_754, %swap3A_755] : memref<16x32x128xf32, #tpu.memory_space<vmem>>, vector<1x32x128xf32>
    %swap3A_757 = vector.shape_cast %swap3A_756 : vector<1x32x128xf32> to vector<32x128xf32>
    %swap3A_758 = vector.shape_cast %broadcast_in_dim3A_651 : vector<32x128xf32> to vector<1x32x128xf32>
    tpu.vector_store %arg4[%swap3A_753, %swap3A_754, %swap3A_755], %swap3A_758 {strides = array<i32>} : memref<16x32x128xf32, #tpu.memory_space<vmem>>, vector<1x32x128xf32>,
    %swap3A_759 = arith.constant 15 : index
    %swap3A_760 = arith.constant 0 : index
    %swap3A_761 = arith.constant 0 : index
    %swap3A_762 = vector.load %arg4[%swap3A_759, %swap3A_760, %swap3A_761] : memref<16x32x128xf32, #tpu.memory_space<vmem>>, vector<1x32x128xf32>
    %swap3A_763 = vector.shape_cast %swap3A_762 : vector<1x32x128xf32> to vector<32x128xf32>
    %swap3A_764 = vector.shape_cast %select_n3A_649 : vector<32x128xf32> to vector<1x32x128xf32>
    tpu.vector_store %arg4[%swap3A_759, %swap3A_760, %swap3A_761], %swap3A_764 {strides = array<i32>} : memref<16x32x128xf32, #tpu.memory_space<vmem>>, vector<1x32x128xf32>,
    return
  }
}

module attributes {stable_mosaic.version = 14 : i64} {
  func.func @_render_body(%arg0: i32, %arg1: memref<32x1xi32, #tpu.memory_space<smem>>, %arg2: memref<2x16x4096xf32, #tpu.memory_space<vmem>>, %arg3: memref<2x128x8xf32, #tpu.memory_space<vmem>>, %arg4: memref<2x128x1xf32, #tpu.memory_space<vmem>>) attributes {dimension_semantics = [#tpu.dimension_semantics<arbitrary>], iteration_bounds = array<i64: 16>, scalar_prefetch = 0 : i64, scratch_operands = 0 : i64, tpu.core_type = #tpu.core_type<tc>, window_params = [{transform_indices = @transform_0, window_bounds = array<i64: 32, 1>}, {transform_indices = @transform_1, window_bounds = array<i64: 2, 16, 4096>}, {transform_indices = @transform_2, window_bounds = array<i64: 2, 128, 8>}, {transform_indices = @transform_3, window_bounds = array<i64: 2, 128, 1>}]} {
    %iota3A = tpu.iota {dimensions = array<i32: 0>} : vector<128x128xi32>
    %iota3A_0 = tpu.iota {dimensions = array<i32: 1>} : vector<128x128xi32>
    %lt3A = arith.cmpi slt, %iota3A, %iota3A_0 : vector<128x128xi32>
    %jit3A = arith.constant 1.000000e+00 : f32
    %jit3A_1 = arith.constant 0.000000e+00 : f32
    %broadcast_in_dim3A = vector.broadcast %jit3A : f32 to vector<128x128xf32>
    %broadcast_in_dim3A_2 = vector.broadcast %jit3A_1 : f32 to vector<128x128xf32>
    %select_n3A = arith.select %lt3A, %broadcast_in_dim3A, %broadcast_in_dim3A_2 : vector<128x128xi1>, vector<128x128xf32>
    %iota3A_3 = tpu.iota {dimensions = array<i32: 0>} : vector<128x1xi32>
    %mul3A = arith.constant 2 : i32
    %mul3A_4 = arith.muli %arg0, %mul3A : i32
    %add3A = arith.constant 0 : i32
    %add3A_5 = arith.addi %mul3A_4, %add3A : i32
    %rem3A = arith.constant 4 : i32
    %rem3A_6 = arith.remsi %add3A_5, %rem3A : i32
    %jit3A_7 = arith.constant 4 : i32
    %div3A = arith.divsi %add3A_5, %jit3A_7 : i32
    %sign3A = arith.constant 0 : i32
    %sign3A_8 = arith.cmpi sgt, %add3A_5, %sign3A : i32
    %sign3A_9 = arith.extui %sign3A_8 : i1 to i32
    %sign3A_10 = arith.constant 0 : i32
    %sign3A_11 = arith.cmpi slt, %add3A_5, %sign3A_10 : i32
    %sign3A_12 = arith.extui %sign3A_11 : i1 to i32
    %sign3A_13 = arith.subi %sign3A_9, %sign3A_12 : i32
    %sign3A_14 = arith.constant 0 : i32
    %sign3A_15 = arith.cmpi sgt, %jit3A_7, %sign3A_14 : i32
    %sign3A_16 = arith.extui %sign3A_15 : i1 to i32
    %sign3A_17 = arith.constant 0 : i32
    %sign3A_18 = arith.cmpi slt, %jit3A_7, %sign3A_17 : i32
    %sign3A_19 = arith.extui %sign3A_18 : i1 to i32
    %sign3A_20 = arith.subi %sign3A_16, %sign3A_19 : i32
    %ne3A = arith.cmpi ne, %sign3A_13, %sign3A_20 : i32
    %rem3A_21 = arith.remsi %add3A_5, %jit3A_7 : i32
    %ne3A_22 = arith.constant 0 : i32
    %ne3A_23 = arith.cmpi ne, %rem3A_21, %ne3A_22 : i32
    %and3A = arith.andi %ne3A, %ne3A_23 : i1
    %sub3A = arith.constant 1 : i32
    %sub3A_24 = arith.subi %div3A, %sub3A : i32
    %select_n3A_25 = arith.select %and3A, %sub3A_24, %div3A : i32
    %rem3A_26 = arith.constant 16 : i32
    %rem3A_27 = vector.broadcast %rem3A_26 : i32 to vector<128x1xi32>
    %rem3A_28 = arith.remsi %iota3A_3, %rem3A_27 : vector<128x1xi32>
    %mul3A_29 = arith.constant 16 : i32
    %mul3A_30 = arith.muli %rem3A_6, %mul3A_29 : i32
    %add3A_31 = vector.broadcast %mul3A_30 : i32 to vector<128x1xi32>
    %add3A_32 = arith.addi %rem3A_28, %add3A_31 : vector<128x1xi32>
    %convert_element_type3A = arith.sitofp %add3A_32 : vector<128x1xi32> to vector<128x1xf32>
    %add3A_33 = arith.constant 5.000000e-01 : f32
    %add3A_34 = vector.broadcast %add3A_33 : f32 to vector<128x1xf32>
    %add3A_35 = arith.addf %convert_element_type3A, %add3A_34 : vector<128x1xf32>
    %jit3A_36 = arith.constant 16 : i32
    %div3A_37 = vector.broadcast %jit3A_36 : i32 to vector<128x1xi32>
    %div3A_38 = arith.divsi %iota3A_3, %div3A_37 : vector<128x1xi32>
    %sign3A_39 = arith.constant 0 : i32
    %sign3A_40 = vector.broadcast %sign3A_39 : i32 to vector<128x1xi32>
    %sign3A_41 = arith.cmpi sgt, %iota3A_3, %sign3A_40 : vector<128x1xi32>
    %sign3A_42 = arith.extui %sign3A_41 : vector<128x1xi1> to vector<128x1xi32>
    %sign3A_43 = arith.constant 0 : i32
    %sign3A_44 = vector.broadcast %sign3A_43 : i32 to vector<128x1xi32>
    %sign3A_45 = arith.cmpi slt, %iota3A_3, %sign3A_44 : vector<128x1xi32>
    %sign3A_46 = arith.extui %sign3A_45 : vector<128x1xi1> to vector<128x1xi32>
    %sign3A_47 = arith.subi %sign3A_42, %sign3A_46 : vector<128x1xi32>
    %sign3A_48 = arith.constant 0 : i32
    %sign3A_49 = arith.cmpi sgt, %jit3A_36, %sign3A_48 : i32
    %sign3A_50 = arith.extui %sign3A_49 : i1 to i32
    %sign3A_51 = arith.constant 0 : i32
    %sign3A_52 = arith.cmpi slt, %jit3A_36, %sign3A_51 : i32
    %sign3A_53 = arith.extui %sign3A_52 : i1 to i32
    %sign3A_54 = arith.subi %sign3A_50, %sign3A_53 : i32
    %ne3A_55 = vector.broadcast %sign3A_54 : i32 to vector<128x1xi32>
    %ne3A_56 = arith.cmpi ne, %sign3A_47, %ne3A_55 : vector<128x1xi32>
    %rem3A_57 = vector.broadcast %jit3A_36 : i32 to vector<128x1xi32>
    %rem3A_58 = arith.remsi %iota3A_3, %rem3A_57 : vector<128x1xi32>
    %ne3A_59 = arith.constant 0 : i32
    %ne3A_60 = vector.broadcast %ne3A_59 : i32 to vector<128x1xi32>
    %ne3A_61 = arith.cmpi ne, %rem3A_58, %ne3A_60 : vector<128x1xi32>
    %and3A_62 = arith.andi %ne3A_56, %ne3A_61 : vector<128x1xi1>
    %sub3A_63 = arith.constant 1 : i32
    %sub3A_64 = vector.broadcast %sub3A_63 : i32 to vector<128x1xi32>
    %sub3A_65 = arith.subi %div3A_38, %sub3A_64 : vector<128x1xi32>
    %select_n3A_66 = arith.select %and3A_62, %sub3A_65, %div3A_38 : vector<128x1xi1>, vector<128x1xi32>
    %mul3A_67 = arith.constant 8 : i32
    %mul3A_68 = arith.muli %select_n3A_25, %mul3A_67 : i32
    %add3A_69 = vector.broadcast %mul3A_68 : i32 to vector<128x1xi32>
    %add3A_70 = arith.addi %select_n3A_66, %add3A_69 : vector<128x1xi32>
    %convert_element_type3A_71 = arith.sitofp %add3A_70 : vector<128x1xi32> to vector<128x1xf32>
    %add3A_72 = arith.constant 5.000000e-01 : f32
    %add3A_73 = vector.broadcast %add3A_72 : f32 to vector<128x1xf32>
    %add3A_74 = arith.addf %convert_element_type3A_71, %add3A_73 : vector<128x1xf32>
    %get3A = arith.index_cast %add3A_5 : i32 to index
    %get3A_75 = arith.constant 0 : index
    %get3A_76 = memref.load %arg1[%get3A, %get3A_75] : memref<32x1xi32, #tpu.memory_space<smem>>
    %add3A_77 = arith.constant 128 : i32
    %add3A_78 = arith.addi %get3A_76, %add3A_77 : i32
    %sub3A_79 = arith.constant 1 : i32
    %sub3A_80 = arith.subi %add3A_78, %sub3A_79 : i32
    %jit3A_81 = arith.constant 128 : i32
    %div3A_82 = arith.divsi %sub3A_80, %jit3A_81 : i32
    %sign3A_83 = arith.constant 0 : i32
    %sign3A_84 = arith.cmpi sgt, %sub3A_80, %sign3A_83 : i32
    %sign3A_85 = arith.extui %sign3A_84 : i1 to i32
    %sign3A_86 = arith.constant 0 : i32
    %sign3A_87 = arith.cmpi slt, %sub3A_80, %sign3A_86 : i32
    %sign3A_88 = arith.extui %sign3A_87 : i1 to i32
    %sign3A_89 = arith.subi %sign3A_85, %sign3A_88 : i32
    %sign3A_90 = arith.constant 0 : i32
    %sign3A_91 = arith.cmpi sgt, %jit3A_81, %sign3A_90 : i32
    %sign3A_92 = arith.extui %sign3A_91 : i1 to i32
    %sign3A_93 = arith.constant 0 : i32
    %sign3A_94 = arith.cmpi slt, %jit3A_81, %sign3A_93 : i32
    %sign3A_95 = arith.extui %sign3A_94 : i1 to i32
    %sign3A_96 = arith.subi %sign3A_92, %sign3A_95 : i32
    %ne3A_97 = arith.cmpi ne, %sign3A_89, %sign3A_96 : i32
    %rem3A_98 = arith.remsi %sub3A_80, %jit3A_81 : i32
    %ne3A_99 = arith.constant 0 : i32
    %ne3A_100 = arith.cmpi ne, %rem3A_98, %ne3A_99 : i32
    %and3A_101 = arith.andi %ne3A_97, %ne3A_100 : i1
    %sub3A_102 = arith.constant 1 : i32
    %sub3A_103 = arith.subi %div3A_82, %sub3A_102 : i32
    %select_n3A_104 = arith.select %and3A_101, %sub3A_103, %div3A_82 : i32
    %broadcast_in_dim3A_105 = arith.constant 0.000000e+00 : f32
    %broadcast_in_dim3A_106 = vector.broadcast %broadcast_in_dim3A_105 : f32 to vector<128x8xf32>
    %broadcast_in_dim3A_107 = arith.constant 0.000000e+00 : f32
    %broadcast_in_dim3A_108 = vector.broadcast %broadcast_in_dim3A_107 : f32 to vector<128x1xf32>
    %while3A = arith.constant 0 : i32
    %while3A_109 = arith.subi %select_n3A_104, %while3A : i32
    %while3A_110 = arith.addi %while3A, %while3A_109 : i32
    %while3A_111 = arith.constant 1 : i32
    %while3A_112 = arith.divsi %while3A_109, %while3A_111 : i32
    %while3A_113 = arith.muli %while3A_112, %while3A_111 : i32
    %while3A_114 = arith.addi %while3A, %while3A_113 : i32
    %while3A_115 = arith.constant 1 : i32
    %while3A_116:2 = scf.for %while3A_278 = %while3A to %while3A_114 step %while3A_115 iter_args(%while3A_279 = %broadcast_in_dim3A_106, %while3A_280 = %broadcast_in_dim3A_108) -> (vector<128x8xf32>, vector<128x1xf32>)  : i32 {
      %mul3A_281 = arith.constant 128 : i32
      %mul3A_282 = arith.muli %while3A_278, %mul3A_281 : i32
      %get3A_283 = arith.constant 0 : index
      %get3A_284 = arith.constant 0 : index
      %get3A_285 = arith.index_cast %mul3A_282 : i32 to index
      %get3A_286 = vector.load %arg2[%get3A_283, %get3A_284, %get3A_285] : memref<2x16x4096xf32, #tpu.memory_space<vmem>>, vector<1x16x128xf32>
      %get3A_287 = vector.shape_cast %get3A_286 : vector<1x16x128xf32> to vector<16x128xf32>
      %iota3A_288 = tpu.iota {dimensions = array<i32: 1>} : vector<1x128xi32>
      %mul3A_289 = arith.constant 128 : i32
      %mul3A_290 = arith.muli %while3A_278, %mul3A_289 : i32
      %sub3A_291 = arith.subi %get3A_76, %mul3A_290 : i32
      %lt3A_292 = vector.broadcast %sub3A_291 : i32 to vector<1x128xi32>
      %lt3A_293 = arith.cmpi slt, %iota3A_288, %lt3A_292 : vector<1x128xi32>
      %jit3A_294 = arith.constant 0.000000e+00 : f32
      %broadcast_in_dim3A_295 = vector.shape_cast %lt3A_293 : vector<1x128xi1> to vector<1x128xi1>
      %broadcast_in_dim3A_296 = vector.broadcast %broadcast_in_dim3A_295 : vector<1x128xi1> to vector<16x128xi1>
      %broadcast_in_dim3A_297 = vector.broadcast %jit3A_294 : f32 to vector<16x128xf32>
      %select_n3A_298 = arith.select %broadcast_in_dim3A_296, %get3A_287, %broadcast_in_dim3A_297 : vector<16x128xi1>, vector<16x128xf32>
      %slice3A_299 = vector.extract_strided_slice %select_n3A_298 {offsets = [0, 0], sizes = [1, 128], strides = [1, 1]} : vector<16x128xf32> to vector<1x128xf32>
      %slice3A_300 = vector.extract_strided_slice %select_n3A_298 {offsets = [1, 0], sizes = [1, 128], strides = [1, 1]} : vector<16x128xf32> to vector<1x128xf32>
      %slice3A_301 = vector.extract_strided_slice %select_n3A_298 {offsets = [2, 0], sizes = [1, 128], strides = [1, 1]} : vector<16x128xf32> to vector<1x128xf32>
      %slice3A_302 = vector.extract_strided_slice %select_n3A_298 {offsets = [3, 0], sizes = [1, 128], strides = [1, 1]} : vector<16x128xf32> to vector<1x128xf32>
      %slice3A_303 = vector.extract_strided_slice %select_n3A_298 {offsets = [4, 0], sizes = [1, 128], strides = [1, 1]} : vector<16x128xf32> to vector<1x128xf32>
      %slice3A_304 = vector.extract_strided_slice %select_n3A_298 {offsets = [5, 0], sizes = [1, 128], strides = [1, 1]} : vector<16x128xf32> to vector<1x128xf32>
      %sub3A_305 = vector.broadcast %add3A_35 : vector<128x1xf32> to vector<128x128xf32>
      %sub3A_306 = vector.broadcast %slice3A_299 : vector<1x128xf32> to vector<128x128xf32>
      %sub3A_307 = arith.subf %sub3A_305, %sub3A_306 : vector<128x128xf32>
      %sub3A_308 = vector.broadcast %add3A_74 : vector<128x1xf32> to vector<128x128xf32>
      %sub3A_309 = vector.broadcast %slice3A_300 : vector<1x128xf32> to vector<128x128xf32>
      %sub3A_310 = arith.subf %sub3A_308, %sub3A_309 : vector<128x128xf32>
      %mul3A_311 = vector.broadcast %slice3A_301 : vector<1x128xf32> to vector<128x128xf32>
      %mul3A_312 = arith.mulf %mul3A_311, %sub3A_307 : vector<128x128xf32>
      %mul3A_313 = arith.mulf %mul3A_312, %sub3A_307 : vector<128x128xf32>
      %mul3A_314 = vector.broadcast %slice3A_303 : vector<1x128xf32> to vector<128x128xf32>
      %mul3A_315 = arith.mulf %mul3A_314, %sub3A_310 : vector<128x128xf32>
      %mul3A_316 = arith.mulf %mul3A_315, %sub3A_310 : vector<128x128xf32>
      %add3A_317 = arith.addf %mul3A_313, %mul3A_316 : vector<128x128xf32>
      %mul3A_318 = arith.constant -5.000000e-01 : f32
      %mul3A_319 = vector.broadcast %mul3A_318 : f32 to vector<128x128xf32>
      %mul3A_320 = arith.mulf %mul3A_319, %add3A_317 : vector<128x128xf32>
      %mul3A_321 = vector.broadcast %slice3A_302 : vector<1x128xf32> to vector<128x128xf32>
      %mul3A_322 = arith.mulf %mul3A_321, %sub3A_307 : vector<128x128xf32>
      %mul3A_323 = arith.mulf %mul3A_322, %sub3A_310 : vector<128x128xf32>
      %sub3A_324 = arith.subf %mul3A_320, %mul3A_323 : vector<128x128xf32>
      %min3A = arith.constant 0.000000e+00 : f32
      %min3A_325 = vector.broadcast %min3A : f32 to vector<128x128xf32>
      %min3A_326 = arith.minimumf %sub3A_324, %min3A_325 : vector<128x128xf32>
      %exp3A = math.exp %min3A_326 : vector<128x128xf32>
      %mul3A_327 = vector.broadcast %slice3A_304 : vector<1x128xf32> to vector<128x128xf32>
      %mul3A_328 = arith.mulf %mul3A_327, %exp3A : vector<128x128xf32>
      %min3A_329 = arith.constant 9.900000e-01 : f32
      %min3A_330 = vector.broadcast %min3A_329 : f32 to vector<128x128xf32>
      %min3A_331 = arith.minimumf %mul3A_328, %min3A_330 : vector<128x128xf32>
      %gt3A = arith.constant 0.00392156886 : f32
      %gt3A_332 = vector.broadcast %gt3A : f32 to vector<128x128xf32>
      %gt3A_333 = arith.cmpf ogt, %min3A_331, %gt3A_332 : vector<128x128xf32>
      %jit3A_334 = arith.constant 0.000000e+00 : f32
      %broadcast_in_dim3A_335 = vector.broadcast %jit3A_334 : f32 to vector<128x128xf32>
      %select_n3A_336 = arith.select %gt3A_333, %min3A_331, %broadcast_in_dim3A_335 : vector<128x128xi1>, vector<128x128xf32>
      %sub3A_337 = arith.constant 1.000000e+00 : f32
      %sub3A_338 = vector.broadcast %sub3A_337 : f32 to vector<128x128xf32>
      %sub3A_339 = arith.subf %sub3A_338, %select_n3A_336 : vector<128x128xf32>
      %log3A = math.log %sub3A_339 : vector<128x128xf32>
      %dot_general3A = arith.constant dense<0.000000e+00> : vector<128x128xf32>
      %dot_general3A_340 = tpu.matmul %log3A, %select_n3A, %dot_general3A {dimension_numbers = #tpu.dot_dimension_numbers<[1], [0], [0], [1], [0, 0, 1, 1], [], []>, transpose_lhs_hint = false} : vector<128x128xf32>, vector<128x128xf32>, vector<128x128xf32> -> vector<128x128xf32>
      %add3A_341 = vector.broadcast %while3A_280 : vector<128x1xf32> to vector<128x128xf32>
      %add3A_342 = arith.addf %add3A_341, %dot_general3A_340 : vector<128x128xf32>
      %exp3A_343 = math.exp %add3A_342 : vector<128x128xf32>
      %mul3A_344 = arith.mulf %select_n3A_336, %exp3A_343 : vector<128x128xf32>
      %slice3A_345 = vector.extract_strided_slice %select_n3A_298 {offsets = [8, 0], sizes = [8, 128], strides = [1, 1]} : vector<16x128xf32> to vector<8x128xf32>
      %dot_general3A_346 = arith.constant dense<0.000000e+00> : vector<128x8xf32>
      %dot_general3A_347 = tpu.matmul %mul3A_344, %slice3A_345, %dot_general3A_346 {dimension_numbers = #tpu.dot_dimension_numbers<[1], [1], [0], [0], [0, 0, 1, 0], [], []>, transpose_lhs_hint = false} : vector<128x128xf32>, vector<8x128xf32>, vector<128x8xf32> -> vector<128x8xf32>
      %add3A_348 = arith.addf %while3A_279, %dot_general3A_347 : vector<128x8xf32>
      %reduce_sum3A = arith.constant dense<0.000000e+00> : vector<128xf32>
      %reduce_sum3A_349 = vector.multi_reduction <add>, %log3A, %reduce_sum3A [1] : vector<128x128xf32> to vector<128xf32>
      %broadcast_in_dim3A_350 = vector.shape_cast %reduce_sum3A_349 : vector<128xf32> to vector<128x1xf32>
      %add3A_351 = arith.addf %while3A_280, %broadcast_in_dim3A_350 : vector<128x1xf32>
      scf.yield %add3A_348, %add3A_351 : vector<128x8xf32>, vector<128x1xf32>
    }
    %while3A_117 = arith.constant 1 : i32
    %while3A_118:2 = scf.for %while3A_278 = %while3A_114 to %while3A_110 step %while3A_117 iter_args(%while3A_279 = %while3A_116#0, %while3A_280 = %while3A_116#1) -> (vector<128x8xf32>, vector<128x1xf32>)  : i32 {
      %mul3A_281 = arith.constant 128 : i32
      %mul3A_282 = arith.muli %while3A_278, %mul3A_281 : i32
      %get3A_283 = arith.constant 0 : index
      %get3A_284 = arith.constant 0 : index
      %get3A_285 = arith.index_cast %mul3A_282 : i32 to index
      %get3A_286 = vector.load %arg2[%get3A_283, %get3A_284, %get3A_285] : memref<2x16x4096xf32, #tpu.memory_space<vmem>>, vector<1x16x128xf32>
      %get3A_287 = vector.shape_cast %get3A_286 : vector<1x16x128xf32> to vector<16x128xf32>
      %iota3A_288 = tpu.iota {dimensions = array<i32: 1>} : vector<1x128xi32>
      %mul3A_289 = arith.constant 128 : i32
      %mul3A_290 = arith.muli %while3A_278, %mul3A_289 : i32
      %sub3A_291 = arith.subi %get3A_76, %mul3A_290 : i32
      %lt3A_292 = vector.broadcast %sub3A_291 : i32 to vector<1x128xi32>
      %lt3A_293 = arith.cmpi slt, %iota3A_288, %lt3A_292 : vector<1x128xi32>
      %jit3A_294 = arith.constant 0.000000e+00 : f32
      %broadcast_in_dim3A_295 = vector.shape_cast %lt3A_293 : vector<1x128xi1> to vector<1x128xi1>
      %broadcast_in_dim3A_296 = vector.broadcast %broadcast_in_dim3A_295 : vector<1x128xi1> to vector<16x128xi1>
      %broadcast_in_dim3A_297 = vector.broadcast %jit3A_294 : f32 to vector<16x128xf32>
      %select_n3A_298 = arith.select %broadcast_in_dim3A_296, %get3A_287, %broadcast_in_dim3A_297 : vector<16x128xi1>, vector<16x128xf32>
      %slice3A_299 = vector.extract_strided_slice %select_n3A_298 {offsets = [0, 0], sizes = [1, 128], strides = [1, 1]} : vector<16x128xf32> to vector<1x128xf32>
      %slice3A_300 = vector.extract_strided_slice %select_n3A_298 {offsets = [1, 0], sizes = [1, 128], strides = [1, 1]} : vector<16x128xf32> to vector<1x128xf32>
      %slice3A_301 = vector.extract_strided_slice %select_n3A_298 {offsets = [2, 0], sizes = [1, 128], strides = [1, 1]} : vector<16x128xf32> to vector<1x128xf32>
      %slice3A_302 = vector.extract_strided_slice %select_n3A_298 {offsets = [3, 0], sizes = [1, 128], strides = [1, 1]} : vector<16x128xf32> to vector<1x128xf32>
      %slice3A_303 = vector.extract_strided_slice %select_n3A_298 {offsets = [4, 0], sizes = [1, 128], strides = [1, 1]} : vector<16x128xf32> to vector<1x128xf32>
      %slice3A_304 = vector.extract_strided_slice %select_n3A_298 {offsets = [5, 0], sizes = [1, 128], strides = [1, 1]} : vector<16x128xf32> to vector<1x128xf32>
      %sub3A_305 = vector.broadcast %add3A_35 : vector<128x1xf32> to vector<128x128xf32>
      %sub3A_306 = vector.broadcast %slice3A_299 : vector<1x128xf32> to vector<128x128xf32>
      %sub3A_307 = arith.subf %sub3A_305, %sub3A_306 : vector<128x128xf32>
      %sub3A_308 = vector.broadcast %add3A_74 : vector<128x1xf32> to vector<128x128xf32>
      %sub3A_309 = vector.broadcast %slice3A_300 : vector<1x128xf32> to vector<128x128xf32>
      %sub3A_310 = arith.subf %sub3A_308, %sub3A_309 : vector<128x128xf32>
      %mul3A_311 = vector.broadcast %slice3A_301 : vector<1x128xf32> to vector<128x128xf32>
      %mul3A_312 = arith.mulf %mul3A_311, %sub3A_307 : vector<128x128xf32>
      %mul3A_313 = arith.mulf %mul3A_312, %sub3A_307 : vector<128x128xf32>
      %mul3A_314 = vector.broadcast %slice3A_303 : vector<1x128xf32> to vector<128x128xf32>
      %mul3A_315 = arith.mulf %mul3A_314, %sub3A_310 : vector<128x128xf32>
      %mul3A_316 = arith.mulf %mul3A_315, %sub3A_310 : vector<128x128xf32>
      %add3A_317 = arith.addf %mul3A_313, %mul3A_316 : vector<128x128xf32>
      %mul3A_318 = arith.constant -5.000000e-01 : f32
      %mul3A_319 = vector.broadcast %mul3A_318 : f32 to vector<128x128xf32>
      %mul3A_320 = arith.mulf %mul3A_319, %add3A_317 : vector<128x128xf32>
      %mul3A_321 = vector.broadcast %slice3A_302 : vector<1x128xf32> to vector<128x128xf32>
      %mul3A_322 = arith.mulf %mul3A_321, %sub3A_307 : vector<128x128xf32>
      %mul3A_323 = arith.mulf %mul3A_322, %sub3A_310 : vector<128x128xf32>
      %sub3A_324 = arith.subf %mul3A_320, %mul3A_323 : vector<128x128xf32>
      %min3A = arith.constant 0.000000e+00 : f32
      %min3A_325 = vector.broadcast %min3A : f32 to vector<128x128xf32>
      %min3A_326 = arith.minimumf %sub3A_324, %min3A_325 : vector<128x128xf32>
      %exp3A = math.exp %min3A_326 : vector<128x128xf32>
      %mul3A_327 = vector.broadcast %slice3A_304 : vector<1x128xf32> to vector<128x128xf32>
      %mul3A_328 = arith.mulf %mul3A_327, %exp3A : vector<128x128xf32>
      %min3A_329 = arith.constant 9.900000e-01 : f32
      %min3A_330 = vector.broadcast %min3A_329 : f32 to vector<128x128xf32>
      %min3A_331 = arith.minimumf %mul3A_328, %min3A_330 : vector<128x128xf32>
      %gt3A = arith.constant 0.00392156886 : f32
      %gt3A_332 = vector.broadcast %gt3A : f32 to vector<128x128xf32>
      %gt3A_333 = arith.cmpf ogt, %min3A_331, %gt3A_332 : vector<128x128xf32>
      %jit3A_334 = arith.constant 0.000000e+00 : f32
      %broadcast_in_dim3A_335 = vector.broadcast %jit3A_334 : f32 to vector<128x128xf32>
      %select_n3A_336 = arith.select %gt3A_333, %min3A_331, %broadcast_in_dim3A_335 : vector<128x128xi1>, vector<128x128xf32>
      %sub3A_337 = arith.constant 1.000000e+00 : f32
      %sub3A_338 = vector.broadcast %sub3A_337 : f32 to vector<128x128xf32>
      %sub3A_339 = arith.subf %sub3A_338, %select_n3A_336 : vector<128x128xf32>
      %log3A = math.log %sub3A_339 : vector<128x128xf32>
      %dot_general3A = arith.constant dense<0.000000e+00> : vector<128x128xf32>
      %dot_general3A_340 = tpu.matmul %log3A, %select_n3A, %dot_general3A {dimension_numbers = #tpu.dot_dimension_numbers<[1], [0], [0], [1], [0, 0, 1, 1], [], []>, transpose_lhs_hint = false} : vector<128x128xf32>, vector<128x128xf32>, vector<128x128xf32> -> vector<128x128xf32>
      %add3A_341 = vector.broadcast %while3A_280 : vector<128x1xf32> to vector<128x128xf32>
      %add3A_342 = arith.addf %add3A_341, %dot_general3A_340 : vector<128x128xf32>
      %exp3A_343 = math.exp %add3A_342 : vector<128x128xf32>
      %mul3A_344 = arith.mulf %select_n3A_336, %exp3A_343 : vector<128x128xf32>
      %slice3A_345 = vector.extract_strided_slice %select_n3A_298 {offsets = [8, 0], sizes = [8, 128], strides = [1, 1]} : vector<16x128xf32> to vector<8x128xf32>
      %dot_general3A_346 = arith.constant dense<0.000000e+00> : vector<128x8xf32>
      %dot_general3A_347 = tpu.matmul %mul3A_344, %slice3A_345, %dot_general3A_346 {dimension_numbers = #tpu.dot_dimension_numbers<[1], [1], [0], [0], [0, 0, 1, 0], [], []>, transpose_lhs_hint = false} : vector<128x128xf32>, vector<8x128xf32>, vector<128x8xf32> -> vector<128x8xf32>
      %add3A_348 = arith.addf %while3A_279, %dot_general3A_347 : vector<128x8xf32>
      %reduce_sum3A = arith.constant dense<0.000000e+00> : vector<128xf32>
      %reduce_sum3A_349 = vector.multi_reduction <add>, %log3A, %reduce_sum3A [1] : vector<128x128xf32> to vector<128xf32>
      %broadcast_in_dim3A_350 = vector.shape_cast %reduce_sum3A_349 : vector<128xf32> to vector<128x1xf32>
      %add3A_351 = arith.addf %while3A_280, %broadcast_in_dim3A_350 : vector<128x1xf32>
      scf.yield %add3A_348, %add3A_351 : vector<128x8xf32>, vector<128x1xf32>
    }
    %swap3A = arith.constant 0 : index
    %swap3A_119 = arith.constant 0 : index
    %swap3A_120 = arith.constant 0 : index
    %swap3A_121 = vector.load %arg3[%swap3A, %swap3A_119, %swap3A_120] : memref<2x128x8xf32, #tpu.memory_space<vmem>>, vector<1x128x8xf32>
    %swap3A_122 = vector.shape_cast %swap3A_121 : vector<1x128x8xf32> to vector<128x8xf32>
    %swap3A_123 = vector.shape_cast %while3A_118#0 : vector<128x8xf32> to vector<1x128x8xf32>
    tpu.vector_store %arg3[%swap3A, %swap3A_119, %swap3A_120], %swap3A_123 {strides = array<i32>} : memref<2x128x8xf32, #tpu.memory_space<vmem>>, vector<1x128x8xf32>,
    %slice3A = vector.extract_strided_slice %while3A_118#0 {offsets = [0, 4], sizes = [128, 1], strides = [1, 1]} : vector<128x8xf32> to vector<128x1xf32>
    %slice3A_124 = vector.extract_strided_slice %while3A_118#0 {offsets = [0, 3], sizes = [128, 1], strides = [1, 1]} : vector<128x8xf32> to vector<128x1xf32>
    %max3A = arith.constant 9.99999997E-7 : f32
    %max3A_125 = vector.broadcast %max3A : f32 to vector<128x1xf32>
    %max3A_126 = arith.maximumf %slice3A, %max3A_125 : vector<128x1xf32>
    %div3A_127 = arith.divf %slice3A_124, %max3A_126 : vector<128x1xf32>
    %swap3A_128 = arith.constant 0 : index
    %swap3A_129 = arith.constant 0 : index
    %swap3A_130 = arith.constant 0 : index
    %swap3A_131 = vector.load %arg4[%swap3A_128, %swap3A_129, %swap3A_130] : memref<2x128x1xf32, #tpu.memory_space<vmem>>, vector<1x128x1xf32>
    %swap3A_132 = vector.shape_cast %swap3A_131 : vector<1x128x1xf32> to vector<128x1xf32>
    %swap3A_133 = vector.shape_cast %div3A_127 : vector<128x1xf32> to vector<1x128x1xf32>
    tpu.vector_store %arg4[%swap3A_128, %swap3A_129, %swap3A_130], %swap3A_133 {strides = array<i32>} : memref<2x128x1xf32, #tpu.memory_space<vmem>>, vector<1x128x1xf32>,
    %mul3A_134 = arith.constant 2 : i32
    %mul3A_135 = arith.muli %arg0, %mul3A_134 : i32
    %add3A_136 = arith.constant 1 : i32
    %add3A_137 = arith.addi %mul3A_135, %add3A_136 : i32
    %rem3A_138 = arith.constant 4 : i32
    %rem3A_139 = arith.remsi %add3A_137, %rem3A_138 : i32
    %jit3A_140 = arith.constant 4 : i32
    %div3A_141 = arith.divsi %add3A_137, %jit3A_140 : i32
    %sign3A_142 = arith.constant 0 : i32
    %sign3A_143 = arith.cmpi sgt, %add3A_137, %sign3A_142 : i32
    %sign3A_144 = arith.extui %sign3A_143 : i1 to i32
    %sign3A_145 = arith.constant 0 : i32
    %sign3A_146 = arith.cmpi slt, %add3A_137, %sign3A_145 : i32
    %sign3A_147 = arith.extui %sign3A_146 : i1 to i32
    %sign3A_148 = arith.subi %sign3A_144, %sign3A_147 : i32
    %sign3A_149 = arith.constant 0 : i32
    %sign3A_150 = arith.cmpi sgt, %jit3A_140, %sign3A_149 : i32
    %sign3A_151 = arith.extui %sign3A_150 : i1 to i32
    %sign3A_152 = arith.constant 0 : i32
    %sign3A_153 = arith.cmpi slt, %jit3A_140, %sign3A_152 : i32
    %sign3A_154 = arith.extui %sign3A_153 : i1 to i32
    %sign3A_155 = arith.subi %sign3A_151, %sign3A_154 : i32
    %ne3A_156 = arith.cmpi ne, %sign3A_148, %sign3A_155 : i32
    %rem3A_157 = arith.remsi %add3A_137, %jit3A_140 : i32
    %ne3A_158 = arith.constant 0 : i32
    %ne3A_159 = arith.cmpi ne, %rem3A_157, %ne3A_158 : i32
    %and3A_160 = arith.andi %ne3A_156, %ne3A_159 : i1
    %sub3A_161 = arith.constant 1 : i32
    %sub3A_162 = arith.subi %div3A_141, %sub3A_161 : i32
    %select_n3A_163 = arith.select %and3A_160, %sub3A_162, %div3A_141 : i32
    %rem3A_164 = arith.constant 16 : i32
    %rem3A_165 = vector.broadcast %rem3A_164 : i32 to vector<128x1xi32>
    %rem3A_166 = arith.remsi %iota3A_3, %rem3A_165 : vector<128x1xi32>
    %mul3A_167 = arith.constant 16 : i32
    %mul3A_168 = arith.muli %rem3A_139, %mul3A_167 : i32
    %add3A_169 = vector.broadcast %mul3A_168 : i32 to vector<128x1xi32>
    %add3A_170 = arith.addi %rem3A_166, %add3A_169 : vector<128x1xi32>
    %convert_element_type3A_171 = arith.sitofp %add3A_170 : vector<128x1xi32> to vector<128x1xf32>
    %add3A_172 = arith.constant 5.000000e-01 : f32
    %add3A_173 = vector.broadcast %add3A_172 : f32 to vector<128x1xf32>
    %add3A_174 = arith.addf %convert_element_type3A_171, %add3A_173 : vector<128x1xf32>
    %jit3A_175 = arith.constant 16 : i32
    %div3A_176 = vector.broadcast %jit3A_175 : i32 to vector<128x1xi32>
    %div3A_177 = arith.divsi %iota3A_3, %div3A_176 : vector<128x1xi32>
    %sign3A_178 = arith.constant 0 : i32
    %sign3A_179 = vector.broadcast %sign3A_178 : i32 to vector<128x1xi32>
    %sign3A_180 = arith.cmpi sgt, %iota3A_3, %sign3A_179 : vector<128x1xi32>
    %sign3A_181 = arith.extui %sign3A_180 : vector<128x1xi1> to vector<128x1xi32>
    %sign3A_182 = arith.constant 0 : i32
    %sign3A_183 = vector.broadcast %sign3A_182 : i32 to vector<128x1xi32>
    %sign3A_184 = arith.cmpi slt, %iota3A_3, %sign3A_183 : vector<128x1xi32>
    %sign3A_185 = arith.extui %sign3A_184 : vector<128x1xi1> to vector<128x1xi32>
    %sign3A_186 = arith.subi %sign3A_181, %sign3A_185 : vector<128x1xi32>
    %sign3A_187 = arith.constant 0 : i32
    %sign3A_188 = arith.cmpi sgt, %jit3A_175, %sign3A_187 : i32
    %sign3A_189 = arith.extui %sign3A_188 : i1 to i32
    %sign3A_190 = arith.constant 0 : i32
    %sign3A_191 = arith.cmpi slt, %jit3A_175, %sign3A_190 : i32
    %sign3A_192 = arith.extui %sign3A_191 : i1 to i32
    %sign3A_193 = arith.subi %sign3A_189, %sign3A_192 : i32
    %ne3A_194 = vector.broadcast %sign3A_193 : i32 to vector<128x1xi32>
    %ne3A_195 = arith.cmpi ne, %sign3A_186, %ne3A_194 : vector<128x1xi32>
    %rem3A_196 = vector.broadcast %jit3A_175 : i32 to vector<128x1xi32>
    %rem3A_197 = arith.remsi %iota3A_3, %rem3A_196 : vector<128x1xi32>
    %ne3A_198 = arith.constant 0 : i32
    %ne3A_199 = vector.broadcast %ne3A_198 : i32 to vector<128x1xi32>
    %ne3A_200 = arith.cmpi ne, %rem3A_197, %ne3A_199 : vector<128x1xi32>
    %and3A_201 = arith.andi %ne3A_195, %ne3A_200 : vector<128x1xi1>
    %sub3A_202 = arith.constant 1 : i32
    %sub3A_203 = vector.broadcast %sub3A_202 : i32 to vector<128x1xi32>
    %sub3A_204 = arith.subi %div3A_177, %sub3A_203 : vector<128x1xi32>
    %select_n3A_205 = arith.select %and3A_201, %sub3A_204, %div3A_177 : vector<128x1xi1>, vector<128x1xi32>
    %mul3A_206 = arith.constant 8 : i32
    %mul3A_207 = arith.muli %select_n3A_163, %mul3A_206 : i32
    %add3A_208 = vector.broadcast %mul3A_207 : i32 to vector<128x1xi32>
    %add3A_209 = arith.addi %select_n3A_205, %add3A_208 : vector<128x1xi32>
    %convert_element_type3A_210 = arith.sitofp %add3A_209 : vector<128x1xi32> to vector<128x1xf32>
    %add3A_211 = arith.constant 5.000000e-01 : f32
    %add3A_212 = vector.broadcast %add3A_211 : f32 to vector<128x1xf32>
    %add3A_213 = arith.addf %convert_element_type3A_210, %add3A_212 : vector<128x1xf32>
    %get3A_214 = arith.index_cast %add3A_137 : i32 to index
    %get3A_215 = arith.constant 0 : index
    %get3A_216 = memref.load %arg1[%get3A_214, %get3A_215] : memref<32x1xi32, #tpu.memory_space<smem>>
    %add3A_217 = arith.constant 128 : i32
    %add3A_218 = arith.addi %get3A_216, %add3A_217 : i32
    %sub3A_219 = arith.constant 1 : i32
    %sub3A_220 = arith.subi %add3A_218, %sub3A_219 : i32
    %jit3A_221 = arith.constant 128 : i32
    %div3A_222 = arith.divsi %sub3A_220, %jit3A_221 : i32
    %sign3A_223 = arith.constant 0 : i32
    %sign3A_224 = arith.cmpi sgt, %sub3A_220, %sign3A_223 : i32
    %sign3A_225 = arith.extui %sign3A_224 : i1 to i32
    %sign3A_226 = arith.constant 0 : i32
    %sign3A_227 = arith.cmpi slt, %sub3A_220, %sign3A_226 : i32
    %sign3A_228 = arith.extui %sign3A_227 : i1 to i32
    %sign3A_229 = arith.subi %sign3A_225, %sign3A_228 : i32
    %sign3A_230 = arith.constant 0 : i32
    %sign3A_231 = arith.cmpi sgt, %jit3A_221, %sign3A_230 : i32
    %sign3A_232 = arith.extui %sign3A_231 : i1 to i32
    %sign3A_233 = arith.constant 0 : i32
    %sign3A_234 = arith.cmpi slt, %jit3A_221, %sign3A_233 : i32
    %sign3A_235 = arith.extui %sign3A_234 : i1 to i32
    %sign3A_236 = arith.subi %sign3A_232, %sign3A_235 : i32
    %ne3A_237 = arith.cmpi ne, %sign3A_229, %sign3A_236 : i32
    %rem3A_238 = arith.remsi %sub3A_220, %jit3A_221 : i32
    %ne3A_239 = arith.constant 0 : i32
    %ne3A_240 = arith.cmpi ne, %rem3A_238, %ne3A_239 : i32
    %and3A_241 = arith.andi %ne3A_237, %ne3A_240 : i1
    %sub3A_242 = arith.constant 1 : i32
    %sub3A_243 = arith.subi %div3A_222, %sub3A_242 : i32
    %select_n3A_244 = arith.select %and3A_241, %sub3A_243, %div3A_222 : i32
    %broadcast_in_dim3A_245 = arith.constant 0.000000e+00 : f32
    %broadcast_in_dim3A_246 = vector.broadcast %broadcast_in_dim3A_245 : f32 to vector<128x8xf32>
    %broadcast_in_dim3A_247 = arith.constant 0.000000e+00 : f32
    %broadcast_in_dim3A_248 = vector.broadcast %broadcast_in_dim3A_247 : f32 to vector<128x1xf32>
    %while3A_249 = arith.constant 0 : i32
    %while3A_250 = arith.subi %select_n3A_244, %while3A_249 : i32
    %while3A_251 = arith.addi %while3A_249, %while3A_250 : i32
    %while3A_252 = arith.constant 1 : i32
    %while3A_253 = arith.divsi %while3A_250, %while3A_252 : i32
    %while3A_254 = arith.muli %while3A_253, %while3A_252 : i32
    %while3A_255 = arith.addi %while3A_249, %while3A_254 : i32
    %while3A_256 = arith.constant 1 : i32
    %while3A_257:2 = scf.for %while3A_278 = %while3A_249 to %while3A_255 step %while3A_256 iter_args(%while3A_279 = %broadcast_in_dim3A_246, %while3A_280 = %broadcast_in_dim3A_248) -> (vector<128x8xf32>, vector<128x1xf32>)  : i32 {
      %mul3A_281 = arith.constant 128 : i32
      %mul3A_282 = arith.muli %while3A_278, %mul3A_281 : i32
      %get3A_283 = arith.constant 1 : index
      %get3A_284 = arith.constant 0 : index
      %get3A_285 = arith.index_cast %mul3A_282 : i32 to index
      %get3A_286 = vector.load %arg2[%get3A_283, %get3A_284, %get3A_285] : memref<2x16x4096xf32, #tpu.memory_space<vmem>>, vector<1x16x128xf32>
      %get3A_287 = vector.shape_cast %get3A_286 : vector<1x16x128xf32> to vector<16x128xf32>
      %iota3A_288 = tpu.iota {dimensions = array<i32: 1>} : vector<1x128xi32>
      %mul3A_289 = arith.constant 128 : i32
      %mul3A_290 = arith.muli %while3A_278, %mul3A_289 : i32
      %sub3A_291 = arith.subi %get3A_216, %mul3A_290 : i32
      %lt3A_292 = vector.broadcast %sub3A_291 : i32 to vector<1x128xi32>
      %lt3A_293 = arith.cmpi slt, %iota3A_288, %lt3A_292 : vector<1x128xi32>
      %jit3A_294 = arith.constant 0.000000e+00 : f32
      %broadcast_in_dim3A_295 = vector.shape_cast %lt3A_293 : vector<1x128xi1> to vector<1x128xi1>
      %broadcast_in_dim3A_296 = vector.broadcast %broadcast_in_dim3A_295 : vector<1x128xi1> to vector<16x128xi1>
      %broadcast_in_dim3A_297 = vector.broadcast %jit3A_294 : f32 to vector<16x128xf32>
      %select_n3A_298 = arith.select %broadcast_in_dim3A_296, %get3A_287, %broadcast_in_dim3A_297 : vector<16x128xi1>, vector<16x128xf32>
      %slice3A_299 = vector.extract_strided_slice %select_n3A_298 {offsets = [0, 0], sizes = [1, 128], strides = [1, 1]} : vector<16x128xf32> to vector<1x128xf32>
      %slice3A_300 = vector.extract_strided_slice %select_n3A_298 {offsets = [1, 0], sizes = [1, 128], strides = [1, 1]} : vector<16x128xf32> to vector<1x128xf32>
      %slice3A_301 = vector.extract_strided_slice %select_n3A_298 {offsets = [2, 0], sizes = [1, 128], strides = [1, 1]} : vector<16x128xf32> to vector<1x128xf32>
      %slice3A_302 = vector.extract_strided_slice %select_n3A_298 {offsets = [3, 0], sizes = [1, 128], strides = [1, 1]} : vector<16x128xf32> to vector<1x128xf32>
      %slice3A_303 = vector.extract_strided_slice %select_n3A_298 {offsets = [4, 0], sizes = [1, 128], strides = [1, 1]} : vector<16x128xf32> to vector<1x128xf32>
      %slice3A_304 = vector.extract_strided_slice %select_n3A_298 {offsets = [5, 0], sizes = [1, 128], strides = [1, 1]} : vector<16x128xf32> to vector<1x128xf32>
      %sub3A_305 = vector.broadcast %add3A_174 : vector<128x1xf32> to vector<128x128xf32>
      %sub3A_306 = vector.broadcast %slice3A_299 : vector<1x128xf32> to vector<128x128xf32>
      %sub3A_307 = arith.subf %sub3A_305, %sub3A_306 : vector<128x128xf32>
      %sub3A_308 = vector.broadcast %add3A_213 : vector<128x1xf32> to vector<128x128xf32>
      %sub3A_309 = vector.broadcast %slice3A_300 : vector<1x128xf32> to vector<128x128xf32>
      %sub3A_310 = arith.subf %sub3A_308, %sub3A_309 : vector<128x128xf32>
      %mul3A_311 = vector.broadcast %slice3A_301 : vector<1x128xf32> to vector<128x128xf32>
      %mul3A_312 = arith.mulf %mul3A_311, %sub3A_307 : vector<128x128xf32>
      %mul3A_313 = arith.mulf %mul3A_312, %sub3A_307 : vector<128x128xf32>
      %mul3A_314 = vector.broadcast %slice3A_303 : vector<1x128xf32> to vector<128x128xf32>
      %mul3A_315 = arith.mulf %mul3A_314, %sub3A_310 : vector<128x128xf32>
      %mul3A_316 = arith.mulf %mul3A_315, %sub3A_310 : vector<128x128xf32>
      %add3A_317 = arith.addf %mul3A_313, %mul3A_316 : vector<128x128xf32>
      %mul3A_318 = arith.constant -5.000000e-01 : f32
      %mul3A_319 = vector.broadcast %mul3A_318 : f32 to vector<128x128xf32>
      %mul3A_320 = arith.mulf %mul3A_319, %add3A_317 : vector<128x128xf32>
      %mul3A_321 = vector.broadcast %slice3A_302 : vector<1x128xf32> to vector<128x128xf32>
      %mul3A_322 = arith.mulf %mul3A_321, %sub3A_307 : vector<128x128xf32>
      %mul3A_323 = arith.mulf %mul3A_322, %sub3A_310 : vector<128x128xf32>
      %sub3A_324 = arith.subf %mul3A_320, %mul3A_323 : vector<128x128xf32>
      %min3A = arith.constant 0.000000e+00 : f32
      %min3A_325 = vector.broadcast %min3A : f32 to vector<128x128xf32>
      %min3A_326 = arith.minimumf %sub3A_324, %min3A_325 : vector<128x128xf32>
      %exp3A = math.exp %min3A_326 : vector<128x128xf32>
      %mul3A_327 = vector.broadcast %slice3A_304 : vector<1x128xf32> to vector<128x128xf32>
      %mul3A_328 = arith.mulf %mul3A_327, %exp3A : vector<128x128xf32>
      %min3A_329 = arith.constant 9.900000e-01 : f32
      %min3A_330 = vector.broadcast %min3A_329 : f32 to vector<128x128xf32>
      %min3A_331 = arith.minimumf %mul3A_328, %min3A_330 : vector<128x128xf32>
      %gt3A = arith.constant 0.00392156886 : f32
      %gt3A_332 = vector.broadcast %gt3A : f32 to vector<128x128xf32>
      %gt3A_333 = arith.cmpf ogt, %min3A_331, %gt3A_332 : vector<128x128xf32>
      %jit3A_334 = arith.constant 0.000000e+00 : f32
      %broadcast_in_dim3A_335 = vector.broadcast %jit3A_334 : f32 to vector<128x128xf32>
      %select_n3A_336 = arith.select %gt3A_333, %min3A_331, %broadcast_in_dim3A_335 : vector<128x128xi1>, vector<128x128xf32>
      %sub3A_337 = arith.constant 1.000000e+00 : f32
      %sub3A_338 = vector.broadcast %sub3A_337 : f32 to vector<128x128xf32>
      %sub3A_339 = arith.subf %sub3A_338, %select_n3A_336 : vector<128x128xf32>
      %log3A = math.log %sub3A_339 : vector<128x128xf32>
      %dot_general3A = arith.constant dense<0.000000e+00> : vector<128x128xf32>
      %dot_general3A_340 = tpu.matmul %log3A, %select_n3A, %dot_general3A {dimension_numbers = #tpu.dot_dimension_numbers<[1], [0], [0], [1], [0, 0, 1, 1], [], []>, transpose_lhs_hint = false} : vector<128x128xf32>, vector<128x128xf32>, vector<128x128xf32> -> vector<128x128xf32>
      %add3A_341 = vector.broadcast %while3A_280 : vector<128x1xf32> to vector<128x128xf32>
      %add3A_342 = arith.addf %add3A_341, %dot_general3A_340 : vector<128x128xf32>
      %exp3A_343 = math.exp %add3A_342 : vector<128x128xf32>
      %mul3A_344 = arith.mulf %select_n3A_336, %exp3A_343 : vector<128x128xf32>
      %slice3A_345 = vector.extract_strided_slice %select_n3A_298 {offsets = [8, 0], sizes = [8, 128], strides = [1, 1]} : vector<16x128xf32> to vector<8x128xf32>
      %dot_general3A_346 = arith.constant dense<0.000000e+00> : vector<128x8xf32>
      %dot_general3A_347 = tpu.matmul %mul3A_344, %slice3A_345, %dot_general3A_346 {dimension_numbers = #tpu.dot_dimension_numbers<[1], [1], [0], [0], [0, 0, 1, 0], [], []>, transpose_lhs_hint = false} : vector<128x128xf32>, vector<8x128xf32>, vector<128x8xf32> -> vector<128x8xf32>
      %add3A_348 = arith.addf %while3A_279, %dot_general3A_347 : vector<128x8xf32>
      %reduce_sum3A = arith.constant dense<0.000000e+00> : vector<128xf32>
      %reduce_sum3A_349 = vector.multi_reduction <add>, %log3A, %reduce_sum3A [1] : vector<128x128xf32> to vector<128xf32>
      %broadcast_in_dim3A_350 = vector.shape_cast %reduce_sum3A_349 : vector<128xf32> to vector<128x1xf32>
      %add3A_351 = arith.addf %while3A_280, %broadcast_in_dim3A_350 : vector<128x1xf32>
      scf.yield %add3A_348, %add3A_351 : vector<128x8xf32>, vector<128x1xf32>
    }
    %while3A_258 = arith.constant 1 : i32
    %while3A_259:2 = scf.for %while3A_278 = %while3A_255 to %while3A_251 step %while3A_258 iter_args(%while3A_279 = %while3A_257#0, %while3A_280 = %while3A_257#1) -> (vector<128x8xf32>, vector<128x1xf32>)  : i32 {
      %mul3A_281 = arith.constant 128 : i32
      %mul3A_282 = arith.muli %while3A_278, %mul3A_281 : i32
      %get3A_283 = arith.constant 1 : index
      %get3A_284 = arith.constant 0 : index
      %get3A_285 = arith.index_cast %mul3A_282 : i32 to index
      %get3A_286 = vector.load %arg2[%get3A_283, %get3A_284, %get3A_285] : memref<2x16x4096xf32, #tpu.memory_space<vmem>>, vector<1x16x128xf32>
      %get3A_287 = vector.shape_cast %get3A_286 : vector<1x16x128xf32> to vector<16x128xf32>
      %iota3A_288 = tpu.iota {dimensions = array<i32: 1>} : vector<1x128xi32>
      %mul3A_289 = arith.constant 128 : i32
      %mul3A_290 = arith.muli %while3A_278, %mul3A_289 : i32
      %sub3A_291 = arith.subi %get3A_216, %mul3A_290 : i32
      %lt3A_292 = vector.broadcast %sub3A_291 : i32 to vector<1x128xi32>
      %lt3A_293 = arith.cmpi slt, %iota3A_288, %lt3A_292 : vector<1x128xi32>
      %jit3A_294 = arith.constant 0.000000e+00 : f32
      %broadcast_in_dim3A_295 = vector.shape_cast %lt3A_293 : vector<1x128xi1> to vector<1x128xi1>
      %broadcast_in_dim3A_296 = vector.broadcast %broadcast_in_dim3A_295 : vector<1x128xi1> to vector<16x128xi1>
      %broadcast_in_dim3A_297 = vector.broadcast %jit3A_294 : f32 to vector<16x128xf32>
      %select_n3A_298 = arith.select %broadcast_in_dim3A_296, %get3A_287, %broadcast_in_dim3A_297 : vector<16x128xi1>, vector<16x128xf32>
      %slice3A_299 = vector.extract_strided_slice %select_n3A_298 {offsets = [0, 0], sizes = [1, 128], strides = [1, 1]} : vector<16x128xf32> to vector<1x128xf32>
      %slice3A_300 = vector.extract_strided_slice %select_n3A_298 {offsets = [1, 0], sizes = [1, 128], strides = [1, 1]} : vector<16x128xf32> to vector<1x128xf32>
      %slice3A_301 = vector.extract_strided_slice %select_n3A_298 {offsets = [2, 0], sizes = [1, 128], strides = [1, 1]} : vector<16x128xf32> to vector<1x128xf32>
      %slice3A_302 = vector.extract_strided_slice %select_n3A_298 {offsets = [3, 0], sizes = [1, 128], strides = [1, 1]} : vector<16x128xf32> to vector<1x128xf32>
      %slice3A_303 = vector.extract_strided_slice %select_n3A_298 {offsets = [4, 0], sizes = [1, 128], strides = [1, 1]} : vector<16x128xf32> to vector<1x128xf32>
      %slice3A_304 = vector.extract_strided_slice %select_n3A_298 {offsets = [5, 0], sizes = [1, 128], strides = [1, 1]} : vector<16x128xf32> to vector<1x128xf32>
      %sub3A_305 = vector.broadcast %add3A_174 : vector<128x1xf32> to vector<128x128xf32>
      %sub3A_306 = vector.broadcast %slice3A_299 : vector<1x128xf32> to vector<128x128xf32>
      %sub3A_307 = arith.subf %sub3A_305, %sub3A_306 : vector<128x128xf32>
      %sub3A_308 = vector.broadcast %add3A_213 : vector<128x1xf32> to vector<128x128xf32>
      %sub3A_309 = vector.broadcast %slice3A_300 : vector<1x128xf32> to vector<128x128xf32>
      %sub3A_310 = arith.subf %sub3A_308, %sub3A_309 : vector<128x128xf32>
      %mul3A_311 = vector.broadcast %slice3A_301 : vector<1x128xf32> to vector<128x128xf32>
      %mul3A_312 = arith.mulf %mul3A_311, %sub3A_307 : vector<128x128xf32>
      %mul3A_313 = arith.mulf %mul3A_312, %sub3A_307 : vector<128x128xf32>
      %mul3A_314 = vector.broadcast %slice3A_303 : vector<1x128xf32> to vector<128x128xf32>
      %mul3A_315 = arith.mulf %mul3A_314, %sub3A_310 : vector<128x128xf32>
      %mul3A_316 = arith.mulf %mul3A_315, %sub3A_310 : vector<128x128xf32>
      %add3A_317 = arith.addf %mul3A_313, %mul3A_316 : vector<128x128xf32>
      %mul3A_318 = arith.constant -5.000000e-01 : f32
      %mul3A_319 = vector.broadcast %mul3A_318 : f32 to vector<128x128xf32>
      %mul3A_320 = arith.mulf %mul3A_319, %add3A_317 : vector<128x128xf32>
      %mul3A_321 = vector.broadcast %slice3A_302 : vector<1x128xf32> to vector<128x128xf32>
      %mul3A_322 = arith.mulf %mul3A_321, %sub3A_307 : vector<128x128xf32>
      %mul3A_323 = arith.mulf %mul3A_322, %sub3A_310 : vector<128x128xf32>
      %sub3A_324 = arith.subf %mul3A_320, %mul3A_323 : vector<128x128xf32>
      %min3A = arith.constant 0.000000e+00 : f32
      %min3A_325 = vector.broadcast %min3A : f32 to vector<128x128xf32>
      %min3A_326 = arith.minimumf %sub3A_324, %min3A_325 : vector<128x128xf32>
      %exp3A = math.exp %min3A_326 : vector<128x128xf32>
      %mul3A_327 = vector.broadcast %slice3A_304 : vector<1x128xf32> to vector<128x128xf32>
      %mul3A_328 = arith.mulf %mul3A_327, %exp3A : vector<128x128xf32>
      %min3A_329 = arith.constant 9.900000e-01 : f32
      %min3A_330 = vector.broadcast %min3A_329 : f32 to vector<128x128xf32>
      %min3A_331 = arith.minimumf %mul3A_328, %min3A_330 : vector<128x128xf32>
      %gt3A = arith.constant 0.00392156886 : f32
      %gt3A_332 = vector.broadcast %gt3A : f32 to vector<128x128xf32>
      %gt3A_333 = arith.cmpf ogt, %min3A_331, %gt3A_332 : vector<128x128xf32>
      %jit3A_334 = arith.constant 0.000000e+00 : f32
      %broadcast_in_dim3A_335 = vector.broadcast %jit3A_334 : f32 to vector<128x128xf32>
      %select_n3A_336 = arith.select %gt3A_333, %min3A_331, %broadcast_in_dim3A_335 : vector<128x128xi1>, vector<128x128xf32>
      %sub3A_337 = arith.constant 1.000000e+00 : f32
      %sub3A_338 = vector.broadcast %sub3A_337 : f32 to vector<128x128xf32>
      %sub3A_339 = arith.subf %sub3A_338, %select_n3A_336 : vector<128x128xf32>
      %log3A = math.log %sub3A_339 : vector<128x128xf32>
      %dot_general3A = arith.constant dense<0.000000e+00> : vector<128x128xf32>
      %dot_general3A_340 = tpu.matmul %log3A, %select_n3A, %dot_general3A {dimension_numbers = #tpu.dot_dimension_numbers<[1], [0], [0], [1], [0, 0, 1, 1], [], []>, transpose_lhs_hint = false} : vector<128x128xf32>, vector<128x128xf32>, vector<128x128xf32> -> vector<128x128xf32>
      %add3A_341 = vector.broadcast %while3A_280 : vector<128x1xf32> to vector<128x128xf32>
      %add3A_342 = arith.addf %add3A_341, %dot_general3A_340 : vector<128x128xf32>
      %exp3A_343 = math.exp %add3A_342 : vector<128x128xf32>
      %mul3A_344 = arith.mulf %select_n3A_336, %exp3A_343 : vector<128x128xf32>
      %slice3A_345 = vector.extract_strided_slice %select_n3A_298 {offsets = [8, 0], sizes = [8, 128], strides = [1, 1]} : vector<16x128xf32> to vector<8x128xf32>
      %dot_general3A_346 = arith.constant dense<0.000000e+00> : vector<128x8xf32>
      %dot_general3A_347 = tpu.matmul %mul3A_344, %slice3A_345, %dot_general3A_346 {dimension_numbers = #tpu.dot_dimension_numbers<[1], [1], [0], [0], [0, 0, 1, 0], [], []>, transpose_lhs_hint = false} : vector<128x128xf32>, vector<8x128xf32>, vector<128x8xf32> -> vector<128x8xf32>
      %add3A_348 = arith.addf %while3A_279, %dot_general3A_347 : vector<128x8xf32>
      %reduce_sum3A = arith.constant dense<0.000000e+00> : vector<128xf32>
      %reduce_sum3A_349 = vector.multi_reduction <add>, %log3A, %reduce_sum3A [1] : vector<128x128xf32> to vector<128xf32>
      %broadcast_in_dim3A_350 = vector.shape_cast %reduce_sum3A_349 : vector<128xf32> to vector<128x1xf32>
      %add3A_351 = arith.addf %while3A_280, %broadcast_in_dim3A_350 : vector<128x1xf32>
      scf.yield %add3A_348, %add3A_351 : vector<128x8xf32>, vector<128x1xf32>
    }
    %swap3A_260 = arith.constant 1 : index
    %swap3A_261 = arith.constant 0 : index
    %swap3A_262 = arith.constant 0 : index
    %swap3A_263 = vector.load %arg3[%swap3A_260, %swap3A_261, %swap3A_262] : memref<2x128x8xf32, #tpu.memory_space<vmem>>, vector<1x128x8xf32>
    %swap3A_264 = vector.shape_cast %swap3A_263 : vector<1x128x8xf32> to vector<128x8xf32>
    %swap3A_265 = vector.shape_cast %while3A_259#0 : vector<128x8xf32> to vector<1x128x8xf32>
    tpu.vector_store %arg3[%swap3A_260, %swap3A_261, %swap3A_262], %swap3A_265 {strides = array<i32>} : memref<2x128x8xf32, #tpu.memory_space<vmem>>, vector<1x128x8xf32>,
    %slice3A_266 = vector.extract_strided_slice %while3A_259#0 {offsets = [0, 4], sizes = [128, 1], strides = [1, 1]} : vector<128x8xf32> to vector<128x1xf32>
    %slice3A_267 = vector.extract_strided_slice %while3A_259#0 {offsets = [0, 3], sizes = [128, 1], strides = [1, 1]} : vector<128x8xf32> to vector<128x1xf32>
    %max3A_268 = arith.constant 9.99999997E-7 : f32
    %max3A_269 = vector.broadcast %max3A_268 : f32 to vector<128x1xf32>
    %max3A_270 = arith.maximumf %slice3A_266, %max3A_269 : vector<128x1xf32>
    %div3A_271 = arith.divf %slice3A_267, %max3A_270 : vector<128x1xf32>
    %swap3A_272 = arith.constant 1 : index
    %swap3A_273 = arith.constant 0 : index
    %swap3A_274 = arith.constant 0 : index
    %swap3A_275 = vector.load %arg4[%swap3A_272, %swap3A_273, %swap3A_274] : memref<2x128x1xf32, #tpu.memory_space<vmem>>, vector<1x128x1xf32>
    %swap3A_276 = vector.shape_cast %swap3A_275 : vector<1x128x1xf32> to vector<128x1xf32>
    %swap3A_277 = vector.shape_cast %div3A_271 : vector<128x1xf32> to vector<1x128x1xf32>
    tpu.vector_store %arg4[%swap3A_272, %swap3A_273, %swap3A_274], %swap3A_277 {strides = array<i32>} : memref<2x128x1xf32, #tpu.memory_space<vmem>>, vector<1x128x1xf32>,
    return
  }
  func.func @transform_0(%arg0: i32) -> (i32, i32) {
    %c0_i32 = arith.constant 0 : i32
    %c0_i32_0 = arith.constant 0 : i32
    %c0_i32_1 = arith.constant 0 : i32
    return %c0_i32, %c0_i32_0 : i32, i32
  }
  func.func @transform_1(%arg0: i32) -> (i32, i32, i32) {
    %c0_i32 = arith.constant 0 : i32
    %c0_i32_0 = arith.constant 0 : i32
    %c0_i32_1 = arith.constant 0 : i32
    return %arg0, %c0_i32, %c0_i32_0 : i32, i32, i32
  }
  func.func @transform_2(%arg0: i32) -> (i32, i32, i32) {
    %c0_i32 = arith.constant 0 : i32
    %c0_i32_0 = arith.constant 0 : i32
    %c0_i32_1 = arith.constant 0 : i32
    return %arg0, %c0_i32, %c0_i32_0 : i32, i32, i32
  }
  func.func @transform_3(%arg0: i32) -> (i32, i32, i32) {
    %c0_i32 = arith.constant 0 : i32
    %c0_i32_0 = arith.constant 0 : i32
    %c0_i32_1 = arith.constant 0 : i32
    return %arg0, %c0_i32, %c0_i32_0 : i32, i32, i32
  }
}

</mosaic_0001>

<sc_bundles>
// kernel: _pipeline.5.cloned.1.call-start
scs
__scs_entry_jumppad:
0x0: {  	(pc) =	sbr.rel $0x88, $3  }
0x1: {  	(tag) =	ssettag $0x0;
	lr =	simm.s32 $0x1  }
0x2: {  	[smem:$0x3F9D] =	sst lr;
	_ =	strace $0xD0000000  }
0x3: {  	_ = 	snop  }
0x4: {  	_ = 	snop  }
0x5: {  	_ = 	snop  }
0x6: {  	_ = 	snop  }
0x7: {  	_ = 	snop  }
__scs_overlays_trampoline_lowered:
0x8: {  	[smem:$0x3FAC] =	sst s0  }
0x9: {  	[smem:$0x3FAD] =	sst s1  }
0xa: {  	[smem:$0x3FAE] =	sst s2  }
0xb: {  	[smem:$0x3FAF] =	sst s3  }
0xc: {  	[smem:$0x3FB0] =	sst s4  }
0xd: {  	[smem:$0x3FB1] =	sst s5  }
0xe: {  	[smem:$0x3FB2] =	sst s6  }
0xf: {  	[smem:$0x3FB3] =	sst s7  }
0x10: {  	[smem:$0x3FB4] =	sst s8  }
0x11: {  	[smem:$0x3FB5] =	sst s9;
	s0 =	simm.s32 @!p0 $0x0  }
0x12: {  	s1 =	sld [smem:$0x3F9B];
	s0 =	simm.s32 @p0 $0x1  }
0x13: {  	[smem:$0x3FB6] =	sst s0;
	s0 =	simm.s32 @!p1 $0x0  }
0x14: {  	s2 =	sld [smem:$0x3F9A];
	s0 =	simm.s32 @p1 $0x1  }
0x15: {  	[smem:$0x3FB7] =	sst s0;
	s0 =	simm.s32 @!p2 $0x0  }
0x16: {  	s3 =	sld [smem:$0x3FDB];
	s0 =	simm.s32 @p2 $0x1  }
0x17: {  	s4 =	simm.s32 $0x1BF5;
	[smem:$0x3FB9] =	sst s0  }
0x18: {  	s0 =	sld [smem:$0x3F9C];
	_ =	swait.ge [sflag:s4], $0x0  }
0x19: {  	s7 =	sld [smem:$0x3F9D]  }
0x1a: {  	s8 =	sadd.s32 $0xFFFFE003, lr  }
0x1b: {  	s9 =	sadd.s32 $0xFFFFFEF7, lr;
	s5 =	simm.s32 $0xFFFFFFFF;
	p2 =	slt.u32 s8, $0xFFFFF086  }
0x1c: {  	p1 =	slt.u32 s9, $0xF7A;
	s5 =	simm.s32 @!p2 $0x0  }
0x1d: {  	s5 =	simm.s32 @p1 $0x1;
	p0 =	seq.s32 s7, s2  }
0x1e: {  	s7 =	smul.u32 @!p0 $0xF7A, s2;
	p2 =	seq.s32 @!p0 s5, $0x0  }
0x1f: {  	s9 =	smul.u32 $0xF7A, s1;
	s8 =	simm.s32 @!p0 $0x1BF5;
	p2 =	por !p2, p0  }
0x20: {  	[sflag:s8] =	ssyncset.s32 @!p0 $0xFFFFF086;
	s6 =	sadd.s32 @!p0 s3, s7;
	s7 =	simm.s32 @!p0 $0x108  }
0x21: {  	s3 =	sadd.s32 s3, s9;
	s6 =	sadd.s32 @!p0 $0x88, s6;
	s7 =	simm.s32 @p2 $0x1082  }
0x22: {  	[simem:s7], [sflag:s8] =	dma.local @!p0 [hbm:s6], $0xF7A  }
0x23: {  	s9 =	sor.u32 $0xD0000000, s2;
	s6 =	simm.s32 $0x108;
	_ =	swait.ge @!p0 [sflag:s8], $0x0  }
0x24: {  	s3 =	sadd.s32 $0x88, s3;
	s6 =	simm.s32 @!p1 $0x1082;
	[sflag:s4] =	ssyncset.s32 $0xFFFFF086  }
0x25: {  	[simem:s6], [sflag:s4] =	dma.local [hbm:s3], $0xF7A  }
0x26: {  	[smem:$0x3F9D] =	sst s1;
	(tag) =	ssettag s2;
	_ =	strace s9  }
0x27: {  	s1 =	sld [smem:$0x3FAD]  }
0x28: {  	s2 =	sld [smem:$0x3FAE]  }
0x29: {  	s4 =	sld [smem:$0x3FB0]  }
0x2a: {  	p0 =	seq.s32 s5, $0x0;
	s5 =	sld [smem:$0x3FB1]  }
0x2b: {  	s6 =	sld [smem:$0x3FB2]  }
0x2c: {  	s7 =	sld [smem:$0x3FB3]  }
0x2d: {  	s3 =	simm.s32 $0x108;
	s8 =	sld [smem:$0x3FB4]  }
0x2e: {  	s3 =	simm.s32 @!p0 $0x1082;
	s9 =	sld [smem:$0x3FB5]  }
0x2f: {  	lr =	sadd.s32 s0, s3;
	s0 =	sld [smem:$0x3FAC]  }
0x30: {  	s3 =	sld [smem:$0x3FAF]  }
0x31: {  	[smem:$0x3FB8] =	sst s10  }
0x32: {  	s10 =	sld [smem:$0x3FB6];
	_ =	sdelay $0x3  }
0x33: {  	p0 =	seq.s32 s10, $0x1;
	s10 =	sld [smem:$0x3FB8];
	_ =	sdelay $0x3  }
0x34: {  	[smem:$0x3FB8] =	sst s10  }
0x35: {  	s10 =	sld [smem:$0x3FB7];
	_ =	sdelay $0x3  }
0x36: {  	p1 =	seq.s32 s10, $0x1;
	s10 =	sld [smem:$0x3FB8];
	_ =	sdelay $0x3  }
0x37: {  	[smem:$0x3FB8] =	sst s10  }
0x38: {  	s10 =	sld [smem:$0x3FB9]  }
0x39: {  	_ = 	snop;
	(pc) =	sbr.ind lr, $3  }
0x3a: {  	_ = 	snop  }
0x3b: {  	_ = 	snop  }
0x3c: {  	p2 =	seq.s32 s10, $0x1;
	s10 =	sld [smem:$0x3FB8]  }
0x3d: {  	_ =	shalt  }
0x3e: {  	_ =	shalt  }
0x3f: {  	_ =	shalt  }
0x40: {  	_ =	shalt  }
0x41: {  	_ =	shalt  }
0x42: {  	_ =	shalt  }
0x43: {  	_ =	shalt  }
0x44: {  	_ =	shalt  }
0x45: {  	_ =	shalt  }
0x46: {  	_ =	shalt  }
0x47: {  	_ =	shalt  }
0x48: {  	_ =	shalt  }
0x49: {  	_ =	shalt  }
0x4a: {  	_ =	shalt  }
0x4b: {  	_ =	shalt  }
0x4c: {  	_ =	shalt  }
0x4d: {  	_ =	shalt  }
0x4e: {  	_ =	shalt  }
0x4f: {  	_ =	shalt  }
0x50: {  	_ =	shalt  }
0x51: {  	_ =	shalt  }
0x52: {  	_ =	shalt  }
0x53: {  	_ =	shalt  }
0x54: {  	_ =	shalt  }
0x55: {  	_ =	shalt  }
0x56: {  	_ =	shalt  }
0x57: {  	_ =	shalt  }
0x58: {  	_ =	shalt  }
0x59: {  	_ =	shalt  }
0x5a: {  	_ =	shalt  }
0x5b: {  	_ =	shalt  }
0x5c: {  	_ =	shalt  }
0x5d: {  	_ =	shalt  }
0x5e: {  	_ =	shalt  }
0x5f: {  	_ =	shalt  }
0x60: {  	_ =	shalt  }
0x61: {  	_ =	shalt  }
0x62: {  	_ =	shalt  }
0x63: {  	_ =	shalt  }
0x64: {  	_ =	shalt  }
0x65: {  	_ =	shalt  }
0x66: {  	_ =	shalt  }
0x67: {  	_ =	shalt  }
0x68: {  	_ =	shalt  }
0x69: {  	_ =	shalt  }
0x6a: {  	_ =	shalt  }
0x6b: {  	_ =	shalt  }
0x6c: {  	_ =	shalt  }
0x6d: {  	_ =	shalt  }
0x6e: {  	_ =	shalt  }
0x6f: {  	_ =	shalt  }
0x70: {  	_ =	shalt  }
0x71: {  	_ =	shalt  }
0x72: {  	_ =	shalt  }
0x73: {  	_ =	shalt  }
0x74: {  	_ =	shalt  }
0x75: {  	_ =	shalt  }
0x76: {  	_ =	shalt  }
0x77: {  	_ =	shalt  }
0x78: {  	_ =	shalt  }
0x79: {  	_ =	shalt  }
0x7a: {  	_ =	shalt  }
0x7b: {  	_ =	shalt  }
0x7c: {  	_ =	shalt  }
0x7d: {  	_ =	shalt  }
0x7e: {  	_ =	shalt  }
0x7f: {  	_ =	shalt  }
0x80: {  	_ =	shalt  }
0x81: {  	_ =	shalt  }
0x82: {  	_ =	shalt  }
0x83: {  	_ =	shalt  }
0x84: {  	_ =	shalt  }
0x85: {  	_ =	shalt  }
0x86: {  	_ =	shalt  }
0x87: {  	_ =	shalt  }
.Lfunc_end0:
.L_simem_size_0:
called_computation_lowered:
.L_overlay_start_0:
0x88: {  	s2 =	sld [smem:$0x3FD9]  }
0x89: {  	s3 =	sld [smem:$0x3FFE];
	_ =	sdelay $0x1  }
0x8a: {  	s1 =	srdreg.scid  }
0x8b: {  	s0 =	sand.u32 $0x1, s1  }
0x8c: {  	s14 =	sshll.u32 s0, $0xA;
	s2 =	sadd.s32 s3, s2  }
0x8d: {  	s2 =	sadd.s32 s2, s14  }
0x8e: {  	[smem:$0x3FC4] =	sst s2  }
0x8f: {  	_ = 	snop  }
0x90: {  	s2 =	sld [smem:$0x3FD0];
	_ =	sdelay $0x2  }
0x91: {  	s15 =	simm.s32 $0xA;
	s4 =	simm.s32 $0x10  }
0x92: {  	[smem:s4], [sflag:s15] =	dma.local [hbm:s2], $0x1  }
0x93: {  	_ =	swait.eq [sflag:s15], $0x1  }
0x94: {  	[sflag:s15] =	ssyncset.done $0x0  }
0x95: {  	[sflag:s15] =	ssyncadd.s32 $0xFFFFFFFF  }
0x96: {  	s16 =	sld [smem:$0x12];
	(tm) =	ssettm $0x1  }
0x97: {  	s17 =	sld [smem:$0x3FFB];
	_ =	sdelay $0x3  }
0x98: {  	_ =	strace s17  }
0x99: {  	s3 =	sld [smem:$0x3FFC];
	_ =	sdelay $0x3  }
0x9a: {  	_ =	strace s3  }
0x9b: {  	s3 =	sld [smem:$0x3FFD];
	_ =	sdelay $0x3  }
0x9c: {  	_ =	strace s3  }
0x9d: {  	_ =	strace $0x8FFFFFFF  }
0x9e: {  	s18 =	sld [smem:$0x3FDB];
	_ =	sdelay $0x1  }
0x9f: {  	s19 =	simm.s32 $_scs_section_size  }
0xa0: {  	s5 =	simm.s32 $_size__tile_overlayer_lowered;
	s6 =	simm.s32 $_tile_overlayer_lowered  }
0xa1: {  	s22 =	simm.s32 $0x1BFF;
	s21 =	sshll.u32 s6, $0x1;
	s3 =	sadd.s32 s19, s18  }
0xa2: {  	s7 =	simm.s32 $0x0;
	s20 =	sshll.u32 s5, $0x1;
	s5 =	sadd.s32 s21, s3  }
0xa3: {  	[timem:s7], [sflag:s22] =	dma.local [hbm:s5], s20  }
0xa4: {  	_ =	swait.ge [sflag:s22], s20  }
0xa5: {  	s4 =	ssub.s32 $0x0, s20;
	[sflag:s22] =	ssyncset.done $0x0  }
0xa6: {  	[sflag:s22] =	ssyncadd.s32 s4;
	_ =	sdelay $0x1  }
0xa7: {  	s23 =	simm.s32 $0x1B8B  }
0xa8: {  	_ =	swait.ge [sflag:s23], $0x1  }
0xa9: {  	[sflag:s23] =	ssyncset.done $0x0  }
0xaa: {  	s25 =	simm.s32 $0x1B8E;
	s24 =	sld [smem:$0x3FFE];
	[sflag:s23] =	ssyncadd.s32 $0xFFFFFFFF  }
0xab: {  	s26 =	simm.s32 $execute0_lowered;
	[smem:$0x3FD2] =	sst s25  }
0xac: {  	s5 =	sshll.u32 s26, $0x1;
	_ =	strace $0x80000046;
	[dreg:$0x1] =	wrdreg $0xFFFFFFFF  }
0xad: {  	s28 =	simm.s32 $_size_execute0_lowered;
	s3 =	sadd.s32 s3, s5;
	[dreg:$0x0] =	wrdreg $0x0  }
0xae: {  	s5 =	sshll.u32 s28, $0x1;
	[dreg:$0x2] =	wrdreg s3  }
0xaf: {  	[dreg:$0x3] =	wrdreg s5  }
0xb0: {  	[dreg:$0x4] =	wrdreg $0xC0  }
0xb1: {  	_ =	task [dreg:s7], $0x5FFFF  }
0xb2: {  	[dreg:$0x1] =	wrdreg $0xFFFFFFFF  }
0xb3: {  	[dreg:$0x0] =	wrdreg $0x60  }
0xb4: {  	[dreg:$0x2] =	wrdreg s24  }
0xb5: {  	[dreg:$0x3] =	wrdreg s16  }
0xb6: {  	[dreg:$0x4] =	wrdreg $0x9  }
0xb7: {  	_ =	task.clear_ibuf [dreg:s7], $0x5FFFF;
	_ =	strace $0x90000046  }
0xb8: {  	s29 =	simm.s32 $0x9;
	_ =	strace $0x80000048  }
0xb9: {  	_ =	swait.ge [sflag:s29], $0x1  }
0xba: {  	[sflag:s29] =	ssyncadd.s32 $0xFFFFFFFF  }
0xbb: {  	_ =	strace $0x90000048  }
0xbc: {  	_ =	sfence  }
0xbd: {  	s30 =	sld [smem:$0x0];
	_ =	sdelay $0x2  }
0xbe: {  	s31 =	sshll.u32 s1, $0xD;
	s1 =	sshrl.u32 s1, $0x2  }
0xbf: {  	s3 =	sand.u32 $0x4000, s31;
	s1 =	sadd.s32 s1, s30  }
0xc0: {  	s0 =	sor.u32 s3, s0;
	s1 =	sshll.u32 s1, $0x11  }
0xc1: {  	s0 =	sor.u32 s1, s0  }
0xc2: {  	s0 =	sadd.s32 $0x8F2B, s0  }
0xc3: {  	[sflag:s0] =	ssyncadd.remote.s32 $0x1  }
0xc4: {  	_ =	sfence.sel $0xFFFF  }
0xc5: {  	[dreg:$0x0] =	wrdreg $0xFFFFFFFF;
	(pc) =	sbr.abs _section_cstart, $3  }
0xc6: {  	[dreg:$0x1] =	wrdreg $0xFFFFFFFF  }
0xc7: {  	_ =	task.clear_ibuf [dreg:s7], $0x2FFFF;
	_ =	strace $0x9FFFFFFF  }
0xc8: {  	(tm) =	ssettm $0x7FFFFFFF  }
0xc9: {  	_ =	shalt  }
tec
execute0_lowered:
.L_overlay_start_1:
0x0: {  	(tag) =	ssettag $0x1  }
0x1: {  	v2 =	vimm.s32 $0xFEDCBA9  }
0x2: {  	v3 =	vlaneseq.u32;
	v5 =	vimm.s32 $0x87654321;
	v6 =	vimm.s32 $0x98765432  }
0x3: {  	v7 =	vimm.s32 $0x210FEDCB;
	v8 =	vimm.s32 $0xA9876543;
	v18 =	vimm.s32 $0xCBA98765  }
0x4: {  	v20 =	vimm.s32 $0x6543210F;
	v21 =	vimm.s32 $0xEDCBA987;
	v22 =	vimm.s32 $0xFEDCBA98  }
0x5: {  	v23 =	vimm.s32 $0x76543210;
	vm3 =	vcmask $0x3F30;
	vm4 =	vcmask $0x3F2C  }
0x6: {  	vm5 =	vcmask $0x3F28;
	vm6 =	vcmask $0x3F24;
	vm7 =	vcmask $0x3F20  }
0x7: {  	vm8 =	vcmask $0x3F1C;
	vm9 =	vcmask $0x3F18;
	vm10 =	vcmask $0x3F14  }
0x8: {  	vm11 =	vcmask $0x3F10;
	vm12 =	vcmask $0x3F0C;
	vm13 =	vcmask $0x3F08  }
0x9: {  	s3 =	stileid.u32;
	vm14 =	vcmask $0x3F04;
	v4 =	vunpack.c.l.s4.s8 v2;
	v2 =	vimm.s32 $0x0  }
0xa: {  	s31 =	sshll.u32 s3, $0x1;
	s3 =	sshrl.u32 s3, $0x1;
	v6 =	vunpack.c.l.s4.s8 v6;
	v7 =	vunpack.c.l.s4.s8 v7;
	v20 =	vunpack.c.l.s4.s8 v20  }
0xb: {  	s0 =	srdreg.scid;
	v21 =	vunpack.c.l.s4.s8 v21;
	v22 =	vunpack.c.l.s4.s8 v22;
	v1 =	vmov s3  }
0xc: {  	s1 =	sand.u32 $0x1, s0;
	v10 =	vunpack.c.0.s8.s32 v4;
	v4 =	vunpack.c.l.s4.s8 v5;
	v5 =	vimm.s32 $0x10FEDCBA  }
0xd: {  	s0 =	sor.u32 s1, s31;
	v13 =	vunpack.c.0.s8.s32 v6;
	v14 =	vunpack.c.0.s8.s32 v7;
	v20 =	vunpack.c.0.s8.s32 v20  }
0xe: {  	s2 =	sand.u32 $0x3, s0;
	v21 =	vunpack.c.0.s8.s32 v21;
	v22 =	vunpack.c.0.s8.s32 v22;
	v5 =	vunpack.c.l.s4.s8 v5  }
0xf: {  	v0 =	vmov s2;
	v11 =	vunpack.c.0.s8.s32 v4;
	v4 =	vunpack.c.l.s4.s8 v8  }
0x10: {  	v26 =	vcombine.low v21, v20;
	v12 =	vunpack.c.0.s8.s32 v5;
	v5 =	vimm.s32 $0x3210FEDC  }
0x11: {  	v22 =	vand.u32 $0xF, v22;
	v15 =	vunpack.c.0.s8.s32 v4;
	v4 =	vunpack.c.l.s4.s8 v5  }
0x12: {  	v5 =	vimm.s32 $0xBA987654;
	v6 =	vcombine.low v11, v10;
	v63 =	vcombine.low v10, v11  }
0x13: {  	v11 =	vand.u32 $0xF, v26;
	v7 =	vcombine.low v13, v12;
	v5 =	vunpack.c.l.s4.s8 v5  }
0x14: {  	v13 =	vcombine.low v12, v13;
	v8 =	vcombine.low v15, v14;
	v16 =	vunpack.c.0.s8.s32 v4  }
0x15: {  	v4 =	vimm.s32 $0x43210FED;
	v14 =	vcombine.low v14, v15;
	v17 =	vunpack.c.0.s8.s32 v5  }
0x16: {  	v9 =	vunpack.c.l.s4.s8 v4;
	v5 =	vand.u32 $0xF, v7;
	v7 =	vunpack.c.l.s4.s8 v18  }
0x17: {  	s6 =	rddreg [dreg:$0x0];
	v12 =	vand.u32 $0xF, v63;
	v4 =	vand.u32 $0xF, v6;
	v13 =	vand.u32 $0xF, v13  }
0x18: {  	s8 =	rddreg [dreg:$0x1];
	v6 =	vand.u32 $0xF, v8;
	v18 =	vunpack.c.0.s8.s32 v9;
	v19 =	vunpack.c.0.s8.s32 v7  }
0x19: {  	s10 =	simm.s32 $0x11000;
	s11 =	simm.s32 $0x2;
	s13 =	simm.s32 $0x1;
	v7 =	vimm.s32 $0x543210FE;
	v9 =	vimm.s32 $0xDCBA9876;
	v15 =	vcombine.low v16, v17  }
0x1a: {  	s14 =	simm.s32 $0x13000;
	s15 =	simm.s32 $0x14000;
	s16 =	simm.s32 $0x2000;
	v14 =	vand.u32 $0xF, v14;
	v7 =	vunpack.c.l.s4.s8 v7;
	v9 =	vunpack.c.l.s4.s8 v9  }
0x1b: {  	s17 =	simm.s32 $0x8000;
	s18 =	simm.s32 $0x15000;
	s20 =	simm.s32 $0x0;
	v8 =	vcombine.low v17, v16;
	v16 =	vcombine.low v18, v19;
	v15 =	vand.u32 $0xF, v15  }
.Ltmp0:
0x1c: {  	s4 =	sadd.s32 $0x3400, s6;
	s1 =	ssub.s32 $0x2, s1;
	v24 =	vunpack.c.0.s8.s32 v7;
	v25 =	vunpack.c.0.s8.s32 v9;
	v9 =	vunpack.c.l.s4.s8 v23;
	(pc) =	sbr.rel .LBB2_1-.Ltmp0, $4  }
0x1d: {  	s3 =	sadd.s32 $0x1400, s6;
	s5 =	sshrl.u32 s1, $0x1;
	s9 =	sshll.u32 s0, $0x4;
	v7 =	vand.u32 $0xF, v8;
	v8 =	vcombine.low v19, v18;
	v18 =	vcombine.low v20, v21  }
0x1e: {  	s7 =	sshll.u32 s0, $0x10;
	s2 =	simm.s32 $0x0;
	s1 =	ssub.s32 s1, s5;
	v9 =	vunpack.c.0.s8.s32 v9;
	v62 =	vcombine.low v25, v24;
	v17 =	vcombine.low v24, v25  }
0x1f: {  	s5 =	sadd.s32 $0x2A00, s6;
	s6 =	sadd.s32 $0x3200, s6;
	[smem:$0x7FF] =	sst s2;
	v16 =	vand.u32 $0xF, v16;
	v8 =	vand.u32 $0xF, v8;
	v18 =	vand.u32 $0xF, v18  }
0x20: {  	s8 =	sadd.s32 s8, s9;
	s9 =	smax.u32 s1, $0x1;
	_ =	strace $0x80000047;
	v9 =	vcombine.low v22, v9;
	v10 =	vand.u32 $0xF, v62;
	v17 =	vand.u32 $0xF, v17  }
.LBB2_29:
0x21: {  	s20 =	sadd.s32 $0x1, s20  }
0x22: {  	p0 =	sne.s32 s20, s9  }
.Ltmp1:
0x23: {  	[tilespmem:$0x19000] =	vst v19;
	s0 =	simm.s32 $0x19000;
	(pc) =	sbr.rel @!p0 .LBB2_30-.Ltmp1, $4  }
0x24: {  	[hbm4b:s8+s2] =	stream.linear.scatter [tilespmem:s0], [sflag:$0x2], $0x80, $0x38;
	[tilespmem:$0x19080] =	vst v63  }
0x25: {  	_ =	swait.ge [sflag:s11], $0x80  }
0x26: {  	[sflag:s11] =	ssyncset.done $0x0  }
0x27: {  	[sflag:s11] =	ssyncadd.s32 $0xFFFFFF80  }
.LBB2_1:
0x28: {  	[tilespmem:s10], [sflag:$0x2] =	stream.linear.gather [hbm4b:s5+s2], $0x1000, $0x38;
	[tilespmem:$0x19080] =	vst v63  }
0x29: {  	_ =	swait.ge [sflag:s11], $0x1000  }
0x2a: {  	[sflag:s11] =	ssyncset.done $0x0  }
0x2b: {  	s0 =	simm.s32 $0x10000;
	[sflag:s11] =	ssyncadd.s32 $0xFFFFF000  }
0x2c: {  	[tilespmem:s0], [sflag:$0x2] =	stream.linear.gather [hbm4b:s6+s2], $0x1000, $0x38;
	[tilespmem:$0x19080] =	vst v63  }
0x2d: {  	_ =	swait.ge [sflag:s11], $0x1000  }
0x2e: {  	[sflag:s11] =	ssyncset.done $0x0  }
0x2f: {  	s0 =	simm.s32 $0x0;
	[sflag:s11] =	ssyncadd.s32 $0xFFFFF000  }
0x30: {  	[tilespmem:s2], [sflag:$0x1] =	stream.linear.gather [hbm4b:s3+s2], $0x10000, $0x38;
	[tilespmem:$0x19080] =	vst v63  }
.LBB2_2:
0x31: {  	p0 =	sne.s32 s0, $0x3FC0  }
.Ltmp2:
0x32: {  	_ = 	snop;
	(pc) =	sbr.rel @p0 .LBB2_2-.Ltmp2, $3  }
0x33: {  	_ =	sdelay $0x1  }
0x34: {  	s1 =	sshra.s32 s0, $0x2  }
0x35: {  	s0 =	sadd.s32 $0x40, s0;
	[tilespmem:s1+$0x12000] =	vst v2  }
0x36: {  	s0 =	simm.s32 $0x10000  }
0x37: {  	v19 =	vld [tilespmem:s0+$0x0];
	_ =	sdelay $0x4  }
0x38: {  	v19 =	vtrunc.f32 v19  }
0x39: {  	v19 =	vcvt.f32.s32 v19;
	_ =	sdelay $0x1  }
0x3a: {  	v20 =	vshrl.u32 v19, $0x2;
	v21 =	vshrl.u32 v19, $0x7  }
0x3b: {  	v22 =	vand.u32 $0x3, v19;
	v23 =	vshrl.u32 v19, $0x4;
	v20 =	vand.u32 $0x3, v20  }
0x3c: {  	v23 =	vand.u32 $0x7, v23;
	vm0 =	vle.u32 v22, v0;
	vm15 =	vle.u32 v0, v20  }
0x3d: {  	v20 =	vand.u32 $0x7, v21;
	vm0 =	vmand vm0, vm15;
	vm15 =	vle.u32 v23, v1  }
0x3e: {  	vm0 =	vmand vm15, vm0;
	vm15 =	vle.u32 v1, v20  }
0x3f: {  	vm0 =	vmand vm15, vm0;
	vm15 =	vgt.s32 v19, $0x3FF  }
0x40: {  	vm15 =	vmand vm15, vm0  }
0x41: {  	v20 =	vsel vm15, $0x1, v2  }
0x42: {  	(xrf0) =	vadd.scan.msk.s32 $0xffff, v20;
	_ =	sdelay $0x1  }
0x43: {  	s1 =	simm.s32 $0x0  }
0x44: {  	v19 =	vor.u32 s1, v3  }
0x45: {  	s12 =	simm.s32 $0x10010;
	[tilespmem:s1+$0x12000] =	vst.msk vm15, v19  }
0x46: {  	s21 =	simm.s32 $0x20;
	s0 =	simm.s32 $0x10;
	v19 =	vld [tilespmem:s12+$0x0]  }
.LBB2_4:
0x47: {  	p0 =	sne.s32 s21, $0xFF0;
	v20, _, _ =	vpop (xrf0)  }
0x48: {  	(v2sf) =	vpush v20, $0xF;
	_ =	sdelay $0x2  }
0x49: {  	v19 =	vtrunc.f32 v19  }
0x4a: {  	v19 =	vcvt.f32.s32 v19;
	_ =	sdelay $0x1  }
0x4b: {  	v20 =	vshrl.u32 v19, $0x2;
	v21 =	vshrl.u32 v19, $0x7  }
0x4c: {  	v22 =	vand.u32 $0x3, v19;
	v23 =	vshrl.u32 v19, $0x4;
	v20 =	vand.u32 $0x3, v20  }
0x4d: {  	v23 =	vand.u32 $0x7, v23;
	vm15 =	vle.u32 v22, v0;
	vm0 =	vle.u32 v0, v20  }
0x4e: {  	v20 =	vand.u32 $0x7, v21;
	vm0 =	vmand vm15, vm0;
	vm15 =	vle.u32 v23, v1  }
0x4f: {  	vm0 =	vmand vm15, vm0;
	vm15 =	vle.u32 v1, v20  }
0x50: {  	vm0 =	vmand vm15, vm0;
	vm15 =	vgt.s32 v19, $0x3FF  }
0x51: {  	vm0 =	vmand vm15, vm0  }
0x52: {  	v19 =	vsel vm0, $0x1, v2  }
0x53: {  	(xrf0) =	vadd.scan.msk.s32 $0xffff, v19  }
.Ltmp3:
0x54: {  	s19 =	spop (v2sf);
	(pc) =	sbr.rel @p0 .LBB2_4-.Ltmp3, $4  }
0x55: {  	v19 =	vor.u32 s0, v3;
	s0 =	smov.u32 s21;
	s1 =	sadd.s32 s1, s19  }
0x56: {  	[tilespmem:s1+$0x12000] =	vst.msk vm0, v19  }
0x57: {  	s12 =	sadd.s32 $0x10, s12  }
0x58: {  	s21 =	sadd.s32 $0x10, s21;
	v19 =	vld [tilespmem:s12+$0x0]  }
0x59: {  	_ =	sdelay $0x3  }
0x5a: {  	v19 =	vtrunc.f32 v19  }
0x5b: {  	v19 =	vcvt.f32.s32 v19;
	_ =	sdelay $0x1  }
0x5c: {  	v20 =	vshrl.u32 v19, $0x2;
	v21 =	vshrl.u32 v19, $0x7  }
0x5d: {  	v22 =	vand.u32 $0x3, v19;
	v23 =	vshrl.u32 v19, $0x4;
	v20 =	vand.u32 $0x3, v20  }
0x5e: {  	v23 =	vand.u32 $0x7, v23;
	vm0 =	vle.u32 v22, v0;
	vm15 =	vle.u32 v0, v20  }
0x5f: {  	v20 =	vand.u32 $0x7, v21;
	vm0 =	vmand vm0, vm15;
	vm15 =	vle.u32 v23, v1  }
0x60: {  	vm0 =	vmand vm15, vm0;
	vm15 =	vle.u32 v1, v20  }
0x61: {  	vm0 =	vmand vm15, vm0;
	vm15 =	vgt.s32 v19, $0x3FF  }
0x62: {  	vm0 =	vmand vm15, vm0  }
0x63: {  	v19 =	vsel vm0, $0x1, v2  }
0x64: {  	(xrf0) =	vadd.scan.msk.s32 $0xffff, v19;
	_ =	sdelay $0x4  }
0x65: {  	v19, _, _ =	vpop (xrf0)  }
0x66: {  	(v2sf) =	vpush v19, $0xF;
	v19, _, _ =	vpop (xrf0)  }
0x67: {  	(v2sf) =	vpush v19, $0xF;
	_ =	sdelay $0xd  }
0x68: {  	s12 =	spop (v2sf)  }
0x69: {  	s1 =	sadd.s32 s1, s12;
	s30 =	spop (v2sf)  }
0x6a: {  	s22 =	sadd.s32 s1, s30  }
0x6b: {  	s12 =	sadd.s32 $0xF, s22  }
0x6c: {  	s19 =	sand.u32 $0xF, s12  }
0x6d: {  	s31 =	sshra.s32 s12, $0x1F;
	p1 =	slt.s32 s12, $0x1;
	p0 =	sne.s32 s19, $0x0  }
0x6e: {  	s19 =	sshrl.u32 s31, $0x1C;
	p0 =	por !p1, !p0  }
0x6f: {  	s12 =	sadd.s32 s19, s12;
	s19 =	simm.s32 $0x1;
	p0 =	por !p0, !p0  }
0x70: {  	s12 =	sshra.s32 s12, $0x4;
	s19 =	simm.s32 @!p0 $0x0  }
0x71: {  	s21 =	ssub.s32 s12, s19  }
0x72: {  	p0 =	slt.s32 s21, $0x1  }
.Ltmp4:
0x73: {  	_ = 	snop;
	(pc) =	sbr.rel @p0 .LBB2_20-.Ltmp4, $3  }
0x74: {  	_ =	sdelay $0x1  }
0x75: {  	v19 =	vor.u32 s0, v3  }
0x76: {  	[tilespmem:s1+$0x12000] =	vst.msk vm0, v19;
	v19 =	vmov s22  }
0x77: {  	p1 =	sne.s32 s21, $0x1  }
.Ltmp5:
0x78: {  	_ = 	snop;
	(pc) =	sbr.rel @!p1 .LBB2_7-.Ltmp5, $3  }
0x79: {  	_ =	sdelay $0x1  }
0x7a: {  	s1 =	simm.s32 $0x12000;
	s0 =	simm.s32 $0x13000  }
0x7b: {  	s23 =	simm.s32 $0x0;
	p0 =	por $0x0, $0x0;
	v20 =	vld [tilespmem:s1+$0x0];
	s1 =	sadd.s32 $0xFFFFFFFF, s21  }
0x7c: {  	_ =	sdelay $0x7  }
0x7d: {  	v20 =	vld.idx.msk [tilespmem:v20+s10+$0x0], $0xffff;
	_ =	sdelay $0x1  }
0x7e: {  	p1 =	sne.s32 s1, $0x1  }
.Ltmp6:
0x7f: {  	v21 =	vor.u32 s23, v3;
	(pc) =	sbr.rel @!p1 .LBB2_9-.Ltmp6, $4  }
0x80: {  	vm0 =	vlt.s32 v21, v19  }
0x81: {  	v20 =	vnsel vm0, $0x7F800000, v20  }
0x82: {  	s24 =	simm.s32 $0x12010;
	s25 =	sadd.s32 $0xFFFFFFFF, s1;
	[tilespmem:s0+$0x0] =	vst v20  }
0x83: {  	p0 =	por $0x1, $0x1;
	s12 =	simm.s32 $0x0;
	s1 =	simm.s32 $0x13000;
	v20 =	vld [tilespmem:s24+$0x0]  }
.LBB2_10:
0x84: {  	p1 =	sne.s32 s25, $0x1;
	_ =	sdelay $0x6  }
0x85: {  	v20 =	vld.idx.msk [tilespmem:v20+s10+$0x0], $0xffff;
	_ =	sdelay $0x2  }
0x86: {  	s12 =	sadd.s32 $0x10, s12  }
.Ltmp7:
0x87: {  	v21 =	vor.u32 s12, v3;
	(pc) =	sbr.rel @p1 .LBB2_10-.Ltmp7, $4  }
0x88: {  	vm0 =	vlt.s32 v21, v19  }
0x89: {  	s1 =	sadd.s32 $0x10, s1;
	v20 =	vnsel vm0, $0x7F800000, v20  }
0x8a: {  	s24 =	sadd.s32 $0x10, s24;
	[tilespmem:s1+$0x0] =	vst v20  }
0x8b: {  	s25 =	sadd.s32 $0xFFFFFFFF, s25;
	v20 =	vld [tilespmem:s24+$0x0]  }
.LBB2_11:
0x8c: {  	_ =	sdelay $0x7  }
0x8d: {  	v20 =	vld.idx.msk [tilespmem:v20+s10+$0x0], $0xffff  }
0x8e: {  	s12 =	sadd.s32 @p0 $0x10, s12;
	s19 =	simm.s32 $0x0  }
.Ltmp8:
0x8f: {  	s19 =	smov.u32 @p0 s12;
	(pc) =	sbr.rel .LBB2_12-.Ltmp8, $4  }
0x90: {  	v21 =	vor.u32 s19, v3  }
0x91: {  	s1 =	sadd.s32 @p0 $0x10, s1;
	vm0 =	vlt.s32 v21, v19  }
0x92: {  	s0 =	smov.u32 @p0 s1;
	v20 =	vnsel vm0, $0x7F800000, v20  }
0x93: {  	s24 =	simm.s32 $0x0;
	[tilespmem:s0+$0x0] =	vst v20  }
.LBB2_19:
0x94: {  	s24 =	sadd.s32 $0x1, s24  }
0x95: {  	v20 =	vld [tilespmem:s25+$0x12000];
	p0 =	sne.s32 s24, s21  }
.Ltmp9:
0x96: {  	_ = 	snop;
	(pc) =	sbr.rel @!p0 .LBB2_20-.Ltmp9, $2  }
0x97: {  	_ =	sdelay $0x2  }
0x98: {  	s23 =	sadd.s32 $0x10, s23;
	[tilespmem:v22+s15+$0x0] =	vst.idx.msk $0xffff, v20  }
.LBB2_12:
.Ltmp10:
0x99: {  	(pc) =	sbr.rel .LBB2_13-.Ltmp10, $3  }
0x9a: {  	_ =	sdelay $0x1  }
0x9b: {  	s25 =	sshll.u32 s24, $0x4  }
0x9c: {  	v22 =	vimm.s32 $0x0;
	s26 =	simm.s32 $0x0;
	s28 =	simm.s32 $0x0;
	v20 =	vld [tilespmem:s25+$0x13000]  }
.LBB2_14:
0x9d: {  	_ =	sdelay $0x2  }
0x9e: {  	v24 =	vor.u32 s26, v5  }
0x9f: {  	v21 =	vld.idx.msk [tilespmem:v21+s14+$0x0], $0xffff;
	v25 =	vor.u32 s26, v6;
	_ =	sdelay $0x1  }
0xa0: {  	v26 =	vor.u32 s26, v7;
	v23 =	vld.idx.msk [tilespmem:v23+s14+$0x0], $0xffff  }
0xa1: {  	v27 =	vor.u32 s26, v8  }
0xa2: {  	v28 =	vor.u32 s26, v10;
	v24 =	vld.idx.msk [tilespmem:v24+s14+$0x0], $0xffff  }
0xa3: {  	v43 =	vor.u32 s26, v11;
	vm0 =	vle.f32 v21, v20;
	v21 =	vld.idx.msk [tilespmem:v25+s14+$0x0], $0xffff  }
0xa4: {  	v30 =	vor.u32 s26, v9  }
0xa5: {  	v26 =	vld.idx.msk [tilespmem:v26+s14+$0x0], $0xffff;
	v29 =	vsel vm0, $0x1, v2;
	vm0 =	vle.f32 v23, v20;
	v23 =	vor.u32 s26, v12  }
0xa6: {  	v46 =	vor.u32 s26, v13;
	v31 =	vor.u32 s26, v14;
	v48 =	vor.u32 s26, v15;
	v45 =	vld.idx.msk [tilespmem:v27+s14+$0x0], $0xffff  }
0xa7: {  	v51 =	vor.u32 s26, v16;
	v28 =	vld.idx.msk [tilespmem:v28+s14+$0x0], $0xffff;
	v44 =	vsel vm0, $0x1, v2;
	vm0 =	vle.f32 v24, v20  }
0xa8: {  	v22 =	vadd.s32 v29, v22;
	v47 =	vsel vm0, $0x1, v2;
	vm0 =	vle.f32 v21, v20;
	v21 =	vld.idx.msk [tilespmem:v43+s14+$0x0], $0xffff  }
0xa9: {  	v32 =	vor.u32 s26, v17;
	v56 =	vor.u32 s26, v18;
	v50 =	vld.idx.msk [tilespmem:v30+s14+$0x0], $0xffff;
	v22 =	vadd.s32 v44, v22  }
0xaa: {  	v23 =	vld.idx.msk [tilespmem:v23+s14+$0x0], $0xffff;
	v22 =	vadd.s32 v47, v22;
	v49 =	vsel vm0, $0x1, v2;
	vm0 =	vle.f32 v26, v20  }
0xab: {  	v53 =	vld.idx.msk [tilespmem:v46+s14+$0x0], $0xffff;
	v22 =	vadd.s32 v49, v22;
	v52 =	vsel vm0, $0x1, v2;
	vm0 =	vle.f32 v45, v20  }
0xac: {  	v55 =	vld.idx.msk [tilespmem:v31+s14+$0x0], $0xffff;
	v22 =	vadd.s32 v52, v22;
	v54 =	vsel vm0, $0x1, v2;
	vm0 =	vle.f32 v28, v20  }
0xad: {  	v22 =	vadd.s32 v54, v22;
	v57 =	vsel vm0, $0x1, v2;
	vm0 =	vle.f32 v21, v20;
	v21 =	vld.idx.msk [tilespmem:v48+s14+$0x0], $0xffff  }
0xae: {  	v59 =	vld.idx.msk [tilespmem:v51+s14+$0x0], $0xffff;
	v22 =	vadd.s32 v57, v22;
	v58 =	vsel vm0, $0x1, v2;
	vm0 =	vle.f32 v50, v20  }
0xaf: {  	v22 =	vadd.s32 v58, v22;
	v60 =	vsel vm0, $0x1, v2;
	vm0 =	vle.f32 v23, v20;
	v23 =	vld.idx.msk [tilespmem:v32+s14+$0x0], $0xffff  }
0xb0: {  	v22 =	vadd.s32 v60, v22;
	v61 =	vsel vm0, $0x1, v2;
	vm0 =	vle.f32 v53, v20  }
0xb1: {  	v62 =	vld.idx.msk [tilespmem:v56+s14+$0x0], $0xffff;
	v22 =	vadd.s32 v61, v22;
	v24 =	vsel vm0, $0x1, v2;
	vm0 =	vle.f32 v55, v20  }
0xb2: {  	v22 =	vadd.s32 v24, v22;
	v63 =	vsel vm0, $0x1, v2;
	vm0 =	vle.f32 v21, v20  }
0xb3: {  	v21 =	vadd.s32 v63, v22;
	v22 =	vsel vm0, $0x1, v2;
	vm0 =	vle.f32 v59, v20  }
0xb4: {  	v21 =	vadd.s32 v22, v21;
	v22 =	vsel vm0, $0x1, v2;
	vm0 =	vle.f32 v23, v20  }
0xb5: {  	v21 =	vadd.s32 v22, v21;
	v22 =	vsel vm0, $0x1, v2  }
0xb6: {  	vm15 =	vle.f32 v62, v20;
	v21 =	vadd.s32 v22, v21  }
.LBB2_18:
0xb7: {  	s28 =	sadd.s32 $0x1, s28  }
0xb8: {  	p0 =	sne.s32 s21, s28  }
.Ltmp11:
0xb9: {  	_ = 	snop;
	(pc) =	sbr.rel @!p0 .LBB2_19-.Ltmp11, $3  }
0xba: {  	_ =	sdelay $0x1  }
0xbb: {  	v22 =	vsel vm15, $0x1, v2  }
0xbc: {  	s26 =	sadd.s32 $0x10, s26;
	v22 =	vadd.s32 v22, v21  }
.LBB2_13:
0xbd: {  	p0 =	sge.u32 s28, s24  }
.Ltmp12:
0xbe: {  	_ = 	snop;
	(pc) =	sbr.rel @!p0 .LBB2_14-.Ltmp12, $2  }
0xbf: {  	_ =	sdelay $0x2  }
0xc0: {  	v21 =	vor.u32 s26, v3;
	v23 =	vor.u32 s26, v4  }
0xc1: {  	_ =	sdelay $0x3  }
0xc2: {  	v21 =	vld.idx.msk [tilespmem:v21+s14+$0x0], $0xffff;
	_ =	sdelay $0x1  }
0xc3: {  	v23 =	vld.idx.msk [tilespmem:v23+s14+$0x0], $0xffff;
	p0 =	sne.s32 s23, s26  }
.Ltmp13:
0xc4: {  	_ = 	snop;
	(pc) =	sbr.rel @p0 .LBB2_17-.Ltmp13, $4  }
0xc5: {  	_ = 	snop  }
0xc6: {  	vm0 =	vlt.f32 v21, v20  }
0xc7: {  	v24 =	vsel vm0, $0x1, v2  }
0xc8: {  	v21 =	vmov s26;
	vm15 =	vlt.f32 v23, v20;
	v22 =	vadd.s32 v24, v22  }
0xc9: {  	v24 =	vor.u32 v5, v21;
	_ =	sdelay $0x2  }
0xca: {  	v25 =	vor.u32 v6, v21;
	_ =	sdelay $0x1  }
0xcb: {  	v26 =	vor.u32 v7, v21;
	v24 =	vld.idx.msk [tilespmem:v24+s14+$0x0], $0xffff;
	_ =	sdelay $0x2  }
0xcc: {  	v27 =	vor.u32 v8, v21;
	v25 =	vld.idx.msk [tilespmem:v25+s14+$0x0], $0xffff  }
0xcd: {  	vm0 =	veq.f32 v23, v20;
	vm1 =	vcmask $0x3F3C;
	v44 =	vor.u32 v10, v21  }
0xce: {  	vm2 =	vcmask $0x3F38;
	vm0 =	vmand vm0, vm1;
	v23 =	vld.idx.msk [tilespmem:v26+s14+$0x0], $0xffff;
	vm1 =	veq.f32 v24, v20  }
0xcf: {  	vm0 =	vmor vm15, vm0;
	vm15 =	vlt.f32 v24, v20;
	vm1 =	vmand vm1, vm2  }
0xd0: {  	v28 =	vor.u32 v11, v21;
	v45 =	vsel vm0, $0x1, v2;
	vm0 =	vmor vm15, vm1  }
0xd1: {  	v27 =	vld.idx.msk [tilespmem:v27+s14+$0x0], $0xffff;
	vm2 =	vcmask $0x3F34;
	v46 =	vsel vm0, $0x1, v2;
	vm0 =	veq.f32 v25, v20  }
0xd2: {  	vm1 =	vlt.f32 v25, v20;
	vm0 =	vmand vm0, vm2  }
0xd3: {  	v48 =	vor.u32 v9, v21;
	v47 =	vld.idx.msk [tilespmem:v44+s14+$0x0], $0xffff;
	vm0 =	vmor vm1, vm0;
	vm1 =	veq.f32 v23, v20  }
0xd4: {  	v49 =	vsel vm0, $0x1, v2;
	vm0 =	vlt.f32 v23, v20;
	vm1 =	vmand vm1, vm3  }
0xd5: {  	v51 =	vor.u32 v12, v21;
	v52 =	vor.u32 v13, v21;
	v23 =	vld.idx.msk [tilespmem:v28+s14+$0x0], $0xffff;
	vm0 =	vmor vm0, vm1  }
0xd6: {  	v54 =	vor.u32 v14, v21;
	v50 =	vsel vm0, $0x1, v2;
	vm0 =	veq.f32 v27, v20  }
0xd7: {  	v55 =	vor.u32 v15, v21;
	vm1 =	vlt.f32 v27, v20;
	vm0 =	vmand vm0, vm4  }
0xd8: {  	v57 =	vor.u32 v16, v21;
	v25 =	vld.idx.msk [tilespmem:v48+s14+$0x0], $0xffff;
	vm0 =	vmor vm1, vm0;
	vm1 =	veq.f32 v47, v20  }
0xd9: {  	v53 =	vsel vm0, $0x1, v2;
	vm0 =	vlt.f32 v47, v20;
	vm1 =	vmand vm1, vm5  }
0xda: {  	v22 =	vadd.s32 v45, v22;
	vm0 =	vmor vm0, vm1;
	vm1 =	veq.f32 v23, v20  }
0xdb: {  	v29 =	vsel vm0, $0x1, v2;
	vm0 =	vlt.f32 v23, v20;
	vm1 =	vmand vm1, vm6;
	v23 =	vld.idx.msk [tilespmem:v51+s14+$0x0], $0xffff  }
0xdc: {  	v59 =	vor.u32 v17, v21;
	v22 =	vadd.s32 v46, v22;
	vm0 =	vmor vm0, vm1  }
0xdd: {  	v26 =	vld.idx.msk [tilespmem:v52+s14+$0x0], $0xffff;
	v22 =	vadd.s32 v49, v22;
	v56 =	vsel vm0, $0x1, v2;
	vm0 =	veq.f32 v25, v20  }
0xde: {  	v22 =	vadd.s32 v50, v22;
	vm1 =	vlt.f32 v25, v20;
	vm0 =	vmand vm0, vm7  }
0xdf: {  	v21 =	vor.u32 v18, v21;
	v24 =	vld.idx.msk [tilespmem:v54+s14+$0x0], $0xffff;
	v22 =	vadd.s32 v53, v22;
	vm0 =	vmor vm1, vm0  }
0xe0: {  	v22 =	vadd.s32 v29, v22;
	v58 =	vsel vm0, $0x1, v2;
	vm0 =	veq.f32 v23, v20  }
0xe1: {  	v22 =	vadd.s32 v56, v22;
	vm1 =	vlt.f32 v23, v20;
	v23 =	vld.idx.msk [tilespmem:v55+s14+$0x0], $0xffff;
	vm0 =	vmand vm0, vm8  }
0xe2: {  	v22 =	vadd.s32 v58, v22;
	vm0 =	vmor vm1, vm0;
	vm1 =	veq.f32 v26, v20  }
0xe3: {  	v25 =	vld.idx.msk [tilespmem:v57+s14+$0x0], $0xffff;
	v60 =	vsel vm0, $0x1, v2;
	vm0 =	vlt.f32 v26, v20;
	vm1 =	vmand vm1, vm9  }
0xe4: {  	v22 =	vadd.s32 v60, v22;
	vm0 =	vmor vm0, vm1;
	vm1 =	veq.f32 v24, v20  }
0xe5: {  	v62 =	vld.idx.msk [tilespmem:v59+s14+$0x0], $0xffff;
	v61 =	vsel vm0, $0x1, v2;
	vm0 =	vlt.f32 v24, v20;
	vm1 =	vmand vm1, vm10  }
0xe6: {  	v22 =	vadd.s32 v61, v22;
	vm0 =	vmor vm0, vm1;
	vm1 =	veq.f32 v23, v20  }
0xe7: {  	v21 =	vld.idx.msk [tilespmem:v21+s14+$0x0], $0xffff;
	v63 =	vsel vm0, $0x1, v2;
	vm0 =	vlt.f32 v23, v20;
	vm1 =	vmand vm1, vm11  }
0xe8: {  	v22 =	vadd.s32 v63, v22;
	vm0 =	vmor vm0, vm1;
	vm1 =	veq.f32 v25, v20  }
0xe9: {  	v23 =	vsel vm0, $0x1, v2;
	vm0 =	vlt.f32 v25, v20;
	vm1 =	vmand vm1, vm12  }
.Ltmp14:
0xea: {  	v22 =	vadd.s32 v23, v22;
	vm0 =	vmor vm0, vm1;
	vm1 =	veq.f32 v62, v20;
	(pc) =	sbr.rel .LBB2_18-.Ltmp14, $4  }
0xeb: {  	v23 =	vsel vm0, $0x1, v2;
	vm0 =	vlt.f32 v62, v20;
	vm1 =	vmand vm1, vm13  }
0xec: {  	v22 =	vadd.s32 v23, v22;
	vm0 =	vmor vm0, vm1;
	vm1 =	veq.f32 v21, v20  }
0xed: {  	v23 =	vsel vm0, $0x1, v2;
	vm0 =	vlt.f32 v21, v20;
	vm1 =	vmand vm1, vm14  }
0xee: {  	vm15 =	vmor vm0, vm1;
	v21 =	vadd.s32 v23, v22  }
.LBB2_17:
0xef: {  	v23 =	vor.u32 v5, v21;
	_ =	sdelay $0x2  }
0xf0: {  	v24 =	vor.u32 v6, v21  }
0xf1: {  	v25 =	vor.u32 v7, v21  }
0xf2: {  	v26 =	vor.u32 v8, v21;
	v23 =	vld.idx.msk [tilespmem:v23+s14+$0x0], $0xffff  }
0xf3: {  	v27 =	vor.u32 v10, v21  }
0xf4: {  	v28 =	vor.u32 v11, v21  }
0xf5: {  	v29 =	vor.u32 v9, v21;
	v24 =	vld.idx.msk [tilespmem:v24+s14+$0x0], $0xffff  }
0xf6: {  	v30 =	vor.u32 v12, v21;
	v25 =	vld.idx.msk [tilespmem:v25+s14+$0x0], $0xffff  }
0xf7: {  	v46 =	vor.u32 v13, v21;
	vm0 =	vlt.f32 v23, v20;
	v23 =	vld.idx.msk [tilespmem:v26+s14+$0x0], $0xffff  }
0xf8: {  	v31 =	vsel vm15, $0x1, v2;
	v32 =	vor.u32 v14, v21;
	v49 =	vor.u32 v15, v21;
	v27 =	vld.idx.msk [tilespmem:v27+s14+$0x0], $0xffff  }
0xf9: {  	v52 =	vor.u32 v16, v21;
	v33 =	vor.u32 v17, v21;
	v21 =	vor.u32 v18, v21;
	v48 =	vld.idx.msk [tilespmem:v28+s14+$0x0], $0xffff  }
0xfa: {  	v22 =	vadd.s32 v31, v22;
	v51 =	vld.idx.msk [tilespmem:v29+s14+$0x0], $0xffff;
	v47 =	vsel vm0, $0x1, v2;
	vm0 =	vlt.f32 v24, v20  }
0xfb: {  	v30 =	vld.idx.msk [tilespmem:v30+s14+$0x0], $0xffff;
	v22 =	vadd.s32 v47, v22;
	v50 =	vsel vm0, $0x1, v2;
	vm0 =	vlt.f32 v25, v20  }
0xfc: {  	v22 =	vadd.s32 v50, v22;
	v53 =	vsel vm0, $0x1, v2;
	vm0 =	vlt.f32 v23, v20;
	v23 =	vld.idx.msk [tilespmem:v46+s14+$0x0], $0xffff  }
0xfd: {  	v55 =	vld.idx.msk [tilespmem:v32+s14+$0x0], $0xffff;
	v22 =	vadd.s32 v53, v22;
	v54 =	vsel vm0, $0x1, v2;
	vm0 =	vlt.f32 v27, v20  }
0xfe: {  	v57 =	vld.idx.msk [tilespmem:v49+s14+$0x0], $0xffff;
	v22 =	vadd.s32 v54, v22;
	v56 =	vsel vm0, $0x1, v2;
	vm0 =	vlt.f32 v48, v20  }
0xff: {  	v59 =	vld.idx.msk [tilespmem:v52+s14+$0x0], $0xffff;
	v22 =	vadd.s32 v56, v22;
	v58 =	vsel vm0, $0x1, v2;
	vm0 =	vlt.f32 v51, v20  }
0x100: {  	v61 =	vld.idx.msk [tilespmem:v33+s14+$0x0], $0xffff;
	v22 =	vadd.s32 v58, v22;
	v60 =	vsel vm0, $0x1, v2;
	vm0 =	vlt.f32 v30, v20  }
0x101: {  	v22 =	vadd.s32 v60, v22;
	v62 =	vsel vm0, $0x1, v2;
	vm0 =	vlt.f32 v23, v20  }
0x102: {  	v63 =	vld.idx.msk [tilespmem:v21+s14+$0x0], $0xffff;
	v22 =	vadd.s32 v62, v22;
	v23 =	vsel vm0, $0x1, v2;
	vm0 =	vlt.f32 v55, v20  }
.Ltmp15:
0x103: {  	v21 =	vadd.s32 v23, v22;
	v22 =	vsel vm0, $0x1, v2;
	vm0 =	vlt.f32 v57, v20;
	(pc) =	sbr.rel .LBB2_18-.Ltmp15, $4  }
0x104: {  	v21 =	vadd.s32 v22, v21;
	v22 =	vsel vm0, $0x1, v2;
	vm0 =	vlt.f32 v59, v20  }
0x105: {  	v21 =	vadd.s32 v22, v21;
	v22 =	vsel vm0, $0x1, v2;
	vm0 =	vlt.f32 v61, v20  }
0x106: {  	v21 =	vadd.s32 v22, v21;
	v22 =	vsel vm0, $0x1, v2  }
0x107: {  	vm15 =	vlt.f32 v63, v20;
	v21 =	vadd.s32 v22, v21  }
.LBB2_20:
0x108: {  	s0 =	sadd.s32 $0x3FF, s22  }
0x109: {  	s1 =	sand.u32 $0x3FF, s0  }
0x10a: {  	s12 =	sshra.s32 s0, $0x1F;
	p0 =	slt.s32 s0, $0x1;
	p1 =	sne.s32 s1, $0x0  }
0x10b: {  	s31 =	sshrl.u32 s12, $0x16;
	p0 =	por !p0, !p1  }
0x10c: {  	s1 =	simm.s32 $0x1;
	s0 =	sadd.s32 s31, s0;
	p0 =	por !p0, !p0  }
0x10d: {  	s0 =	sshra.s32 s0, $0xA;
	s1 =	simm.s32 @!p0 $0x0  }
0x10e: {  	s22 =	ssub.s32 s0, s1  }
0x10f: {  	p0 =	slt.s32 s22, $0x1  }
.Ltmp16:
0x110: {  	_ = 	snop;
	(pc) =	sbr.rel @!p0 .LBB2_21-.Ltmp16, $4  }
.Ltmp17:
0x111: {  	_ = 	snop;
	(pc) =	sbr.rel @p0 .LBB2_29-.Ltmp17, $4  }
0x112: {  	_ =	swait.ge [sflag:s13], $0x10000  }
0x113: {  	s23 =	simm.s32 $0x0;
	s24 =	simm.s32 $0x0;
	[sflag:s13] =	ssyncset.done $0x0  }
0x114: {  	s25 =	smov.u32 s21;
	s26 =	simm.s32 $0x0;
	[sflag:s13] =	ssyncadd.s32 $0xFFFF0000  }
0x115: {  	_ = 	snop  }
.LBB2_23:
0x116: {  	s31 =	simm.s32 $0x0;
	s30 =	simm.s32 $0x0  }
.LBB2_27:
0x117: {  	s0 =	sor.u32 s12, s19;
	[tilespmem:s29+$0x17380] =	vst @p0 v20  }
0x118: {  	v20 =	vld [tilespmem:s0+$0x14000];
	_ =	sdelay $0x7  }
0x119: {  	v21 =	vld.idx.msk [tilespmem:v20+s2+$0x0], $0xffff  }
0x11a: {  	s1 =	simm.s32 $0x0;
	s0 =	sadd.s32 @p0 $0x80, s31;
	v22 =	vadd.s32 $0x1000, v20  }
0x11b: {  	s1 =	smov.u32 @p0 s0  }
0x11c: {  	s0 =	sand.u32 $0xFFFFFC00, s1  }
0x11d: {  	s0 =	sor.u32 s12, s0  }
0x11e: {  	[tilespmem:s0+$0x15000] =	vst v21  }
0x11f: {  	v21 =	vld.idx.msk [tilespmem:v22+s2+$0x0], $0xffff  }
0x120: {  	v51 =	vadd.s32 $0x2000, v20;
	_ =	sdelay $0x2  }
0x121: {  	s12 =	sadd.s32 $0x15000, s0  }
0x122: {  	[tilespmem:s12+$0x80] =	vst v21  }
0x123: {  	v21 =	vld.idx.msk [tilespmem:v51+s2+$0x0], $0xffff  }
0x124: {  	v52 =	vadd.s32 $0x3000, v20;
	_ =	sdelay $0x3  }
0x125: {  	[tilespmem:s12+$0x100] =	vst v21  }
0x126: {  	v21 =	vld.idx.msk [tilespmem:v52+s2+$0x0], $0xffff  }
0x127: {  	v53 =	vadd.s32 $0x4000, v20;
	_ =	sdelay $0x3  }
0x128: {  	[tilespmem:s12+$0x180] =	vst v21  }
0x129: {  	v21 =	vld.idx.msk [tilespmem:v53+s2+$0x0], $0xffff  }
0x12a: {  	v54 =	vadd.s32 $0x5000, v20;
	_ =	sdelay $0x3  }
0x12b: {  	[tilespmem:s12+$0x200] =	vst v21  }
0x12c: {  	v21 =	vld.idx.msk [tilespmem:v54+s2+$0x0], $0xffff  }
0x12d: {  	v55 =	vadd.s32 $0x6000, v20;
	_ =	sdelay $0x3  }
0x12e: {  	[tilespmem:s12+$0x280] =	vst v21  }
0x12f: {  	v21 =	vld.idx.msk [tilespmem:v55+s2+$0x0], $0xffff  }
0x130: {  	v56 =	vadd.s32 $0x7000, v20;
	_ =	sdelay $0x3  }
0x131: {  	[tilespmem:s12+$0x300] =	vst v21  }
0x132: {  	v21 =	vld.idx.msk [tilespmem:v56+s2+$0x0], $0xffff  }
0x133: {  	s31 =	sand.u32 $0x7, s30;
	v57 =	vadd.s32 $0x8000, v20  }
0x134: {  	s12 =	sshll.u32 s31, $0x4  }
0x135: {  	s1 =	sadd.s32 s12, s1  }
0x136: {  	s1 =	sor.u32 $0x380, s1  }
0x137: {  	[tilespmem:s1+$0x15000] =	vst v21  }
0x138: {  	v21 =	vld.idx.msk [tilespmem:v57+s2+$0x0], $0xffff  }
0x139: {  	v58 =	vadd.s32 $0x9000, v20;
	_ =	sdelay $0x3  }
0x13a: {  	[tilespmem:s0+$0x17000] =	vst v21  }
0x13b: {  	v21 =	vld.idx.msk [tilespmem:v58+s2+$0x0], $0xffff  }
0x13c: {  	v59 =	vadd.s32 $0xA000, v20;
	_ =	sdelay $0x3  }
0x13d: {  	[tilespmem:s0+$0x17080] =	vst v21  }
0x13e: {  	v21 =	vld.idx.msk [tilespmem:v59+s2+$0x0], $0xffff  }
0x13f: {  	v60 =	vadd.s32 $0xB000, v20;
	_ =	sdelay $0x3  }
0x140: {  	[tilespmem:s0+$0x17100] =	vst v21  }
0x141: {  	v21 =	vld.idx.msk [tilespmem:v60+s2+$0x0], $0xffff  }
0x142: {  	v61 =	vadd.s32 $0xC000, v20;
	_ =	sdelay $0x3  }
0x143: {  	[tilespmem:s0+$0x17180] =	vst v21  }
0x144: {  	v21 =	vld.idx.msk [tilespmem:v61+s2+$0x0], $0xffff  }
0x145: {  	v62 =	vadd.s32 $0xD000, v20;
	_ =	sdelay $0x3  }
0x146: {  	[tilespmem:s0+$0x17200] =	vst v21  }
0x147: {  	v21 =	vld.idx.msk [tilespmem:v62+s2+$0x0], $0xffff  }
0x148: {  	v63 =	vadd.s32 $0xE000, v20;
	_ =	sdelay $0x3  }
0x149: {  	[tilespmem:s0+$0x17280] =	vst v21  }
0x14a: {  	v21 =	vld.idx.msk [tilespmem:v63+s2+$0x0], $0xffff  }
0x14b: {  	v20 =	vadd.s32 $0xF000, v20;
	_ =	sdelay $0x3  }
0x14c: {  	[tilespmem:s0+$0x17300] =	vst v21  }
0x14d: {  	v20 =	vld.idx.msk [tilespmem:v20+s2+$0x0], $0xffff;
	_ =	sdelay $0x4  }
0x14e: {  	[tilespmem:s0+$0x17380] =	vst v20  }
.LBB2_28:
0x14f: {  	s0 =	sshll.u32 s26, $0xD  }
0x150: {  	s26 =	sadd.s32 $0x1, s26;
	s0 =	sadd.s32 s7, s0  }
0x151: {  	p0 =	sne.s32 s26, s22;
	s0 =	sshrl.u32 s0, $0x3  }
.Ltmp18:
0x152: {  	s0 =	sadd.s32 s4, s0;
	(pc) =	sbr.rel @!p0 .LBB2_29-.Ltmp18, $4  }
0x153: {  	[hbm4b:s0+s16] =	stream.strided.scatter [tilespmem:s18], [sflag:$0x2], $0x4000, s17, s16, $0x38;
	[tilespmem:$0x19080] =	vst v63  }
0x154: {  	_ =	swait.ge [sflag:s11], $0x4000  }
0x155: {  	[sflag:s11] =	ssyncset.done $0x0  }
0x156: {  	s25 =	sadd.s32 $0xFFFFFFC0, s25;
	s24 =	sadd.s32 $0x400, s24;
	[sflag:s11] =	ssyncadd.s32 $0xFFFFC000  }
.LBB2_21:
0x157: {  	s0 =	sshll.u32 s26, $0x6  }
0x158: {  	p0 =	sle.s32 s21, s0  }
.Ltmp19:
0x159: {  	_ = 	snop;
	(pc) =	sbr.rel @p0 .LBB2_28-.Ltmp19, $1  }
0x15a: {  	_ =	sdelay $0x3  }
0x15b: {  	p0 =	sgt.s32 s25, $0x1;
	s0 =	smov.u32 s25  }
0x15c: {  	s0 =	simm.s32 @!p0 $0x1  }
0x15d: {  	s0 =	smin.u32 s0, $0x40  }
0x15e: {  	s28 =	sshll.u32 s0, $0x4  }
0x15f: {  	p1 =	sne.s32 s28, $0x10  }
.Ltmp20:
0x160: {  	_ = 	snop;
	(pc) =	sbr.rel @!p1 .LBB2_23-.Ltmp20, $3  }
0x161: {  	_ =	sdelay $0x1  }
0x162: {  	s1 =	sadd.s32 $0x0, s24;
	s12 =	sand.u32 $0x70, s23  }
0x163: {  	s19 =	sand.u32 $0xFFFFFF80, s1;
	p0 =	por $0x0, $0x0;
	s0 =	simm.s32 $0x10  }
0x164: {  	s1 =	sor.u32 s12, s19  }
0x165: {  	v20 =	vld [tilespmem:s1+$0x14000];
	_ =	sdelay $0x7  }
0x166: {  	v21 =	vld.idx.msk [tilespmem:v20+s2+$0x0], $0xffff  }
0x167: {  	v22 =	vadd.s32 $0x1000, v20;
	_ =	sdelay $0x1  }
0x168: {  	s19 =	sand.u32 $0xFFFFFC00, s23  }
0x169: {  	s29 =	sor.u32 s12, s19  }
0x16a: {  	[tilespmem:s29+$0x15000] =	vst v21  }
0x16b: {  	v21 =	vld.idx.msk [tilespmem:v22+s2+$0x0], $0xffff  }
0x16c: {  	v22 =	vadd.s32 $0x2000, v20;
	_ =	sdelay $0x2  }
0x16d: {  	s1 =	sadd.s32 $0x15000, s29  }
0x16e: {  	[tilespmem:s1+$0x80] =	vst v21  }
0x16f: {  	v21 =	vld.idx.msk [tilespmem:v22+s2+$0x0], $0xffff  }
0x170: {  	v22 =	vadd.s32 $0x3000, v20;
	_ =	sdelay $0x3  }
0x171: {  	[tilespmem:s1+$0x100] =	vst v21  }
0x172: {  	v21 =	vld.idx.msk [tilespmem:v22+s2+$0x0], $0xffff  }
0x173: {  	v22 =	vadd.s32 $0x4000, v20;
	_ =	sdelay $0x3  }
0x174: {  	[tilespmem:s1+$0x180] =	vst v21  }
0x175: {  	v21 =	vld.idx.msk [tilespmem:v22+s2+$0x0], $0xffff  }
0x176: {  	v22 =	vadd.s32 $0x5000, v20;
	_ =	sdelay $0x3  }
0x177: {  	[tilespmem:s1+$0x200] =	vst v21  }
0x178: {  	v21 =	vld.idx.msk [tilespmem:v22+s2+$0x0], $0xffff  }
0x179: {  	v22 =	vadd.s32 $0x6000, v20;
	_ =	sdelay $0x3  }
0x17a: {  	[tilespmem:s1+$0x280] =	vst v21  }
0x17b: {  	v21 =	vld.idx.msk [tilespmem:v22+s2+$0x0], $0xffff  }
0x17c: {  	v22 =	vadd.s32 $0x7000, v20;
	_ =	sdelay $0x3  }
0x17d: {  	[tilespmem:s1+$0x300] =	vst v21  }
0x17e: {  	v21 =	vld.idx.msk [tilespmem:v22+s2+$0x0], $0xffff  }
0x17f: {  	s12 =	sand.u32 $0x7, s23;
	v22 =	vadd.s32 $0x8000, v20  }
0x180: {  	s1 =	sshll.u32 s12, $0x4  }
0x181: {  	s1 =	sadd.s32 $0x0, s1  }
0x182: {  	s1 =	sor.u32 $0x380, s1  }
0x183: {  	[tilespmem:s1+$0x15000] =	vst v21  }
0x184: {  	v21 =	vld.idx.msk [tilespmem:v22+s2+$0x0], $0xffff  }
0x185: {  	v22 =	vadd.s32 $0x9000, v20;
	_ =	sdelay $0x3  }
0x186: {  	[tilespmem:s29+$0x17000] =	vst v21  }
0x187: {  	v21 =	vld.idx.msk [tilespmem:v22+s2+$0x0], $0xffff  }
0x188: {  	v22 =	vadd.s32 $0xA000, v20;
	_ =	sdelay $0x3  }
0x189: {  	[tilespmem:s29+$0x17080] =	vst v21  }
0x18a: {  	v21 =	vld.idx.msk [tilespmem:v22+s2+$0x0], $0xffff  }
0x18b: {  	v22 =	vadd.s32 $0xB000, v20;
	_ =	sdelay $0x3  }
0x18c: {  	[tilespmem:s29+$0x17100] =	vst v21  }
0x18d: {  	v21 =	vld.idx.msk [tilespmem:v22+s2+$0x0], $0xffff  }
0x18e: {  	v22 =	vadd.s32 $0xC000, v20;
	_ =	sdelay $0x3  }
0x18f: {  	[tilespmem:s29+$0x17180] =	vst v21  }
0x190: {  	v21 =	vld.idx.msk [tilespmem:v22+s2+$0x0], $0xffff  }
0x191: {  	v22 =	vadd.s32 $0xD000, v20;
	_ =	sdelay $0x3  }
0x192: {  	[tilespmem:s29+$0x17200] =	vst v21  }
0x193: {  	v21 =	vld.idx.msk [tilespmem:v22+s2+$0x0], $0xffff  }
0x194: {  	v22 =	vadd.s32 $0xE000, v20;
	_ =	sdelay $0x3  }
0x195: {  	[tilespmem:s29+$0x17280] =	vst v21  }
0x196: {  	v21 =	vld.idx.msk [tilespmem:v22+s2+$0x0], $0xffff  }
0x197: {  	v20 =	vadd.s32 $0xF000, v20;
	_ =	sdelay $0x3  }
0x198: {  	p1 =	sne.s32 s28, $0x20;
	[tilespmem:s29+$0x17300] =	vst v21  }
.Ltmp21:
0x199: {  	v20 =	vld.idx.msk [tilespmem:v20+s2+$0x0], $0xffff;
	(pc) =	sbr.rel @!p1 .LBB2_25-.Ltmp21, $4  }
0x19a: {  	_ = 	snop  }
0x19b: {  	s30 =	simm.s32 $0x1  }
0x19c: {  	p0 =	por $0x1, $0x1;
	s31 =	simm.s32 $0x0;
	s19 =	sadd.s32 $0x10, s24  }
0x19d: {  	s19 =	sand.u32 $0xFFFFFF80, s19;
	s12 =	sand.u32 $0x70, s0;
	s1 =	simm.s32 $0x20  }
.LBB2_26:
0x19e: {  	s19 =	sor.u32 s12, s19  }
0x19f: {  	[tilespmem:s29+$0x17380] =	vst v20;
	s31 =	sadd.s32 $0x80, s31;
	s0 =	smov.u32 s1;
	s1 =	sadd.s32 $0x10, s1  }
0x1a0: {  	p1 =	sne.s32 s28, s1;
	v20 =	vld [tilespmem:s19+$0x14000];
	_ =	sdelay $0x7  }
0x1a1: {  	v21 =	vld.idx.msk [tilespmem:v20+s2+$0x0], $0xffff;
	_ =	sdelay $0x1  }
0x1a2: {  	v22 =	vadd.s32 $0x1000, v20;
	_ =	sdelay $0x1  }
0x1a3: {  	s19 =	sand.u32 $0xFFFFFC00, s31  }
0x1a4: {  	s29 =	sor.u32 s12, s19  }
0x1a5: {  	[tilespmem:s29+$0x15000] =	vst v21  }
0x1a6: {  	v21 =	vld.idx.msk [tilespmem:v22+s2+$0x0], $0xffff;
	_ =	sdelay $0x1  }
0x1a7: {  	v22 =	vadd.s32 $0x2000, v20;
	_ =	sdelay $0x2  }
0x1a8: {  	s12 =	sadd.s32 $0x15000, s29  }
0x1a9: {  	[tilespmem:s12+$0x80] =	vst v21  }
0x1aa: {  	v21 =	vld.idx.msk [tilespmem:v22+s2+$0x0], $0xffff;
	_ =	sdelay $0x1  }
0x1ab: {  	v22 =	vadd.s32 $0x3000, v20;
	_ =	sdelay $0x3  }
0x1ac: {  	[tilespmem:s12+$0x100] =	vst v21  }
0x1ad: {  	v21 =	vld.idx.msk [tilespmem:v22+s2+$0x0], $0xffff;
	_ =	sdelay $0x1  }
0x1ae: {  	v22 =	vadd.s32 $0x4000, v20;
	_ =	sdelay $0x3  }
0x1af: {  	[tilespmem:s12+$0x180] =	vst v21  }
0x1b0: {  	v21 =	vld.idx.msk [tilespmem:v22+s2+$0x0], $0xffff;
	_ =	sdelay $0x1  }
0x1b1: {  	v22 =	vadd.s32 $0x5000, v20;
	_ =	sdelay $0x3  }
0x1b2: {  	[tilespmem:s12+$0x200] =	vst v21  }
0x1b3: {  	v21 =	vld.idx.msk [tilespmem:v22+s2+$0x0], $0xffff;
	_ =	sdelay $0x1  }
0x1b4: {  	v22 =	vadd.s32 $0x6000, v20;
	_ =	sdelay $0x3  }
0x1b5: {  	[tilespmem:s12+$0x280] =	vst v21  }
0x1b6: {  	v21 =	vld.idx.msk [tilespmem:v22+s2+$0x0], $0xffff;
	_ =	sdelay $0x1  }
0x1b7: {  	v22 =	vadd.s32 $0x7000, v20;
	_ =	sdelay $0x3  }
0x1b8: {  	[tilespmem:s12+$0x300] =	vst v21  }
0x1b9: {  	v21 =	vld.idx.msk [tilespmem:v22+s2+$0x0], $0xffff;
	_ =	sdelay $0x1  }
0x1ba: {  	s12 =	sand.u32 $0x7, s30;
	v22 =	vadd.s32 $0x8000, v20  }
0x1bb: {  	s12 =	sshll.u32 s12, $0x4  }
0x1bc: {  	s12 =	sadd.s32 s12, s31  }
0x1bd: {  	s12 =	sor.u32 $0x380, s12  }
0x1be: {  	[tilespmem:s12+$0x15000] =	vst v21  }
0x1bf: {  	v21 =	vld.idx.msk [tilespmem:v22+s2+$0x0], $0xffff;
	_ =	sdelay $0x1  }
0x1c0: {  	v22 =	vadd.s32 $0x9000, v20;
	_ =	sdelay $0x3  }
0x1c1: {  	[tilespmem:s29+$0x17000] =	vst v21  }
0x1c2: {  	v21 =	vld.idx.msk [tilespmem:v22+s2+$0x0], $0xffff;
	_ =	sdelay $0x1  }
0x1c3: {  	v22 =	vadd.s32 $0xA000, v20;
	_ =	sdelay $0x3  }
0x1c4: {  	[tilespmem:s29+$0x17080] =	vst v21  }
0x1c5: {  	v21 =	vld.idx.msk [tilespmem:v22+s2+$0x0], $0xffff;
	_ =	sdelay $0x1  }
0x1c6: {  	v22 =	vadd.s32 $0xB000, v20;
	_ =	sdelay $0x3  }
0x1c7: {  	[tilespmem:s29+$0x17100] =	vst v21  }
0x1c8: {  	v21 =	vld.idx.msk [tilespmem:v22+s2+$0x0], $0xffff;
	_ =	sdelay $0x1  }
0x1c9: {  	v22 =	vadd.s32 $0xC000, v20;
	_ =	sdelay $0x3  }
0x1ca: {  	[tilespmem:s29+$0x17180] =	vst v21  }
0x1cb: {  	v21 =	vld.idx.msk [tilespmem:v22+s2+$0x0], $0xffff;
	_ =	sdelay $0x1  }
0x1cc: {  	v22 =	vadd.s32 $0xD000, v20;
	_ =	sdelay $0x3  }
0x1cd: {  	[tilespmem:s29+$0x17200] =	vst v21  }
0x1ce: {  	v21 =	vld.idx.msk [tilespmem:v22+s2+$0x0], $0xffff;
	_ =	sdelay $0x1  }
0x1cf: {  	v22 =	vadd.s32 $0xE000, v20;
	_ =	sdelay $0x3  }
0x1d0: {  	[tilespmem:s29+$0x17280] =	vst v21  }
0x1d1: {  	v21 =	vld.idx.msk [tilespmem:v22+s2+$0x0], $0xffff;
	_ =	sdelay $0x1  }
0x1d2: {  	v20 =	vadd.s32 $0xF000, v20;
	_ =	sdelay $0x3  }
0x1d3: {  	[tilespmem:s29+$0x17300] =	vst v21  }
0x1d4: {  	v20 =	vld.idx.msk [tilespmem:v20+s2+$0x0], $0xffff  }
.Ltmp22:
0x1d5: {  	(pc) =	sbr.rel @p1 .LBB2_26-.Ltmp22, $3  }
0x1d6: {  	_ =	sdelay $0x1  }
0x1d7: {  	s12 =	sadd.s32 s0, s24  }
0x1d8: {  	s30 =	sadd.s32 $0x1, s30;
	s19 =	sand.u32 $0xFFFFFF80, s12;
	s12 =	sand.u32 $0x70, s0  }
.Ltmp23:
0x1d9: {  	_ = 	snop;
	(pc) =	sbr.rel .LBB2_27-.Ltmp23, $1  }
0x1da: {  	_ =	sdelay $0x3  }
.LBB2_25:
.Ltmp24:
0x1db: {  	(pc) =	sbr.rel .LBB2_27-.Ltmp24, $2  }
0x1dc: {  	_ =	sdelay $0x2  }
0x1dd: {  	s31 =	simm.s32 $0x0  }
.LBB2_7:
.Ltmp25:
0x1de: {  	(pc) =	sbr.rel .LBB2_11-.Ltmp25, $2  }
0x1df: {  	_ =	sdelay $0x2  }
0x1e0: {  	s12 =	simm.s32 $0x0;
	s1 =	simm.s32 $0x13000  }
.LBB2_9:
.Ltmp26:
0x1e1: {  	(pc) =	sbr.rel .LBB2_11-.Ltmp26, $2  }
0x1e2: {  	_ =	sdelay $0x2  }
0x1e3: {  	s12 =	simm.s32 $0x0;
	s1 =	simm.s32 $0x13000  }
.LBB2_30:
0x1e4: {  	_ =	sfence.sel $0x180000  }
0x1e5: {  	[bflag:$0x0] =	sbarrier.arrive $0xFFFF  }
0x1e6: {  	_ =	strace $0x90000047  }
0x1e7: {  	s0 =	stileid.u32;
	[bflag:$0x2] =	sbarrier.arrive $0xFFFF  }
0x1e8: {  	p0 =	sne.s32 s0, $0x0;
	s0 =	rddreg [dreg:$0x2]  }
0x1e9: {  	s0 =	sadd.s32 @!p0 $0x100000, s0  }
0x1ea: {  	[sflag:s0] =	ssyncadd.tile.s32 @!p0 $0x1;
	_ =	shalt  }
.Lfunc_end2:
_tile_overlayer_lowered:
.L_overlay_start_2:
0x1eb: {  	(tag) =	ssettag $0x2  }
0x1ec: {  	s0 =	rddreg [dreg:$0x0];
	s2 =	stileid.u32  }
0x1ed: {  	s1 =	rddreg [dreg:$0x1];
	p0 =	sne.s32 s2, $0x0  }
0x1ee: {  	s3 =	rddreg [dreg:$0x2];
	[bflag:$0x3] =	sbarrier.arrive $0xFFFF;
	s2 =	simm.s32 @!p0 $0x1C02  }
0x1ef: {  	[timem:s3], [sflag:s2] =	dma.local @!p0 [hbm:s0], s1  }
0x1f0: {  	s0 =	simm.s32 @!p0 $0x2  }
0x1f1: {  	_ =	swait.ge @!p0 [sflag:s0], s1  }
0x1f2: {  	s1 =	ssub.s32 @!p0 $0x0, s1;
	[sflag:s0] =	ssyncset.done @!p0 $0x0  }
0x1f3: {  	[sflag:s0] =	ssyncadd.s32 @!p0 s1  }
0x1f4: {  	[bflag:$0x3] =	sbarrier.arrive $0xFFFF  }
0x1f5: {  	_ =	shalt  }

</sc_bundles>
